<compile_context>
chip_gen: v7x
topology: tpu7x:2x2x1
jax: 0.10.2.dev20260603
libtpu: 0.0.44.dev20260713+nightly
codegen_flags: <defaults>
</compile_context>

<pallas_src>
import functools

import jax
import jax.numpy as jnp
from jax import lax
from jax.experimental import pallas as pl
from jax.experimental.pallas import tpu as pltpu
from jax.experimental.pallas import tpu_sc as plsc

N = 10000
E = 320000
H = 128
NC = 2
NS = 16
NW = NC * NS
EW = E // NW
CH = 80
NCH = EW // CH
RB = 80
NRB = N // RB

def _row_blocks(s, fn):
    for j in range(8):
        blk = j * NS + s
        if j * NS + NS - 1 < NRB:
            fn(pl.multiple_of(blk * RB, 8))
        else:
            @pl.when(blk < NRB)
            def _():
                fn(pl.multiple_of(blk * RB, 8))


def _deg_body(dst3_hbm, out_hbm, didx_v, hist_v, dsem):
    c = lax.axis_index("c")
    s = lax.axis_index("s")
    wid = c * NS + s
    zero16 = jnp.zeros((16,), jnp.float32)
    idx_src = dst3_hbm.at[wid]
    pltpu.async_copy(idx_src, didx_v, dsem)

    def zstep(k, carry):
        hist_v[pl.ds(pl.multiple_of(k * 16, 8), 16)] = zero16
        return carry

    lax.fori_loop(0, N // 16, zstep, 0)
    pltpu.make_async_copy(idx_src, didx_v, dsem).wait()
    ones16 = jnp.ones((16,), jnp.float32)

    def step(j, carry):
        for k in range(CH // 16):
            iv = didx_v[j, pl.ds(k * 16, 16)]
            plsc.addupdate_scatter(hist_v, [iv], ones16)
        return carry

    lax.fori_loop(0, NCH, step, 0)
    for blk in range(NBLK):
        pltpu.sync_copy(
            hist_v.at[pl.ds(blk * BLK, BLK)],
            out_hbm.at[pl.ds(pl.multiple_of(blk * NW * BLK + wid * BLK, 8), BLK)])


def _agg_body(y_hbm, src_hbm, dst3_hbm, out_hbm,
              srcs_v, dsts_v, rows0_v, rows1_v, acc_sh, sem0, sem1):
    c = lax.axis_index("c")
    s = lax.axis_index("s")
    wid = c * NS + s
    src_src = src_hbm.at[pl.ds(pl.multiple_of(wid * EW, 8), EW)]
    pltpu.async_copy(src_src, srcs_v, sem0)
    pltpu.async_copy(dst3_hbm.at[wid], dsts_v, sem1)

    def sidx(j):
        return srcs_v.at[pl.ds(j * CH, CH)]
    stage = rows0_v.at[pl.ds(0, RB), :]
    zero16 = jnp.zeros((16,), jnp.float32)

    def zrow(r, carry):
        for cc in range(H // 16):
            rows0_v[r, pl.ds(cc * 16, 16)] = zero16
        return carry

    lax.fori_loop(0, RB, zrow, 0)
    _row_blocks(s, lambda r0: pltpu.sync_copy(stage, acc_sh.at[pl.ds(r0, RB), :]))
    pltpu.make_async_copy(src_src, srcs_v, sem0).wait()
    pltpu.make_async_copy(dst3_hbm.at[wid], dsts_v, sem1).wait()
    plsc.subcore_barrier()

    pltpu.async_copy(y_hbm.at[sidx(0)], rows0_v, sem0)

    def pair(g, carry):
        j0 = g * 2
        j1 = j0 + 1
        pltpu.async_copy(y_hbm.at[sidx(j1)], rows1_v, sem1)
        pltpu.make_async_copy(y_hbm.at[sidx(j0)], rows0_v, sem0).wait()
        pltpu.sync_copy(rows0_v, acc_sh.at[dsts_v.at[j0]], add=True)
        pltpu.async_copy(y_hbm.at[sidx(j0 + 2)], rows0_v, sem0)
        pltpu.make_async_copy(y_hbm.at[sidx(j1)], rows1_v, sem1).wait()
        pltpu.sync_copy(rows1_v, acc_sh.at[dsts_v.at[j1]], add=True)
        return carry

    lax.fori_loop(0, NCH // 2, pair, 0)
    jl = NCH - 1
    pltpu.make_async_copy(y_hbm.at[sidx(jl)], rows0_v, sem0).wait()
    pltpu.sync_copy(rows0_v, acc_sh.at[dsts_v.at[jl]], add=True)

    plsc.subcore_barrier()

    def writeout(r0):
        sl = pl.ds(r0, RB)
        pltpu.sync_copy(acc_sh.at[sl, :], stage)
        pltpu.sync_copy(stage, out_hbm.at[c, sl, :])

    _row_blocks(s, writeout)


@functools.lru_cache(maxsize=None)
def _sc_kernels():
    mesh = plsc.VectorSubcoreMesh(
        core_axis_name="c", subcore_axis_name="s",
        num_cores=NC, num_subcores=NS)
    deg_kernel = pl.kernel(
        _deg_body,
        out_type=jax.ShapeDtypeStruct((NW * N,), jnp.float32),
        mesh=mesh,
        compiler_params=pltpu.CompilerParams(needs_layout_passes=False),
        scratch_types=[
            pltpu.VMEM((NCH, CH), jnp.int32),
            pltpu.VMEM((N,), jnp.float32),
            pltpu.SemaphoreType.DMA,
        ],
    )
    agg_kernel = pl.kernel(
        _agg_body,
        out_type=jax.ShapeDtypeStruct((NC, N, H), jnp.float32),
        mesh=mesh,
        scratch_types=[
            pltpu.VMEM((EW,), jnp.int32),
            pltpu.VMEM((NCH, CH), jnp.int32),
            pltpu.VMEM((CH, H), jnp.float32),
            pltpu.VMEM((CH, H), jnp.float32),
            pltpu.VMEM_SHARED((N, H), jnp.float32),
            pltpu.SemaphoreType.DMA,
            pltpu.SemaphoreType.DMA,
        ],
    )
    return deg_kernel, agg_kernel


BLK = 2000
NBLK = N // BLK


def _dis_from(deg_ref3):
    deg_ref = deg_ref3[0]
    ones_col = jnp.ones((NW, 1), jnp.float32)
    d = lax.dot_general(deg_ref, ones_col, (((0,), (0,)), ((), ())),
                        preferred_element_type=jnp.float32,
                        precision=lax.Precision.HIGHEST) + 1.0
    return lax.rsqrt(d)


def _mm_scale_body(x_ref, w_ref, deg_ref, o_ref, disb_ref):
    dis = _dis_from(deg_ref)
    o_ref[...] = jnp.dot(x_ref[...], w_ref[...],
                         preferred_element_type=jnp.float32, precision=lax.Precision.HIGHEST) * dis
    disb_ref[...] = jnp.broadcast_to(dis, (BLK, H))


def _ln_relu(srow, g_ref, be_ref):
    mu = jnp.mean(srow, axis=1, keepdims=True)
    t = srow - mu
    var = jnp.mean(t * t, axis=1, keepdims=True)
    h = t * lax.rsqrt(var + 1e-5) * g_ref[...] + be_ref[...]
    return jnp.maximum(h, 0.0)


def _mid_body(agg_ref, y_ref, disb_ref, b_ref, g_ref, be_ref, w2_ref, o_ref):
    disb = disb_ref[...]
    srow = (agg_ref[0] + agg_ref[1] + y_ref[...]) * disb + b_ref[...]
    h = _ln_relu(srow, g_ref, be_ref)
    o_ref[...] = jnp.dot(h, w2_ref[...],
                         preferred_element_type=jnp.float32, precision=lax.Precision.HIGHEST) * disb


def _final_body(agg_ref, y_ref, disb_ref, b_ref, g_ref, be_ref, bt_ref,
                wl_ref, bl_ref, o_ref, pool_acc, cnt_acc):
    i = pl.program_id(0)
    srow = (agg_ref[0] + agg_ref[1] + y_ref[...]) * disb_ref[...] + b_ref[...]
    h = _ln_relu(srow, g_ref, be_ref)
    p = bt_ref[...]
    dn = (((0,), (0,)), ((), ()))
    pp = lax.dot_general(p, h, dn, preferred_element_type=jnp.float32, precision=lax.Precision.HIGHEST)
    cc = lax.dot_general(p, jnp.ones_like(h), dn,
                         preferred_element_type=jnp.float32, precision=lax.Precision.HIGHEST)

    @pl.when(i == 0)
    def _():
        pool_acc[...] = pp
        cnt_acc[...] = cc

    @pl.when(i > 0)
    def _():
        pool_acc[...] += pp
        cnt_acc[...] += cc

    @pl.when(i == pl.num_programs(0) - 1)
    def _():
        pooled = pool_acc[...] / jnp.maximum(cnt_acc[...], 1.0)
        o_ref[...] = jnp.dot(pooled, wl_ref[...],
                             preferred_element_type=jnp.float32, precision=lax.Precision.HIGHEST) + bl_ref[...]


def _row_spec(last):
    return pl.BlockSpec((BLK, last), lambda i: (i, 0))


_FULL_W = pl.BlockSpec((H, H), lambda i: (0, 0))
_DEG_SPEC = pl.BlockSpec((1, NW, BLK), lambda i: (i, 0, 0))
_AGG_SPEC = pl.BlockSpec((NC, BLK, H), lambda i: (0, i, 0))
_VEC_SPEC = pl.BlockSpec((1, H), lambda i: (0, 0))

_mm_scale = pl.pallas_call(
    _mm_scale_body,
    grid=(NBLK,),
    in_specs=[_row_spec(H), _FULL_W, _DEG_SPEC],
    out_specs=[_row_spec(H), _row_spec(H)],
    out_shape=[jax.ShapeDtypeStruct((N, H), jnp.float32),
               jax.ShapeDtypeStruct((N, H), jnp.float32)],
)

_mid = pl.pallas_call(
    _mid_body,
    grid=(NBLK,),
    in_specs=[_AGG_SPEC, _row_spec(H), _row_spec(H),
              _VEC_SPEC, _VEC_SPEC, _VEC_SPEC, _FULL_W],
    out_specs=_row_spec(H),
    out_shape=jax.ShapeDtypeStruct((N, H), jnp.float32),
)

_final = pl.pallas_call(
    _final_body,
    grid=(NBLK,),
    in_specs=[_AGG_SPEC, _row_spec(H), _row_spec(H),
              _VEC_SPEC, _VEC_SPEC, _VEC_SPEC,
              pl.BlockSpec((BLK, 64), lambda i: (i, 0)),
              pl.BlockSpec((H, 10), lambda i: (0, 0)),
              pl.BlockSpec((1, 10), lambda i: (0, 0))],
    out_specs=pl.BlockSpec((64, 10), lambda i: (0, 0)),
    out_shape=jax.ShapeDtypeStruct((64, 10), jnp.float32),
    scratch_shapes=[pltpu.VMEM((64, H), jnp.float32),
                    pltpu.VMEM((64, H), jnp.float32)],
)


def kernel(x, edge_index, batch, W1, b1, g1, be1, W2, b2, g2, be2, Wl, bl):
    src1 = edge_index[0]
    dst3 = edge_index[1].reshape(NW, NCH, CH)
    bt = (batch[:, None] == jnp.arange(64, dtype=batch.dtype)[None, :]
          ).astype(jnp.float32)

    deg_kernel, agg_kernel = _sc_kernels()
    deg = deg_kernel(dst3).reshape(NBLK, NW, BLK)
    y1, disb = _mm_scale(x, W1, deg)
    agg1 = agg_kernel(y1, src1, dst3)
    y2 = _mid(agg1, y1, disb, b1.reshape(1, H), g1.reshape(1, H),
              be1.reshape(1, H), W2)
    agg2 = agg_kernel(y2, src1, dst3)
    out = _final(agg2, y2, disb, b2.reshape(1, H), g2.reshape(1, H),
                 be2.reshape(1, H), bt, Wl, bl.reshape(1, 10))
    return out

# --- scband reference (transcript-rebuilt; emitter-appended) ---
"""Pipeline reference for scband-gnn-5334349382373 (READ-ONLY COPY).

The authoritative reference and input builder live on the scoring server;
editing this copy changes nothing except your own understanding.
"""

import jax, jax.numpy as jnp
import numpy as np

N = 10000
E = 320000
D = 128
H = 128
C = 10
G = 64


def setup_inputs(seed: int = 0) -> dict:
    key = jax.random.key(seed)
    ks = jax.random.split(key, 14)
    x = jax.random.normal(ks[0], (N, D), dtype=jnp.float32)
    edge_index = jax.random.randint(ks[1], (2, E), 0, N, dtype=jnp.int32)
    batch = jnp.sort(jax.random.randint(ks[2], (N,), 0, G, dtype=jnp.int32))
    W1 = jax.random.normal(ks[3], (D, H), dtype=jnp.float32) * 0.05
    b1 = jnp.zeros((H,), dtype=jnp.float32)
    g1 = jnp.ones((H,), dtype=jnp.float32)
    be1 = jnp.zeros((H,), dtype=jnp.float32)
    W2 = jax.random.normal(ks[4], (H, H), dtype=jnp.float32) * 0.05
    b2 = jnp.zeros((H,), dtype=jnp.float32)
    g2 = jnp.ones((H,), dtype=jnp.float32)
    be2 = jnp.zeros((H,), dtype=jnp.float32)
    Wl = jax.random.normal(ks[5], (H, C), dtype=jnp.float32) * 0.05
    bl = jnp.zeros((C,), dtype=jnp.float32)
    return {"x": x, "edge_index": edge_index, "batch": batch,
            "W1": W1, "b1": b1, "g1": g1, "be1": be1,
            "W2": W2, "b2": b2, "g2": g2, "be2": be2,
            "Wl": Wl, "bl": bl}


def _gcn_conv(x, edge_index, W, b):
    # PyG GCNConv: add self loops, symmetric normalization D^-1/2 (A+I) D^-1/2 (X W) + b
    n = x.shape[0]
    loop = jnp.arange(n, dtype=edge_index.dtype)
    src = jnp.concatenate([edge_index[0], loop])
    dst = jnp.concatenate([edge_index[1], loop])
    deg = jnp.zeros((n,), x.dtype).at[dst].add(1.0)
    dis = jnp.where(deg > 0, 1.0 / jnp.sqrt(deg), 0.0)
    norm = dis[src] * dis[dst]
    xw = x @ W
    msg = xw[src] * norm[:, None]
    out = jnp.zeros((n, W.shape[1]), x.dtype).at[dst].add(msg)
    return out + b


def _layer_norm(x, gamma, beta, eps=1e-5):
    mu = jnp.mean(x, axis=-1, keepdims=True)
    var = jnp.mean((x - mu) ** 2, axis=-1, keepdims=True)
    return (x - mu) / jnp.sqrt(var + eps) * gamma + beta


def reference(x, edge_index, batch, W1, b1, g1, be1, W2, b2, g2, be2, Wl, bl):
    h = _gcn_conv(x, edge_index, W1, b1)
    h = _layer_norm(h, g1, be1)
    h = jax.nn.relu(h)
    # dropout is identity in eval mode
    h = _gcn_conv(h, edge_index, W2, b2)
    h = _layer_norm(h, g2, be2)
    h = jax.nn.relu(h)
    # global mean pool over graphs
    sums = jax.ops.segment_sum(h, batch, num_segments=G)
    cnt = jax.ops.segment_sum(jnp.ones((h.shape[0], 1), h.dtype), batch, num_segments=G)
    pooled = sums / jnp.maximum(cnt, 1.0)
    out = pooled @ Wl + bl
    return out

if __name__ == "__main__":
    import jax
    _d = setup_inputs()
    print(jax.jit(kernel)(*tuple(_d.values())))

</pallas_src>

<mosaic_0001>
#map = affine_map<(d0, d1) -> (0, 0, 0)>
#map1 = affine_map<(d0, d1) -> (0)>
module attributes {stable_mosaic.version = 14 : i64} {
  func.func @_deg_body(%arg0: i32, %arg1: i32, %arg2: memref<32x125x80xi32, #tpu.memory_space<hbm>>, %arg3: memref<320000xf32, #tpu.memory_space<hbm>>, %arg4: memref<125x80xi32, #tpu.memory_space<vmem>>, %arg5: memref<10000xf32, #tpu.memory_space<vmem>>, %arg6: memref<!tpu.dma_semaphore, #tpu.memory_space<semaphore_mem>>) attributes {dimension_semantics = [#tpu.dimension_semantics<core_parallel>, #tpu.dimension_semantics<subcore_parallel>], iteration_bounds = array<i64: 2, 16>, scalar_prefetch = 0 : i64, scratch_operands = 3 : i64, tpu.core_type = #tpu.core_type<sc_vector_subcore>, window_params = [{transform_indices = #map}, {transform_indices = #map1}]} {
    %mul3A = arith.constant 16 : i32
    %mul3A_0 = arith.muli %arg0, %mul3A : i32
    %add3A = arith.addi %mul3A_0, %arg1 : i32
    %broadcast_in_dim3A = arith.constant 0.000000e+00 : f32
    %broadcast_in_dim3A_1 = vector.broadcast %broadcast_in_dim3A : f32 to vector<16xf32>
    %dma_start3A = arith.constant 0 : i32
    %dma_start3A_2 = arith.constant 0 : i32
    %dma_start3A_3 = tpu.memref_slice %arg2[%add3A, %dma_start3A, %dma_start3A_2] : memref<32x125x80xi32, #tpu.memory_space<hbm>> -> memref<1x125x80xi32, #tpu.memory_space<hbm>>
    %dma_start3A_4 = tpu.memref_squeeze %dma_start3A_3 : memref<1x125x80xi32, #tpu.memory_space<hbm>> -> memref<125x80xi32, #tpu.memory_space<hbm>>
    %dma_start3A_5 = arith.constant 0 : i32
    %dma_start3A_6 = arith.constant 0 : i32
    %dma_start3A_7 = tpu.memref_slice %arg2[%add3A, %dma_start3A_5, %dma_start3A_6] : memref<32x125x80xi32, #tpu.memory_space<hbm>> -> memref<1x125x80xi32, #tpu.memory_space<hbm>>
    %dma_start3A_8 = tpu.memref_squeeze %dma_start3A_7 : memref<1x125x80xi32, #tpu.memory_space<hbm>> -> memref<125x80xi32, #tpu.memory_space<hbm>>
    tpu.enqueue_dma source(%dma_start3A_8 : memref<125x80xi32, #tpu.memory_space<hbm>>) target(%arg4 : memref<125x80xi32, #tpu.memory_space<vmem>>) target_semaphore(%arg6 : memref<!tpu.dma_semaphore, #tpu.memory_space<semaphore_mem>>)
    %scan3A = arith.constant 0 : i32
    %scan3A_9 = arith.constant 0 : i32
    %scan3A_10 = arith.constant 625 : i32
    %scan3A_11 = arith.addi %scan3A_9, %scan3A_10 : i32
    %scan3A_12 = arith.constant 1 : i32
    scf.for %scan3A_53 = %scan3A_9 to %scan3A_11 step %scan3A_12  : i32 {
      %mul3A_54 = arith.constant 16 : i32
      %mul3A_55 = arith.muli %scan3A_53, %mul3A_54 : i32
      %multiple_of3A_56 = tpu.assume_multiple %mul3A_55, 8 : i32
      %swap3A = arith.index_cast %multiple_of3A_56 : i32 to index
      %swap3A_57 = tpu.vector_load %arg5[%swap3A] {strides = array<i32>} : memref<10000xf32, #tpu.memory_space<vmem>>, vector<16xf32>,
      tpu.vector_store %arg5[%swap3A], %broadcast_in_dim3A_1 {strides = array<i32>} : memref<10000xf32, #tpu.memory_space<vmem>>, vector<16xf32>,
    }
    %scan3A_13 = arith.constant 625 : i32
    %dma_wait3A = arith.constant 0 : i32
    %dma_wait3A_14 = arith.constant 0 : i32
    %dma_wait3A_15 = tpu.memref_slice %arg2[%add3A, %dma_wait3A, %dma_wait3A_14] : memref<32x125x80xi32, #tpu.memory_space<hbm>> -> memref<1x125x80xi32, #tpu.memory_space<hbm>>
    %dma_wait3A_16 = tpu.memref_squeeze %dma_wait3A_15 : memref<1x125x80xi32, #tpu.memory_space<hbm>> -> memref<125x80xi32, #tpu.memory_space<hbm>>
    %dma_wait3A_17 = arith.constant 0 : i32
    %dma_wait3A_18 = arith.constant 0 : i32
    %dma_wait3A_19 = tpu.memref_slice %arg2[%add3A, %dma_wait3A_17, %dma_wait3A_18] : memref<32x125x80xi32, #tpu.memory_space<hbm>> -> memref<1x125x80xi32, #tpu.memory_space<hbm>>
    %dma_wait3A_20 = tpu.memref_squeeze %dma_wait3A_19 : memref<1x125x80xi32, #tpu.memory_space<hbm>> -> memref<125x80xi32, #tpu.memory_space<hbm>>
    tpu.wait_dma2 semaphore(%arg6 : memref<!tpu.dma_semaphore, #tpu.memory_space<semaphore_mem>>) src(%dma_wait3A_20 : memref<125x80xi32, #tpu.memory_space<hbm>>) dst(%arg4 : memref<125x80xi32, #tpu.memory_space<vmem>>)
    %broadcast_in_dim3A_21 = arith.constant 1.000000e+00 : f32
    %broadcast_in_dim3A_22 = vector.broadcast %broadcast_in_dim3A_21 : f32 to vector<16xf32>
    %scan3A_23 = arith.constant 0 : i32
    %scan3A_24 = arith.constant 0 : i32
    %scan3A_25 = arith.constant 125 : i32
    %scan3A_26 = arith.addi %scan3A_24, %scan3A_25 : i32
    %scan3A_27 = arith.constant 1 : i32
    scf.for %scan3A_53 = %scan3A_24 to %scan3A_26 step %scan3A_27  : i32 {
      %get3A = arith.index_cast %scan3A_53 : i32 to index
      %get3A_54 = arith.constant 0 : index
      %get3A_55 = tpu.vector_load %arg4[%get3A, %get3A_54] {strides = array<i32>} : memref<125x80xi32, #tpu.memory_space<vmem>>, vector<16xi32>,
      tpu.vector_store_idx %arg5[%get3A_55], %broadcast_in_dim3A_22 {add = true} : memref<10000xf32, #tpu.memory_space<vmem>>[vector<16xi32>], vector<16xf32>,
      %get3A_56 = arith.index_cast %scan3A_53 : i32 to index
      %get3A_57 = arith.constant 16 : index
      %get3A_58 = tpu.vector_load %arg4[%get3A_56, %get3A_57] {strides = array<i32>} : memref<125x80xi32, #tpu.memory_space<vmem>>, vector<16xi32>,
      tpu.vector_store_idx %arg5[%get3A_58], %broadcast_in_dim3A_22 {add = true} : memref<10000xf32, #tpu.memory_space<vmem>>[vector<16xi32>], vector<16xf32>,
      %get3A_59 = arith.index_cast %scan3A_53 : i32 to index
      %get3A_60 = arith.constant 32 : index
      %get3A_61 = tpu.vector_load %arg4[%get3A_59, %get3A_60] {strides = array<i32>} : memref<125x80xi32, #tpu.memory_space<vmem>>, vector<16xi32>,
      tpu.vector_store_idx %arg5[%get3A_61], %broadcast_in_dim3A_22 {add = true} : memref<10000xf32, #tpu.memory_space<vmem>>[vector<16xi32>], vector<16xf32>,
      %get3A_62 = arith.index_cast %scan3A_53 : i32 to index
      %get3A_63 = arith.constant 48 : index
      %get3A_64 = tpu.vector_load %arg4[%get3A_62, %get3A_63] {strides = array<i32>} : memref<125x80xi32, #tpu.memory_space<vmem>>, vector<16xi32>,
      tpu.vector_store_idx %arg5[%get3A_64], %broadcast_in_dim3A_22 {add = true} : memref<10000xf32, #tpu.memory_space<vmem>>[vector<16xi32>], vector<16xf32>,
      %get3A_65 = arith.index_cast %scan3A_53 : i32 to index
      %get3A_66 = arith.constant 64 : index
      %get3A_67 = tpu.vector_load %arg4[%get3A_65, %get3A_66] {strides = array<i32>} : memref<125x80xi32, #tpu.memory_space<vmem>>, vector<16xi32>,
      tpu.vector_store_idx %arg5[%get3A_67], %broadcast_in_dim3A_22 {add = true} : memref<10000xf32, #tpu.memory_space<vmem>>[vector<16xi32>], vector<16xf32>,
    }
    %scan3A_28 = arith.constant 125 : i32
    %mul3A_29 = arith.constant 2000 : i32
    %mul3A_30 = arith.muli %add3A, %mul3A_29 : i32
    %add3A_31 = arith.constant 0 : i32
    %add3A_32 = arith.addi %add3A_31, %mul3A_30 : i32
    %multiple_of3A = tpu.assume_multiple %add3A_32, 8 : i32
    "tpu.region"() ({
      %run_scoped3A = tpu.sem_alloc : memref<!tpu.dma_semaphore, #tpu.memory_space<semaphore_mem>>
      %dma_start3A_53 = arith.constant 0 : i32
      %dma_start3A_54 = tpu.memref_slice %arg5[%dma_start3A_53] : memref<10000xf32, #tpu.memory_space<vmem>> -> memref<2000xf32, #tpu.memory_space<vmem>>
      %dma_start3A_55 = tpu.memref_slice %arg3[%multiple_of3A] : memref<320000xf32, #tpu.memory_space<hbm>> -> memref<2000xf32, #tpu.memory_space<hbm>>
      %dma_start3A_56 = tpu.memref_slice %arg3[%multiple_of3A] : memref<320000xf32, #tpu.memory_space<hbm>> -> memref<2000xf32, #tpu.memory_space<hbm>>
      %dma_start3A_57 = arith.constant 0 : i32
      %dma_start3A_58 = tpu.memref_slice %arg5[%dma_start3A_57] : memref<10000xf32, #tpu.memory_space<vmem>> -> memref<2000xf32, #tpu.memory_space<vmem>>
      tpu.enqueue_dma source(%dma_start3A_58 : memref<2000xf32, #tpu.memory_space<vmem>>) target(%dma_start3A_56 : memref<2000xf32, #tpu.memory_space<hbm>>) target_semaphore(%run_scoped3A : memref<!tpu.dma_semaphore, #tpu.memory_space<semaphore_mem>>)
      %dma_wait3A_59 = arith.constant 0 : i32
      %dma_wait3A_60 = tpu.memref_slice %arg5[%dma_wait3A_59] : memref<10000xf32, #tpu.memory_space<vmem>> -> memref<2000xf32, #tpu.memory_space<vmem>>
      %dma_wait3A_61 = tpu.memref_slice %arg3[%multiple_of3A] : memref<320000xf32, #tpu.memory_space<hbm>> -> memref<2000xf32, #tpu.memory_space<hbm>>
      %dma_wait3A_62 = tpu.memref_slice %arg3[%multiple_of3A] : memref<320000xf32, #tpu.memory_space<hbm>> -> memref<2000xf32, #tpu.memory_space<hbm>>
      %dma_wait3A_63 = arith.constant 0 : i32
      %dma_wait3A_64 = tpu.memref_slice %arg5[%dma_wait3A_63] : memref<10000xf32, #tpu.memory_space<vmem>> -> memref<2000xf32, #tpu.memory_space<vmem>>
      tpu.wait_dma2 semaphore(%run_scoped3A : memref<!tpu.dma_semaphore, #tpu.memory_space<semaphore_mem>>) src(%dma_wait3A_64 : memref<2000xf32, #tpu.memory_space<vmem>>) dst(%dma_wait3A_62 : memref<2000xf32, #tpu.memory_space<hbm>>)
      tpu.yield
    }) : () -> ()
    %mul3A_33 = arith.constant 2000 : i32
    %mul3A_34 = arith.muli %add3A, %mul3A_33 : i32
    %add3A_35 = arith.constant 64000 : i32
    %add3A_36 = arith.addi %add3A_35, %mul3A_34 : i32
    %multiple_of3A_37 = tpu.assume_multiple %add3A_36, 8 : i32
    "tpu.region"() ({
      %run_scoped3A = tpu.sem_alloc : memref<!tpu.dma_semaphore, #tpu.memory_space<semaphore_mem>>
      %dma_start3A_53 = arith.constant 2000 : i32
      %dma_start3A_54 = tpu.memref_slice %arg5[%dma_start3A_53] : memref<10000xf32, #tpu.memory_space<vmem>> -> memref<2000xf32, #tpu.memory_space<vmem>>
      %dma_start3A_55 = tpu.memref_slice %arg3[%multiple_of3A_37] : memref<320000xf32, #tpu.memory_space<hbm>> -> memref<2000xf32, #tpu.memory_space<hbm>>
      %dma_start3A_56 = tpu.memref_slice %arg3[%multiple_of3A_37] : memref<320000xf32, #tpu.memory_space<hbm>> -> memref<2000xf32, #tpu.memory_space<hbm>>
      %dma_start3A_57 = arith.constant 2000 : i32
      %dma_start3A_58 = tpu.memref_slice %arg5[%dma_start3A_57] : memref<10000xf32, #tpu.memory_space<vmem>> -> memref<2000xf32, #tpu.memory_space<vmem>>
      tpu.enqueue_dma source(%dma_start3A_58 : memref<2000xf32, #tpu.memory_space<vmem>>) target(%dma_start3A_56 : memref<2000xf32, #tpu.memory_space<hbm>>) target_semaphore(%run_scoped3A : memref<!tpu.dma_semaphore, #tpu.memory_space<semaphore_mem>>)
      %dma_wait3A_59 = arith.constant 2000 : i32
      %dma_wait3A_60 = tpu.memref_slice %arg5[%dma_wait3A_59] : memref<10000xf32, #tpu.memory_space<vmem>> -> memref<2000xf32, #tpu.memory_space<vmem>>
      %dma_wait3A_61 = tpu.memref_slice %arg3[%multiple_of3A_37] : memref<320000xf32, #tpu.memory_space<hbm>> -> memref<2000xf32, #tpu.memory_space<hbm>>
      %dma_wait3A_62 = tpu.memref_slice %arg3[%multiple_of3A_37] : memref<320000xf32, #tpu.memory_space<hbm>> -> memref<2000xf32, #tpu.memory_space<hbm>>
      %dma_wait3A_63 = arith.constant 2000 : i32
      %dma_wait3A_64 = tpu.memref_slice %arg5[%dma_wait3A_63] : memref<10000xf32, #tpu.memory_space<vmem>> -> memref<2000xf32, #tpu.memory_space<vmem>>
      tpu.wait_dma2 semaphore(%run_scoped3A : memref<!tpu.dma_semaphore, #tpu.memory_space<semaphore_mem>>) src(%dma_wait3A_64 : memref<2000xf32, #tpu.memory_space<vmem>>) dst(%dma_wait3A_62 : memref<2000xf32, #tpu.memory_space<hbm>>)
      tpu.yield
    }) : () -> ()
    %mul3A_38 = arith.constant 2000 : i32
    %mul3A_39 = arith.muli %add3A, %mul3A_38 : i32
    %add3A_40 = arith.constant 128000 : i32
    %add3A_41 = arith.addi %add3A_40, %mul3A_39 : i32
    %multiple_of3A_42 = tpu.assume_multiple %add3A_41, 8 : i32
    "tpu.region"() ({
      %run_scoped3A = tpu.sem_alloc : memref<!tpu.dma_semaphore, #tpu.memory_space<semaphore_mem>>
      %dma_start3A_53 = arith.constant 4000 : i32
      %dma_start3A_54 = tpu.memref_slice %arg5[%dma_start3A_53] : memref<10000xf32, #tpu.memory_space<vmem>> -> memref<2000xf32, #tpu.memory_space<vmem>>
      %dma_start3A_55 = tpu.memref_slice %arg3[%multiple_of3A_42] : memref<320000xf32, #tpu.memory_space<hbm>> -> memref<2000xf32, #tpu.memory_space<hbm>>
      %dma_start3A_56 = tpu.memref_slice %arg3[%multiple_of3A_42] : memref<320000xf32, #tpu.memory_space<hbm>> -> memref<2000xf32, #tpu.memory_space<hbm>>
      %dma_start3A_57 = arith.constant 4000 : i32
      %dma_start3A_58 = tpu.memref_slice %arg5[%dma_start3A_57] : memref<10000xf32, #tpu.memory_space<vmem>> -> memref<2000xf32, #tpu.memory_space<vmem>>
      tpu.enqueue_dma source(%dma_start3A_58 : memref<2000xf32, #tpu.memory_space<vmem>>) target(%dma_start3A_56 : memref<2000xf32, #tpu.memory_space<hbm>>) target_semaphore(%run_scoped3A : memref<!tpu.dma_semaphore, #tpu.memory_space<semaphore_mem>>)
      %dma_wait3A_59 = arith.constant 4000 : i32
      %dma_wait3A_60 = tpu.memref_slice %arg5[%dma_wait3A_59] : memref<10000xf32, #tpu.memory_space<vmem>> -> memref<2000xf32, #tpu.memory_space<vmem>>
      %dma_wait3A_61 = tpu.memref_slice %arg3[%multiple_of3A_42] : memref<320000xf32, #tpu.memory_space<hbm>> -> memref<2000xf32, #tpu.memory_space<hbm>>
      %dma_wait3A_62 = tpu.memref_slice %arg3[%multiple_of3A_42] : memref<320000xf32, #tpu.memory_space<hbm>> -> memref<2000xf32, #tpu.memory_space<hbm>>
      %dma_wait3A_63 = arith.constant 4000 : i32
      %dma_wait3A_64 = tpu.memref_slice %arg5[%dma_wait3A_63] : memref<10000xf32, #tpu.memory_space<vmem>> -> memref<2000xf32, #tpu.memory_space<vmem>>
      tpu.wait_dma2 semaphore(%run_scoped3A : memref<!tpu.dma_semaphore, #tpu.memory_space<semaphore_mem>>) src(%dma_wait3A_64 : memref<2000xf32, #tpu.memory_space<vmem>>) dst(%dma_wait3A_62 : memref<2000xf32, #tpu.memory_space<hbm>>)
      tpu.yield
    }) : () -> ()
    %mul3A_43 = arith.constant 2000 : i32
    %mul3A_44 = arith.muli %add3A, %mul3A_43 : i32
    %add3A_45 = arith.constant 192000 : i32
    %add3A_46 = arith.addi %add3A_45, %mul3A_44 : i32
    %multiple_of3A_47 = tpu.assume_multiple %add3A_46, 8 : i32
    "tpu.region"() ({
      %run_scoped3A = tpu.sem_alloc : memref<!tpu.dma_semaphore, #tpu.memory_space<semaphore_mem>>
      %dma_start3A_53 = arith.constant 6000 : i32
      %dma_start3A_54 = tpu.memref_slice %arg5[%dma_start3A_53] : memref<10000xf32, #tpu.memory_space<vmem>> -> memref<2000xf32, #tpu.memory_space<vmem>>
      %dma_start3A_55 = tpu.memref_slice %arg3[%multiple_of3A_47] : memref<320000xf32, #tpu.memory_space<hbm>> -> memref<2000xf32, #tpu.memory_space<hbm>>
      %dma_start3A_56 = tpu.memref_slice %arg3[%multiple_of3A_47] : memref<320000xf32, #tpu.memory_space<hbm>> -> memref<2000xf32, #tpu.memory_space<hbm>>
      %dma_start3A_57 = arith.constant 6000 : i32
      %dma_start3A_58 = tpu.memref_slice %arg5[%dma_start3A_57] : memref<10000xf32, #tpu.memory_space<vmem>> -> memref<2000xf32, #tpu.memory_space<vmem>>
      tpu.enqueue_dma source(%dma_start3A_58 : memref<2000xf32, #tpu.memory_space<vmem>>) target(%dma_start3A_56 : memref<2000xf32, #tpu.memory_space<hbm>>) target_semaphore(%run_scoped3A : memref<!tpu.dma_semaphore, #tpu.memory_space<semaphore_mem>>)
      %dma_wait3A_59 = arith.constant 6000 : i32
      %dma_wait3A_60 = tpu.memref_slice %arg5[%dma_wait3A_59] : memref<10000xf32, #tpu.memory_space<vmem>> -> memref<2000xf32, #tpu.memory_space<vmem>>
      %dma_wait3A_61 = tpu.memref_slice %arg3[%multiple_of3A_47] : memref<320000xf32, #tpu.memory_space<hbm>> -> memref<2000xf32, #tpu.memory_space<hbm>>
      %dma_wait3A_62 = tpu.memref_slice %arg3[%multiple_of3A_47] : memref<320000xf32, #tpu.memory_space<hbm>> -> memref<2000xf32, #tpu.memory_space<hbm>>
      %dma_wait3A_63 = arith.constant 6000 : i32
      %dma_wait3A_64 = tpu.memref_slice %arg5[%dma_wait3A_63] : memref<10000xf32, #tpu.memory_space<vmem>> -> memref<2000xf32, #tpu.memory_space<vmem>>
      tpu.wait_dma2 semaphore(%run_scoped3A : memref<!tpu.dma_semaphore, #tpu.memory_space<semaphore_mem>>) src(%dma_wait3A_64 : memref<2000xf32, #tpu.memory_space<vmem>>) dst(%dma_wait3A_62 : memref<2000xf32, #tpu.memory_space<hbm>>)
      tpu.yield
    }) : () -> ()
    %mul3A_48 = arith.constant 2000 : i32
    %mul3A_49 = arith.muli %add3A, %mul3A_48 : i32
    %add3A_50 = arith.constant 256000 : i32
    %add3A_51 = arith.addi %add3A_50, %mul3A_49 : i32
    %multiple_of3A_52 = tpu.assume_multiple %add3A_51, 8 : i32
    "tpu.region"() ({
      %run_scoped3A = tpu.sem_alloc : memref<!tpu.dma_semaphore, #tpu.memory_space<semaphore_mem>>
      %dma_start3A_53 = arith.constant 8000 : i32
      %dma_start3A_54 = tpu.memref_slice %arg5[%dma_start3A_53] : memref<10000xf32, #tpu.memory_space<vmem>> -> memref<2000xf32, #tpu.memory_space<vmem>>
      %dma_start3A_55 = tpu.memref_slice %arg3[%multiple_of3A_52] : memref<320000xf32, #tpu.memory_space<hbm>> -> memref<2000xf32, #tpu.memory_space<hbm>>
      %dma_start3A_56 = tpu.memref_slice %arg3[%multiple_of3A_52] : memref<320000xf32, #tpu.memory_space<hbm>> -> memref<2000xf32, #tpu.memory_space<hbm>>
      %dma_start3A_57 = arith.constant 8000 : i32
      %dma_start3A_58 = tpu.memref_slice %arg5[%dma_start3A_57] : memref<10000xf32, #tpu.memory_space<vmem>> -> memref<2000xf32, #tpu.memory_space<vmem>>
      tpu.enqueue_dma source(%dma_start3A_58 : memref<2000xf32, #tpu.memory_space<vmem>>) target(%dma_start3A_56 : memref<2000xf32, #tpu.memory_space<hbm>>) target_semaphore(%run_scoped3A : memref<!tpu.dma_semaphore, #tpu.memory_space<semaphore_mem>>)
      %dma_wait3A_59 = arith.constant 8000 : i32
      %dma_wait3A_60 = tpu.memref_slice %arg5[%dma_wait3A_59] : memref<10000xf32, #tpu.memory_space<vmem>> -> memref<2000xf32, #tpu.memory_space<vmem>>
      %dma_wait3A_61 = tpu.memref_slice %arg3[%multiple_of3A_52] : memref<320000xf32, #tpu.memory_space<hbm>> -> memref<2000xf32, #tpu.memory_space<hbm>>
      %dma_wait3A_62 = tpu.memref_slice %arg3[%multiple_of3A_52] : memref<320000xf32, #tpu.memory_space<hbm>> -> memref<2000xf32, #tpu.memory_space<hbm>>
      %dma_wait3A_63 = arith.constant 8000 : i32
      %dma_wait3A_64 = tpu.memref_slice %arg5[%dma_wait3A_63] : memref<10000xf32, #tpu.memory_space<vmem>> -> memref<2000xf32, #tpu.memory_space<vmem>>
      tpu.wait_dma2 semaphore(%run_scoped3A : memref<!tpu.dma_semaphore, #tpu.memory_space<semaphore_mem>>) src(%dma_wait3A_64 : memref<2000xf32, #tpu.memory_space<vmem>>) dst(%dma_wait3A_62 : memref<2000xf32, #tpu.memory_space<hbm>>)
      tpu.yield
    }) : () -> ()
    return
  }
}

#map = affine_map<(d0, d1) -> (0, 0)>
#map1 = affine_map<(d0, d1) -> (0)>
#map2 = affine_map<(d0, d1) -> (0, 0, 0)>
module attributes {stable_mosaic.version = 14 : i64} {
  func.func @_agg_body(%arg0: i32, %arg1: i32, %arg2: memref<10000x128xf32, #tpu.memory_space<hbm>>, %arg3: memref<320000xi32, #tpu.memory_space<hbm>>, %arg4: memref<32x125x80xi32, #tpu.memory_space<hbm>>, %arg5: memref<2x10000x128xf32, #tpu.memory_space<hbm>>, %arg6: memref<10000xi32, #tpu.memory_space<vmem>>, %arg7: memref<125x80xi32, #tpu.memory_space<vmem>>, %arg8: memref<80x128xf32, #tpu.memory_space<vmem>>, %arg9: memref<80x128xf32, #tpu.memory_space<vmem>>, %arg10: memref<10000x128xf32, #tpu.memory_space<vmem_shared>>, %arg11: memref<!tpu.dma_semaphore, #tpu.memory_space<semaphore_mem>>, %arg12: memref<!tpu.dma_semaphore, #tpu.memory_space<semaphore_mem>>) attributes {dimension_semantics = [#tpu.dimension_semantics<core_parallel>, #tpu.dimension_semantics<subcore_parallel>], iteration_bounds = array<i64: 2, 16>, scalar_prefetch = 0 : i64, scratch_operands = 7 : i64, tpu.core_type = #tpu.core_type<sc_vector_subcore>, window_params = [{transform_indices = #map}, {transform_indices = #map1}, {transform_indices = #map2}, {transform_indices = #map2}]} {
    %mul3A = arith.constant 16 : i32
    %mul3A_0 = arith.muli %arg0, %mul3A : i32
    %add3A = arith.addi %mul3A_0, %arg1 : i32
    %mul3A_1 = arith.constant 10000 : i32
    %mul3A_2 = arith.muli %add3A, %mul3A_1 : i32
    %multiple_of3A = tpu.assume_multiple %mul3A_2, 8 : i32
    %dma_start3A = tpu.memref_slice %arg3[%multiple_of3A] : memref<320000xi32, #tpu.memory_space<hbm>> -> memref<10000xi32, #tpu.memory_space<hbm>>
    %dma_start3A_3 = tpu.memref_slice %arg3[%multiple_of3A] : memref<320000xi32, #tpu.memory_space<hbm>> -> memref<10000xi32, #tpu.memory_space<hbm>>
    tpu.enqueue_dma source(%dma_start3A_3 : memref<10000xi32, #tpu.memory_space<hbm>>) target(%arg6 : memref<10000xi32, #tpu.memory_space<vmem>>) target_semaphore(%arg11 : memref<!tpu.dma_semaphore, #tpu.memory_space<semaphore_mem>>)
    %dma_start3A_4 = arith.constant 0 : i32
    %dma_start3A_5 = arith.constant 0 : i32
    %dma_start3A_6 = tpu.memref_slice %arg4[%add3A, %dma_start3A_4, %dma_start3A_5] : memref<32x125x80xi32, #tpu.memory_space<hbm>> -> memref<1x125x80xi32, #tpu.memory_space<hbm>>
    %dma_start3A_7 = tpu.memref_squeeze %dma_start3A_6 : memref<1x125x80xi32, #tpu.memory_space<hbm>> -> memref<125x80xi32, #tpu.memory_space<hbm>>
    %dma_start3A_8 = arith.constant 0 : i32
    %dma_start3A_9 = arith.constant 0 : i32
    %dma_start3A_10 = tpu.memref_slice %arg4[%add3A, %dma_start3A_8, %dma_start3A_9] : memref<32x125x80xi32, #tpu.memory_space<hbm>> -> memref<1x125x80xi32, #tpu.memory_space<hbm>>
    %dma_start3A_11 = tpu.memref_squeeze %dma_start3A_10 : memref<1x125x80xi32, #tpu.memory_space<hbm>> -> memref<125x80xi32, #tpu.memory_space<hbm>>
    tpu.enqueue_dma source(%dma_start3A_11 : memref<125x80xi32, #tpu.memory_space<hbm>>) target(%arg7 : memref<125x80xi32, #tpu.memory_space<vmem>>) target_semaphore(%arg12 : memref<!tpu.dma_semaphore, #tpu.memory_space<semaphore_mem>>)
    %broadcast_in_dim3A = arith.constant 0.000000e+00 : f32
    %broadcast_in_dim3A_12 = vector.broadcast %broadcast_in_dim3A : f32 to vector<16xf32>
    %scan3A = arith.constant 0 : i32
    %scan3A_13 = arith.constant 0 : i32
    %scan3A_14 = arith.constant 80 : i32
    %scan3A_15 = arith.addi %scan3A_13, %scan3A_14 : i32
    %scan3A_16 = arith.constant 1 : i32
    scf.for %scan3A_125 = %scan3A_13 to %scan3A_15 step %scan3A_16  : i32 {
      %swap3A = arith.index_cast %scan3A_125 : i32 to index
      %swap3A_126 = arith.constant 0 : index
      %swap3A_127 = tpu.vector_load %arg8[%swap3A, %swap3A_126] {strides = array<i32>} : memref<80x128xf32, #tpu.memory_space<vmem>>, vector<1x16xf32>,
      %swap3A_128 = vector.shape_cast %swap3A_127 : vector<1x16xf32> to vector<16xf32>
      %swap3A_129 = vector.shape_cast %broadcast_in_dim3A_12 : vector<16xf32> to vector<1x16xf32>
      tpu.vector_store %arg8[%swap3A, %swap3A_126], %swap3A_129 {strides = array<i32>} : memref<80x128xf32, #tpu.memory_space<vmem>>, vector<1x16xf32>,
      %swap3A_130 = arith.index_cast %scan3A_125 : i32 to index
      %swap3A_131 = arith.constant 16 : index
      %swap3A_132 = tpu.vector_load %arg8[%swap3A_130, %swap3A_131] {strides = array<i32>} : memref<80x128xf32, #tpu.memory_space<vmem>>, vector<1x16xf32>,
      %swap3A_133 = vector.shape_cast %swap3A_132 : vector<1x16xf32> to vector<16xf32>
      %swap3A_134 = vector.shape_cast %broadcast_in_dim3A_12 : vector<16xf32> to vector<1x16xf32>
      tpu.vector_store %arg8[%swap3A_130, %swap3A_131], %swap3A_134 {strides = array<i32>} : memref<80x128xf32, #tpu.memory_space<vmem>>, vector<1x16xf32>,
      %swap3A_135 = arith.index_cast %scan3A_125 : i32 to index
      %swap3A_136 = arith.constant 32 : index
      %swap3A_137 = tpu.vector_load %arg8[%swap3A_135, %swap3A_136] {strides = array<i32>} : memref<80x128xf32, #tpu.memory_space<vmem>>, vector<1x16xf32>,
      %swap3A_138 = vector.shape_cast %swap3A_137 : vector<1x16xf32> to vector<16xf32>
      %swap3A_139 = vector.shape_cast %broadcast_in_dim3A_12 : vector<16xf32> to vector<1x16xf32>
      tpu.vector_store %arg8[%swap3A_135, %swap3A_136], %swap3A_139 {strides = array<i32>} : memref<80x128xf32, #tpu.memory_space<vmem>>, vector<1x16xf32>,
      %swap3A_140 = arith.index_cast %scan3A_125 : i32 to index
      %swap3A_141 = arith.constant 48 : index
      %swap3A_142 = tpu.vector_load %arg8[%swap3A_140, %swap3A_141] {strides = array<i32>} : memref<80x128xf32, #tpu.memory_space<vmem>>, vector<1x16xf32>,
      %swap3A_143 = vector.shape_cast %swap3A_142 : vector<1x16xf32> to vector<16xf32>
      %swap3A_144 = vector.shape_cast %broadcast_in_dim3A_12 : vector<16xf32> to vector<1x16xf32>
      tpu.vector_store %arg8[%swap3A_140, %swap3A_141], %swap3A_144 {strides = array<i32>} : memref<80x128xf32, #tpu.memory_space<vmem>>, vector<1x16xf32>,
      %swap3A_145 = arith.index_cast %scan3A_125 : i32 to index
      %swap3A_146 = arith.constant 64 : index
      %swap3A_147 = tpu.vector_load %arg8[%swap3A_145, %swap3A_146] {strides = array<i32>} : memref<80x128xf32, #tpu.memory_space<vmem>>, vector<1x16xf32>,
      %swap3A_148 = vector.shape_cast %swap3A_147 : vector<1x16xf32> to vector<16xf32>
      %swap3A_149 = vector.shape_cast %broadcast_in_dim3A_12 : vector<16xf32> to vector<1x16xf32>
      tpu.vector_store %arg8[%swap3A_145, %swap3A_146], %swap3A_149 {strides = array<i32>} : memref<80x128xf32, #tpu.memory_space<vmem>>, vector<1x16xf32>,
      %swap3A_150 = arith.index_cast %scan3A_125 : i32 to index
      %swap3A_151 = arith.constant 80 : index
      %swap3A_152 = tpu.vector_load %arg8[%swap3A_150, %swap3A_151] {strides = array<i32>} : memref<80x128xf32, #tpu.memory_space<vmem>>, vector<1x16xf32>,
      %swap3A_153 = vector.shape_cast %swap3A_152 : vector<1x16xf32> to vector<16xf32>
      %swap3A_154 = vector.shape_cast %broadcast_in_dim3A_12 : vector<16xf32> to vector<1x16xf32>
      tpu.vector_store %arg8[%swap3A_150, %swap3A_151], %swap3A_154 {strides = array<i32>} : memref<80x128xf32, #tpu.memory_space<vmem>>, vector<1x16xf32>,
      %swap3A_155 = arith.index_cast %scan3A_125 : i32 to index
      %swap3A_156 = arith.constant 96 : index
      %swap3A_157 = tpu.vector_load %arg8[%swap3A_155, %swap3A_156] {strides = array<i32>} : memref<80x128xf32, #tpu.memory_space<vmem>>, vector<1x16xf32>,
      %swap3A_158 = vector.shape_cast %swap3A_157 : vector<1x16xf32> to vector<16xf32>
      %swap3A_159 = vector.shape_cast %broadcast_in_dim3A_12 : vector<16xf32> to vector<1x16xf32>
      tpu.vector_store %arg8[%swap3A_155, %swap3A_156], %swap3A_159 {strides = array<i32>} : memref<80x128xf32, #tpu.memory_space<vmem>>, vector<1x16xf32>,
      %swap3A_160 = arith.index_cast %scan3A_125 : i32 to index
      %swap3A_161 = arith.constant 112 : index
      %swap3A_162 = tpu.vector_load %arg8[%swap3A_160, %swap3A_161] {strides = array<i32>} : memref<80x128xf32, #tpu.memory_space<vmem>>, vector<1x16xf32>,
      %swap3A_163 = vector.shape_cast %swap3A_162 : vector<1x16xf32> to vector<16xf32>
      %swap3A_164 = vector.shape_cast %broadcast_in_dim3A_12 : vector<16xf32> to vector<1x16xf32>
      tpu.vector_store %arg8[%swap3A_160, %swap3A_161], %swap3A_164 {strides = array<i32>} : memref<80x128xf32, #tpu.memory_space<vmem>>, vector<1x16xf32>,
    }
    %scan3A_17 = arith.constant 80 : i32
    %add3A_18 = arith.constant 0 : i32
    %add3A_19 = arith.addi %add3A_18, %arg1 : i32
    %mul3A_20 = arith.constant 80 : i32
    %mul3A_21 = arith.muli %add3A_19, %mul3A_20 : i32
    %multiple_of3A_22 = tpu.assume_multiple %mul3A_21, 8 : i32
    "tpu.region"() ({
      %run_scoped3A_125 = tpu.sem_alloc : memref<!tpu.dma_semaphore, #tpu.memory_space<semaphore_mem>>
      %dma_start3A_126 = arith.constant 0 : i32
      %dma_start3A_127 = arith.constant 0 : i32
      %dma_start3A_128 = tpu.memref_slice %arg8[%dma_start3A_126, %dma_start3A_127] : memref<80x128xf32, #tpu.memory_space<vmem>> -> memref<80x128xf32, #tpu.memory_space<vmem>>
      %dma_start3A_129 = arith.constant 0 : i32
      %dma_start3A_130 = tpu.memref_slice %arg10[%multiple_of3A_22, %dma_start3A_129] : memref<10000x128xf32, #tpu.memory_space<vmem_shared>> -> memref<80x128xf32, #tpu.memory_space<vmem_shared>>
      %dma_start3A_131 = arith.constant 0 : i32
      %dma_start3A_132 = tpu.memref_slice %arg10[%multiple_of3A_22, %dma_start3A_131] : memref<10000x128xf32, #tpu.memory_space<vmem_shared>> -> memref<80x128xf32, #tpu.memory_space<vmem_shared>>
      %dma_start3A_133 = arith.constant 0 : i32
      %dma_start3A_134 = arith.constant 0 : i32
      %dma_start3A_135 = tpu.memref_slice %arg8[%dma_start3A_133, %dma_start3A_134] : memref<80x128xf32, #tpu.memory_space<vmem>> -> memref<80x128xf32, #tpu.memory_space<vmem>>
      tpu.enqueue_dma source(%dma_start3A_135 : memref<80x128xf32, #tpu.memory_space<vmem>>) target(%dma_start3A_132 : memref<80x128xf32, #tpu.memory_space<vmem_shared>>) target_semaphore(%run_scoped3A_125 : memref<!tpu.dma_semaphore, #tpu.memory_space<semaphore_mem>>)
      %dma_wait3A_136 = arith.constant 0 : i32
      %dma_wait3A_137 = arith.constant 0 : i32
      %dma_wait3A_138 = tpu.memref_slice %arg8[%dma_wait3A_136, %dma_wait3A_137] : memref<80x128xf32, #tpu.memory_space<vmem>> -> memref<80x128xf32, #tpu.memory_space<vmem>>
      %dma_wait3A_139 = arith.constant 0 : i32
      %dma_wait3A_140 = tpu.memref_slice %arg10[%multiple_of3A_22, %dma_wait3A_139] : memref<10000x128xf32, #tpu.memory_space<vmem_shared>> -> memref<80x128xf32, #tpu.memory_space<vmem_shared>>
      %dma_wait3A_141 = arith.constant 0 : i32
      %dma_wait3A_142 = tpu.memref_slice %arg10[%multiple_of3A_22, %dma_wait3A_141] : memref<10000x128xf32, #tpu.memory_space<vmem_shared>> -> memref<80x128xf32, #tpu.memory_space<vmem_shared>>
      %dma_wait3A_143 = arith.constant 0 : i32
      %dma_wait3A_144 = arith.constant 0 : i32
      %dma_wait3A_145 = tpu.memref_slice %arg8[%dma_wait3A_143, %dma_wait3A_144] : memref<80x128xf32, #tpu.memory_space<vmem>> -> memref<80x128xf32, #tpu.memory_space<vmem>>
      tpu.wait_dma2 semaphore(%run_scoped3A_125 : memref<!tpu.dma_semaphore, #tpu.memory_space<semaphore_mem>>) src(%dma_wait3A_145 : memref<80x128xf32, #tpu.memory_space<vmem>>) dst(%dma_wait3A_142 : memref<80x128xf32, #tpu.memory_space<vmem_shared>>)
      tpu.yield
    }) : () -> ()
    %add3A_23 = arith.constant 16 : i32
    %add3A_24 = arith.addi %add3A_23, %arg1 : i32
    %mul3A_25 = arith.constant 80 : i32
    %mul3A_26 = arith.muli %add3A_24, %mul3A_25 : i32
    %multiple_of3A_27 = tpu.assume_multiple %mul3A_26, 8 : i32
    "tpu.region"() ({
      %run_scoped3A_125 = tpu.sem_alloc : memref<!tpu.dma_semaphore, #tpu.memory_space<semaphore_mem>>
      %dma_start3A_126 = arith.constant 0 : i32
      %dma_start3A_127 = arith.constant 0 : i32
      %dma_start3A_128 = tpu.memref_slice %arg8[%dma_start3A_126, %dma_start3A_127] : memref<80x128xf32, #tpu.memory_space<vmem>> -> memref<80x128xf32, #tpu.memory_space<vmem>>
      %dma_start3A_129 = arith.constant 0 : i32
      %dma_start3A_130 = tpu.memref_slice %arg10[%multiple_of3A_27, %dma_start3A_129] : memref<10000x128xf32, #tpu.memory_space<vmem_shared>> -> memref<80x128xf32, #tpu.memory_space<vmem_shared>>
      %dma_start3A_131 = arith.constant 0 : i32
      %dma_start3A_132 = tpu.memref_slice %arg10[%multiple_of3A_27, %dma_start3A_131] : memref<10000x128xf32, #tpu.memory_space<vmem_shared>> -> memref<80x128xf32, #tpu.memory_space<vmem_shared>>
      %dma_start3A_133 = arith.constant 0 : i32
      %dma_start3A_134 = arith.constant 0 : i32
      %dma_start3A_135 = tpu.memref_slice %arg8[%dma_start3A_133, %dma_start3A_134] : memref<80x128xf32, #tpu.memory_space<vmem>> -> memref<80x128xf32, #tpu.memory_space<vmem>>
      tpu.enqueue_dma source(%dma_start3A_135 : memref<80x128xf32, #tpu.memory_space<vmem>>) target(%dma_start3A_132 : memref<80x128xf32, #tpu.memory_space<vmem_shared>>) target_semaphore(%run_scoped3A_125 : memref<!tpu.dma_semaphore, #tpu.memory_space<semaphore_mem>>)
      %dma_wait3A_136 = arith.constant 0 : i32
      %dma_wait3A_137 = arith.constant 0 : i32
      %dma_wait3A_138 = tpu.memref_slice %arg8[%dma_wait3A_136, %dma_wait3A_137] : memref<80x128xf32, #tpu.memory_space<vmem>> -> memref<80x128xf32, #tpu.memory_space<vmem>>
      %dma_wait3A_139 = arith.constant 0 : i32
      %dma_wait3A_140 = tpu.memref_slice %arg10[%multiple_of3A_27, %dma_wait3A_139] : memref<10000x128xf32, #tpu.memory_space<vmem_shared>> -> memref<80x128xf32, #tpu.memory_space<vmem_shared>>
      %dma_wait3A_141 = arith.constant 0 : i32
      %dma_wait3A_142 = tpu.memref_slice %arg10[%multiple_of3A_27, %dma_wait3A_141] : memref<10000x128xf32, #tpu.memory_space<vmem_shared>> -> memref<80x128xf32, #tpu.memory_space<vmem_shared>>
      %dma_wait3A_143 = arith.constant 0 : i32
      %dma_wait3A_144 = arith.constant 0 : i32
      %dma_wait3A_145 = tpu.memref_slice %arg8[%dma_wait3A_143, %dma_wait3A_144] : memref<80x128xf32, #tpu.memory_space<vmem>> -> memref<80x128xf32, #tpu.memory_space<vmem>>
      tpu.wait_dma2 semaphore(%run_scoped3A_125 : memref<!tpu.dma_semaphore, #tpu.memory_space<semaphore_mem>>) src(%dma_wait3A_145 : memref<80x128xf32, #tpu.memory_space<vmem>>) dst(%dma_wait3A_142 : memref<80x128xf32, #tpu.memory_space<vmem_shared>>)
      tpu.yield
    }) : () -> ()
    %add3A_28 = arith.constant 32 : i32
    %add3A_29 = arith.addi %add3A_28, %arg1 : i32
    %mul3A_30 = arith.constant 80 : i32
    %mul3A_31 = arith.muli %add3A_29, %mul3A_30 : i32
    %multiple_of3A_32 = tpu.assume_multiple %mul3A_31, 8 : i32
    "tpu.region"() ({
      %run_scoped3A_125 = tpu.sem_alloc : memref<!tpu.dma_semaphore, #tpu.memory_space<semaphore_mem>>
      %dma_start3A_126 = arith.constant 0 : i32
      %dma_start3A_127 = arith.constant 0 : i32
      %dma_start3A_128 = tpu.memref_slice %arg8[%dma_start3A_126, %dma_start3A_127] : memref<80x128xf32, #tpu.memory_space<vmem>> -> memref<80x128xf32, #tpu.memory_space<vmem>>
      %dma_start3A_129 = arith.constant 0 : i32
      %dma_start3A_130 = tpu.memref_slice %arg10[%multiple_of3A_32, %dma_start3A_129] : memref<10000x128xf32, #tpu.memory_space<vmem_shared>> -> memref<80x128xf32, #tpu.memory_space<vmem_shared>>
      %dma_start3A_131 = arith.constant 0 : i32
      %dma_start3A_132 = tpu.memref_slice %arg10[%multiple_of3A_32, %dma_start3A_131] : memref<10000x128xf32, #tpu.memory_space<vmem_shared>> -> memref<80x128xf32, #tpu.memory_space<vmem_shared>>
      %dma_start3A_133 = arith.constant 0 : i32
      %dma_start3A_134 = arith.constant 0 : i32
      %dma_start3A_135 = tpu.memref_slice %arg8[%dma_start3A_133, %dma_start3A_134] : memref<80x128xf32, #tpu.memory_space<vmem>> -> memref<80x128xf32, #tpu.memory_space<vmem>>
      tpu.enqueue_dma source(%dma_start3A_135 : memref<80x128xf32, #tpu.memory_space<vmem>>) target(%dma_start3A_132 : memref<80x128xf32, #tpu.memory_space<vmem_shared>>) target_semaphore(%run_scoped3A_125 : memref<!tpu.dma_semaphore, #tpu.memory_space<semaphore_mem>>)
      %dma_wait3A_136 = arith.constant 0 : i32
      %dma_wait3A_137 = arith.constant 0 : i32
      %dma_wait3A_138 = tpu.memref_slice %arg8[%dma_wait3A_136, %dma_wait3A_137] : memref<80x128xf32, #tpu.memory_space<vmem>> -> memref<80x128xf32, #tpu.memory_space<vmem>>
      %dma_wait3A_139 = arith.constant 0 : i32
      %dma_wait3A_140 = tpu.memref_slice %arg10[%multiple_of3A_32, %dma_wait3A_139] : memref<10000x128xf32, #tpu.memory_space<vmem_shared>> -> memref<80x128xf32, #tpu.memory_space<vmem_shared>>
      %dma_wait3A_141 = arith.constant 0 : i32
      %dma_wait3A_142 = tpu.memref_slice %arg10[%multiple_of3A_32, %dma_wait3A_141] : memref<10000x128xf32, #tpu.memory_space<vmem_shared>> -> memref<80x128xf32, #tpu.memory_space<vmem_shared>>
      %dma_wait3A_143 = arith.constant 0 : i32
      %dma_wait3A_144 = arith.constant 0 : i32
      %dma_wait3A_145 = tpu.memref_slice %arg8[%dma_wait3A_143, %dma_wait3A_144] : memref<80x128xf32, #tpu.memory_space<vmem>> -> memref<80x128xf32, #tpu.memory_space<vmem>>
      tpu.wait_dma2 semaphore(%run_scoped3A_125 : memref<!tpu.dma_semaphore, #tpu.memory_space<semaphore_mem>>) src(%dma_wait3A_145 : memref<80x128xf32, #tpu.memory_space<vmem>>) dst(%dma_wait3A_142 : memref<80x128xf32, #tpu.memory_space<vmem_shared>>)
      tpu.yield
    }) : () -> ()
    %add3A_33 = arith.constant 48 : i32
    %add3A_34 = arith.addi %add3A_33, %arg1 : i32
    %mul3A_35 = arith.constant 80 : i32
    %mul3A_36 = arith.muli %add3A_34, %mul3A_35 : i32
    %multiple_of3A_37 = tpu.assume_multiple %mul3A_36, 8 : i32
    "tpu.region"() ({
      %run_scoped3A_125 = tpu.sem_alloc : memref<!tpu.dma_semaphore, #tpu.memory_space<semaphore_mem>>
      %dma_start3A_126 = arith.constant 0 : i32
      %dma_start3A_127 = arith.constant 0 : i32
      %dma_start3A_128 = tpu.memref_slice %arg8[%dma_start3A_126, %dma_start3A_127] : memref<80x128xf32, #tpu.memory_space<vmem>> -> memref<80x128xf32, #tpu.memory_space<vmem>>
      %dma_start3A_129 = arith.constant 0 : i32
      %dma_start3A_130 = tpu.memref_slice %arg10[%multiple_of3A_37, %dma_start3A_129] : memref<10000x128xf32, #tpu.memory_space<vmem_shared>> -> memref<80x128xf32, #tpu.memory_space<vmem_shared>>
      %dma_start3A_131 = arith.constant 0 : i32
      %dma_start3A_132 = tpu.memref_slice %arg10[%multiple_of3A_37, %dma_start3A_131] : memref<10000x128xf32, #tpu.memory_space<vmem_shared>> -> memref<80x128xf32, #tpu.memory_space<vmem_shared>>
      %dma_start3A_133 = arith.constant 0 : i32
      %dma_start3A_134 = arith.constant 0 : i32
      %dma_start3A_135 = tpu.memref_slice %arg8[%dma_start3A_133, %dma_start3A_134] : memref<80x128xf32, #tpu.memory_space<vmem>> -> memref<80x128xf32, #tpu.memory_space<vmem>>
      tpu.enqueue_dma source(%dma_start3A_135 : memref<80x128xf32, #tpu.memory_space<vmem>>) target(%dma_start3A_132 : memref<80x128xf32, #tpu.memory_space<vmem_shared>>) target_semaphore(%run_scoped3A_125 : memref<!tpu.dma_semaphore, #tpu.memory_space<semaphore_mem>>)
      %dma_wait3A_136 = arith.constant 0 : i32
      %dma_wait3A_137 = arith.constant 0 : i32
      %dma_wait3A_138 = tpu.memref_slice %arg8[%dma_wait3A_136, %dma_wait3A_137] : memref<80x128xf32, #tpu.memory_space<vmem>> -> memref<80x128xf32, #tpu.memory_space<vmem>>
      %dma_wait3A_139 = arith.constant 0 : i32
      %dma_wait3A_140 = tpu.memref_slice %arg10[%multiple_of3A_37, %dma_wait3A_139] : memref<10000x128xf32, #tpu.memory_space<vmem_shared>> -> memref<80x128xf32, #tpu.memory_space<vmem_shared>>
      %dma_wait3A_141 = arith.constant 0 : i32
      %dma_wait3A_142 = tpu.memref_slice %arg10[%multiple_of3A_37, %dma_wait3A_141] : memref<10000x128xf32, #tpu.memory_space<vmem_shared>> -> memref<80x128xf32, #tpu.memory_space<vmem_shared>>
      %dma_wait3A_143 = arith.constant 0 : i32
      %dma_wait3A_144 = arith.constant 0 : i32
      %dma_wait3A_145 = tpu.memref_slice %arg8[%dma_wait3A_143, %dma_wait3A_144] : memref<80x128xf32, #tpu.memory_space<vmem>> -> memref<80x128xf32, #tpu.memory_space<vmem>>
      tpu.wait_dma2 semaphore(%run_scoped3A_125 : memref<!tpu.dma_semaphore, #tpu.memory_space<semaphore_mem>>) src(%dma_wait3A_145 : memref<80x128xf32, #tpu.memory_space<vmem>>) dst(%dma_wait3A_142 : memref<80x128xf32, #tpu.memory_space<vmem_shared>>)
      tpu.yield
    }) : () -> ()
    %add3A_38 = arith.constant 64 : i32
    %add3A_39 = arith.addi %add3A_38, %arg1 : i32
    %mul3A_40 = arith.constant 80 : i32
    %mul3A_41 = arith.muli %add3A_39, %mul3A_40 : i32
    %multiple_of3A_42 = tpu.assume_multiple %mul3A_41, 8 : i32
    "tpu.region"() ({
      %run_scoped3A_125 = tpu.sem_alloc : memref<!tpu.dma_semaphore, #tpu.memory_space<semaphore_mem>>
      %dma_start3A_126 = arith.constant 0 : i32
      %dma_start3A_127 = arith.constant 0 : i32
      %dma_start3A_128 = tpu.memref_slice %arg8[%dma_start3A_126, %dma_start3A_127] : memref<80x128xf32, #tpu.memory_space<vmem>> -> memref<80x128xf32, #tpu.memory_space<vmem>>
      %dma_start3A_129 = arith.constant 0 : i32
      %dma_start3A_130 = tpu.memref_slice %arg10[%multiple_of3A_42, %dma_start3A_129] : memref<10000x128xf32, #tpu.memory_space<vmem_shared>> -> memref<80x128xf32, #tpu.memory_space<vmem_shared>>
      %dma_start3A_131 = arith.constant 0 : i32
      %dma_start3A_132 = tpu.memref_slice %arg10[%multiple_of3A_42, %dma_start3A_131] : memref<10000x128xf32, #tpu.memory_space<vmem_shared>> -> memref<80x128xf32, #tpu.memory_space<vmem_shared>>
      %dma_start3A_133 = arith.constant 0 : i32
      %dma_start3A_134 = arith.constant 0 : i32
      %dma_start3A_135 = tpu.memref_slice %arg8[%dma_start3A_133, %dma_start3A_134] : memref<80x128xf32, #tpu.memory_space<vmem>> -> memref<80x128xf32, #tpu.memory_space<vmem>>
      tpu.enqueue_dma source(%dma_start3A_135 : memref<80x128xf32, #tpu.memory_space<vmem>>) target(%dma_start3A_132 : memref<80x128xf32, #tpu.memory_space<vmem_shared>>) target_semaphore(%run_scoped3A_125 : memref<!tpu.dma_semaphore, #tpu.memory_space<semaphore_mem>>)
      %dma_wait3A_136 = arith.constant 0 : i32
      %dma_wait3A_137 = arith.constant 0 : i32
      %dma_wait3A_138 = tpu.memref_slice %arg8[%dma_wait3A_136, %dma_wait3A_137] : memref<80x128xf32, #tpu.memory_space<vmem>> -> memref<80x128xf32, #tpu.memory_space<vmem>>
      %dma_wait3A_139 = arith.constant 0 : i32
      %dma_wait3A_140 = tpu.memref_slice %arg10[%multiple_of3A_42, %dma_wait3A_139] : memref<10000x128xf32, #tpu.memory_space<vmem_shared>> -> memref<80x128xf32, #tpu.memory_space<vmem_shared>>
      %dma_wait3A_141 = arith.constant 0 : i32
      %dma_wait3A_142 = tpu.memref_slice %arg10[%multiple_of3A_42, %dma_wait3A_141] : memref<10000x128xf32, #tpu.memory_space<vmem_shared>> -> memref<80x128xf32, #tpu.memory_space<vmem_shared>>
      %dma_wait3A_143 = arith.constant 0 : i32
      %dma_wait3A_144 = arith.constant 0 : i32
      %dma_wait3A_145 = tpu.memref_slice %arg8[%dma_wait3A_143, %dma_wait3A_144] : memref<80x128xf32, #tpu.memory_space<vmem>> -> memref<80x128xf32, #tpu.memory_space<vmem>>
      tpu.wait_dma2 semaphore(%run_scoped3A_125 : memref<!tpu.dma_semaphore, #tpu.memory_space<semaphore_mem>>) src(%dma_wait3A_145 : memref<80x128xf32, #tpu.memory_space<vmem>>) dst(%dma_wait3A_142 : memref<80x128xf32, #tpu.memory_space<vmem_shared>>)
      tpu.yield
    }) : () -> ()
    %add3A_43 = arith.constant 80 : i32
    %add3A_44 = arith.addi %add3A_43, %arg1 : i32
    %mul3A_45 = arith.constant 80 : i32
    %mul3A_46 = arith.muli %add3A_44, %mul3A_45 : i32
    %multiple_of3A_47 = tpu.assume_multiple %mul3A_46, 8 : i32
    "tpu.region"() ({
      %run_scoped3A_125 = tpu.sem_alloc : memref<!tpu.dma_semaphore, #tpu.memory_space<semaphore_mem>>
      %dma_start3A_126 = arith.constant 0 : i32
      %dma_start3A_127 = arith.constant 0 : i32
      %dma_start3A_128 = tpu.memref_slice %arg8[%dma_start3A_126, %dma_start3A_127] : memref<80x128xf32, #tpu.memory_space<vmem>> -> memref<80x128xf32, #tpu.memory_space<vmem>>
      %dma_start3A_129 = arith.constant 0 : i32
      %dma_start3A_130 = tpu.memref_slice %arg10[%multiple_of3A_47, %dma_start3A_129] : memref<10000x128xf32, #tpu.memory_space<vmem_shared>> -> memref<80x128xf32, #tpu.memory_space<vmem_shared>>
      %dma_start3A_131 = arith.constant 0 : i32
      %dma_start3A_132 = tpu.memref_slice %arg10[%multiple_of3A_47, %dma_start3A_131] : memref<10000x128xf32, #tpu.memory_space<vmem_shared>> -> memref<80x128xf32, #tpu.memory_space<vmem_shared>>
      %dma_start3A_133 = arith.constant 0 : i32
      %dma_start3A_134 = arith.constant 0 : i32
      %dma_start3A_135 = tpu.memref_slice %arg8[%dma_start3A_133, %dma_start3A_134] : memref<80x128xf32, #tpu.memory_space<vmem>> -> memref<80x128xf32, #tpu.memory_space<vmem>>
      tpu.enqueue_dma source(%dma_start3A_135 : memref<80x128xf32, #tpu.memory_space<vmem>>) target(%dma_start3A_132 : memref<80x128xf32, #tpu.memory_space<vmem_shared>>) target_semaphore(%run_scoped3A_125 : memref<!tpu.dma_semaphore, #tpu.memory_space<semaphore_mem>>)
      %dma_wait3A_136 = arith.constant 0 : i32
      %dma_wait3A_137 = arith.constant 0 : i32
      %dma_wait3A_138 = tpu.memref_slice %arg8[%dma_wait3A_136, %dma_wait3A_137] : memref<80x128xf32, #tpu.memory_space<vmem>> -> memref<80x128xf32, #tpu.memory_space<vmem>>
      %dma_wait3A_139 = arith.constant 0 : i32
      %dma_wait3A_140 = tpu.memref_slice %arg10[%multiple_of3A_47, %dma_wait3A_139] : memref<10000x128xf32, #tpu.memory_space<vmem_shared>> -> memref<80x128xf32, #tpu.memory_space<vmem_shared>>
      %dma_wait3A_141 = arith.constant 0 : i32
      %dma_wait3A_142 = tpu.memref_slice %arg10[%multiple_of3A_47, %dma_wait3A_141] : memref<10000x128xf32, #tpu.memory_space<vmem_shared>> -> memref<80x128xf32, #tpu.memory_space<vmem_shared>>
      %dma_wait3A_143 = arith.constant 0 : i32
      %dma_wait3A_144 = arith.constant 0 : i32
      %dma_wait3A_145 = tpu.memref_slice %arg8[%dma_wait3A_143, %dma_wait3A_144] : memref<80x128xf32, #tpu.memory_space<vmem>> -> memref<80x128xf32, #tpu.memory_space<vmem>>
      tpu.wait_dma2 semaphore(%run_scoped3A_125 : memref<!tpu.dma_semaphore, #tpu.memory_space<semaphore_mem>>) src(%dma_wait3A_145 : memref<80x128xf32, #tpu.memory_space<vmem>>) dst(%dma_wait3A_142 : memref<80x128xf32, #tpu.memory_space<vmem_shared>>)
      tpu.yield
    }) : () -> ()
    %add3A_48 = arith.constant 96 : i32
    %add3A_49 = arith.addi %add3A_48, %arg1 : i32
    %mul3A_50 = arith.constant 80 : i32
    %mul3A_51 = arith.muli %add3A_49, %mul3A_50 : i32
    %multiple_of3A_52 = tpu.assume_multiple %mul3A_51, 8 : i32
    "tpu.region"() ({
      %run_scoped3A_125 = tpu.sem_alloc : memref<!tpu.dma_semaphore, #tpu.memory_space<semaphore_mem>>
      %dma_start3A_126 = arith.constant 0 : i32
      %dma_start3A_127 = arith.constant 0 : i32
      %dma_start3A_128 = tpu.memref_slice %arg8[%dma_start3A_126, %dma_start3A_127] : memref<80x128xf32, #tpu.memory_space<vmem>> -> memref<80x128xf32, #tpu.memory_space<vmem>>
      %dma_start3A_129 = arith.constant 0 : i32
      %dma_start3A_130 = tpu.memref_slice %arg10[%multiple_of3A_52, %dma_start3A_129] : memref<10000x128xf32, #tpu.memory_space<vmem_shared>> -> memref<80x128xf32, #tpu.memory_space<vmem_shared>>
      %dma_start3A_131 = arith.constant 0 : i32
      %dma_start3A_132 = tpu.memref_slice %arg10[%multiple_of3A_52, %dma_start3A_131] : memref<10000x128xf32, #tpu.memory_space<vmem_shared>> -> memref<80x128xf32, #tpu.memory_space<vmem_shared>>
      %dma_start3A_133 = arith.constant 0 : i32
      %dma_start3A_134 = arith.constant 0 : i32
      %dma_start3A_135 = tpu.memref_slice %arg8[%dma_start3A_133, %dma_start3A_134] : memref<80x128xf32, #tpu.memory_space<vmem>> -> memref<80x128xf32, #tpu.memory_space<vmem>>
      tpu.enqueue_dma source(%dma_start3A_135 : memref<80x128xf32, #tpu.memory_space<vmem>>) target(%dma_start3A_132 : memref<80x128xf32, #tpu.memory_space<vmem_shared>>) target_semaphore(%run_scoped3A_125 : memref<!tpu.dma_semaphore, #tpu.memory_space<semaphore_mem>>)
      %dma_wait3A_136 = arith.constant 0 : i32
      %dma_wait3A_137 = arith.constant 0 : i32
      %dma_wait3A_138 = tpu.memref_slice %arg8[%dma_wait3A_136, %dma_wait3A_137] : memref<80x128xf32, #tpu.memory_space<vmem>> -> memref<80x128xf32, #tpu.memory_space<vmem>>
      %dma_wait3A_139 = arith.constant 0 : i32
      %dma_wait3A_140 = tpu.memref_slice %arg10[%multiple_of3A_52, %dma_wait3A_139] : memref<10000x128xf32, #tpu.memory_space<vmem_shared>> -> memref<80x128xf32, #tpu.memory_space<vmem_shared>>
      %dma_wait3A_141 = arith.constant 0 : i32
      %dma_wait3A_142 = tpu.memref_slice %arg10[%multiple_of3A_52, %dma_wait3A_141] : memref<10000x128xf32, #tpu.memory_space<vmem_shared>> -> memref<80x128xf32, #tpu.memory_space<vmem_shared>>
      %dma_wait3A_143 = arith.constant 0 : i32
      %dma_wait3A_144 = arith.constant 0 : i32
      %dma_wait3A_145 = tpu.memref_slice %arg8[%dma_wait3A_143, %dma_wait3A_144] : memref<80x128xf32, #tpu.memory_space<vmem>> -> memref<80x128xf32, #tpu.memory_space<vmem>>
      tpu.wait_dma2 semaphore(%run_scoped3A_125 : memref<!tpu.dma_semaphore, #tpu.memory_space<semaphore_mem>>) src(%dma_wait3A_145 : memref<80x128xf32, #tpu.memory_space<vmem>>) dst(%dma_wait3A_142 : memref<80x128xf32, #tpu.memory_space<vmem_shared>>)
      tpu.yield
    }) : () -> ()
    %add3A_53 = arith.constant 112 : i32
    %add3A_54 = arith.addi %add3A_53, %arg1 : i32
    %lt3A = arith.constant 125 : i32
    %lt3A_55 = arith.cmpi slt, %add3A_54, %lt3A : i32
    %convert_element_type3A = arith.extui %lt3A_55 : i1 to i32
    %cond3A = arith.constant 0 : i32
    %cond3A_56 = arith.cmpi ne, %convert_element_type3A, %cond3A : i32
    scf.if %cond3A_56 {
      %mul3A_125 = arith.constant 80 : i32
      %mul3A_126 = arith.muli %add3A_54, %mul3A_125 : i32
      %multiple_of3A_127 = tpu.assume_multiple %mul3A_126, 8 : i32
      "tpu.region"() ({
        %run_scoped3A_128 = tpu.sem_alloc : memref<!tpu.dma_semaphore, #tpu.memory_space<semaphore_mem>>
        %dma_start3A_129 = arith.constant 0 : i32
        %dma_start3A_130 = arith.constant 0 : i32
        %dma_start3A_131 = tpu.memref_slice %arg8[%dma_start3A_129, %dma_start3A_130] : memref<80x128xf32, #tpu.memory_space<vmem>> -> memref<80x128xf32, #tpu.memory_space<vmem>>
        %dma_start3A_132 = arith.constant 0 : i32
        %dma_start3A_133 = tpu.memref_slice %arg10[%multiple_of3A_127, %dma_start3A_132] : memref<10000x128xf32, #tpu.memory_space<vmem_shared>> -> memref<80x128xf32, #tpu.memory_space<vmem_shared>>
        %dma_start3A_134 = arith.constant 0 : i32
        %dma_start3A_135 = tpu.memref_slice %arg10[%multiple_of3A_127, %dma_start3A_134] : memref<10000x128xf32, #tpu.memory_space<vmem_shared>> -> memref<80x128xf32, #tpu.memory_space<vmem_shared>>
        %dma_start3A_136 = arith.constant 0 : i32
        %dma_start3A_137 = arith.constant 0 : i32
        %dma_start3A_138 = tpu.memref_slice %arg8[%dma_start3A_136, %dma_start3A_137] : memref<80x128xf32, #tpu.memory_space<vmem>> -> memref<80x128xf32, #tpu.memory_space<vmem>>
        tpu.enqueue_dma source(%dma_start3A_138 : memref<80x128xf32, #tpu.memory_space<vmem>>) target(%dma_start3A_135 : memref<80x128xf32, #tpu.memory_space<vmem_shared>>) target_semaphore(%run_scoped3A_128 : memref<!tpu.dma_semaphore, #tpu.memory_space<semaphore_mem>>)
        %dma_wait3A_139 = arith.constant 0 : i32
        %dma_wait3A_140 = arith.constant 0 : i32
        %dma_wait3A_141 = tpu.memref_slice %arg8[%dma_wait3A_139, %dma_wait3A_140] : memref<80x128xf32, #tpu.memory_space<vmem>> -> memref<80x128xf32, #tpu.memory_space<vmem>>
        %dma_wait3A_142 = arith.constant 0 : i32
        %dma_wait3A_143 = tpu.memref_slice %arg10[%multiple_of3A_127, %dma_wait3A_142] : memref<10000x128xf32, #tpu.memory_space<vmem_shared>> -> memref<80x128xf32, #tpu.memory_space<vmem_shared>>
        %dma_wait3A_144 = arith.constant 0 : i32
        %dma_wait3A_145 = tpu.memref_slice %arg10[%multiple_of3A_127, %dma_wait3A_144] : memref<10000x128xf32, #tpu.memory_space<vmem_shared>> -> memref<80x128xf32, #tpu.memory_space<vmem_shared>>
        %dma_wait3A_146 = arith.constant 0 : i32
        %dma_wait3A_147 = arith.constant 0 : i32
        %dma_wait3A_148 = tpu.memref_slice %arg8[%dma_wait3A_146, %dma_wait3A_147] : memref<80x128xf32, #tpu.memory_space<vmem>> -> memref<80x128xf32, #tpu.memory_space<vmem>>
        tpu.wait_dma2 semaphore(%run_scoped3A_128 : memref<!tpu.dma_semaphore, #tpu.memory_space<semaphore_mem>>) src(%dma_wait3A_148 : memref<80x128xf32, #tpu.memory_space<vmem>>) dst(%dma_wait3A_145 : memref<80x128xf32, #tpu.memory_space<vmem_shared>>)
        tpu.yield
      }) : () -> ()
    } else {
    }
    %dma_wait3A = tpu.memref_slice %arg3[%multiple_of3A] : memref<320000xi32, #tpu.memory_space<hbm>> -> memref<10000xi32, #tpu.memory_space<hbm>>
    %dma_wait3A_57 = tpu.memref_slice %arg3[%multiple_of3A] : memref<320000xi32, #tpu.memory_space<hbm>> -> memref<10000xi32, #tpu.memory_space<hbm>>
    tpu.wait_dma2 semaphore(%arg11 : memref<!tpu.dma_semaphore, #tpu.memory_space<semaphore_mem>>) src(%dma_wait3A_57 : memref<10000xi32, #tpu.memory_space<hbm>>) dst(%arg6 : memref<10000xi32, #tpu.memory_space<vmem>>)
    %dma_wait3A_58 = arith.constant 0 : i32
    %dma_wait3A_59 = arith.constant 0 : i32
    %dma_wait3A_60 = tpu.memref_slice %arg4[%add3A, %dma_wait3A_58, %dma_wait3A_59] : memref<32x125x80xi32, #tpu.memory_space<hbm>> -> memref<1x125x80xi32, #tpu.memory_space<hbm>>
    %dma_wait3A_61 = tpu.memref_squeeze %dma_wait3A_60 : memref<1x125x80xi32, #tpu.memory_space<hbm>> -> memref<125x80xi32, #tpu.memory_space<hbm>>
    %dma_wait3A_62 = arith.constant 0 : i32
    %dma_wait3A_63 = arith.constant 0 : i32
    %dma_wait3A_64 = tpu.memref_slice %arg4[%add3A, %dma_wait3A_62, %dma_wait3A_63] : memref<32x125x80xi32, #tpu.memory_space<hbm>> -> memref<1x125x80xi32, #tpu.memory_space<hbm>>
    %dma_wait3A_65 = tpu.memref_squeeze %dma_wait3A_64 : memref<1x125x80xi32, #tpu.memory_space<hbm>> -> memref<125x80xi32, #tpu.memory_space<hbm>>
    tpu.wait_dma2 semaphore(%arg12 : memref<!tpu.dma_semaphore, #tpu.memory_space<semaphore_mem>>) src(%dma_wait3A_65 : memref<125x80xi32, #tpu.memory_space<hbm>>) dst(%arg7 : memref<125x80xi32, #tpu.memory_space<vmem>>)
    %barrier3A = arith.constant 0 : index
    tpu.barrier barrier_id(%barrier3A)
    %dma_start3A_66 = arith.constant 0 : i32
    %dma_start3A_67 = tpu.memref_slice %arg6[%dma_start3A_66] : memref<10000xi32, #tpu.memory_space<vmem>> -> memref<80xi32, #tpu.memory_space<vmem>>
    %dma_start3A_68 = arith.constant 0 : i32
    %dma_start3A_69 = arith.constant 0 : i32
    %dma_start3A_70 = tpu.memref_slice %arg2[%dma_start3A_68, %dma_start3A_69] : memref<10000x128xf32, #tpu.memory_space<hbm>> -> memref<10000x128xf32, #tpu.memory_space<hbm>>
    tpu.enqueue_indirect_dma source(%dma_start3A_70 : memref<10000x128xf32, #tpu.memory_space<hbm>>) target(%arg8 : memref<80x128xf32, #tpu.memory_space<vmem>>) offsets(%dma_start3A_67 : memref<80xi32, #tpu.memory_space<vmem>>) semaphore(%arg11 : memref<!tpu.dma_semaphore, #tpu.memory_space<semaphore_mem>>)
    %scan3A_71 = arith.constant 0 : i32
    %scan3A_72 = arith.constant 0 : i32
    %scan3A_73 = arith.constant 62 : i32
    %scan3A_74 = arith.addi %scan3A_72, %scan3A_73 : i32
    %scan3A_75 = arith.constant 1 : i32
    scf.for %scan3A_125 = %scan3A_72 to %scan3A_74 step %scan3A_75  : i32 {
      %mul3A_126 = arith.constant 2 : i32
      %mul3A_127 = arith.muli %scan3A_125, %mul3A_126 : i32
      %add3A_128 = arith.constant 1 : i32
      %add3A_129 = arith.addi %mul3A_127, %add3A_128 : i32
      %mul3A_130 = arith.constant 80 : i32
      %mul3A_131 = arith.muli %add3A_129, %mul3A_130 : i32
      %dma_start3A_132 = tpu.memref_slice %arg6[%mul3A_131] : memref<10000xi32, #tpu.memory_space<vmem>> -> memref<80xi32, #tpu.memory_space<vmem>>
      %dma_start3A_133 = arith.constant 0 : i32
      %dma_start3A_134 = arith.constant 0 : i32
      %dma_start3A_135 = tpu.memref_slice %arg2[%dma_start3A_133, %dma_start3A_134] : memref<10000x128xf32, #tpu.memory_space<hbm>> -> memref<10000x128xf32, #tpu.memory_space<hbm>>
      tpu.enqueue_indirect_dma source(%dma_start3A_135 : memref<10000x128xf32, #tpu.memory_space<hbm>>) target(%arg9 : memref<80x128xf32, #tpu.memory_space<vmem>>) offsets(%dma_start3A_132 : memref<80xi32, #tpu.memory_space<vmem>>) semaphore(%arg12 : memref<!tpu.dma_semaphore, #tpu.memory_space<semaphore_mem>>)
      %mul3A_136 = arith.constant 80 : i32
      %mul3A_137 = arith.muli %mul3A_127, %mul3A_136 : i32
      %dma_wait3A_138 = tpu.memref_slice %arg6[%mul3A_137] : memref<10000xi32, #tpu.memory_space<vmem>> -> memref<80xi32, #tpu.memory_space<vmem>>
      %dma_wait3A_139 = arith.constant 0 : i32
      %dma_wait3A_140 = arith.constant 0 : i32
      %dma_wait3A_141 = tpu.memref_slice %arg2[%dma_wait3A_139, %dma_wait3A_140] : memref<10000x128xf32, #tpu.memory_space<hbm>> -> memref<10000x128xf32, #tpu.memory_space<hbm>>
      tpu.wait_indirect_dma semaphore(%arg11 : memref<!tpu.dma_semaphore, #tpu.memory_space<semaphore_mem>>) src(%dma_wait3A_141 : memref<10000x128xf32, #tpu.memory_space<hbm>>) dst(%arg8 : memref<80x128xf32, #tpu.memory_space<vmem>>)
      "tpu.region"() ({
        %run_scoped3A_156 = tpu.sem_alloc : memref<!tpu.dma_semaphore, #tpu.memory_space<semaphore_mem>>
        %dma_start3A_157 = arith.constant 0 : i32
        %dma_start3A_158 = tpu.memref_slice %arg7[%mul3A_127, %dma_start3A_157] : memref<125x80xi32, #tpu.memory_space<vmem>> -> memref<1x80xi32, #tpu.memory_space<vmem>>
        %dma_start3A_159 = tpu.memref_squeeze %dma_start3A_158 : memref<1x80xi32, #tpu.memory_space<vmem>> -> memref<80xi32, #tpu.memory_space<vmem>>
        %dma_start3A_160 = arith.constant 0 : i32
        %dma_start3A_161 = arith.constant 0 : i32
        %dma_start3A_162 = tpu.memref_slice %arg10[%dma_start3A_160, %dma_start3A_161] : memref<10000x128xf32, #tpu.memory_space<vmem_shared>> -> memref<10000x128xf32, #tpu.memory_space<vmem_shared>>
        tpu.enqueue_indirect_dma source(%arg8 : memref<80x128xf32, #tpu.memory_space<vmem>>) target(%dma_start3A_162 : memref<10000x128xf32, #tpu.memory_space<vmem_shared>>) offsets(%dma_start3A_159 : memref<80xi32, #tpu.memory_space<vmem>>) semaphore(%run_scoped3A_156 : memref<!tpu.dma_semaphore, #tpu.memory_space<semaphore_mem>>) {add = true}
        %dma_wait3A_163 = arith.constant 0 : i32
        %dma_wait3A_164 = tpu.memref_slice %arg7[%mul3A_127, %dma_wait3A_163] : memref<125x80xi32, #tpu.memory_space<vmem>> -> memref<1x80xi32, #tpu.memory_space<vmem>>
        %dma_wait3A_165 = tpu.memref_squeeze %dma_wait3A_164 : memref<1x80xi32, #tpu.memory_space<vmem>> -> memref<80xi32, #tpu.memory_space<vmem>>
        %dma_wait3A_166 = arith.constant 0 : i32
        %dma_wait3A_167 = arith.constant 0 : i32
        %dma_wait3A_168 = tpu.memref_slice %arg10[%dma_wait3A_166, %dma_wait3A_167] : memref<10000x128xf32, #tpu.memory_space<vmem_shared>> -> memref<10000x128xf32, #tpu.memory_space<vmem_shared>>
        tpu.wait_indirect_dma semaphore(%run_scoped3A_156 : memref<!tpu.dma_semaphore, #tpu.memory_space<semaphore_mem>>) src(%arg8 : memref<80x128xf32, #tpu.memory_space<vmem>>) dst(%dma_wait3A_168 : memref<10000x128xf32, #tpu.memory_space<vmem_shared>>)
        tpu.yield
      }) : () -> ()
      %add3A_142 = arith.constant 2 : i32
      %add3A_143 = arith.addi %mul3A_127, %add3A_142 : i32
      %mul3A_144 = arith.constant 80 : i32
      %mul3A_145 = arith.muli %add3A_143, %mul3A_144 : i32
      %dma_start3A_146 = tpu.memref_slice %arg6[%mul3A_145] : memref<10000xi32, #tpu.memory_space<vmem>> -> memref<80xi32, #tpu.memory_space<vmem>>
      %dma_start3A_147 = arith.constant 0 : i32
      %dma_start3A_148 = arith.constant 0 : i32
      %dma_start3A_149 = tpu.memref_slice %arg2[%dma_start3A_147, %dma_start3A_148] : memref<10000x128xf32, #tpu.memory_space<hbm>> -> memref<10000x128xf32, #tpu.memory_space<hbm>>
      tpu.enqueue_indirect_dma source(%dma_start3A_149 : memref<10000x128xf32, #tpu.memory_space<hbm>>) target(%arg8 : memref<80x128xf32, #tpu.memory_space<vmem>>) offsets(%dma_start3A_146 : memref<80xi32, #tpu.memory_space<vmem>>) semaphore(%arg11 : memref<!tpu.dma_semaphore, #tpu.memory_space<semaphore_mem>>)
      %mul3A_150 = arith.constant 80 : i32
      %mul3A_151 = arith.muli %add3A_129, %mul3A_150 : i32
      %dma_wait3A_152 = tpu.memref_slice %arg6[%mul3A_151] : memref<10000xi32, #tpu.memory_space<vmem>> -> memref<80xi32, #tpu.memory_space<vmem>>
      %dma_wait3A_153 = arith.constant 0 : i32
      %dma_wait3A_154 = arith.constant 0 : i32
      %dma_wait3A_155 = tpu.memref_slice %arg2[%dma_wait3A_153, %dma_wait3A_154] : memref<10000x128xf32, #tpu.memory_space<hbm>> -> memref<10000x128xf32, #tpu.memory_space<hbm>>
      tpu.wait_indirect_dma semaphore(%arg12 : memref<!tpu.dma_semaphore, #tpu.memory_space<semaphore_mem>>) src(%dma_wait3A_155 : memref<10000x128xf32, #tpu.memory_space<hbm>>) dst(%arg9 : memref<80x128xf32, #tpu.memory_space<vmem>>)
      "tpu.region"() ({
        %run_scoped3A_156 = tpu.sem_alloc : memref<!tpu.dma_semaphore, #tpu.memory_space<semaphore_mem>>
        %dma_start3A_157 = arith.constant 0 : i32
        %dma_start3A_158 = tpu.memref_slice %arg7[%add3A_129, %dma_start3A_157] : memref<125x80xi32, #tpu.memory_space<vmem>> -> memref<1x80xi32, #tpu.memory_space<vmem>>
        %dma_start3A_159 = tpu.memref_squeeze %dma_start3A_158 : memref<1x80xi32, #tpu.memory_space<vmem>> -> memref<80xi32, #tpu.memory_space<vmem>>
        %dma_start3A_160 = arith.constant 0 : i32
        %dma_start3A_161 = arith.constant 0 : i32
        %dma_start3A_162 = tpu.memref_slice %arg10[%dma_start3A_160, %dma_start3A_161] : memref<10000x128xf32, #tpu.memory_space<vmem_shared>> -> memref<10000x128xf32, #tpu.memory_space<vmem_shared>>
        tpu.enqueue_indirect_dma source(%arg9 : memref<80x128xf32, #tpu.memory_space<vmem>>) target(%dma_start3A_162 : memref<10000x128xf32, #tpu.memory_space<vmem_shared>>) offsets(%dma_start3A_159 : memref<80xi32, #tpu.memory_space<vmem>>) semaphore(%run_scoped3A_156 : memref<!tpu.dma_semaphore, #tpu.memory_space<semaphore_mem>>) {add = true}
        %dma_wait3A_163 = arith.constant 0 : i32
        %dma_wait3A_164 = tpu.memref_slice %arg7[%add3A_129, %dma_wait3A_163] : memref<125x80xi32, #tpu.memory_space<vmem>> -> memref<1x80xi32, #tpu.memory_space<vmem>>
        %dma_wait3A_165 = tpu.memref_squeeze %dma_wait3A_164 : memref<1x80xi32, #tpu.memory_space<vmem>> -> memref<80xi32, #tpu.memory_space<vmem>>
        %dma_wait3A_166 = arith.constant 0 : i32
        %dma_wait3A_167 = arith.constant 0 : i32
        %dma_wait3A_168 = tpu.memref_slice %arg10[%dma_wait3A_166, %dma_wait3A_167] : memref<10000x128xf32, #tpu.memory_space<vmem_shared>> -> memref<10000x128xf32, #tpu.memory_space<vmem_shared>>
        tpu.wait_indirect_dma semaphore(%run_scoped3A_156 : memref<!tpu.dma_semaphore, #tpu.memory_space<semaphore_mem>>) src(%arg9 : memref<80x128xf32, #tpu.memory_space<vmem>>) dst(%dma_wait3A_168 : memref<10000x128xf32, #tpu.memory_space<vmem_shared>>)
        tpu.yield
      }) : () -> ()
    }
    %scan3A_76 = arith.constant 62 : i32
    %dma_wait3A_77 = arith.constant 9920 : i32
    %dma_wait3A_78 = tpu.memref_slice %arg6[%dma_wait3A_77] : memref<10000xi32, #tpu.memory_space<vmem>> -> memref<80xi32, #tpu.memory_space<vmem>>
    %dma_wait3A_79 = arith.constant 0 : i32
    %dma_wait3A_80 = arith.constant 0 : i32
    %dma_wait3A_81 = tpu.memref_slice %arg2[%dma_wait3A_79, %dma_wait3A_80] : memref<10000x128xf32, #tpu.memory_space<hbm>> -> memref<10000x128xf32, #tpu.memory_space<hbm>>
    tpu.wait_indirect_dma semaphore(%arg11 : memref<!tpu.dma_semaphore, #tpu.memory_space<semaphore_mem>>) src(%dma_wait3A_81 : memref<10000x128xf32, #tpu.memory_space<hbm>>) dst(%arg8 : memref<80x128xf32, #tpu.memory_space<vmem>>)
    %run_scoped3A = arith.constant 124 : i32
    "tpu.region"() ({
      %run_scoped3A_125 = tpu.sem_alloc : memref<!tpu.dma_semaphore, #tpu.memory_space<semaphore_mem>>
      %dma_start3A_126 = arith.constant 0 : i32
      %dma_start3A_127 = tpu.memref_slice %arg7[%run_scoped3A, %dma_start3A_126] : memref<125x80xi32, #tpu.memory_space<vmem>> -> memref<1x80xi32, #tpu.memory_space<vmem>>
      %dma_start3A_128 = tpu.memref_squeeze %dma_start3A_127 : memref<1x80xi32, #tpu.memory_space<vmem>> -> memref<80xi32, #tpu.memory_space<vmem>>
      %dma_start3A_129 = arith.constant 0 : i32
      %dma_start3A_130 = arith.constant 0 : i32
      %dma_start3A_131 = tpu.memref_slice %arg10[%dma_start3A_129, %dma_start3A_130] : memref<10000x128xf32, #tpu.memory_space<vmem_shared>> -> memref<10000x128xf32, #tpu.memory_space<vmem_shared>>
      tpu.enqueue_indirect_dma source(%arg8 : memref<80x128xf32, #tpu.memory_space<vmem>>) target(%dma_start3A_131 : memref<10000x128xf32, #tpu.memory_space<vmem_shared>>) offsets(%dma_start3A_128 : memref<80xi32, #tpu.memory_space<vmem>>) semaphore(%run_scoped3A_125 : memref<!tpu.dma_semaphore, #tpu.memory_space<semaphore_mem>>) {add = true}
      %dma_wait3A_132 = arith.constant 0 : i32
      %dma_wait3A_133 = tpu.memref_slice %arg7[%run_scoped3A, %dma_wait3A_132] : memref<125x80xi32, #tpu.memory_space<vmem>> -> memref<1x80xi32, #tpu.memory_space<vmem>>
      %dma_wait3A_134 = tpu.memref_squeeze %dma_wait3A_133 : memref<1x80xi32, #tpu.memory_space<vmem>> -> memref<80xi32, #tpu.memory_space<vmem>>
      %dma_wait3A_135 = arith.constant 0 : i32
      %dma_wait3A_136 = arith.constant 0 : i32
      %dma_wait3A_137 = tpu.memref_slice %arg10[%dma_wait3A_135, %dma_wait3A_136] : memref<10000x128xf32, #tpu.memory_space<vmem_shared>> -> memref<10000x128xf32, #tpu.memory_space<vmem_shared>>
      tpu.wait_indirect_dma semaphore(%run_scoped3A_125 : memref<!tpu.dma_semaphore, #tpu.memory_space<semaphore_mem>>) src(%arg8 : memref<80x128xf32, #tpu.memory_space<vmem>>) dst(%dma_wait3A_137 : memref<10000x128xf32, #tpu.memory_space<vmem_shared>>)
      tpu.yield
    }) : () -> ()
    %barrier3A_82 = arith.constant 0 : index
    tpu.barrier barrier_id(%barrier3A_82)
    %add3A_83 = arith.constant 0 : i32
    %add3A_84 = arith.addi %add3A_83, %arg1 : i32
    %mul3A_85 = arith.constant 80 : i32
    %mul3A_86 = arith.muli %add3A_84, %mul3A_85 : i32
    %multiple_of3A_87 = tpu.assume_multiple %mul3A_86, 8 : i32
    "tpu.region"() ({
      %run_scoped3A_125 = tpu.sem_alloc : memref<!tpu.dma_semaphore, #tpu.memory_space<semaphore_mem>>
      %dma_start3A_126 = arith.constant 0 : i32
      %dma_start3A_127 = arith.constant 0 : i32
      %dma_start3A_128 = tpu.memref_slice %arg8[%dma_start3A_126, %dma_start3A_127] : memref<80x128xf32, #tpu.memory_space<vmem>> -> memref<80x128xf32, #tpu.memory_space<vmem>>
      %dma_start3A_129 = arith.constant 0 : i32
      %dma_start3A_130 = tpu.memref_slice %arg10[%multiple_of3A_87, %dma_start3A_129] : memref<10000x128xf32, #tpu.memory_space<vmem_shared>> -> memref<80x128xf32, #tpu.memory_space<vmem_shared>>
      %dma_start3A_131 = arith.constant 0 : i32
      %dma_start3A_132 = arith.constant 0 : i32
      %dma_start3A_133 = tpu.memref_slice %arg8[%dma_start3A_131, %dma_start3A_132] : memref<80x128xf32, #tpu.memory_space<vmem>> -> memref<80x128xf32, #tpu.memory_space<vmem>>
      %dma_start3A_134 = arith.constant 0 : i32
      %dma_start3A_135 = tpu.memref_slice %arg10[%multiple_of3A_87, %dma_start3A_134] : memref<10000x128xf32, #tpu.memory_space<vmem_shared>> -> memref<80x128xf32, #tpu.memory_space<vmem_shared>>
      tpu.enqueue_dma source(%dma_start3A_135 : memref<80x128xf32, #tpu.memory_space<vmem_shared>>) target(%dma_start3A_133 : memref<80x128xf32, #tpu.memory_space<vmem>>) target_semaphore(%run_scoped3A_125 : memref<!tpu.dma_semaphore, #tpu.memory_space<semaphore_mem>>)
      %dma_wait3A_136 = arith.constant 0 : i32
      %dma_wait3A_137 = arith.constant 0 : i32
      %dma_wait3A_138 = tpu.memref_slice %arg8[%dma_wait3A_136, %dma_wait3A_137] : memref<80x128xf32, #tpu.memory_space<vmem>> -> memref<80x128xf32, #tpu.memory_space<vmem>>
      %dma_wait3A_139 = arith.constant 0 : i32
      %dma_wait3A_140 = tpu.memref_slice %arg10[%multiple_of3A_87, %dma_wait3A_139] : memref<10000x128xf32, #tpu.memory_space<vmem_shared>> -> memref<80x128xf32, #tpu.memory_space<vmem_shared>>
      %dma_wait3A_141 = arith.constant 0 : i32
      %dma_wait3A_142 = arith.constant 0 : i32
      %dma_wait3A_143 = tpu.memref_slice %arg8[%dma_wait3A_141, %dma_wait3A_142] : memref<80x128xf32, #tpu.memory_space<vmem>> -> memref<80x128xf32, #tpu.memory_space<vmem>>
      %dma_wait3A_144 = arith.constant 0 : i32
      %dma_wait3A_145 = tpu.memref_slice %arg10[%multiple_of3A_87, %dma_wait3A_144] : memref<10000x128xf32, #tpu.memory_space<vmem_shared>> -> memref<80x128xf32, #tpu.memory_space<vmem_shared>>
      tpu.wait_dma2 semaphore(%run_scoped3A_125 : memref<!tpu.dma_semaphore, #tpu.memory_space<semaphore_mem>>) src(%dma_wait3A_145 : memref<80x128xf32, #tpu.memory_space<vmem_shared>>) dst(%dma_wait3A_143 : memref<80x128xf32, #tpu.memory_space<vmem>>)
      tpu.yield
    }) : () -> ()
    "tpu.region"() ({
      %run_scoped3A_125 = tpu.sem_alloc : memref<!tpu.dma_semaphore, #tpu.memory_space<semaphore_mem>>
      %dma_start3A_126 = arith.constant 0 : i32
      %dma_start3A_127 = arith.constant 0 : i32
      %dma_start3A_128 = tpu.memref_slice %arg8[%dma_start3A_126, %dma_start3A_127] : memref<80x128xf32, #tpu.memory_space<vmem>> -> memref<80x128xf32, #tpu.memory_space<vmem>>
      %dma_start3A_129 = arith.constant 0 : i32
      %dma_start3A_130 = tpu.memref_slice %arg5[%arg0, %multiple_of3A_87, %dma_start3A_129] : memref<2x10000x128xf32, #tpu.memory_space<hbm>> -> memref<1x80x128xf32, #tpu.memory_space<hbm>>
      %dma_start3A_131 = tpu.memref_squeeze %dma_start3A_130 : memref<1x80x128xf32, #tpu.memory_space<hbm>> -> memref<80x128xf32, #tpu.memory_space<hbm>>
      %dma_start3A_132 = arith.constant 0 : i32
      %dma_start3A_133 = tpu.memref_slice %arg5[%arg0, %multiple_of3A_87, %dma_start3A_132] : memref<2x10000x128xf32, #tpu.memory_space<hbm>> -> memref<1x80x128xf32, #tpu.memory_space<hbm>>
      %dma_start3A_134 = tpu.memref_squeeze %dma_start3A_133 : memref<1x80x128xf32, #tpu.memory_space<hbm>> -> memref<80x128xf32, #tpu.memory_space<hbm>>
      %dma_start3A_135 = arith.constant 0 : i32
      %dma_start3A_136 = arith.constant 0 : i32
      %dma_start3A_137 = tpu.memref_slice %arg8[%dma_start3A_135, %dma_start3A_136] : memref<80x128xf32, #tpu.memory_space<vmem>> -> memref<80x128xf32, #tpu.memory_space<vmem>>
      tpu.enqueue_dma source(%dma_start3A_137 : memref<80x128xf32, #tpu.memory_space<vmem>>) target(%dma_start3A_134 : memref<80x128xf32, #tpu.memory_space<hbm>>) target_semaphore(%run_scoped3A_125 : memref<!tpu.dma_semaphore, #tpu.memory_space<semaphore_mem>>)
      %dma_wait3A_138 = arith.constant 0 : i32
      %dma_wait3A_139 = arith.constant 0 : i32
      %dma_wait3A_140 = tpu.memref_slice %arg8[%dma_wait3A_138, %dma_wait3A_139] : memref<80x128xf32, #tpu.memory_space<vmem>> -> memref<80x128xf32, #tpu.memory_space<vmem>>
      %dma_wait3A_141 = arith.constant 0 : i32
      %dma_wait3A_142 = tpu.memref_slice %arg5[%arg0, %multiple_of3A_87, %dma_wait3A_141] : memref<2x10000x128xf32, #tpu.memory_space<hbm>> -> memref<1x80x128xf32, #tpu.memory_space<hbm>>
      %dma_wait3A_143 = tpu.memref_squeeze %dma_wait3A_142 : memref<1x80x128xf32, #tpu.memory_space<hbm>> -> memref<80x128xf32, #tpu.memory_space<hbm>>
      %dma_wait3A_144 = arith.constant 0 : i32
      %dma_wait3A_145 = tpu.memref_slice %arg5[%arg0, %multiple_of3A_87, %dma_wait3A_144] : memref<2x10000x128xf32, #tpu.memory_space<hbm>> -> memref<1x80x128xf32, #tpu.memory_space<hbm>>
      %dma_wait3A_146 = tpu.memref_squeeze %dma_wait3A_145 : memref<1x80x128xf32, #tpu.memory_space<hbm>> -> memref<80x128xf32, #tpu.memory_space<hbm>>
      %dma_wait3A_147 = arith.constant 0 : i32
      %dma_wait3A_148 = arith.constant 0 : i32
      %dma_wait3A_149 = tpu.memref_slice %arg8[%dma_wait3A_147, %dma_wait3A_148] : memref<80x128xf32, #tpu.memory_space<vmem>> -> memref<80x128xf32, #tpu.memory_space<vmem>>
      tpu.wait_dma2 semaphore(%run_scoped3A_125 : memref<!tpu.dma_semaphore, #tpu.memory_space<semaphore_mem>>) src(%dma_wait3A_149 : memref<80x128xf32, #tpu.memory_space<vmem>>) dst(%dma_wait3A_146 : memref<80x128xf32, #tpu.memory_space<hbm>>)
      tpu.yield
    }) : () -> ()
    %add3A_88 = arith.constant 16 : i32
    %add3A_89 = arith.addi %add3A_88, %arg1 : i32
    %mul3A_90 = arith.constant 80 : i32
    %mul3A_91 = arith.muli %add3A_89, %mul3A_90 : i32
    %multiple_of3A_92 = tpu.assume_multiple %mul3A_91, 8 : i32
    "tpu.region"() ({
      %run_scoped3A_125 = tpu.sem_alloc : memref<!tpu.dma_semaphore, #tpu.memory_space<semaphore_mem>>
      %dma_start3A_126 = arith.constant 0 : i32
      %dma_start3A_127 = arith.constant 0 : i32
      %dma_start3A_128 = tpu.memref_slice %arg8[%dma_start3A_126, %dma_start3A_127] : memref<80x128xf32, #tpu.memory_space<vmem>> -> memref<80x128xf32, #tpu.memory_space<vmem>>
      %dma_start3A_129 = arith.constant 0 : i32
      %dma_start3A_130 = tpu.memref_slice %arg10[%multiple_of3A_92, %dma_start3A_129] : memref<10000x128xf32, #tpu.memory_space<vmem_shared>> -> memref<80x128xf32, #tpu.memory_space<vmem_shared>>
      %dma_start3A_131 = arith.constant 0 : i32
      %dma_start3A_132 = arith.constant 0 : i32
      %dma_start3A_133 = tpu.memref_slice %arg8[%dma_start3A_131, %dma_start3A_132] : memref<80x128xf32, #tpu.memory_space<vmem>> -> memref<80x128xf32, #tpu.memory_space<vmem>>
      %dma_start3A_134 = arith.constant 0 : i32
      %dma_start3A_135 = tpu.memref_slice %arg10[%multiple_of3A_92, %dma_start3A_134] : memref<10000x128xf32, #tpu.memory_space<vmem_shared>> -> memref<80x128xf32, #tpu.memory_space<vmem_shared>>
      tpu.enqueue_dma source(%dma_start3A_135 : memref<80x128xf32, #tpu.memory_space<vmem_shared>>) target(%dma_start3A_133 : memref<80x128xf32, #tpu.memory_space<vmem>>) target_semaphore(%run_scoped3A_125 : memref<!tpu.dma_semaphore, #tpu.memory_space<semaphore_mem>>)
      %dma_wait3A_136 = arith.constant 0 : i32
      %dma_wait3A_137 = arith.constant 0 : i32
      %dma_wait3A_138 = tpu.memref_slice %arg8[%dma_wait3A_136, %dma_wait3A_137] : memref<80x128xf32, #tpu.memory_space<vmem>> -> memref<80x128xf32, #tpu.memory_space<vmem>>
      %dma_wait3A_139 = arith.constant 0 : i32
      %dma_wait3A_140 = tpu.memref_slice %arg10[%multiple_of3A_92, %dma_wait3A_139] : memref<10000x128xf32, #tpu.memory_space<vmem_shared>> -> memref<80x128xf32, #tpu.memory_space<vmem_shared>>
      %dma_wait3A_141 = arith.constant 0 : i32
      %dma_wait3A_142 = arith.constant 0 : i32
      %dma_wait3A_143 = tpu.memref_slice %arg8[%dma_wait3A_141, %dma_wait3A_142] : memref<80x128xf32, #tpu.memory_space<vmem>> -> memref<80x128xf32, #tpu.memory_space<vmem>>
      %dma_wait3A_144 = arith.constant 0 : i32
      %dma_wait3A_145 = tpu.memref_slice %arg10[%multiple_of3A_92, %dma_wait3A_144] : memref<10000x128xf32, #tpu.memory_space<vmem_shared>> -> memref<80x128xf32, #tpu.memory_space<vmem_shared>>
      tpu.wait_dma2 semaphore(%run_scoped3A_125 : memref<!tpu.dma_semaphore, #tpu.memory_space<semaphore_mem>>) src(%dma_wait3A_145 : memref<80x128xf32, #tpu.memory_space<vmem_shared>>) dst(%dma_wait3A_143 : memref<80x128xf32, #tpu.memory_space<vmem>>)
      tpu.yield
    }) : () -> ()
    "tpu.region"() ({
      %run_scoped3A_125 = tpu.sem_alloc : memref<!tpu.dma_semaphore, #tpu.memory_space<semaphore_mem>>
      %dma_start3A_126 = arith.constant 0 : i32
      %dma_start3A_127 = arith.constant 0 : i32
      %dma_start3A_128 = tpu.memref_slice %arg8[%dma_start3A_126, %dma_start3A_127] : memref<80x128xf32, #tpu.memory_space<vmem>> -> memref<80x128xf32, #tpu.memory_space<vmem>>
      %dma_start3A_129 = arith.constant 0 : i32
      %dma_start3A_130 = tpu.memref_slice %arg5[%arg0, %multiple_of3A_92, %dma_start3A_129] : memref<2x10000x128xf32, #tpu.memory_space<hbm>> -> memref<1x80x128xf32, #tpu.memory_space<hbm>>
      %dma_start3A_131 = tpu.memref_squeeze %dma_start3A_130 : memref<1x80x128xf32, #tpu.memory_space<hbm>> -> memref<80x128xf32, #tpu.memory_space<hbm>>
      %dma_start3A_132 = arith.constant 0 : i32
      %dma_start3A_133 = tpu.memref_slice %arg5[%arg0, %multiple_of3A_92, %dma_start3A_132] : memref<2x10000x128xf32, #tpu.memory_space<hbm>> -> memref<1x80x128xf32, #tpu.memory_space<hbm>>
      %dma_start3A_134 = tpu.memref_squeeze %dma_start3A_133 : memref<1x80x128xf32, #tpu.memory_space<hbm>> -> memref<80x128xf32, #tpu.memory_space<hbm>>
      %dma_start3A_135 = arith.constant 0 : i32
      %dma_start3A_136 = arith.constant 0 : i32
      %dma_start3A_137 = tpu.memref_slice %arg8[%dma_start3A_135, %dma_start3A_136] : memref<80x128xf32, #tpu.memory_space<vmem>> -> memref<80x128xf32, #tpu.memory_space<vmem>>
      tpu.enqueue_dma source(%dma_start3A_137 : memref<80x128xf32, #tpu.memory_space<vmem>>) target(%dma_start3A_134 : memref<80x128xf32, #tpu.memory_space<hbm>>) target_semaphore(%run_scoped3A_125 : memref<!tpu.dma_semaphore, #tpu.memory_space<semaphore_mem>>)
      %dma_wait3A_138 = arith.constant 0 : i32
      %dma_wait3A_139 = arith.constant 0 : i32
      %dma_wait3A_140 = tpu.memref_slice %arg8[%dma_wait3A_138, %dma_wait3A_139] : memref<80x128xf32, #tpu.memory_space<vmem>> -> memref<80x128xf32, #tpu.memory_space<vmem>>
      %dma_wait3A_141 = arith.constant 0 : i32
      %dma_wait3A_142 = tpu.memref_slice %arg5[%arg0, %multiple_of3A_92, %dma_wait3A_141] : memref<2x10000x128xf32, #tpu.memory_space<hbm>> -> memref<1x80x128xf32, #tpu.memory_space<hbm>>
      %dma_wait3A_143 = tpu.memref_squeeze %dma_wait3A_142 : memref<1x80x128xf32, #tpu.memory_space<hbm>> -> memref<80x128xf32, #tpu.memory_space<hbm>>
      %dma_wait3A_144 = arith.constant 0 : i32
      %dma_wait3A_145 = tpu.memref_slice %arg5[%arg0, %multiple_of3A_92, %dma_wait3A_144] : memref<2x10000x128xf32, #tpu.memory_space<hbm>> -> memref<1x80x128xf32, #tpu.memory_space<hbm>>
      %dma_wait3A_146 = tpu.memref_squeeze %dma_wait3A_145 : memref<1x80x128xf32, #tpu.memory_space<hbm>> -> memref<80x128xf32, #tpu.memory_space<hbm>>
      %dma_wait3A_147 = arith.constant 0 : i32
      %dma_wait3A_148 = arith.constant 0 : i32
      %dma_wait3A_149 = tpu.memref_slice %arg8[%dma_wait3A_147, %dma_wait3A_148] : memref<80x128xf32, #tpu.memory_space<vmem>> -> memref<80x128xf32, #tpu.memory_space<vmem>>
      tpu.wait_dma2 semaphore(%run_scoped3A_125 : memref<!tpu.dma_semaphore, #tpu.memory_space<semaphore_mem>>) src(%dma_wait3A_149 : memref<80x128xf32, #tpu.memory_space<vmem>>) dst(%dma_wait3A_146 : memref<80x128xf32, #tpu.memory_space<hbm>>)
      tpu.yield
    }) : () -> ()
    %add3A_93 = arith.constant 32 : i32
    %add3A_94 = arith.addi %add3A_93, %arg1 : i32
    %mul3A_95 = arith.constant 80 : i32
    %mul3A_96 = arith.muli %add3A_94, %mul3A_95 : i32
    %multiple_of3A_97 = tpu.assume_multiple %mul3A_96, 8 : i32
    "tpu.region"() ({
      %run_scoped3A_125 = tpu.sem_alloc : memref<!tpu.dma_semaphore, #tpu.memory_space<semaphore_mem>>
      %dma_start3A_126 = arith.constant 0 : i32
      %dma_start3A_127 = arith.constant 0 : i32
      %dma_start3A_128 = tpu.memref_slice %arg8[%dma_start3A_126, %dma_start3A_127] : memref<80x128xf32, #tpu.memory_space<vmem>> -> memref<80x128xf32, #tpu.memory_space<vmem>>
      %dma_start3A_129 = arith.constant 0 : i32
      %dma_start3A_130 = tpu.memref_slice %arg10[%multiple_of3A_97, %dma_start3A_129] : memref<10000x128xf32, #tpu.memory_space<vmem_shared>> -> memref<80x128xf32, #tpu.memory_space<vmem_shared>>
      %dma_start3A_131 = arith.constant 0 : i32
      %dma_start3A_132 = arith.constant 0 : i32
      %dma_start3A_133 = tpu.memref_slice %arg8[%dma_start3A_131, %dma_start3A_132] : memref<80x128xf32, #tpu.memory_space<vmem>> -> memref<80x128xf32, #tpu.memory_space<vmem>>
      %dma_start3A_134 = arith.constant 0 : i32
      %dma_start3A_135 = tpu.memref_slice %arg10[%multiple_of3A_97, %dma_start3A_134] : memref<10000x128xf32, #tpu.memory_space<vmem_shared>> -> memref<80x128xf32, #tpu.memory_space<vmem_shared>>
      tpu.enqueue_dma source(%dma_start3A_135 : memref<80x128xf32, #tpu.memory_space<vmem_shared>>) target(%dma_start3A_133 : memref<80x128xf32, #tpu.memory_space<vmem>>) target_semaphore(%run_scoped3A_125 : memref<!tpu.dma_semaphore, #tpu.memory_space<semaphore_mem>>)
      %dma_wait3A_136 = arith.constant 0 : i32
      %dma_wait3A_137 = arith.constant 0 : i32
      %dma_wait3A_138 = tpu.memref_slice %arg8[%dma_wait3A_136, %dma_wait3A_137] : memref<80x128xf32, #tpu.memory_space<vmem>> -> memref<80x128xf32, #tpu.memory_space<vmem>>
      %dma_wait3A_139 = arith.constant 0 : i32
      %dma_wait3A_140 = tpu.memref_slice %arg10[%multiple_of3A_97, %dma_wait3A_139] : memref<10000x128xf32, #tpu.memory_space<vmem_shared>> -> memref<80x128xf32, #tpu.memory_space<vmem_shared>>
      %dma_wait3A_141 = arith.constant 0 : i32
      %dma_wait3A_142 = arith.constant 0 : i32
      %dma_wait3A_143 = tpu.memref_slice %arg8[%dma_wait3A_141, %dma_wait3A_142] : memref<80x128xf32, #tpu.memory_space<vmem>> -> memref<80x128xf32, #tpu.memory_space<vmem>>
      %dma_wait3A_144 = arith.constant 0 : i32
      %dma_wait3A_145 = tpu.memref_slice %arg10[%multiple_of3A_97, %dma_wait3A_144] : memref<10000x128xf32, #tpu.memory_space<vmem_shared>> -> memref<80x128xf32, #tpu.memory_space<vmem_shared>>
      tpu.wait_dma2 semaphore(%run_scoped3A_125 : memref<!tpu.dma_semaphore, #tpu.memory_space<semaphore_mem>>) src(%dma_wait3A_145 : memref<80x128xf32, #tpu.memory_space<vmem_shared>>) dst(%dma_wait3A_143 : memref<80x128xf32, #tpu.memory_space<vmem>>)
      tpu.yield
    }) : () -> ()
    "tpu.region"() ({
      %run_scoped3A_125 = tpu.sem_alloc : memref<!tpu.dma_semaphore, #tpu.memory_space<semaphore_mem>>
      %dma_start3A_126 = arith.constant 0 : i32
      %dma_start3A_127 = arith.constant 0 : i32
      %dma_start3A_128 = tpu.memref_slice %arg8[%dma_start3A_126, %dma_start3A_127] : memref<80x128xf32, #tpu.memory_space<vmem>> -> memref<80x128xf32, #tpu.memory_space<vmem>>
      %dma_start3A_129 = arith.constant 0 : i32
      %dma_start3A_130 = tpu.memref_slice %arg5[%arg0, %multiple_of3A_97, %dma_start3A_129] : memref<2x10000x128xf32, #tpu.memory_space<hbm>> -> memref<1x80x128xf32, #tpu.memory_space<hbm>>
      %dma_start3A_131 = tpu.memref_squeeze %dma_start3A_130 : memref<1x80x128xf32, #tpu.memory_space<hbm>> -> memref<80x128xf32, #tpu.memory_space<hbm>>
      %dma_start3A_132 = arith.constant 0 : i32
      %dma_start3A_133 = tpu.memref_slice %arg5[%arg0, %multiple_of3A_97, %dma_start3A_132] : memref<2x10000x128xf32, #tpu.memory_space<hbm>> -> memref<1x80x128xf32, #tpu.memory_space<hbm>>
      %dma_start3A_134 = tpu.memref_squeeze %dma_start3A_133 : memref<1x80x128xf32, #tpu.memory_space<hbm>> -> memref<80x128xf32, #tpu.memory_space<hbm>>
      %dma_start3A_135 = arith.constant 0 : i32
      %dma_start3A_136 = arith.constant 0 : i32
      %dma_start3A_137 = tpu.memref_slice %arg8[%dma_start3A_135, %dma_start3A_136] : memref<80x128xf32, #tpu.memory_space<vmem>> -> memref<80x128xf32, #tpu.memory_space<vmem>>
      tpu.enqueue_dma source(%dma_start3A_137 : memref<80x128xf32, #tpu.memory_space<vmem>>) target(%dma_start3A_134 : memref<80x128xf32, #tpu.memory_space<hbm>>) target_semaphore(%run_scoped3A_125 : memref<!tpu.dma_semaphore, #tpu.memory_space<semaphore_mem>>)
      %dma_wait3A_138 = arith.constant 0 : i32
      %dma_wait3A_139 = arith.constant 0 : i32
      %dma_wait3A_140 = tpu.memref_slice %arg8[%dma_wait3A_138, %dma_wait3A_139] : memref<80x128xf32, #tpu.memory_space<vmem>> -> memref<80x128xf32, #tpu.memory_space<vmem>>
      %dma_wait3A_141 = arith.constant 0 : i32
      %dma_wait3A_142 = tpu.memref_slice %arg5[%arg0, %multiple_of3A_97, %dma_wait3A_141] : memref<2x10000x128xf32, #tpu.memory_space<hbm>> -> memref<1x80x128xf32, #tpu.memory_space<hbm>>
      %dma_wait3A_143 = tpu.memref_squeeze %dma_wait3A_142 : memref<1x80x128xf32, #tpu.memory_space<hbm>> -> memref<80x128xf32, #tpu.memory_space<hbm>>
      %dma_wait3A_144 = arith.constant 0 : i32
      %dma_wait3A_145 = tpu.memref_slice %arg5[%arg0, %multiple_of3A_97, %dma_wait3A_144] : memref<2x10000x128xf32, #tpu.memory_space<hbm>> -> memref<1x80x128xf32, #tpu.memory_space<hbm>>
      %dma_wait3A_146 = tpu.memref_squeeze %dma_wait3A_145 : memref<1x80x128xf32, #tpu.memory_space<hbm>> -> memref<80x128xf32, #tpu.memory_space<hbm>>
      %dma_wait3A_147 = arith.constant 0 : i32
      %dma_wait3A_148 = arith.constant 0 : i32
      %dma_wait3A_149 = tpu.memref_slice %arg8[%dma_wait3A_147, %dma_wait3A_148] : memref<80x128xf32, #tpu.memory_space<vmem>> -> memref<80x128xf32, #tpu.memory_space<vmem>>
      tpu.wait_dma2 semaphore(%run_scoped3A_125 : memref<!tpu.dma_semaphore, #tpu.memory_space<semaphore_mem>>) src(%dma_wait3A_149 : memref<80x128xf32, #tpu.memory_space<vmem>>) dst(%dma_wait3A_146 : memref<80x128xf32, #tpu.memory_space<hbm>>)
      tpu.yield
    }) : () -> ()
    %add3A_98 = arith.constant 48 : i32
    %add3A_99 = arith.addi %add3A_98, %arg1 : i32
    %mul3A_100 = arith.constant 80 : i32
    %mul3A_101 = arith.muli %add3A_99, %mul3A_100 : i32
    %multiple_of3A_102 = tpu.assume_multiple %mul3A_101, 8 : i32
    "tpu.region"() ({
      %run_scoped3A_125 = tpu.sem_alloc : memref<!tpu.dma_semaphore, #tpu.memory_space<semaphore_mem>>
      %dma_start3A_126 = arith.constant 0 : i32
      %dma_start3A_127 = arith.constant 0 : i32
      %dma_start3A_128 = tpu.memref_slice %arg8[%dma_start3A_126, %dma_start3A_127] : memref<80x128xf32, #tpu.memory_space<vmem>> -> memref<80x128xf32, #tpu.memory_space<vmem>>
      %dma_start3A_129 = arith.constant 0 : i32
      %dma_start3A_130 = tpu.memref_slice %arg10[%multiple_of3A_102, %dma_start3A_129] : memref<10000x128xf32, #tpu.memory_space<vmem_shared>> -> memref<80x128xf32, #tpu.memory_space<vmem_shared>>
      %dma_start3A_131 = arith.constant 0 : i32
      %dma_start3A_132 = arith.constant 0 : i32
      %dma_start3A_133 = tpu.memref_slice %arg8[%dma_start3A_131, %dma_start3A_132] : memref<80x128xf32, #tpu.memory_space<vmem>> -> memref<80x128xf32, #tpu.memory_space<vmem>>
      %dma_start3A_134 = arith.constant 0 : i32
      %dma_start3A_135 = tpu.memref_slice %arg10[%multiple_of3A_102, %dma_start3A_134] : memref<10000x128xf32, #tpu.memory_space<vmem_shared>> -> memref<80x128xf32, #tpu.memory_space<vmem_shared>>
      tpu.enqueue_dma source(%dma_start3A_135 : memref<80x128xf32, #tpu.memory_space<vmem_shared>>) target(%dma_start3A_133 : memref<80x128xf32, #tpu.memory_space<vmem>>) target_semaphore(%run_scoped3A_125 : memref<!tpu.dma_semaphore, #tpu.memory_space<semaphore_mem>>)
      %dma_wait3A_136 = arith.constant 0 : i32
      %dma_wait3A_137 = arith.constant 0 : i32
      %dma_wait3A_138 = tpu.memref_slice %arg8[%dma_wait3A_136, %dma_wait3A_137] : memref<80x128xf32, #tpu.memory_space<vmem>> -> memref<80x128xf32, #tpu.memory_space<vmem>>
      %dma_wait3A_139 = arith.constant 0 : i32
      %dma_wait3A_140 = tpu.memref_slice %arg10[%multiple_of3A_102, %dma_wait3A_139] : memref<10000x128xf32, #tpu.memory_space<vmem_shared>> -> memref<80x128xf32, #tpu.memory_space<vmem_shared>>
      %dma_wait3A_141 = arith.constant 0 : i32
      %dma_wait3A_142 = arith.constant 0 : i32
      %dma_wait3A_143 = tpu.memref_slice %arg8[%dma_wait3A_141, %dma_wait3A_142] : memref<80x128xf32, #tpu.memory_space<vmem>> -> memref<80x128xf32, #tpu.memory_space<vmem>>
      %dma_wait3A_144 = arith.constant 0 : i32
      %dma_wait3A_145 = tpu.memref_slice %arg10[%multiple_of3A_102, %dma_wait3A_144] : memref<10000x128xf32, #tpu.memory_space<vmem_shared>> -> memref<80x128xf32, #tpu.memory_space<vmem_shared>>
      tpu.wait_dma2 semaphore(%run_scoped3A_125 : memref<!tpu.dma_semaphore, #tpu.memory_space<semaphore_mem>>) src(%dma_wait3A_145 : memref<80x128xf32, #tpu.memory_space<vmem_shared>>) dst(%dma_wait3A_143 : memref<80x128xf32, #tpu.memory_space<vmem>>)
      tpu.yield
    }) : () -> ()
    "tpu.region"() ({
      %run_scoped3A_125 = tpu.sem_alloc : memref<!tpu.dma_semaphore, #tpu.memory_space<semaphore_mem>>
      %dma_start3A_126 = arith.constant 0 : i32
      %dma_start3A_127 = arith.constant 0 : i32
      %dma_start3A_128 = tpu.memref_slice %arg8[%dma_start3A_126, %dma_start3A_127] : memref<80x128xf32, #tpu.memory_space<vmem>> -> memref<80x128xf32, #tpu.memory_space<vmem>>
      %dma_start3A_129 = arith.constant 0 : i32
      %dma_start3A_130 = tpu.memref_slice %arg5[%arg0, %multiple_of3A_102, %dma_start3A_129] : memref<2x10000x128xf32, #tpu.memory_space<hbm>> -> memref<1x80x128xf32, #tpu.memory_space<hbm>>
      %dma_start3A_131 = tpu.memref_squeeze %dma_start3A_130 : memref<1x80x128xf32, #tpu.memory_space<hbm>> -> memref<80x128xf32, #tpu.memory_space<hbm>>
      %dma_start3A_132 = arith.constant 0 : i32
      %dma_start3A_133 = tpu.memref_slice %arg5[%arg0, %multiple_of3A_102, %dma_start3A_132] : memref<2x10000x128xf32, #tpu.memory_space<hbm>> -> memref<1x80x128xf32, #tpu.memory_space<hbm>>
      %dma_start3A_134 = tpu.memref_squeeze %dma_start3A_133 : memref<1x80x128xf32, #tpu.memory_space<hbm>> -> memref<80x128xf32, #tpu.memory_space<hbm>>
      %dma_start3A_135 = arith.constant 0 : i32
      %dma_start3A_136 = arith.constant 0 : i32
      %dma_start3A_137 = tpu.memref_slice %arg8[%dma_start3A_135, %dma_start3A_136] : memref<80x128xf32, #tpu.memory_space<vmem>> -> memref<80x128xf32, #tpu.memory_space<vmem>>
      tpu.enqueue_dma source(%dma_start3A_137 : memref<80x128xf32, #tpu.memory_space<vmem>>) target(%dma_start3A_134 : memref<80x128xf32, #tpu.memory_space<hbm>>) target_semaphore(%run_scoped3A_125 : memref<!tpu.dma_semaphore, #tpu.memory_space<semaphore_mem>>)
      %dma_wait3A_138 = arith.constant 0 : i32
      %dma_wait3A_139 = arith.constant 0 : i32
      %dma_wait3A_140 = tpu.memref_slice %arg8[%dma_wait3A_138, %dma_wait3A_139] : memref<80x128xf32, #tpu.memory_space<vmem>> -> memref<80x128xf32, #tpu.memory_space<vmem>>
      %dma_wait3A_141 = arith.constant 0 : i32
      %dma_wait3A_142 = tpu.memref_slice %arg5[%arg0, %multiple_of3A_102, %dma_wait3A_141] : memref<2x10000x128xf32, #tpu.memory_space<hbm>> -> memref<1x80x128xf32, #tpu.memory_space<hbm>>
      %dma_wait3A_143 = tpu.memref_squeeze %dma_wait3A_142 : memref<1x80x128xf32, #tpu.memory_space<hbm>> -> memref<80x128xf32, #tpu.memory_space<hbm>>
      %dma_wait3A_144 = arith.constant 0 : i32
      %dma_wait3A_145 = tpu.memref_slice %arg5[%arg0, %multiple_of3A_102, %dma_wait3A_144] : memref<2x10000x128xf32, #tpu.memory_space<hbm>> -> memref<1x80x128xf32, #tpu.memory_space<hbm>>
      %dma_wait3A_146 = tpu.memref_squeeze %dma_wait3A_145 : memref<1x80x128xf32, #tpu.memory_space<hbm>> -> memref<80x128xf32, #tpu.memory_space<hbm>>
      %dma_wait3A_147 = arith.constant 0 : i32
      %dma_wait3A_148 = arith.constant 0 : i32
      %dma_wait3A_149 = tpu.memref_slice %arg8[%dma_wait3A_147, %dma_wait3A_148] : memref<80x128xf32, #tpu.memory_space<vmem>> -> memref<80x128xf32, #tpu.memory_space<vmem>>
      tpu.wait_dma2 semaphore(%run_scoped3A_125 : memref<!tpu.dma_semaphore, #tpu.memory_space<semaphore_mem>>) src(%dma_wait3A_149 : memref<80x128xf32, #tpu.memory_space<vmem>>) dst(%dma_wait3A_146 : memref<80x128xf32, #tpu.memory_space<hbm>>)
      tpu.yield
    }) : () -> ()
    %add3A_103 = arith.constant 64 : i32
    %add3A_104 = arith.addi %add3A_103, %arg1 : i32
    %mul3A_105 = arith.constant 80 : i32
    %mul3A_106 = arith.muli %add3A_104, %mul3A_105 : i32
    %multiple_of3A_107 = tpu.assume_multiple %mul3A_106, 8 : i32
    "tpu.region"() ({
      %run_scoped3A_125 = tpu.sem_alloc : memref<!tpu.dma_semaphore, #tpu.memory_space<semaphore_mem>>
      %dma_start3A_126 = arith.constant 0 : i32
      %dma_start3A_127 = arith.constant 0 : i32
      %dma_start3A_128 = tpu.memref_slice %arg8[%dma_start3A_126, %dma_start3A_127] : memref<80x128xf32, #tpu.memory_space<vmem>> -> memref<80x128xf32, #tpu.memory_space<vmem>>
      %dma_start3A_129 = arith.constant 0 : i32
      %dma_start3A_130 = tpu.memref_slice %arg10[%multiple_of3A_107, %dma_start3A_129] : memref<10000x128xf32, #tpu.memory_space<vmem_shared>> -> memref<80x128xf32, #tpu.memory_space<vmem_shared>>
      %dma_start3A_131 = arith.constant 0 : i32
      %dma_start3A_132 = arith.constant 0 : i32
      %dma_start3A_133 = tpu.memref_slice %arg8[%dma_start3A_131, %dma_start3A_132] : memref<80x128xf32, #tpu.memory_space<vmem>> -> memref<80x128xf32, #tpu.memory_space<vmem>>
      %dma_start3A_134 = arith.constant 0 : i32
      %dma_start3A_135 = tpu.memref_slice %arg10[%multiple_of3A_107, %dma_start3A_134] : memref<10000x128xf32, #tpu.memory_space<vmem_shared>> -> memref<80x128xf32, #tpu.memory_space<vmem_shared>>
      tpu.enqueue_dma source(%dma_start3A_135 : memref<80x128xf32, #tpu.memory_space<vmem_shared>>) target(%dma_start3A_133 : memref<80x128xf32, #tpu.memory_space<vmem>>) target_semaphore(%run_scoped3A_125 : memref<!tpu.dma_semaphore, #tpu.memory_space<semaphore_mem>>)
      %dma_wait3A_136 = arith.constant 0 : i32
      %dma_wait3A_137 = arith.constant 0 : i32
      %dma_wait3A_138 = tpu.memref_slice %arg8[%dma_wait3A_136, %dma_wait3A_137] : memref<80x128xf32, #tpu.memory_space<vmem>> -> memref<80x128xf32, #tpu.memory_space<vmem>>
      %dma_wait3A_139 = arith.constant 0 : i32
      %dma_wait3A_140 = tpu.memref_slice %arg10[%multiple_of3A_107, %dma_wait3A_139] : memref<10000x128xf32, #tpu.memory_space<vmem_shared>> -> memref<80x128xf32, #tpu.memory_space<vmem_shared>>
      %dma_wait3A_141 = arith.constant 0 : i32
      %dma_wait3A_142 = arith.constant 0 : i32
      %dma_wait3A_143 = tpu.memref_slice %arg8[%dma_wait3A_141, %dma_wait3A_142] : memref<80x128xf32, #tpu.memory_space<vmem>> -> memref<80x128xf32, #tpu.memory_space<vmem>>
      %dma_wait3A_144 = arith.constant 0 : i32
      %dma_wait3A_145 = tpu.memref_slice %arg10[%multiple_of3A_107, %dma_wait3A_144] : memref<10000x128xf32, #tpu.memory_space<vmem_shared>> -> memref<80x128xf32, #tpu.memory_space<vmem_shared>>
      tpu.wait_dma2 semaphore(%run_scoped3A_125 : memref<!tpu.dma_semaphore, #tpu.memory_space<semaphore_mem>>) src(%dma_wait3A_145 : memref<80x128xf32, #tpu.memory_space<vmem_shared>>) dst(%dma_wait3A_143 : memref<80x128xf32, #tpu.memory_space<vmem>>)
      tpu.yield
    }) : () -> ()
    "tpu.region"() ({
      %run_scoped3A_125 = tpu.sem_alloc : memref<!tpu.dma_semaphore, #tpu.memory_space<semaphore_mem>>
      %dma_start3A_126 = arith.constant 0 : i32
      %dma_start3A_127 = arith.constant 0 : i32
      %dma_start3A_128 = tpu.memref_slice %arg8[%dma_start3A_126, %dma_start3A_127] : memref<80x128xf32, #tpu.memory_space<vmem>> -> memref<80x128xf32, #tpu.memory_space<vmem>>
      %dma_start3A_129 = arith.constant 0 : i32
      %dma_start3A_130 = tpu.memref_slice %arg5[%arg0, %multiple_of3A_107, %dma_start3A_129] : memref<2x10000x128xf32, #tpu.memory_space<hbm>> -> memref<1x80x128xf32, #tpu.memory_space<hbm>>
      %dma_start3A_131 = tpu.memref_squeeze %dma_start3A_130 : memref<1x80x128xf32, #tpu.memory_space<hbm>> -> memref<80x128xf32, #tpu.memory_space<hbm>>
      %dma_start3A_132 = arith.constant 0 : i32
      %dma_start3A_133 = tpu.memref_slice %arg5[%arg0, %multiple_of3A_107, %dma_start3A_132] : memref<2x10000x128xf32, #tpu.memory_space<hbm>> -> memref<1x80x128xf32, #tpu.memory_space<hbm>>
      %dma_start3A_134 = tpu.memref_squeeze %dma_start3A_133 : memref<1x80x128xf32, #tpu.memory_space<hbm>> -> memref<80x128xf32, #tpu.memory_space<hbm>>
      %dma_start3A_135 = arith.constant 0 : i32
      %dma_start3A_136 = arith.constant 0 : i32
      %dma_start3A_137 = tpu.memref_slice %arg8[%dma_start3A_135, %dma_start3A_136] : memref<80x128xf32, #tpu.memory_space<vmem>> -> memref<80x128xf32, #tpu.memory_space<vmem>>
      tpu.enqueue_dma source(%dma_start3A_137 : memref<80x128xf32, #tpu.memory_space<vmem>>) target(%dma_start3A_134 : memref<80x128xf32, #tpu.memory_space<hbm>>) target_semaphore(%run_scoped3A_125 : memref<!tpu.dma_semaphore, #tpu.memory_space<semaphore_mem>>)
      %dma_wait3A_138 = arith.constant 0 : i32
      %dma_wait3A_139 = arith.constant 0 : i32
      %dma_wait3A_140 = tpu.memref_slice %arg8[%dma_wait3A_138, %dma_wait3A_139] : memref<80x128xf32, #tpu.memory_space<vmem>> -> memref<80x128xf32, #tpu.memory_space<vmem>>
      %dma_wait3A_141 = arith.constant 0 : i32
      %dma_wait3A_142 = tpu.memref_slice %arg5[%arg0, %multiple_of3A_107, %dma_wait3A_141] : memref<2x10000x128xf32, #tpu.memory_space<hbm>> -> memref<1x80x128xf32, #tpu.memory_space<hbm>>
      %dma_wait3A_143 = tpu.memref_squeeze %dma_wait3A_142 : memref<1x80x128xf32, #tpu.memory_space<hbm>> -> memref<80x128xf32, #tpu.memory_space<hbm>>
      %dma_wait3A_144 = arith.constant 0 : i32
      %dma_wait3A_145 = tpu.memref_slice %arg5[%arg0, %multiple_of3A_107, %dma_wait3A_144] : memref<2x10000x128xf32, #tpu.memory_space<hbm>> -> memref<1x80x128xf32, #tpu.memory_space<hbm>>
      %dma_wait3A_146 = tpu.memref_squeeze %dma_wait3A_145 : memref<1x80x128xf32, #tpu.memory_space<hbm>> -> memref<80x128xf32, #tpu.memory_space<hbm>>
      %dma_wait3A_147 = arith.constant 0 : i32
      %dma_wait3A_148 = arith.constant 0 : i32
      %dma_wait3A_149 = tpu.memref_slice %arg8[%dma_wait3A_147, %dma_wait3A_148] : memref<80x128xf32, #tpu.memory_space<vmem>> -> memref<80x128xf32, #tpu.memory_space<vmem>>
      tpu.wait_dma2 semaphore(%run_scoped3A_125 : memref<!tpu.dma_semaphore, #tpu.memory_space<semaphore_mem>>) src(%dma_wait3A_149 : memref<80x128xf32, #tpu.memory_space<vmem>>) dst(%dma_wait3A_146 : memref<80x128xf32, #tpu.memory_space<hbm>>)
      tpu.yield
    }) : () -> ()
    %add3A_108 = arith.constant 80 : i32
    %add3A_109 = arith.addi %add3A_108, %arg1 : i32
    %mul3A_110 = arith.constant 80 : i32
    %mul3A_111 = arith.muli %add3A_109, %mul3A_110 : i32
    %multiple_of3A_112 = tpu.assume_multiple %mul3A_111, 8 : i32
    "tpu.region"() ({
      %run_scoped3A_125 = tpu.sem_alloc : memref<!tpu.dma_semaphore, #tpu.memory_space<semaphore_mem>>
      %dma_start3A_126 = arith.constant 0 : i32
      %dma_start3A_127 = arith.constant 0 : i32
      %dma_start3A_128 = tpu.memref_slice %arg8[%dma_start3A_126, %dma_start3A_127] : memref<80x128xf32, #tpu.memory_space<vmem>> -> memref<80x128xf32, #tpu.memory_space<vmem>>
      %dma_start3A_129 = arith.constant 0 : i32
      %dma_start3A_130 = tpu.memref_slice %arg10[%multiple_of3A_112, %dma_start3A_129] : memref<10000x128xf32, #tpu.memory_space<vmem_shared>> -> memref<80x128xf32, #tpu.memory_space<vmem_shared>>
      %dma_start3A_131 = arith.constant 0 : i32
      %dma_start3A_132 = arith.constant 0 : i32
      %dma_start3A_133 = tpu.memref_slice %arg8[%dma_start3A_131, %dma_start3A_132] : memref<80x128xf32, #tpu.memory_space<vmem>> -> memref<80x128xf32, #tpu.memory_space<vmem>>
      %dma_start3A_134 = arith.constant 0 : i32
      %dma_start3A_135 = tpu.memref_slice %arg10[%multiple_of3A_112, %dma_start3A_134] : memref<10000x128xf32, #tpu.memory_space<vmem_shared>> -> memref<80x128xf32, #tpu.memory_space<vmem_shared>>
      tpu.enqueue_dma source(%dma_start3A_135 : memref<80x128xf32, #tpu.memory_space<vmem_shared>>) target(%dma_start3A_133 : memref<80x128xf32, #tpu.memory_space<vmem>>) target_semaphore(%run_scoped3A_125 : memref<!tpu.dma_semaphore, #tpu.memory_space<semaphore_mem>>)
      %dma_wait3A_136 = arith.constant 0 : i32
      %dma_wait3A_137 = arith.constant 0 : i32
      %dma_wait3A_138 = tpu.memref_slice %arg8[%dma_wait3A_136, %dma_wait3A_137] : memref<80x128xf32, #tpu.memory_space<vmem>> -> memref<80x128xf32, #tpu.memory_space<vmem>>
      %dma_wait3A_139 = arith.constant 0 : i32
      %dma_wait3A_140 = tpu.memref_slice %arg10[%multiple_of3A_112, %dma_wait3A_139] : memref<10000x128xf32, #tpu.memory_space<vmem_shared>> -> memref<80x128xf32, #tpu.memory_space<vmem_shared>>
      %dma_wait3A_141 = arith.constant 0 : i32
      %dma_wait3A_142 = arith.constant 0 : i32
      %dma_wait3A_143 = tpu.memref_slice %arg8[%dma_wait3A_141, %dma_wait3A_142] : memref<80x128xf32, #tpu.memory_space<vmem>> -> memref<80x128xf32, #tpu.memory_space<vmem>>
      %dma_wait3A_144 = arith.constant 0 : i32
      %dma_wait3A_145 = tpu.memref_slice %arg10[%multiple_of3A_112, %dma_wait3A_144] : memref<10000x128xf32, #tpu.memory_space<vmem_shared>> -> memref<80x128xf32, #tpu.memory_space<vmem_shared>>
      tpu.wait_dma2 semaphore(%run_scoped3A_125 : memref<!tpu.dma_semaphore, #tpu.memory_space<semaphore_mem>>) src(%dma_wait3A_145 : memref<80x128xf32, #tpu.memory_space<vmem_shared>>) dst(%dma_wait3A_143 : memref<80x128xf32, #tpu.memory_space<vmem>>)
      tpu.yield
    }) : () -> ()
    "tpu.region"() ({
      %run_scoped3A_125 = tpu.sem_alloc : memref<!tpu.dma_semaphore, #tpu.memory_space<semaphore_mem>>
      %dma_start3A_126 = arith.constant 0 : i32
      %dma_start3A_127 = arith.constant 0 : i32
      %dma_start3A_128 = tpu.memref_slice %arg8[%dma_start3A_126, %dma_start3A_127] : memref<80x128xf32, #tpu.memory_space<vmem>> -> memref<80x128xf32, #tpu.memory_space<vmem>>
      %dma_start3A_129 = arith.constant 0 : i32
      %dma_start3A_130 = tpu.memref_slice %arg5[%arg0, %multiple_of3A_112, %dma_start3A_129] : memref<2x10000x128xf32, #tpu.memory_space<hbm>> -> memref<1x80x128xf32, #tpu.memory_space<hbm>>
      %dma_start3A_131 = tpu.memref_squeeze %dma_start3A_130 : memref<1x80x128xf32, #tpu.memory_space<hbm>> -> memref<80x128xf32, #tpu.memory_space<hbm>>
      %dma_start3A_132 = arith.constant 0 : i32
      %dma_start3A_133 = tpu.memref_slice %arg5[%arg0, %multiple_of3A_112, %dma_start3A_132] : memref<2x10000x128xf32, #tpu.memory_space<hbm>> -> memref<1x80x128xf32, #tpu.memory_space<hbm>>
      %dma_start3A_134 = tpu.memref_squeeze %dma_start3A_133 : memref<1x80x128xf32, #tpu.memory_space<hbm>> -> memref<80x128xf32, #tpu.memory_space<hbm>>
      %dma_start3A_135 = arith.constant 0 : i32
      %dma_start3A_136 = arith.constant 0 : i32
      %dma_start3A_137 = tpu.memref_slice %arg8[%dma_start3A_135, %dma_start3A_136] : memref<80x128xf32, #tpu.memory_space<vmem>> -> memref<80x128xf32, #tpu.memory_space<vmem>>
      tpu.enqueue_dma source(%dma_start3A_137 : memref<80x128xf32, #tpu.memory_space<vmem>>) target(%dma_start3A_134 : memref<80x128xf32, #tpu.memory_space<hbm>>) target_semaphore(%run_scoped3A_125 : memref<!tpu.dma_semaphore, #tpu.memory_space<semaphore_mem>>)
      %dma_wait3A_138 = arith.constant 0 : i32
      %dma_wait3A_139 = arith.constant 0 : i32
      %dma_wait3A_140 = tpu.memref_slice %arg8[%dma_wait3A_138, %dma_wait3A_139] : memref<80x128xf32, #tpu.memory_space<vmem>> -> memref<80x128xf32, #tpu.memory_space<vmem>>
      %dma_wait3A_141 = arith.constant 0 : i32
      %dma_wait3A_142 = tpu.memref_slice %arg5[%arg0, %multiple_of3A_112, %dma_wait3A_141] : memref<2x10000x128xf32, #tpu.memory_space<hbm>> -> memref<1x80x128xf32, #tpu.memory_space<hbm>>
      %dma_wait3A_143 = tpu.memref_squeeze %dma_wait3A_142 : memref<1x80x128xf32, #tpu.memory_space<hbm>> -> memref<80x128xf32, #tpu.memory_space<hbm>>
      %dma_wait3A_144 = arith.constant 0 : i32
      %dma_wait3A_145 = tpu.memref_slice %arg5[%arg0, %multiple_of3A_112, %dma_wait3A_144] : memref<2x10000x128xf32, #tpu.memory_space<hbm>> -> memref<1x80x128xf32, #tpu.memory_space<hbm>>
      %dma_wait3A_146 = tpu.memref_squeeze %dma_wait3A_145 : memref<1x80x128xf32, #tpu.memory_space<hbm>> -> memref<80x128xf32, #tpu.memory_space<hbm>>
      %dma_wait3A_147 = arith.constant 0 : i32
      %dma_wait3A_148 = arith.constant 0 : i32
      %dma_wait3A_149 = tpu.memref_slice %arg8[%dma_wait3A_147, %dma_wait3A_148] : memref<80x128xf32, #tpu.memory_space<vmem>> -> memref<80x128xf32, #tpu.memory_space<vmem>>
      tpu.wait_dma2 semaphore(%run_scoped3A_125 : memref<!tpu.dma_semaphore, #tpu.memory_space<semaphore_mem>>) src(%dma_wait3A_149 : memref<80x128xf32, #tpu.memory_space<vmem>>) dst(%dma_wait3A_146 : memref<80x128xf32, #tpu.memory_space<hbm>>)
      tpu.yield
    }) : () -> ()
    %add3A_113 = arith.constant 96 : i32
    %add3A_114 = arith.addi %add3A_113, %arg1 : i32
    %mul3A_115 = arith.constant 80 : i32
    %mul3A_116 = arith.muli %add3A_114, %mul3A_115 : i32
    %multiple_of3A_117 = tpu.assume_multiple %mul3A_116, 8 : i32
    "tpu.region"() ({
      %run_scoped3A_125 = tpu.sem_alloc : memref<!tpu.dma_semaphore, #tpu.memory_space<semaphore_mem>>
      %dma_start3A_126 = arith.constant 0 : i32
      %dma_start3A_127 = arith.constant 0 : i32
      %dma_start3A_128 = tpu.memref_slice %arg8[%dma_start3A_126, %dma_start3A_127] : memref<80x128xf32, #tpu.memory_space<vmem>> -> memref<80x128xf32, #tpu.memory_space<vmem>>
      %dma_start3A_129 = arith.constant 0 : i32
      %dma_start3A_130 = tpu.memref_slice %arg10[%multiple_of3A_117, %dma_start3A_129] : memref<10000x128xf32, #tpu.memory_space<vmem_shared>> -> memref<80x128xf32, #tpu.memory_space<vmem_shared>>
      %dma_start3A_131 = arith.constant 0 : i32
      %dma_start3A_132 = arith.constant 0 : i32
      %dma_start3A_133 = tpu.memref_slice %arg8[%dma_start3A_131, %dma_start3A_132] : memref<80x128xf32, #tpu.memory_space<vmem>> -> memref<80x128xf32, #tpu.memory_space<vmem>>
      %dma_start3A_134 = arith.constant 0 : i32
      %dma_start3A_135 = tpu.memref_slice %arg10[%multiple_of3A_117, %dma_start3A_134] : memref<10000x128xf32, #tpu.memory_space<vmem_shared>> -> memref<80x128xf32, #tpu.memory_space<vmem_shared>>
      tpu.enqueue_dma source(%dma_start3A_135 : memref<80x128xf32, #tpu.memory_space<vmem_shared>>) target(%dma_start3A_133 : memref<80x128xf32, #tpu.memory_space<vmem>>) target_semaphore(%run_scoped3A_125 : memref<!tpu.dma_semaphore, #tpu.memory_space<semaphore_mem>>)
      %dma_wait3A_136 = arith.constant 0 : i32
      %dma_wait3A_137 = arith.constant 0 : i32
      %dma_wait3A_138 = tpu.memref_slice %arg8[%dma_wait3A_136, %dma_wait3A_137] : memref<80x128xf32, #tpu.memory_space<vmem>> -> memref<80x128xf32, #tpu.memory_space<vmem>>
      %dma_wait3A_139 = arith.constant 0 : i32
      %dma_wait3A_140 = tpu.memref_slice %arg10[%multiple_of3A_117, %dma_wait3A_139] : memref<10000x128xf32, #tpu.memory_space<vmem_shared>> -> memref<80x128xf32, #tpu.memory_space<vmem_shared>>
      %dma_wait3A_141 = arith.constant 0 : i32
      %dma_wait3A_142 = arith.constant 0 : i32
      %dma_wait3A_143 = tpu.memref_slice %arg8[%dma_wait3A_141, %dma_wait3A_142] : memref<80x128xf32, #tpu.memory_space<vmem>> -> memref<80x128xf32, #tpu.memory_space<vmem>>
      %dma_wait3A_144 = arith.constant 0 : i32
      %dma_wait3A_145 = tpu.memref_slice %arg10[%multiple_of3A_117, %dma_wait3A_144] : memref<10000x128xf32, #tpu.memory_space<vmem_shared>> -> memref<80x128xf32, #tpu.memory_space<vmem_shared>>
      tpu.wait_dma2 semaphore(%run_scoped3A_125 : memref<!tpu.dma_semaphore, #tpu.memory_space<semaphore_mem>>) src(%dma_wait3A_145 : memref<80x128xf32, #tpu.memory_space<vmem_shared>>) dst(%dma_wait3A_143 : memref<80x128xf32, #tpu.memory_space<vmem>>)
      tpu.yield
    }) : () -> ()
    "tpu.region"() ({
      %run_scoped3A_125 = tpu.sem_alloc : memref<!tpu.dma_semaphore, #tpu.memory_space<semaphore_mem>>
      %dma_start3A_126 = arith.constant 0 : i32
      %dma_start3A_127 = arith.constant 0 : i32
      %dma_start3A_128 = tpu.memref_slice %arg8[%dma_start3A_126, %dma_start3A_127] : memref<80x128xf32, #tpu.memory_space<vmem>> -> memref<80x128xf32, #tpu.memory_space<vmem>>
      %dma_start3A_129 = arith.constant 0 : i32
      %dma_start3A_130 = tpu.memref_slice %arg5[%arg0, %multiple_of3A_117, %dma_start3A_129] : memref<2x10000x128xf32, #tpu.memory_space<hbm>> -> memref<1x80x128xf32, #tpu.memory_space<hbm>>
      %dma_start3A_131 = tpu.memref_squeeze %dma_start3A_130 : memref<1x80x128xf32, #tpu.memory_space<hbm>> -> memref<80x128xf32, #tpu.memory_space<hbm>>
      %dma_start3A_132 = arith.constant 0 : i32
      %dma_start3A_133 = tpu.memref_slice %arg5[%arg0, %multiple_of3A_117, %dma_start3A_132] : memref<2x10000x128xf32, #tpu.memory_space<hbm>> -> memref<1x80x128xf32, #tpu.memory_space<hbm>>
      %dma_start3A_134 = tpu.memref_squeeze %dma_start3A_133 : memref<1x80x128xf32, #tpu.memory_space<hbm>> -> memref<80x128xf32, #tpu.memory_space<hbm>>
      %dma_start3A_135 = arith.constant 0 : i32
      %dma_start3A_136 = arith.constant 0 : i32
      %dma_start3A_137 = tpu.memref_slice %arg8[%dma_start3A_135, %dma_start3A_136] : memref<80x128xf32, #tpu.memory_space<vmem>> -> memref<80x128xf32, #tpu.memory_space<vmem>>
      tpu.enqueue_dma source(%dma_start3A_137 : memref<80x128xf32, #tpu.memory_space<vmem>>) target(%dma_start3A_134 : memref<80x128xf32, #tpu.memory_space<hbm>>) target_semaphore(%run_scoped3A_125 : memref<!tpu.dma_semaphore, #tpu.memory_space<semaphore_mem>>)
      %dma_wait3A_138 = arith.constant 0 : i32
      %dma_wait3A_139 = arith.constant 0 : i32
      %dma_wait3A_140 = tpu.memref_slice %arg8[%dma_wait3A_138, %dma_wait3A_139] : memref<80x128xf32, #tpu.memory_space<vmem>> -> memref<80x128xf32, #tpu.memory_space<vmem>>
      %dma_wait3A_141 = arith.constant 0 : i32
      %dma_wait3A_142 = tpu.memref_slice %arg5[%arg0, %multiple_of3A_117, %dma_wait3A_141] : memref<2x10000x128xf32, #tpu.memory_space<hbm>> -> memref<1x80x128xf32, #tpu.memory_space<hbm>>
      %dma_wait3A_143 = tpu.memref_squeeze %dma_wait3A_142 : memref<1x80x128xf32, #tpu.memory_space<hbm>> -> memref<80x128xf32, #tpu.memory_space<hbm>>
      %dma_wait3A_144 = arith.constant 0 : i32
      %dma_wait3A_145 = tpu.memref_slice %arg5[%arg0, %multiple_of3A_117, %dma_wait3A_144] : memref<2x10000x128xf32, #tpu.memory_space<hbm>> -> memref<1x80x128xf32, #tpu.memory_space<hbm>>
      %dma_wait3A_146 = tpu.memref_squeeze %dma_wait3A_145 : memref<1x80x128xf32, #tpu.memory_space<hbm>> -> memref<80x128xf32, #tpu.memory_space<hbm>>
      %dma_wait3A_147 = arith.constant 0 : i32
      %dma_wait3A_148 = arith.constant 0 : i32
      %dma_wait3A_149 = tpu.memref_slice %arg8[%dma_wait3A_147, %dma_wait3A_148] : memref<80x128xf32, #tpu.memory_space<vmem>> -> memref<80x128xf32, #tpu.memory_space<vmem>>
      tpu.wait_dma2 semaphore(%run_scoped3A_125 : memref<!tpu.dma_semaphore, #tpu.memory_space<semaphore_mem>>) src(%dma_wait3A_149 : memref<80x128xf32, #tpu.memory_space<vmem>>) dst(%dma_wait3A_146 : memref<80x128xf32, #tpu.memory_space<hbm>>)
      tpu.yield
    }) : () -> ()
    %add3A_118 = arith.constant 112 : i32
    %add3A_119 = arith.addi %add3A_118, %arg1 : i32
    %lt3A_120 = arith.constant 125 : i32
    %lt3A_121 = arith.cmpi slt, %add3A_119, %lt3A_120 : i32
    %convert_element_type3A_122 = arith.extui %lt3A_121 : i1 to i32
    %cond3A_123 = arith.constant 0 : i32
    %cond3A_124 = arith.cmpi ne, %convert_element_type3A_122, %cond3A_123 : i32
    scf.if %cond3A_124 {
      %mul3A_125 = arith.constant 80 : i32
      %mul3A_126 = arith.muli %add3A_119, %mul3A_125 : i32
      %multiple_of3A_127 = tpu.assume_multiple %mul3A_126, 8 : i32
      "tpu.region"() ({
        %run_scoped3A_128 = tpu.sem_alloc : memref<!tpu.dma_semaphore, #tpu.memory_space<semaphore_mem>>
        %dma_start3A_129 = arith.constant 0 : i32
        %dma_start3A_130 = arith.constant 0 : i32
        %dma_start3A_131 = tpu.memref_slice %arg8[%dma_start3A_129, %dma_start3A_130] : memref<80x128xf32, #tpu.memory_space<vmem>> -> memref<80x128xf32, #tpu.memory_space<vmem>>
        %dma_start3A_132 = arith.constant 0 : i32
        %dma_start3A_133 = tpu.memref_slice %arg10[%multiple_of3A_127, %dma_start3A_132] : memref<10000x128xf32, #tpu.memory_space<vmem_shared>> -> memref<80x128xf32, #tpu.memory_space<vmem_shared>>
        %dma_start3A_134 = arith.constant 0 : i32
        %dma_start3A_135 = arith.constant 0 : i32
        %dma_start3A_136 = tpu.memref_slice %arg8[%dma_start3A_134, %dma_start3A_135] : memref<80x128xf32, #tpu.memory_space<vmem>> -> memref<80x128xf32, #tpu.memory_space<vmem>>
        %dma_start3A_137 = arith.constant 0 : i32
        %dma_start3A_138 = tpu.memref_slice %arg10[%multiple_of3A_127, %dma_start3A_137] : memref<10000x128xf32, #tpu.memory_space<vmem_shared>> -> memref<80x128xf32, #tpu.memory_space<vmem_shared>>
        tpu.enqueue_dma source(%dma_start3A_138 : memref<80x128xf32, #tpu.memory_space<vmem_shared>>) target(%dma_start3A_136 : memref<80x128xf32, #tpu.memory_space<vmem>>) target_semaphore(%run_scoped3A_128 : memref<!tpu.dma_semaphore, #tpu.memory_space<semaphore_mem>>)
        %dma_wait3A_139 = arith.constant 0 : i32
        %dma_wait3A_140 = arith.constant 0 : i32
        %dma_wait3A_141 = tpu.memref_slice %arg8[%dma_wait3A_139, %dma_wait3A_140] : memref<80x128xf32, #tpu.memory_space<vmem>> -> memref<80x128xf32, #tpu.memory_space<vmem>>
        %dma_wait3A_142 = arith.constant 0 : i32
        %dma_wait3A_143 = tpu.memref_slice %arg10[%multiple_of3A_127, %dma_wait3A_142] : memref<10000x128xf32, #tpu.memory_space<vmem_shared>> -> memref<80x128xf32, #tpu.memory_space<vmem_shared>>
        %dma_wait3A_144 = arith.constant 0 : i32
        %dma_wait3A_145 = arith.constant 0 : i32
        %dma_wait3A_146 = tpu.memref_slice %arg8[%dma_wait3A_144, %dma_wait3A_145] : memref<80x128xf32, #tpu.memory_space<vmem>> -> memref<80x128xf32, #tpu.memory_space<vmem>>
        %dma_wait3A_147 = arith.constant 0 : i32
        %dma_wait3A_148 = tpu.memref_slice %arg10[%multiple_of3A_127, %dma_wait3A_147] : memref<10000x128xf32, #tpu.memory_space<vmem_shared>> -> memref<80x128xf32, #tpu.memory_space<vmem_shared>>
        tpu.wait_dma2 semaphore(%run_scoped3A_128 : memref<!tpu.dma_semaphore, #tpu.memory_space<semaphore_mem>>) src(%dma_wait3A_148 : memref<80x128xf32, #tpu.memory_space<vmem_shared>>) dst(%dma_wait3A_146 : memref<80x128xf32, #tpu.memory_space<vmem>>)
        tpu.yield
      }) : () -> ()
      "tpu.region"() ({
        %run_scoped3A_128 = tpu.sem_alloc : memref<!tpu.dma_semaphore, #tpu.memory_space<semaphore_mem>>
        %dma_start3A_129 = arith.constant 0 : i32
        %dma_start3A_130 = arith.constant 0 : i32
        %dma_start3A_131 = tpu.memref_slice %arg8[%dma_start3A_129, %dma_start3A_130] : memref<80x128xf32, #tpu.memory_space<vmem>> -> memref<80x128xf32, #tpu.memory_space<vmem>>
        %dma_start3A_132 = arith.constant 0 : i32
        %dma_start3A_133 = tpu.memref_slice %arg5[%arg0, %multiple_of3A_127, %dma_start3A_132] : memref<2x10000x128xf32, #tpu.memory_space<hbm>> -> memref<1x80x128xf32, #tpu.memory_space<hbm>>
        %dma_start3A_134 = tpu.memref_squeeze %dma_start3A_133 : memref<1x80x128xf32, #tpu.memory_space<hbm>> -> memref<80x128xf32, #tpu.memory_space<hbm>>
        %dma_start3A_135 = arith.constant 0 : i32
        %dma_start3A_136 = tpu.memref_slice %arg5[%arg0, %multiple_of3A_127, %dma_start3A_135] : memref<2x10000x128xf32, #tpu.memory_space<hbm>> -> memref<1x80x128xf32, #tpu.memory_space<hbm>>
        %dma_start3A_137 = tpu.memref_squeeze %dma_start3A_136 : memref<1x80x128xf32, #tpu.memory_space<hbm>> -> memref<80x128xf32, #tpu.memory_space<hbm>>
        %dma_start3A_138 = arith.constant 0 : i32
        %dma_start3A_139 = arith.constant 0 : i32
        %dma_start3A_140 = tpu.memref_slice %arg8[%dma_start3A_138, %dma_start3A_139] : memref<80x128xf32, #tpu.memory_space<vmem>> -> memref<80x128xf32, #tpu.memory_space<vmem>>
        tpu.enqueue_dma source(%dma_start3A_140 : memref<80x128xf32, #tpu.memory_space<vmem>>) target(%dma_start3A_137 : memref<80x128xf32, #tpu.memory_space<hbm>>) target_semaphore(%run_scoped3A_128 : memref<!tpu.dma_semaphore, #tpu.memory_space<semaphore_mem>>)
        %dma_wait3A_141 = arith.constant 0 : i32
        %dma_wait3A_142 = arith.constant 0 : i32
        %dma_wait3A_143 = tpu.memref_slice %arg8[%dma_wait3A_141, %dma_wait3A_142] : memref<80x128xf32, #tpu.memory_space<vmem>> -> memref<80x128xf32, #tpu.memory_space<vmem>>
        %dma_wait3A_144 = arith.constant 0 : i32
        %dma_wait3A_145 = tpu.memref_slice %arg5[%arg0, %multiple_of3A_127, %dma_wait3A_144] : memref<2x10000x128xf32, #tpu.memory_space<hbm>> -> memref<1x80x128xf32, #tpu.memory_space<hbm>>
        %dma_wait3A_146 = tpu.memref_squeeze %dma_wait3A_145 : memref<1x80x128xf32, #tpu.memory_space<hbm>> -> memref<80x128xf32, #tpu.memory_space<hbm>>
        %dma_wait3A_147 = arith.constant 0 : i32
        %dma_wait3A_148 = tpu.memref_slice %arg5[%arg0, %multiple_of3A_127, %dma_wait3A_147] : memref<2x10000x128xf32, #tpu.memory_space<hbm>> -> memref<1x80x128xf32, #tpu.memory_space<hbm>>
        %dma_wait3A_149 = tpu.memref_squeeze %dma_wait3A_148 : memref<1x80x128xf32, #tpu.memory_space<hbm>> -> memref<80x128xf32, #tpu.memory_space<hbm>>
        %dma_wait3A_150 = arith.constant 0 : i32
        %dma_wait3A_151 = arith.constant 0 : i32
        %dma_wait3A_152 = tpu.memref_slice %arg8[%dma_wait3A_150, %dma_wait3A_151] : memref<80x128xf32, #tpu.memory_space<vmem>> -> memref<80x128xf32, #tpu.memory_space<vmem>>
        tpu.wait_dma2 semaphore(%run_scoped3A_128 : memref<!tpu.dma_semaphore, #tpu.memory_space<semaphore_mem>>) src(%dma_wait3A_152 : memref<80x128xf32, #tpu.memory_space<vmem>>) dst(%dma_wait3A_149 : memref<80x128xf32, #tpu.memory_space<hbm>>)
        tpu.yield
      }) : () -> ()
    } else {
    }
    return
  }
}

#map = affine_map<(d0, d1) -> (0, 0)>
#map1 = affine_map<(d0, d1) -> (0)>
#map2 = affine_map<(d0, d1) -> (0, 0, 0)>
module attributes {stable_mosaic.version = 14 : i64} {
  func.func @_agg_body(%arg0: i32, %arg1: i32, %arg2: memref<10000x128xf32, #tpu.memory_space<hbm>>, %arg3: memref<320000xi32, #tpu.memory_space<hbm>>, %arg4: memref<32x125x80xi32, #tpu.memory_space<hbm>>, %arg5: memref<2x10000x128xf32, #tpu.memory_space<hbm>>, %arg6: memref<10000xi32, #tpu.memory_space<vmem>>, %arg7: memref<125x80xi32, #tpu.memory_space<vmem>>, %arg8: memref<80x128xf32, #tpu.memory_space<vmem>>, %arg9: memref<80x128xf32, #tpu.memory_space<vmem>>, %arg10: memref<10000x128xf32, #tpu.memory_space<vmem_shared>>, %arg11: memref<!tpu.dma_semaphore, #tpu.memory_space<semaphore_mem>>, %arg12: memref<!tpu.dma_semaphore, #tpu.memory_space<semaphore_mem>>) attributes {dimension_semantics = [#tpu.dimension_semantics<core_parallel>, #tpu.dimension_semantics<subcore_parallel>], iteration_bounds = array<i64: 2, 16>, scalar_prefetch = 0 : i64, scratch_operands = 7 : i64, tpu.core_type = #tpu.core_type<sc_vector_subcore>, window_params = [{transform_indices = #map}, {transform_indices = #map1}, {transform_indices = #map2}, {transform_indices = #map2}]} {
    %mul3A = arith.constant 16 : i32
    %mul3A_0 = arith.muli %arg0, %mul3A : i32
    %add3A = arith.addi %mul3A_0, %arg1 : i32
    %mul3A_1 = arith.constant 10000 : i32
    %mul3A_2 = arith.muli %add3A, %mul3A_1 : i32
    %multiple_of3A = tpu.assume_multiple %mul3A_2, 8 : i32
    %dma_start3A = tpu.memref_slice %arg3[%multiple_of3A] : memref<320000xi32, #tpu.memory_space<hbm>> -> memref<10000xi32, #tpu.memory_space<hbm>>
    %dma_start3A_3 = tpu.memref_slice %arg3[%multiple_of3A] : memref<320000xi32, #tpu.memory_space<hbm>> -> memref<10000xi32, #tpu.memory_space<hbm>>
    tpu.enqueue_dma source(%dma_start3A_3 : memref<10000xi32, #tpu.memory_space<hbm>>) target(%arg6 : memref<10000xi32, #tpu.memory_space<vmem>>) target_semaphore(%arg11 : memref<!tpu.dma_semaphore, #tpu.memory_space<semaphore_mem>>)
    %dma_start3A_4 = arith.constant 0 : i32
    %dma_start3A_5 = arith.constant 0 : i32
    %dma_start3A_6 = tpu.memref_slice %arg4[%add3A, %dma_start3A_4, %dma_start3A_5] : memref<32x125x80xi32, #tpu.memory_space<hbm>> -> memref<1x125x80xi32, #tpu.memory_space<hbm>>
    %dma_start3A_7 = tpu.memref_squeeze %dma_start3A_6 : memref<1x125x80xi32, #tpu.memory_space<hbm>> -> memref<125x80xi32, #tpu.memory_space<hbm>>
    %dma_start3A_8 = arith.constant 0 : i32
    %dma_start3A_9 = arith.constant 0 : i32
    %dma_start3A_10 = tpu.memref_slice %arg4[%add3A, %dma_start3A_8, %dma_start3A_9] : memref<32x125x80xi32, #tpu.memory_space<hbm>> -> memref<1x125x80xi32, #tpu.memory_space<hbm>>
    %dma_start3A_11 = tpu.memref_squeeze %dma_start3A_10 : memref<1x125x80xi32, #tpu.memory_space<hbm>> -> memref<125x80xi32, #tpu.memory_space<hbm>>
    tpu.enqueue_dma source(%dma_start3A_11 : memref<125x80xi32, #tpu.memory_space<hbm>>) target(%arg7 : memref<125x80xi32, #tpu.memory_space<vmem>>) target_semaphore(%arg12 : memref<!tpu.dma_semaphore, #tpu.memory_space<semaphore_mem>>)
    %broadcast_in_dim3A = arith.constant 0.000000e+00 : f32
    %broadcast_in_dim3A_12 = vector.broadcast %broadcast_in_dim3A : f32 to vector<16xf32>
    %scan3A = arith.constant 0 : i32
    %scan3A_13 = arith.constant 0 : i32
    %scan3A_14 = arith.constant 80 : i32
    %scan3A_15 = arith.addi %scan3A_13, %scan3A_14 : i32
    %scan3A_16 = arith.constant 1 : i32
    scf.for %scan3A_125 = %scan3A_13 to %scan3A_15 step %scan3A_16  : i32 {
      %swap3A = arith.index_cast %scan3A_125 : i32 to index
      %swap3A_126 = arith.constant 0 : index
      %swap3A_127 = tpu.vector_load %arg8[%swap3A, %swap3A_126] {strides = array<i32>} : memref<80x128xf32, #tpu.memory_space<vmem>>, vector<1x16xf32>,
      %swap3A_128 = vector.shape_cast %swap3A_127 : vector<1x16xf32> to vector<16xf32>
      %swap3A_129 = vector.shape_cast %broadcast_in_dim3A_12 : vector<16xf32> to vector<1x16xf32>
      tpu.vector_store %arg8[%swap3A, %swap3A_126], %swap3A_129 {strides = array<i32>} : memref<80x128xf32, #tpu.memory_space<vmem>>, vector<1x16xf32>,
      %swap3A_130 = arith.index_cast %scan3A_125 : i32 to index
      %swap3A_131 = arith.constant 16 : index
      %swap3A_132 = tpu.vector_load %arg8[%swap3A_130, %swap3A_131] {strides = array<i32>} : memref<80x128xf32, #tpu.memory_space<vmem>>, vector<1x16xf32>,
      %swap3A_133 = vector.shape_cast %swap3A_132 : vector<1x16xf32> to vector<16xf32>
      %swap3A_134 = vector.shape_cast %broadcast_in_dim3A_12 : vector<16xf32> to vector<1x16xf32>
      tpu.vector_store %arg8[%swap3A_130, %swap3A_131], %swap3A_134 {strides = array<i32>} : memref<80x128xf32, #tpu.memory_space<vmem>>, vector<1x16xf32>,
      %swap3A_135 = arith.index_cast %scan3A_125 : i32 to index
      %swap3A_136 = arith.constant 32 : index
      %swap3A_137 = tpu.vector_load %arg8[%swap3A_135, %swap3A_136] {strides = array<i32>} : memref<80x128xf32, #tpu.memory_space<vmem>>, vector<1x16xf32>,
      %swap3A_138 = vector.shape_cast %swap3A_137 : vector<1x16xf32> to vector<16xf32>
      %swap3A_139 = vector.shape_cast %broadcast_in_dim3A_12 : vector<16xf32> to vector<1x16xf32>
      tpu.vector_store %arg8[%swap3A_135, %swap3A_136], %swap3A_139 {strides = array<i32>} : memref<80x128xf32, #tpu.memory_space<vmem>>, vector<1x16xf32>,
      %swap3A_140 = arith.index_cast %scan3A_125 : i32 to index
      %swap3A_141 = arith.constant 48 : index
      %swap3A_142 = tpu.vector_load %arg8[%swap3A_140, %swap3A_141] {strides = array<i32>} : memref<80x128xf32, #tpu.memory_space<vmem>>, vector<1x16xf32>,
      %swap3A_143 = vector.shape_cast %swap3A_142 : vector<1x16xf32> to vector<16xf32>
      %swap3A_144 = vector.shape_cast %broadcast_in_dim3A_12 : vector<16xf32> to vector<1x16xf32>
      tpu.vector_store %arg8[%swap3A_140, %swap3A_141], %swap3A_144 {strides = array<i32>} : memref<80x128xf32, #tpu.memory_space<vmem>>, vector<1x16xf32>,
      %swap3A_145 = arith.index_cast %scan3A_125 : i32 to index
      %swap3A_146 = arith.constant 64 : index
      %swap3A_147 = tpu.vector_load %arg8[%swap3A_145, %swap3A_146] {strides = array<i32>} : memref<80x128xf32, #tpu.memory_space<vmem>>, vector<1x16xf32>,
      %swap3A_148 = vector.shape_cast %swap3A_147 : vector<1x16xf32> to vector<16xf32>
      %swap3A_149 = vector.shape_cast %broadcast_in_dim3A_12 : vector<16xf32> to vector<1x16xf32>
      tpu.vector_store %arg8[%swap3A_145, %swap3A_146], %swap3A_149 {strides = array<i32>} : memref<80x128xf32, #tpu.memory_space<vmem>>, vector<1x16xf32>,
      %swap3A_150 = arith.index_cast %scan3A_125 : i32 to index
      %swap3A_151 = arith.constant 80 : index
      %swap3A_152 = tpu.vector_load %arg8[%swap3A_150, %swap3A_151] {strides = array<i32>} : memref<80x128xf32, #tpu.memory_space<vmem>>, vector<1x16xf32>,
      %swap3A_153 = vector.shape_cast %swap3A_152 : vector<1x16xf32> to vector<16xf32>
      %swap3A_154 = vector.shape_cast %broadcast_in_dim3A_12 : vector<16xf32> to vector<1x16xf32>
      tpu.vector_store %arg8[%swap3A_150, %swap3A_151], %swap3A_154 {strides = array<i32>} : memref<80x128xf32, #tpu.memory_space<vmem>>, vector<1x16xf32>,
      %swap3A_155 = arith.index_cast %scan3A_125 : i32 to index
      %swap3A_156 = arith.constant 96 : index
      %swap3A_157 = tpu.vector_load %arg8[%swap3A_155, %swap3A_156] {strides = array<i32>} : memref<80x128xf32, #tpu.memory_space<vmem>>, vector<1x16xf32>,
      %swap3A_158 = vector.shape_cast %swap3A_157 : vector<1x16xf32> to vector<16xf32>
      %swap3A_159 = vector.shape_cast %broadcast_in_dim3A_12 : vector<16xf32> to vector<1x16xf32>
      tpu.vector_store %arg8[%swap3A_155, %swap3A_156], %swap3A_159 {strides = array<i32>} : memref<80x128xf32, #tpu.memory_space<vmem>>, vector<1x16xf32>,
      %swap3A_160 = arith.index_cast %scan3A_125 : i32 to index
      %swap3A_161 = arith.constant 112 : index
      %swap3A_162 = tpu.vector_load %arg8[%swap3A_160, %swap3A_161] {strides = array<i32>} : memref<80x128xf32, #tpu.memory_space<vmem>>, vector<1x16xf32>,
      %swap3A_163 = vector.shape_cast %swap3A_162 : vector<1x16xf32> to vector<16xf32>
      %swap3A_164 = vector.shape_cast %broadcast_in_dim3A_12 : vector<16xf32> to vector<1x16xf32>
      tpu.vector_store %arg8[%swap3A_160, %swap3A_161], %swap3A_164 {strides = array<i32>} : memref<80x128xf32, #tpu.memory_space<vmem>>, vector<1x16xf32>,
    }
    %scan3A_17 = arith.constant 80 : i32
    %add3A_18 = arith.constant 0 : i32
    %add3A_19 = arith.addi %add3A_18, %arg1 : i32
    %mul3A_20 = arith.constant 80 : i32
    %mul3A_21 = arith.muli %add3A_19, %mul3A_20 : i32
    %multiple_of3A_22 = tpu.assume_multiple %mul3A_21, 8 : i32
    "tpu.region"() ({
      %run_scoped3A_125 = tpu.sem_alloc : memref<!tpu.dma_semaphore, #tpu.memory_space<semaphore_mem>>
      %dma_start3A_126 = arith.constant 0 : i32
      %dma_start3A_127 = arith.constant 0 : i32
      %dma_start3A_128 = tpu.memref_slice %arg8[%dma_start3A_126, %dma_start3A_127] : memref<80x128xf32, #tpu.memory_space<vmem>> -> memref<80x128xf32, #tpu.memory_space<vmem>>
      %dma_start3A_129 = arith.constant 0 : i32
      %dma_start3A_130 = tpu.memref_slice %arg10[%multiple_of3A_22, %dma_start3A_129] : memref<10000x128xf32, #tpu.memory_space<vmem_shared>> -> memref<80x128xf32, #tpu.memory_space<vmem_shared>>
      %dma_start3A_131 = arith.constant 0 : i32
      %dma_start3A_132 = tpu.memref_slice %arg10[%multiple_of3A_22, %dma_start3A_131] : memref<10000x128xf32, #tpu.memory_space<vmem_shared>> -> memref<80x128xf32, #tpu.memory_space<vmem_shared>>
      %dma_start3A_133 = arith.constant 0 : i32
      %dma_start3A_134 = arith.constant 0 : i32
      %dma_start3A_135 = tpu.memref_slice %arg8[%dma_start3A_133, %dma_start3A_134] : memref<80x128xf32, #tpu.memory_space<vmem>> -> memref<80x128xf32, #tpu.memory_space<vmem>>
      tpu.enqueue_dma source(%dma_start3A_135 : memref<80x128xf32, #tpu.memory_space<vmem>>) target(%dma_start3A_132 : memref<80x128xf32, #tpu.memory_space<vmem_shared>>) target_semaphore(%run_scoped3A_125 : memref<!tpu.dma_semaphore, #tpu.memory_space<semaphore_mem>>)
      %dma_wait3A_136 = arith.constant 0 : i32
      %dma_wait3A_137 = arith.constant 0 : i32
      %dma_wait3A_138 = tpu.memref_slice %arg8[%dma_wait3A_136, %dma_wait3A_137] : memref<80x128xf32, #tpu.memory_space<vmem>> -> memref<80x128xf32, #tpu.memory_space<vmem>>
      %dma_wait3A_139 = arith.constant 0 : i32
      %dma_wait3A_140 = tpu.memref_slice %arg10[%multiple_of3A_22, %dma_wait3A_139] : memref<10000x128xf32, #tpu.memory_space<vmem_shared>> -> memref<80x128xf32, #tpu.memory_space<vmem_shared>>
      %dma_wait3A_141 = arith.constant 0 : i32
      %dma_wait3A_142 = tpu.memref_slice %arg10[%multiple_of3A_22, %dma_wait3A_141] : memref<10000x128xf32, #tpu.memory_space<vmem_shared>> -> memref<80x128xf32, #tpu.memory_space<vmem_shared>>
      %dma_wait3A_143 = arith.constant 0 : i32
      %dma_wait3A_144 = arith.constant 0 : i32
      %dma_wait3A_145 = tpu.memref_slice %arg8[%dma_wait3A_143, %dma_wait3A_144] : memref<80x128xf32, #tpu.memory_space<vmem>> -> memref<80x128xf32, #tpu.memory_space<vmem>>
      tpu.wait_dma2 semaphore(%run_scoped3A_125 : memref<!tpu.dma_semaphore, #tpu.memory_space<semaphore_mem>>) src(%dma_wait3A_145 : memref<80x128xf32, #tpu.memory_space<vmem>>) dst(%dma_wait3A_142 : memref<80x128xf32, #tpu.memory_space<vmem_shared>>)
      tpu.yield
    }) : () -> ()
    %add3A_23 = arith.constant 16 : i32
    %add3A_24 = arith.addi %add3A_23, %arg1 : i32
    %mul3A_25 = arith.constant 80 : i32
    %mul3A_26 = arith.muli %add3A_24, %mul3A_25 : i32
    %multiple_of3A_27 = tpu.assume_multiple %mul3A_26, 8 : i32
    "tpu.region"() ({
      %run_scoped3A_125 = tpu.sem_alloc : memref<!tpu.dma_semaphore, #tpu.memory_space<semaphore_mem>>
      %dma_start3A_126 = arith.constant 0 : i32
      %dma_start3A_127 = arith.constant 0 : i32
      %dma_start3A_128 = tpu.memref_slice %arg8[%dma_start3A_126, %dma_start3A_127] : memref<80x128xf32, #tpu.memory_space<vmem>> -> memref<80x128xf32, #tpu.memory_space<vmem>>
      %dma_start3A_129 = arith.constant 0 : i32
      %dma_start3A_130 = tpu.memref_slice %arg10[%multiple_of3A_27, %dma_start3A_129] : memref<10000x128xf32, #tpu.memory_space<vmem_shared>> -> memref<80x128xf32, #tpu.memory_space<vmem_shared>>
      %dma_start3A_131 = arith.constant 0 : i32
      %dma_start3A_132 = tpu.memref_slice %arg10[%multiple_of3A_27, %dma_start3A_131] : memref<10000x128xf32, #tpu.memory_space<vmem_shared>> -> memref<80x128xf32, #tpu.memory_space<vmem_shared>>
      %dma_start3A_133 = arith.constant 0 : i32
      %dma_start3A_134 = arith.constant 0 : i32
      %dma_start3A_135 = tpu.memref_slice %arg8[%dma_start3A_133, %dma_start3A_134] : memref<80x128xf32, #tpu.memory_space<vmem>> -> memref<80x128xf32, #tpu.memory_space<vmem>>
      tpu.enqueue_dma source(%dma_start3A_135 : memref<80x128xf32, #tpu.memory_space<vmem>>) target(%dma_start3A_132 : memref<80x128xf32, #tpu.memory_space<vmem_shared>>) target_semaphore(%run_scoped3A_125 : memref<!tpu.dma_semaphore, #tpu.memory_space<semaphore_mem>>)
      %dma_wait3A_136 = arith.constant 0 : i32
      %dma_wait3A_137 = arith.constant 0 : i32
      %dma_wait3A_138 = tpu.memref_slice %arg8[%dma_wait3A_136, %dma_wait3A_137] : memref<80x128xf32, #tpu.memory_space<vmem>> -> memref<80x128xf32, #tpu.memory_space<vmem>>
      %dma_wait3A_139 = arith.constant 0 : i32
      %dma_wait3A_140 = tpu.memref_slice %arg10[%multiple_of3A_27, %dma_wait3A_139] : memref<10000x128xf32, #tpu.memory_space<vmem_shared>> -> memref<80x128xf32, #tpu.memory_space<vmem_shared>>
      %dma_wait3A_141 = arith.constant 0 : i32
      %dma_wait3A_142 = tpu.memref_slice %arg10[%multiple_of3A_27, %dma_wait3A_141] : memref<10000x128xf32, #tpu.memory_space<vmem_shared>> -> memref<80x128xf32, #tpu.memory_space<vmem_shared>>
      %dma_wait3A_143 = arith.constant 0 : i32
      %dma_wait3A_144 = arith.constant 0 : i32
      %dma_wait3A_145 = tpu.memref_slice %arg8[%dma_wait3A_143, %dma_wait3A_144] : memref<80x128xf32, #tpu.memory_space<vmem>> -> memref<80x128xf32, #tpu.memory_space<vmem>>
      tpu.wait_dma2 semaphore(%run_scoped3A_125 : memref<!tpu.dma_semaphore, #tpu.memory_space<semaphore_mem>>) src(%dma_wait3A_145 : memref<80x128xf32, #tpu.memory_space<vmem>>) dst(%dma_wait3A_142 : memref<80x128xf32, #tpu.memory_space<vmem_shared>>)
      tpu.yield
    }) : () -> ()
    %add3A_28 = arith.constant 32 : i32
    %add3A_29 = arith.addi %add3A_28, %arg1 : i32
    %mul3A_30 = arith.constant 80 : i32
    %mul3A_31 = arith.muli %add3A_29, %mul3A_30 : i32
    %multiple_of3A_32 = tpu.assume_multiple %mul3A_31, 8 : i32
    "tpu.region"() ({
      %run_scoped3A_125 = tpu.sem_alloc : memref<!tpu.dma_semaphore, #tpu.memory_space<semaphore_mem>>
      %dma_start3A_126 = arith.constant 0 : i32
      %dma_start3A_127 = arith.constant 0 : i32
      %dma_start3A_128 = tpu.memref_slice %arg8[%dma_start3A_126, %dma_start3A_127] : memref<80x128xf32, #tpu.memory_space<vmem>> -> memref<80x128xf32, #tpu.memory_space<vmem>>
      %dma_start3A_129 = arith.constant 0 : i32
      %dma_start3A_130 = tpu.memref_slice %arg10[%multiple_of3A_32, %dma_start3A_129] : memref<10000x128xf32, #tpu.memory_space<vmem_shared>> -> memref<80x128xf32, #tpu.memory_space<vmem_shared>>
      %dma_start3A_131 = arith.constant 0 : i32
      %dma_start3A_132 = tpu.memref_slice %arg10[%multiple_of3A_32, %dma_start3A_131] : memref<10000x128xf32, #tpu.memory_space<vmem_shared>> -> memref<80x128xf32, #tpu.memory_space<vmem_shared>>
      %dma_start3A_133 = arith.constant 0 : i32
      %dma_start3A_134 = arith.constant 0 : i32
      %dma_start3A_135 = tpu.memref_slice %arg8[%dma_start3A_133, %dma_start3A_134] : memref<80x128xf32, #tpu.memory_space<vmem>> -> memref<80x128xf32, #tpu.memory_space<vmem>>
      tpu.enqueue_dma source(%dma_start3A_135 : memref<80x128xf32, #tpu.memory_space<vmem>>) target(%dma_start3A_132 : memref<80x128xf32, #tpu.memory_space<vmem_shared>>) target_semaphore(%run_scoped3A_125 : memref<!tpu.dma_semaphore, #tpu.memory_space<semaphore_mem>>)
      %dma_wait3A_136 = arith.constant 0 : i32
      %dma_wait3A_137 = arith.constant 0 : i32
      %dma_wait3A_138 = tpu.memref_slice %arg8[%dma_wait3A_136, %dma_wait3A_137] : memref<80x128xf32, #tpu.memory_space<vmem>> -> memref<80x128xf32, #tpu.memory_space<vmem>>
      %dma_wait3A_139 = arith.constant 0 : i32
      %dma_wait3A_140 = tpu.memref_slice %arg10[%multiple_of3A_32, %dma_wait3A_139] : memref<10000x128xf32, #tpu.memory_space<vmem_shared>> -> memref<80x128xf32, #tpu.memory_space<vmem_shared>>
      %dma_wait3A_141 = arith.constant 0 : i32
      %dma_wait3A_142 = tpu.memref_slice %arg10[%multiple_of3A_32, %dma_wait3A_141] : memref<10000x128xf32, #tpu.memory_space<vmem_shared>> -> memref<80x128xf32, #tpu.memory_space<vmem_shared>>
      %dma_wait3A_143 = arith.constant 0 : i32
      %dma_wait3A_144 = arith.constant 0 : i32
      %dma_wait3A_145 = tpu.memref_slice %arg8[%dma_wait3A_143, %dma_wait3A_144] : memref<80x128xf32, #tpu.memory_space<vmem>> -> memref<80x128xf32, #tpu.memory_space<vmem>>
      tpu.wait_dma2 semaphore(%run_scoped3A_125 : memref<!tpu.dma_semaphore, #tpu.memory_space<semaphore_mem>>) src(%dma_wait3A_145 : memref<80x128xf32, #tpu.memory_space<vmem>>) dst(%dma_wait3A_142 : memref<80x128xf32, #tpu.memory_space<vmem_shared>>)
      tpu.yield
    }) : () -> ()
    %add3A_33 = arith.constant 48 : i32
    %add3A_34 = arith.addi %add3A_33, %arg1 : i32
    %mul3A_35 = arith.constant 80 : i32
    %mul3A_36 = arith.muli %add3A_34, %mul3A_35 : i32
    %multiple_of3A_37 = tpu.assume_multiple %mul3A_36, 8 : i32
    "tpu.region"() ({
      %run_scoped3A_125 = tpu.sem_alloc : memref<!tpu.dma_semaphore, #tpu.memory_space<semaphore_mem>>
      %dma_start3A_126 = arith.constant 0 : i32
      %dma_start3A_127 = arith.constant 0 : i32
      %dma_start3A_128 = tpu.memref_slice %arg8[%dma_start3A_126, %dma_start3A_127] : memref<80x128xf32, #tpu.memory_space<vmem>> -> memref<80x128xf32, #tpu.memory_space<vmem>>
      %dma_start3A_129 = arith.constant 0 : i32
      %dma_start3A_130 = tpu.memref_slice %arg10[%multiple_of3A_37, %dma_start3A_129] : memref<10000x128xf32, #tpu.memory_space<vmem_shared>> -> memref<80x128xf32, #tpu.memory_space<vmem_shared>>
      %dma_start3A_131 = arith.constant 0 : i32
      %dma_start3A_132 = tpu.memref_slice %arg10[%multiple_of3A_37, %dma_start3A_131] : memref<10000x128xf32, #tpu.memory_space<vmem_shared>> -> memref<80x128xf32, #tpu.memory_space<vmem_shared>>
      %dma_start3A_133 = arith.constant 0 : i32
      %dma_start3A_134 = arith.constant 0 : i32
      %dma_start3A_135 = tpu.memref_slice %arg8[%dma_start3A_133, %dma_start3A_134] : memref<80x128xf32, #tpu.memory_space<vmem>> -> memref<80x128xf32, #tpu.memory_space<vmem>>
      tpu.enqueue_dma source(%dma_start3A_135 : memref<80x128xf32, #tpu.memory_space<vmem>>) target(%dma_start3A_132 : memref<80x128xf32, #tpu.memory_space<vmem_shared>>) target_semaphore(%run_scoped3A_125 : memref<!tpu.dma_semaphore, #tpu.memory_space<semaphore_mem>>)
      %dma_wait3A_136 = arith.constant 0 : i32
      %dma_wait3A_137 = arith.constant 0 : i32
      %dma_wait3A_138 = tpu.memref_slice %arg8[%dma_wait3A_136, %dma_wait3A_137] : memref<80x128xf32, #tpu.memory_space<vmem>> -> memref<80x128xf32, #tpu.memory_space<vmem>>
      %dma_wait3A_139 = arith.constant 0 : i32
      %dma_wait3A_140 = tpu.memref_slice %arg10[%multiple_of3A_37, %dma_wait3A_139] : memref<10000x128xf32, #tpu.memory_space<vmem_shared>> -> memref<80x128xf32, #tpu.memory_space<vmem_shared>>
      %dma_wait3A_141 = arith.constant 0 : i32
      %dma_wait3A_142 = tpu.memref_slice %arg10[%multiple_of3A_37, %dma_wait3A_141] : memref<10000x128xf32, #tpu.memory_space<vmem_shared>> -> memref<80x128xf32, #tpu.memory_space<vmem_shared>>
      %dma_wait3A_143 = arith.constant 0 : i32
      %dma_wait3A_144 = arith.constant 0 : i32
      %dma_wait3A_145 = tpu.memref_slice %arg8[%dma_wait3A_143, %dma_wait3A_144] : memref<80x128xf32, #tpu.memory_space<vmem>> -> memref<80x128xf32, #tpu.memory_space<vmem>>
      tpu.wait_dma2 semaphore(%run_scoped3A_125 : memref<!tpu.dma_semaphore, #tpu.memory_space<semaphore_mem>>) src(%dma_wait3A_145 : memref<80x128xf32, #tpu.memory_space<vmem>>) dst(%dma_wait3A_142 : memref<80x128xf32, #tpu.memory_space<vmem_shared>>)
      tpu.yield
    }) : () -> ()
    %add3A_38 = arith.constant 64 : i32
    %add3A_39 = arith.addi %add3A_38, %arg1 : i32
    %mul3A_40 = arith.constant 80 : i32
    %mul3A_41 = arith.muli %add3A_39, %mul3A_40 : i32
    %multiple_of3A_42 = tpu.assume_multiple %mul3A_41, 8 : i32
    "tpu.region"() ({
      %run_scoped3A_125 = tpu.sem_alloc : memref<!tpu.dma_semaphore, #tpu.memory_space<semaphore_mem>>
      %dma_start3A_126 = arith.constant 0 : i32
      %dma_start3A_127 = arith.constant 0 : i32
      %dma_start3A_128 = tpu.memref_slice %arg8[%dma_start3A_126, %dma_start3A_127] : memref<80x128xf32, #tpu.memory_space<vmem>> -> memref<80x128xf32, #tpu.memory_space<vmem>>
      %dma_start3A_129 = arith.constant 0 : i32
      %dma_start3A_130 = tpu.memref_slice %arg10[%multiple_of3A_42, %dma_start3A_129] : memref<10000x128xf32, #tpu.memory_space<vmem_shared>> -> memref<80x128xf32, #tpu.memory_space<vmem_shared>>
      %dma_start3A_131 = arith.constant 0 : i32
      %dma_start3A_132 = tpu.memref_slice %arg10[%multiple_of3A_42, %dma_start3A_131] : memref<10000x128xf32, #tpu.memory_space<vmem_shared>> -> memref<80x128xf32, #tpu.memory_space<vmem_shared>>
      %dma_start3A_133 = arith.constant 0 : i32
      %dma_start3A_134 = arith.constant 0 : i32
      %dma_start3A_135 = tpu.memref_slice %arg8[%dma_start3A_133, %dma_start3A_134] : memref<80x128xf32, #tpu.memory_space<vmem>> -> memref<80x128xf32, #tpu.memory_space<vmem>>
      tpu.enqueue_dma source(%dma_start3A_135 : memref<80x128xf32, #tpu.memory_space<vmem>>) target(%dma_start3A_132 : memref<80x128xf32, #tpu.memory_space<vmem_shared>>) target_semaphore(%run_scoped3A_125 : memref<!tpu.dma_semaphore, #tpu.memory_space<semaphore_mem>>)
      %dma_wait3A_136 = arith.constant 0 : i32
      %dma_wait3A_137 = arith.constant 0 : i32
      %dma_wait3A_138 = tpu.memref_slice %arg8[%dma_wait3A_136, %dma_wait3A_137] : memref<80x128xf32, #tpu.memory_space<vmem>> -> memref<80x128xf32, #tpu.memory_space<vmem>>
      %dma_wait3A_139 = arith.constant 0 : i32
      %dma_wait3A_140 = tpu.memref_slice %arg10[%multiple_of3A_42, %dma_wait3A_139] : memref<10000x128xf32, #tpu.memory_space<vmem_shared>> -> memref<80x128xf32, #tpu.memory_space<vmem_shared>>
      %dma_wait3A_141 = arith.constant 0 : i32
      %dma_wait3A_142 = tpu.memref_slice %arg10[%multiple_of3A_42, %dma_wait3A_141] : memref<10000x128xf32, #tpu.memory_space<vmem_shared>> -> memref<80x128xf32, #tpu.memory_space<vmem_shared>>
      %dma_wait3A_143 = arith.constant 0 : i32
      %dma_wait3A_144 = arith.constant 0 : i32
      %dma_wait3A_145 = tpu.memref_slice %arg8[%dma_wait3A_143, %dma_wait3A_144] : memref<80x128xf32, #tpu.memory_space<vmem>> -> memref<80x128xf32, #tpu.memory_space<vmem>>
      tpu.wait_dma2 semaphore(%run_scoped3A_125 : memref<!tpu.dma_semaphore, #tpu.memory_space<semaphore_mem>>) src(%dma_wait3A_145 : memref<80x128xf32, #tpu.memory_space<vmem>>) dst(%dma_wait3A_142 : memref<80x128xf32, #tpu.memory_space<vmem_shared>>)
      tpu.yield
    }) : () -> ()
    %add3A_43 = arith.constant 80 : i32
    %add3A_44 = arith.addi %add3A_43, %arg1 : i32
    %mul3A_45 = arith.constant 80 : i32
    %mul3A_46 = arith.muli %add3A_44, %mul3A_45 : i32
    %multiple_of3A_47 = tpu.assume_multiple %mul3A_46, 8 : i32
    "tpu.region"() ({
      %run_scoped3A_125 = tpu.sem_alloc : memref<!tpu.dma_semaphore, #tpu.memory_space<semaphore_mem>>
      %dma_start3A_126 = arith.constant 0 : i32
      %dma_start3A_127 = arith.constant 0 : i32
      %dma_start3A_128 = tpu.memref_slice %arg8[%dma_start3A_126, %dma_start3A_127] : memref<80x128xf32, #tpu.memory_space<vmem>> -> memref<80x128xf32, #tpu.memory_space<vmem>>
      %dma_start3A_129 = arith.constant 0 : i32
      %dma_start3A_130 = tpu.memref_slice %arg10[%multiple_of3A_47, %dma_start3A_129] : memref<10000x128xf32, #tpu.memory_space<vmem_shared>> -> memref<80x128xf32, #tpu.memory_space<vmem_shared>>
      %dma_start3A_131 = arith.constant 0 : i32
      %dma_start3A_132 = tpu.memref_slice %arg10[%multiple_of3A_47, %dma_start3A_131] : memref<10000x128xf32, #tpu.memory_space<vmem_shared>> -> memref<80x128xf32, #tpu.memory_space<vmem_shared>>
      %dma_start3A_133 = arith.constant 0 : i32
      %dma_start3A_134 = arith.constant 0 : i32
      %dma_start3A_135 = tpu.memref_slice %arg8[%dma_start3A_133, %dma_start3A_134] : memref<80x128xf32, #tpu.memory_space<vmem>> -> memref<80x128xf32, #tpu.memory_space<vmem>>
      tpu.enqueue_dma source(%dma_start3A_135 : memref<80x128xf32, #tpu.memory_space<vmem>>) target(%dma_start3A_132 : memref<80x128xf32, #tpu.memory_space<vmem_shared>>) target_semaphore(%run_scoped3A_125 : memref<!tpu.dma_semaphore, #tpu.memory_space<semaphore_mem>>)
      %dma_wait3A_136 = arith.constant 0 : i32
      %dma_wait3A_137 = arith.constant 0 : i32
      %dma_wait3A_138 = tpu.memref_slice %arg8[%dma_wait3A_136, %dma_wait3A_137] : memref<80x128xf32, #tpu.memory_space<vmem>> -> memref<80x128xf32, #tpu.memory_space<vmem>>
      %dma_wait3A_139 = arith.constant 0 : i32
      %dma_wait3A_140 = tpu.memref_slice %arg10[%multiple_of3A_47, %dma_wait3A_139] : memref<10000x128xf32, #tpu.memory_space<vmem_shared>> -> memref<80x128xf32, #tpu.memory_space<vmem_shared>>
      %dma_wait3A_141 = arith.constant 0 : i32
      %dma_wait3A_142 = tpu.memref_slice %arg10[%multiple_of3A_47, %dma_wait3A_141] : memref<10000x128xf32, #tpu.memory_space<vmem_shared>> -> memref<80x128xf32, #tpu.memory_space<vmem_shared>>
      %dma_wait3A_143 = arith.constant 0 : i32
      %dma_wait3A_144 = arith.constant 0 : i32
      %dma_wait3A_145 = tpu.memref_slice %arg8[%dma_wait3A_143, %dma_wait3A_144] : memref<80x128xf32, #tpu.memory_space<vmem>> -> memref<80x128xf32, #tpu.memory_space<vmem>>
      tpu.wait_dma2 semaphore(%run_scoped3A_125 : memref<!tpu.dma_semaphore, #tpu.memory_space<semaphore_mem>>) src(%dma_wait3A_145 : memref<80x128xf32, #tpu.memory_space<vmem>>) dst(%dma_wait3A_142 : memref<80x128xf32, #tpu.memory_space<vmem_shared>>)
      tpu.yield
    }) : () -> ()
    %add3A_48 = arith.constant 96 : i32
    %add3A_49 = arith.addi %add3A_48, %arg1 : i32
    %mul3A_50 = arith.constant 80 : i32
    %mul3A_51 = arith.muli %add3A_49, %mul3A_50 : i32
    %multiple_of3A_52 = tpu.assume_multiple %mul3A_51, 8 : i32
    "tpu.region"() ({
      %run_scoped3A_125 = tpu.sem_alloc : memref<!tpu.dma_semaphore, #tpu.memory_space<semaphore_mem>>
      %dma_start3A_126 = arith.constant 0 : i32
      %dma_start3A_127 = arith.constant 0 : i32
      %dma_start3A_128 = tpu.memref_slice %arg8[%dma_start3A_126, %dma_start3A_127] : memref<80x128xf32, #tpu.memory_space<vmem>> -> memref<80x128xf32, #tpu.memory_space<vmem>>
      %dma_start3A_129 = arith.constant 0 : i32
      %dma_start3A_130 = tpu.memref_slice %arg10[%multiple_of3A_52, %dma_start3A_129] : memref<10000x128xf32, #tpu.memory_space<vmem_shared>> -> memref<80x128xf32, #tpu.memory_space<vmem_shared>>
      %dma_start3A_131 = arith.constant 0 : i32
      %dma_start3A_132 = tpu.memref_slice %arg10[%multiple_of3A_52, %dma_start3A_131] : memref<10000x128xf32, #tpu.memory_space<vmem_shared>> -> memref<80x128xf32, #tpu.memory_space<vmem_shared>>
      %dma_start3A_133 = arith.constant 0 : i32
      %dma_start3A_134 = arith.constant 0 : i32
      %dma_start3A_135 = tpu.memref_slice %arg8[%dma_start3A_133, %dma_start3A_134] : memref<80x128xf32, #tpu.memory_space<vmem>> -> memref<80x128xf32, #tpu.memory_space<vmem>>
      tpu.enqueue_dma source(%dma_start3A_135 : memref<80x128xf32, #tpu.memory_space<vmem>>) target(%dma_start3A_132 : memref<80x128xf32, #tpu.memory_space<vmem_shared>>) target_semaphore(%run_scoped3A_125 : memref<!tpu.dma_semaphore, #tpu.memory_space<semaphore_mem>>)
      %dma_wait3A_136 = arith.constant 0 : i32
      %dma_wait3A_137 = arith.constant 0 : i32
      %dma_wait3A_138 = tpu.memref_slice %arg8[%dma_wait3A_136, %dma_wait3A_137] : memref<80x128xf32, #tpu.memory_space<vmem>> -> memref<80x128xf32, #tpu.memory_space<vmem>>
      %dma_wait3A_139 = arith.constant 0 : i32
      %dma_wait3A_140 = tpu.memref_slice %arg10[%multiple_of3A_52, %dma_wait3A_139] : memref<10000x128xf32, #tpu.memory_space<vmem_shared>> -> memref<80x128xf32, #tpu.memory_space<vmem_shared>>
      %dma_wait3A_141 = arith.constant 0 : i32
      %dma_wait3A_142 = tpu.memref_slice %arg10[%multiple_of3A_52, %dma_wait3A_141] : memref<10000x128xf32, #tpu.memory_space<vmem_shared>> -> memref<80x128xf32, #tpu.memory_space<vmem_shared>>
      %dma_wait3A_143 = arith.constant 0 : i32
      %dma_wait3A_144 = arith.constant 0 : i32
      %dma_wait3A_145 = tpu.memref_slice %arg8[%dma_wait3A_143, %dma_wait3A_144] : memref<80x128xf32, #tpu.memory_space<vmem>> -> memref<80x128xf32, #tpu.memory_space<vmem>>
      tpu.wait_dma2 semaphore(%run_scoped3A_125 : memref<!tpu.dma_semaphore, #tpu.memory_space<semaphore_mem>>) src(%dma_wait3A_145 : memref<80x128xf32, #tpu.memory_space<vmem>>) dst(%dma_wait3A_142 : memref<80x128xf32, #tpu.memory_space<vmem_shared>>)
      tpu.yield
    }) : () -> ()
    %add3A_53 = arith.constant 112 : i32
    %add3A_54 = arith.addi %add3A_53, %arg1 : i32
    %lt3A = arith.constant 125 : i32
    %lt3A_55 = arith.cmpi slt, %add3A_54, %lt3A : i32
    %convert_element_type3A = arith.extui %lt3A_55 : i1 to i32
    %cond3A = arith.constant 0 : i32
    %cond3A_56 = arith.cmpi ne, %convert_element_type3A, %cond3A : i32
    scf.if %cond3A_56 {
      %mul3A_125 = arith.constant 80 : i32
      %mul3A_126 = arith.muli %add3A_54, %mul3A_125 : i32
      %multiple_of3A_127 = tpu.assume_multiple %mul3A_126, 8 : i32
      "tpu.region"() ({
        %run_scoped3A_128 = tpu.sem_alloc : memref<!tpu.dma_semaphore, #tpu.memory_space<semaphore_mem>>
        %dma_start3A_129 = arith.constant 0 : i32
        %dma_start3A_130 = arith.constant 0 : i32
        %dma_start3A_131 = tpu.memref_slice %arg8[%dma_start3A_129, %dma_start3A_130] : memref<80x128xf32, #tpu.memory_space<vmem>> -> memref<80x128xf32, #tpu.memory_space<vmem>>
        %dma_start3A_132 = arith.constant 0 : i32
        %dma_start3A_133 = tpu.memref_slice %arg10[%multiple_of3A_127, %dma_start3A_132] : memref<10000x128xf32, #tpu.memory_space<vmem_shared>> -> memref<80x128xf32, #tpu.memory_space<vmem_shared>>
        %dma_start3A_134 = arith.constant 0 : i32
        %dma_start3A_135 = tpu.memref_slice %arg10[%multiple_of3A_127, %dma_start3A_134] : memref<10000x128xf32, #tpu.memory_space<vmem_shared>> -> memref<80x128xf32, #tpu.memory_space<vmem_shared>>
        %dma_start3A_136 = arith.constant 0 : i32
        %dma_start3A_137 = arith.constant 0 : i32
        %dma_start3A_138 = tpu.memref_slice %arg8[%dma_start3A_136, %dma_start3A_137] : memref<80x128xf32, #tpu.memory_space<vmem>> -> memref<80x128xf32, #tpu.memory_space<vmem>>
        tpu.enqueue_dma source(%dma_start3A_138 : memref<80x128xf32, #tpu.memory_space<vmem>>) target(%dma_start3A_135 : memref<80x128xf32, #tpu.memory_space<vmem_shared>>) target_semaphore(%run_scoped3A_128 : memref<!tpu.dma_semaphore, #tpu.memory_space<semaphore_mem>>)
        %dma_wait3A_139 = arith.constant 0 : i32
        %dma_wait3A_140 = arith.constant 0 : i32
        %dma_wait3A_141 = tpu.memref_slice %arg8[%dma_wait3A_139, %dma_wait3A_140] : memref<80x128xf32, #tpu.memory_space<vmem>> -> memref<80x128xf32, #tpu.memory_space<vmem>>
        %dma_wait3A_142 = arith.constant 0 : i32
        %dma_wait3A_143 = tpu.memref_slice %arg10[%multiple_of3A_127, %dma_wait3A_142] : memref<10000x128xf32, #tpu.memory_space<vmem_shared>> -> memref<80x128xf32, #tpu.memory_space<vmem_shared>>
        %dma_wait3A_144 = arith.constant 0 : i32
        %dma_wait3A_145 = tpu.memref_slice %arg10[%multiple_of3A_127, %dma_wait3A_144] : memref<10000x128xf32, #tpu.memory_space<vmem_shared>> -> memref<80x128xf32, #tpu.memory_space<vmem_shared>>
        %dma_wait3A_146 = arith.constant 0 : i32
        %dma_wait3A_147 = arith.constant 0 : i32
        %dma_wait3A_148 = tpu.memref_slice %arg8[%dma_wait3A_146, %dma_wait3A_147] : memref<80x128xf32, #tpu.memory_space<vmem>> -> memref<80x128xf32, #tpu.memory_space<vmem>>
        tpu.wait_dma2 semaphore(%run_scoped3A_128 : memref<!tpu.dma_semaphore, #tpu.memory_space<semaphore_mem>>) src(%dma_wait3A_148 : memref<80x128xf32, #tpu.memory_space<vmem>>) dst(%dma_wait3A_145 : memref<80x128xf32, #tpu.memory_space<vmem_shared>>)
        tpu.yield
      }) : () -> ()
    } else {
    }
    %dma_wait3A = tpu.memref_slice %arg3[%multiple_of3A] : memref<320000xi32, #tpu.memory_space<hbm>> -> memref<10000xi32, #tpu.memory_space<hbm>>
    %dma_wait3A_57 = tpu.memref_slice %arg3[%multiple_of3A] : memref<320000xi32, #tpu.memory_space<hbm>> -> memref<10000xi32, #tpu.memory_space<hbm>>
    tpu.wait_dma2 semaphore(%arg11 : memref<!tpu.dma_semaphore, #tpu.memory_space<semaphore_mem>>) src(%dma_wait3A_57 : memref<10000xi32, #tpu.memory_space<hbm>>) dst(%arg6 : memref<10000xi32, #tpu.memory_space<vmem>>)
    %dma_wait3A_58 = arith.constant 0 : i32
    %dma_wait3A_59 = arith.constant 0 : i32
    %dma_wait3A_60 = tpu.memref_slice %arg4[%add3A, %dma_wait3A_58, %dma_wait3A_59] : memref<32x125x80xi32, #tpu.memory_space<hbm>> -> memref<1x125x80xi32, #tpu.memory_space<hbm>>
    %dma_wait3A_61 = tpu.memref_squeeze %dma_wait3A_60 : memref<1x125x80xi32, #tpu.memory_space<hbm>> -> memref<125x80xi32, #tpu.memory_space<hbm>>
    %dma_wait3A_62 = arith.constant 0 : i32
    %dma_wait3A_63 = arith.constant 0 : i32
    %dma_wait3A_64 = tpu.memref_slice %arg4[%add3A, %dma_wait3A_62, %dma_wait3A_63] : memref<32x125x80xi32, #tpu.memory_space<hbm>> -> memref<1x125x80xi32, #tpu.memory_space<hbm>>
    %dma_wait3A_65 = tpu.memref_squeeze %dma_wait3A_64 : memref<1x125x80xi32, #tpu.memory_space<hbm>> -> memref<125x80xi32, #tpu.memory_space<hbm>>
    tpu.wait_dma2 semaphore(%arg12 : memref<!tpu.dma_semaphore, #tpu.memory_space<semaphore_mem>>) src(%dma_wait3A_65 : memref<125x80xi32, #tpu.memory_space<hbm>>) dst(%arg7 : memref<125x80xi32, #tpu.memory_space<vmem>>)
    %barrier3A = arith.constant 0 : index
    tpu.barrier barrier_id(%barrier3A)
    %dma_start3A_66 = arith.constant 0 : i32
    %dma_start3A_67 = tpu.memref_slice %arg6[%dma_start3A_66] : memref<10000xi32, #tpu.memory_space<vmem>> -> memref<80xi32, #tpu.memory_space<vmem>>
    %dma_start3A_68 = arith.constant 0 : i32
    %dma_start3A_69 = arith.constant 0 : i32
    %dma_start3A_70 = tpu.memref_slice %arg2[%dma_start3A_68, %dma_start3A_69] : memref<10000x128xf32, #tpu.memory_space<hbm>> -> memref<10000x128xf32, #tpu.memory_space<hbm>>
    tpu.enqueue_indirect_dma source(%dma_start3A_70 : memref<10000x128xf32, #tpu.memory_space<hbm>>) target(%arg8 : memref<80x128xf32, #tpu.memory_space<vmem>>) offsets(%dma_start3A_67 : memref<80xi32, #tpu.memory_space<vmem>>) semaphore(%arg11 : memref<!tpu.dma_semaphore, #tpu.memory_space<semaphore_mem>>)
    %scan3A_71 = arith.constant 0 : i32
    %scan3A_72 = arith.constant 0 : i32
    %scan3A_73 = arith.constant 62 : i32
    %scan3A_74 = arith.addi %scan3A_72, %scan3A_73 : i32
    %scan3A_75 = arith.constant 1 : i32
    scf.for %scan3A_125 = %scan3A_72 to %scan3A_74 step %scan3A_75  : i32 {
      %mul3A_126 = arith.constant 2 : i32
      %mul3A_127 = arith.muli %scan3A_125, %mul3A_126 : i32
      %add3A_128 = arith.constant 1 : i32
      %add3A_129 = arith.addi %mul3A_127, %add3A_128 : i32
      %mul3A_130 = arith.constant 80 : i32
      %mul3A_131 = arith.muli %add3A_129, %mul3A_130 : i32
      %dma_start3A_132 = tpu.memref_slice %arg6[%mul3A_131] : memref<10000xi32, #tpu.memory_space<vmem>> -> memref<80xi32, #tpu.memory_space<vmem>>
      %dma_start3A_133 = arith.constant 0 : i32
      %dma_start3A_134 = arith.constant 0 : i32
      %dma_start3A_135 = tpu.memref_slice %arg2[%dma_start3A_133, %dma_start3A_134] : memref<10000x128xf32, #tpu.memory_space<hbm>> -> memref<10000x128xf32, #tpu.memory_space<hbm>>
      tpu.enqueue_indirect_dma source(%dma_start3A_135 : memref<10000x128xf32, #tpu.memory_space<hbm>>) target(%arg9 : memref<80x128xf32, #tpu.memory_space<vmem>>) offsets(%dma_start3A_132 : memref<80xi32, #tpu.memory_space<vmem>>) semaphore(%arg12 : memref<!tpu.dma_semaphore, #tpu.memory_space<semaphore_mem>>)
      %mul3A_136 = arith.constant 80 : i32
      %mul3A_137 = arith.muli %mul3A_127, %mul3A_136 : i32
      %dma_wait3A_138 = tpu.memref_slice %arg6[%mul3A_137] : memref<10000xi32, #tpu.memory_space<vmem>> -> memref<80xi32, #tpu.memory_space<vmem>>
      %dma_wait3A_139 = arith.constant 0 : i32
      %dma_wait3A_140 = arith.constant 0 : i32
      %dma_wait3A_141 = tpu.memref_slice %arg2[%dma_wait3A_139, %dma_wait3A_140] : memref<10000x128xf32, #tpu.memory_space<hbm>> -> memref<10000x128xf32, #tpu.memory_space<hbm>>
      tpu.wait_indirect_dma semaphore(%arg11 : memref<!tpu.dma_semaphore, #tpu.memory_space<semaphore_mem>>) src(%dma_wait3A_141 : memref<10000x128xf32, #tpu.memory_space<hbm>>) dst(%arg8 : memref<80x128xf32, #tpu.memory_space<vmem>>)
      "tpu.region"() ({
        %run_scoped3A_156 = tpu.sem_alloc : memref<!tpu.dma_semaphore, #tpu.memory_space<semaphore_mem>>
        %dma_start3A_157 = arith.constant 0 : i32
        %dma_start3A_158 = tpu.memref_slice %arg7[%mul3A_127, %dma_start3A_157] : memref<125x80xi32, #tpu.memory_space<vmem>> -> memref<1x80xi32, #tpu.memory_space<vmem>>
        %dma_start3A_159 = tpu.memref_squeeze %dma_start3A_158 : memref<1x80xi32, #tpu.memory_space<vmem>> -> memref<80xi32, #tpu.memory_space<vmem>>
        %dma_start3A_160 = arith.constant 0 : i32
        %dma_start3A_161 = arith.constant 0 : i32
        %dma_start3A_162 = tpu.memref_slice %arg10[%dma_start3A_160, %dma_start3A_161] : memref<10000x128xf32, #tpu.memory_space<vmem_shared>> -> memref<10000x128xf32, #tpu.memory_space<vmem_shared>>
        tpu.enqueue_indirect_dma source(%arg8 : memref<80x128xf32, #tpu.memory_space<vmem>>) target(%dma_start3A_162 : memref<10000x128xf32, #tpu.memory_space<vmem_shared>>) offsets(%dma_start3A_159 : memref<80xi32, #tpu.memory_space<vmem>>) semaphore(%run_scoped3A_156 : memref<!tpu.dma_semaphore, #tpu.memory_space<semaphore_mem>>) {add = true}
        %dma_wait3A_163 = arith.constant 0 : i32
        %dma_wait3A_164 = tpu.memref_slice %arg7[%mul3A_127, %dma_wait3A_163] : memref<125x80xi32, #tpu.memory_space<vmem>> -> memref<1x80xi32, #tpu.memory_space<vmem>>
        %dma_wait3A_165 = tpu.memref_squeeze %dma_wait3A_164 : memref<1x80xi32, #tpu.memory_space<vmem>> -> memref<80xi32, #tpu.memory_space<vmem>>
        %dma_wait3A_166 = arith.constant 0 : i32
        %dma_wait3A_167 = arith.constant 0 : i32
        %dma_wait3A_168 = tpu.memref_slice %arg10[%dma_wait3A_166, %dma_wait3A_167] : memref<10000x128xf32, #tpu.memory_space<vmem_shared>> -> memref<10000x128xf32, #tpu.memory_space<vmem_shared>>
        tpu.wait_indirect_dma semaphore(%run_scoped3A_156 : memref<!tpu.dma_semaphore, #tpu.memory_space<semaphore_mem>>) src(%arg8 : memref<80x128xf32, #tpu.memory_space<vmem>>) dst(%dma_wait3A_168 : memref<10000x128xf32, #tpu.memory_space<vmem_shared>>)
        tpu.yield
      }) : () -> ()
      %add3A_142 = arith.constant 2 : i32
      %add3A_143 = arith.addi %mul3A_127, %add3A_142 : i32
      %mul3A_144 = arith.constant 80 : i32
      %mul3A_145 = arith.muli %add3A_143, %mul3A_144 : i32
      %dma_start3A_146 = tpu.memref_slice %arg6[%mul3A_145] : memref<10000xi32, #tpu.memory_space<vmem>> -> memref<80xi32, #tpu.memory_space<vmem>>
      %dma_start3A_147 = arith.constant 0 : i32
      %dma_start3A_148 = arith.constant 0 : i32
      %dma_start3A_149 = tpu.memref_slice %arg2[%dma_start3A_147, %dma_start3A_148] : memref<10000x128xf32, #tpu.memory_space<hbm>> -> memref<10000x128xf32, #tpu.memory_space<hbm>>
      tpu.enqueue_indirect_dma source(%dma_start3A_149 : memref<10000x128xf32, #tpu.memory_space<hbm>>) target(%arg8 : memref<80x128xf32, #tpu.memory_space<vmem>>) offsets(%dma_start3A_146 : memref<80xi32, #tpu.memory_space<vmem>>) semaphore(%arg11 : memref<!tpu.dma_semaphore, #tpu.memory_space<semaphore_mem>>)
      %mul3A_150 = arith.constant 80 : i32
      %mul3A_151 = arith.muli %add3A_129, %mul3A_150 : i32
      %dma_wait3A_152 = tpu.memref_slice %arg6[%mul3A_151] : memref<10000xi32, #tpu.memory_space<vmem>> -> memref<80xi32, #tpu.memory_space<vmem>>
      %dma_wait3A_153 = arith.constant 0 : i32
      %dma_wait3A_154 = arith.constant 0 : i32
      %dma_wait3A_155 = tpu.memref_slice %arg2[%dma_wait3A_153, %dma_wait3A_154] : memref<10000x128xf32, #tpu.memory_space<hbm>> -> memref<10000x128xf32, #tpu.memory_space<hbm>>
      tpu.wait_indirect_dma semaphore(%arg12 : memref<!tpu.dma_semaphore, #tpu.memory_space<semaphore_mem>>) src(%dma_wait3A_155 : memref<10000x128xf32, #tpu.memory_space<hbm>>) dst(%arg9 : memref<80x128xf32, #tpu.memory_space<vmem>>)
      "tpu.region"() ({
        %run_scoped3A_156 = tpu.sem_alloc : memref<!tpu.dma_semaphore, #tpu.memory_space<semaphore_mem>>
        %dma_start3A_157 = arith.constant 0 : i32
        %dma_start3A_158 = tpu.memref_slice %arg7[%add3A_129, %dma_start3A_157] : memref<125x80xi32, #tpu.memory_space<vmem>> -> memref<1x80xi32, #tpu.memory_space<vmem>>
        %dma_start3A_159 = tpu.memref_squeeze %dma_start3A_158 : memref<1x80xi32, #tpu.memory_space<vmem>> -> memref<80xi32, #tpu.memory_space<vmem>>
        %dma_start3A_160 = arith.constant 0 : i32
        %dma_start3A_161 = arith.constant 0 : i32
        %dma_start3A_162 = tpu.memref_slice %arg10[%dma_start3A_160, %dma_start3A_161] : memref<10000x128xf32, #tpu.memory_space<vmem_shared>> -> memref<10000x128xf32, #tpu.memory_space<vmem_shared>>
        tpu.enqueue_indirect_dma source(%arg9 : memref<80x128xf32, #tpu.memory_space<vmem>>) target(%dma_start3A_162 : memref<10000x128xf32, #tpu.memory_space<vmem_shared>>) offsets(%dma_start3A_159 : memref<80xi32, #tpu.memory_space<vmem>>) semaphore(%run_scoped3A_156 : memref<!tpu.dma_semaphore, #tpu.memory_space<semaphore_mem>>) {add = true}
        %dma_wait3A_163 = arith.constant 0 : i32
        %dma_wait3A_164 = tpu.memref_slice %arg7[%add3A_129, %dma_wait3A_163] : memref<125x80xi32, #tpu.memory_space<vmem>> -> memref<1x80xi32, #tpu.memory_space<vmem>>
        %dma_wait3A_165 = tpu.memref_squeeze %dma_wait3A_164 : memref<1x80xi32, #tpu.memory_space<vmem>> -> memref<80xi32, #tpu.memory_space<vmem>>
        %dma_wait3A_166 = arith.constant 0 : i32
        %dma_wait3A_167 = arith.constant 0 : i32
        %dma_wait3A_168 = tpu.memref_slice %arg10[%dma_wait3A_166, %dma_wait3A_167] : memref<10000x128xf32, #tpu.memory_space<vmem_shared>> -> memref<10000x128xf32, #tpu.memory_space<vmem_shared>>
        tpu.wait_indirect_dma semaphore(%run_scoped3A_156 : memref<!tpu.dma_semaphore, #tpu.memory_space<semaphore_mem>>) src(%arg9 : memref<80x128xf32, #tpu.memory_space<vmem>>) dst(%dma_wait3A_168 : memref<10000x128xf32, #tpu.memory_space<vmem_shared>>)
        tpu.yield
      }) : () -> ()
    }
    %scan3A_76 = arith.constant 62 : i32
    %dma_wait3A_77 = arith.constant 9920 : i32
    %dma_wait3A_78 = tpu.memref_slice %arg6[%dma_wait3A_77] : memref<10000xi32, #tpu.memory_space<vmem>> -> memref<80xi32, #tpu.memory_space<vmem>>
    %dma_wait3A_79 = arith.constant 0 : i32
    %dma_wait3A_80 = arith.constant 0 : i32
    %dma_wait3A_81 = tpu.memref_slice %arg2[%dma_wait3A_79, %dma_wait3A_80] : memref<10000x128xf32, #tpu.memory_space<hbm>> -> memref<10000x128xf32, #tpu.memory_space<hbm>>
    tpu.wait_indirect_dma semaphore(%arg11 : memref<!tpu.dma_semaphore, #tpu.memory_space<semaphore_mem>>) src(%dma_wait3A_81 : memref<10000x128xf32, #tpu.memory_space<hbm>>) dst(%arg8 : memref<80x128xf32, #tpu.memory_space<vmem>>)
    %run_scoped3A = arith.constant 124 : i32
    "tpu.region"() ({
      %run_scoped3A_125 = tpu.sem_alloc : memref<!tpu.dma_semaphore, #tpu.memory_space<semaphore_mem>>
      %dma_start3A_126 = arith.constant 0 : i32
      %dma_start3A_127 = tpu.memref_slice %arg7[%run_scoped3A, %dma_start3A_126] : memref<125x80xi32, #tpu.memory_space<vmem>> -> memref<1x80xi32, #tpu.memory_space<vmem>>
      %dma_start3A_128 = tpu.memref_squeeze %dma_start3A_127 : memref<1x80xi32, #tpu.memory_space<vmem>> -> memref<80xi32, #tpu.memory_space<vmem>>
      %dma_start3A_129 = arith.constant 0 : i32
      %dma_start3A_130 = arith.constant 0 : i32
      %dma_start3A_131 = tpu.memref_slice %arg10[%dma_start3A_129, %dma_start3A_130] : memref<10000x128xf32, #tpu.memory_space<vmem_shared>> -> memref<10000x128xf32, #tpu.memory_space<vmem_shared>>
      tpu.enqueue_indirect_dma source(%arg8 : memref<80x128xf32, #tpu.memory_space<vmem>>) target(%dma_start3A_131 : memref<10000x128xf32, #tpu.memory_space<vmem_shared>>) offsets(%dma_start3A_128 : memref<80xi32, #tpu.memory_space<vmem>>) semaphore(%run_scoped3A_125 : memref<!tpu.dma_semaphore, #tpu.memory_space<semaphore_mem>>) {add = true}
      %dma_wait3A_132 = arith.constant 0 : i32
      %dma_wait3A_133 = tpu.memref_slice %arg7[%run_scoped3A, %dma_wait3A_132] : memref<125x80xi32, #tpu.memory_space<vmem>> -> memref<1x80xi32, #tpu.memory_space<vmem>>
      %dma_wait3A_134 = tpu.memref_squeeze %dma_wait3A_133 : memref<1x80xi32, #tpu.memory_space<vmem>> -> memref<80xi32, #tpu.memory_space<vmem>>
      %dma_wait3A_135 = arith.constant 0 : i32
      %dma_wait3A_136 = arith.constant 0 : i32
      %dma_wait3A_137 = tpu.memref_slice %arg10[%dma_wait3A_135, %dma_wait3A_136] : memref<10000x128xf32, #tpu.memory_space<vmem_shared>> -> memref<10000x128xf32, #tpu.memory_space<vmem_shared>>
      tpu.wait_indirect_dma semaphore(%run_scoped3A_125 : memref<!tpu.dma_semaphore, #tpu.memory_space<semaphore_mem>>) src(%arg8 : memref<80x128xf32, #tpu.memory_space<vmem>>) dst(%dma_wait3A_137 : memref<10000x128xf32, #tpu.memory_space<vmem_shared>>)
      tpu.yield
    }) : () -> ()
    %barrier3A_82 = arith.constant 0 : index
    tpu.barrier barrier_id(%barrier3A_82)
    %add3A_83 = arith.constant 0 : i32
    %add3A_84 = arith.addi %add3A_83, %arg1 : i32
    %mul3A_85 = arith.constant 80 : i32
    %mul3A_86 = arith.muli %add3A_84, %mul3A_85 : i32
    %multiple_of3A_87 = tpu.assume_multiple %mul3A_86, 8 : i32
    "tpu.region"() ({
      %run_scoped3A_125 = tpu.sem_alloc : memref<!tpu.dma_semaphore, #tpu.memory_space<semaphore_mem>>
      %dma_start3A_126 = arith.constant 0 : i32
      %dma_start3A_127 = arith.constant 0 : i32
      %dma_start3A_128 = tpu.memref_slice %arg8[%dma_start3A_126, %dma_start3A_127] : memref<80x128xf32, #tpu.memory_space<vmem>> -> memref<80x128xf32, #tpu.memory_space<vmem>>
      %dma_start3A_129 = arith.constant 0 : i32
      %dma_start3A_130 = tpu.memref_slice %arg10[%multiple_of3A_87, %dma_start3A_129] : memref<10000x128xf32, #tpu.memory_space<vmem_shared>> -> memref<80x128xf32, #tpu.memory_space<vmem_shared>>
      %dma_start3A_131 = arith.constant 0 : i32
      %dma_start3A_132 = arith.constant 0 : i32
      %dma_start3A_133 = tpu.memref_slice %arg8[%dma_start3A_131, %dma_start3A_132] : memref<80x128xf32, #tpu.memory_space<vmem>> -> memref<80x128xf32, #tpu.memory_space<vmem>>
      %dma_start3A_134 = arith.constant 0 : i32
      %dma_start3A_135 = tpu.memref_slice %arg10[%multiple_of3A_87, %dma_start3A_134] : memref<10000x128xf32, #tpu.memory_space<vmem_shared>> -> memref<80x128xf32, #tpu.memory_space<vmem_shared>>
      tpu.enqueue_dma source(%dma_start3A_135 : memref<80x128xf32, #tpu.memory_space<vmem_shared>>) target(%dma_start3A_133 : memref<80x128xf32, #tpu.memory_space<vmem>>) target_semaphore(%run_scoped3A_125 : memref<!tpu.dma_semaphore, #tpu.memory_space<semaphore_mem>>)
      %dma_wait3A_136 = arith.constant 0 : i32
      %dma_wait3A_137 = arith.constant 0 : i32
      %dma_wait3A_138 = tpu.memref_slice %arg8[%dma_wait3A_136, %dma_wait3A_137] : memref<80x128xf32, #tpu.memory_space<vmem>> -> memref<80x128xf32, #tpu.memory_space<vmem>>
      %dma_wait3A_139 = arith.constant 0 : i32
      %dma_wait3A_140 = tpu.memref_slice %arg10[%multiple_of3A_87, %dma_wait3A_139] : memref<10000x128xf32, #tpu.memory_space<vmem_shared>> -> memref<80x128xf32, #tpu.memory_space<vmem_shared>>
      %dma_wait3A_141 = arith.constant 0 : i32
      %dma_wait3A_142 = arith.constant 0 : i32
      %dma_wait3A_143 = tpu.memref_slice %arg8[%dma_wait3A_141, %dma_wait3A_142] : memref<80x128xf32, #tpu.memory_space<vmem>> -> memref<80x128xf32, #tpu.memory_space<vmem>>
      %dma_wait3A_144 = arith.constant 0 : i32
      %dma_wait3A_145 = tpu.memref_slice %arg10[%multiple_of3A_87, %dma_wait3A_144] : memref<10000x128xf32, #tpu.memory_space<vmem_shared>> -> memref<80x128xf32, #tpu.memory_space<vmem_shared>>
      tpu.wait_dma2 semaphore(%run_scoped3A_125 : memref<!tpu.dma_semaphore, #tpu.memory_space<semaphore_mem>>) src(%dma_wait3A_145 : memref<80x128xf32, #tpu.memory_space<vmem_shared>>) dst(%dma_wait3A_143 : memref<80x128xf32, #tpu.memory_space<vmem>>)
      tpu.yield
    }) : () -> ()
    "tpu.region"() ({
      %run_scoped3A_125 = tpu.sem_alloc : memref<!tpu.dma_semaphore, #tpu.memory_space<semaphore_mem>>
      %dma_start3A_126 = arith.constant 0 : i32
      %dma_start3A_127 = arith.constant 0 : i32
      %dma_start3A_128 = tpu.memref_slice %arg8[%dma_start3A_126, %dma_start3A_127] : memref<80x128xf32, #tpu.memory_space<vmem>> -> memref<80x128xf32, #tpu.memory_space<vmem>>
      %dma_start3A_129 = arith.constant 0 : i32
      %dma_start3A_130 = tpu.memref_slice %arg5[%arg0, %multiple_of3A_87, %dma_start3A_129] : memref<2x10000x128xf32, #tpu.memory_space<hbm>> -> memref<1x80x128xf32, #tpu.memory_space<hbm>>
      %dma_start3A_131 = tpu.memref_squeeze %dma_start3A_130 : memref<1x80x128xf32, #tpu.memory_space<hbm>> -> memref<80x128xf32, #tpu.memory_space<hbm>>
      %dma_start3A_132 = arith.constant 0 : i32
      %dma_start3A_133 = tpu.memref_slice %arg5[%arg0, %multiple_of3A_87, %dma_start3A_132] : memref<2x10000x128xf32, #tpu.memory_space<hbm>> -> memref<1x80x128xf32, #tpu.memory_space<hbm>>
      %dma_start3A_134 = tpu.memref_squeeze %dma_start3A_133 : memref<1x80x128xf32, #tpu.memory_space<hbm>> -> memref<80x128xf32, #tpu.memory_space<hbm>>
      %dma_start3A_135 = arith.constant 0 : i32
      %dma_start3A_136 = arith.constant 0 : i32
      %dma_start3A_137 = tpu.memref_slice %arg8[%dma_start3A_135, %dma_start3A_136] : memref<80x128xf32, #tpu.memory_space<vmem>> -> memref<80x128xf32, #tpu.memory_space<vmem>>
      tpu.enqueue_dma source(%dma_start3A_137 : memref<80x128xf32, #tpu.memory_space<vmem>>) target(%dma_start3A_134 : memref<80x128xf32, #tpu.memory_space<hbm>>) target_semaphore(%run_scoped3A_125 : memref<!tpu.dma_semaphore, #tpu.memory_space<semaphore_mem>>)
      %dma_wait3A_138 = arith.constant 0 : i32
      %dma_wait3A_139 = arith.constant 0 : i32
      %dma_wait3A_140 = tpu.memref_slice %arg8[%dma_wait3A_138, %dma_wait3A_139] : memref<80x128xf32, #tpu.memory_space<vmem>> -> memref<80x128xf32, #tpu.memory_space<vmem>>
      %dma_wait3A_141 = arith.constant 0 : i32
      %dma_wait3A_142 = tpu.memref_slice %arg5[%arg0, %multiple_of3A_87, %dma_wait3A_141] : memref<2x10000x128xf32, #tpu.memory_space<hbm>> -> memref<1x80x128xf32, #tpu.memory_space<hbm>>
      %dma_wait3A_143 = tpu.memref_squeeze %dma_wait3A_142 : memref<1x80x128xf32, #tpu.memory_space<hbm>> -> memref<80x128xf32, #tpu.memory_space<hbm>>
      %dma_wait3A_144 = arith.constant 0 : i32
      %dma_wait3A_145 = tpu.memref_slice %arg5[%arg0, %multiple_of3A_87, %dma_wait3A_144] : memref<2x10000x128xf32, #tpu.memory_space<hbm>> -> memref<1x80x128xf32, #tpu.memory_space<hbm>>
      %dma_wait3A_146 = tpu.memref_squeeze %dma_wait3A_145 : memref<1x80x128xf32, #tpu.memory_space<hbm>> -> memref<80x128xf32, #tpu.memory_space<hbm>>
      %dma_wait3A_147 = arith.constant 0 : i32
      %dma_wait3A_148 = arith.constant 0 : i32
      %dma_wait3A_149 = tpu.memref_slice %arg8[%dma_wait3A_147, %dma_wait3A_148] : memref<80x128xf32, #tpu.memory_space<vmem>> -> memref<80x128xf32, #tpu.memory_space<vmem>>
      tpu.wait_dma2 semaphore(%run_scoped3A_125 : memref<!tpu.dma_semaphore, #tpu.memory_space<semaphore_mem>>) src(%dma_wait3A_149 : memref<80x128xf32, #tpu.memory_space<vmem>>) dst(%dma_wait3A_146 : memref<80x128xf32, #tpu.memory_space<hbm>>)
      tpu.yield
    }) : () -> ()
    %add3A_88 = arith.constant 16 : i32
    %add3A_89 = arith.addi %add3A_88, %arg1 : i32
    %mul3A_90 = arith.constant 80 : i32
    %mul3A_91 = arith.muli %add3A_89, %mul3A_90 : i32
    %multiple_of3A_92 = tpu.assume_multiple %mul3A_91, 8 : i32
    "tpu.region"() ({
      %run_scoped3A_125 = tpu.sem_alloc : memref<!tpu.dma_semaphore, #tpu.memory_space<semaphore_mem>>
      %dma_start3A_126 = arith.constant 0 : i32
      %dma_start3A_127 = arith.constant 0 : i32
      %dma_start3A_128 = tpu.memref_slice %arg8[%dma_start3A_126, %dma_start3A_127] : memref<80x128xf32, #tpu.memory_space<vmem>> -> memref<80x128xf32, #tpu.memory_space<vmem>>
      %dma_start3A_129 = arith.constant 0 : i32
      %dma_start3A_130 = tpu.memref_slice %arg10[%multiple_of3A_92, %dma_start3A_129] : memref<10000x128xf32, #tpu.memory_space<vmem_shared>> -> memref<80x128xf32, #tpu.memory_space<vmem_shared>>
      %dma_start3A_131 = arith.constant 0 : i32
      %dma_start3A_132 = arith.constant 0 : i32
      %dma_start3A_133 = tpu.memref_slice %arg8[%dma_start3A_131, %dma_start3A_132] : memref<80x128xf32, #tpu.memory_space<vmem>> -> memref<80x128xf32, #tpu.memory_space<vmem>>
      %dma_start3A_134 = arith.constant 0 : i32
      %dma_start3A_135 = tpu.memref_slice %arg10[%multiple_of3A_92, %dma_start3A_134] : memref<10000x128xf32, #tpu.memory_space<vmem_shared>> -> memref<80x128xf32, #tpu.memory_space<vmem_shared>>
      tpu.enqueue_dma source(%dma_start3A_135 : memref<80x128xf32, #tpu.memory_space<vmem_shared>>) target(%dma_start3A_133 : memref<80x128xf32, #tpu.memory_space<vmem>>) target_semaphore(%run_scoped3A_125 : memref<!tpu.dma_semaphore, #tpu.memory_space<semaphore_mem>>)
      %dma_wait3A_136 = arith.constant 0 : i32
      %dma_wait3A_137 = arith.constant 0 : i32
      %dma_wait3A_138 = tpu.memref_slice %arg8[%dma_wait3A_136, %dma_wait3A_137] : memref<80x128xf32, #tpu.memory_space<vmem>> -> memref<80x128xf32, #tpu.memory_space<vmem>>
      %dma_wait3A_139 = arith.constant 0 : i32
      %dma_wait3A_140 = tpu.memref_slice %arg10[%multiple_of3A_92, %dma_wait3A_139] : memref<10000x128xf32, #tpu.memory_space<vmem_shared>> -> memref<80x128xf32, #tpu.memory_space<vmem_shared>>
      %dma_wait3A_141 = arith.constant 0 : i32
      %dma_wait3A_142 = arith.constant 0 : i32
      %dma_wait3A_143 = tpu.memref_slice %arg8[%dma_wait3A_141, %dma_wait3A_142] : memref<80x128xf32, #tpu.memory_space<vmem>> -> memref<80x128xf32, #tpu.memory_space<vmem>>
      %dma_wait3A_144 = arith.constant 0 : i32
      %dma_wait3A_145 = tpu.memref_slice %arg10[%multiple_of3A_92, %dma_wait3A_144] : memref<10000x128xf32, #tpu.memory_space<vmem_shared>> -> memref<80x128xf32, #tpu.memory_space<vmem_shared>>
      tpu.wait_dma2 semaphore(%run_scoped3A_125 : memref<!tpu.dma_semaphore, #tpu.memory_space<semaphore_mem>>) src(%dma_wait3A_145 : memref<80x128xf32, #tpu.memory_space<vmem_shared>>) dst(%dma_wait3A_143 : memref<80x128xf32, #tpu.memory_space<vmem>>)
      tpu.yield
    }) : () -> ()
    "tpu.region"() ({
      %run_scoped3A_125 = tpu.sem_alloc : memref<!tpu.dma_semaphore, #tpu.memory_space<semaphore_mem>>
      %dma_start3A_126 = arith.constant 0 : i32
      %dma_start3A_127 = arith.constant 0 : i32
      %dma_start3A_128 = tpu.memref_slice %arg8[%dma_start3A_126, %dma_start3A_127] : memref<80x128xf32, #tpu.memory_space<vmem>> -> memref<80x128xf32, #tpu.memory_space<vmem>>
      %dma_start3A_129 = arith.constant 0 : i32
      %dma_start3A_130 = tpu.memref_slice %arg5[%arg0, %multiple_of3A_92, %dma_start3A_129] : memref<2x10000x128xf32, #tpu.memory_space<hbm>> -> memref<1x80x128xf32, #tpu.memory_space<hbm>>
      %dma_start3A_131 = tpu.memref_squeeze %dma_start3A_130 : memref<1x80x128xf32, #tpu.memory_space<hbm>> -> memref<80x128xf32, #tpu.memory_space<hbm>>
      %dma_start3A_132 = arith.constant 0 : i32
      %dma_start3A_133 = tpu.memref_slice %arg5[%arg0, %multiple_of3A_92, %dma_start3A_132] : memref<2x10000x128xf32, #tpu.memory_space<hbm>> -> memref<1x80x128xf32, #tpu.memory_space<hbm>>
      %dma_start3A_134 = tpu.memref_squeeze %dma_start3A_133 : memref<1x80x128xf32, #tpu.memory_space<hbm>> -> memref<80x128xf32, #tpu.memory_space<hbm>>
      %dma_start3A_135 = arith.constant 0 : i32
      %dma_start3A_136 = arith.constant 0 : i32
      %dma_start3A_137 = tpu.memref_slice %arg8[%dma_start3A_135, %dma_start3A_136] : memref<80x128xf32, #tpu.memory_space<vmem>> -> memref<80x128xf32, #tpu.memory_space<vmem>>
      tpu.enqueue_dma source(%dma_start3A_137 : memref<80x128xf32, #tpu.memory_space<vmem>>) target(%dma_start3A_134 : memref<80x128xf32, #tpu.memory_space<hbm>>) target_semaphore(%run_scoped3A_125 : memref<!tpu.dma_semaphore, #tpu.memory_space<semaphore_mem>>)
      %dma_wait3A_138 = arith.constant 0 : i32
      %dma_wait3A_139 = arith.constant 0 : i32
      %dma_wait3A_140 = tpu.memref_slice %arg8[%dma_wait3A_138, %dma_wait3A_139] : memref<80x128xf32, #tpu.memory_space<vmem>> -> memref<80x128xf32, #tpu.memory_space<vmem>>
      %dma_wait3A_141 = arith.constant 0 : i32
      %dma_wait3A_142 = tpu.memref_slice %arg5[%arg0, %multiple_of3A_92, %dma_wait3A_141] : memref<2x10000x128xf32, #tpu.memory_space<hbm>> -> memref<1x80x128xf32, #tpu.memory_space<hbm>>
      %dma_wait3A_143 = tpu.memref_squeeze %dma_wait3A_142 : memref<1x80x128xf32, #tpu.memory_space<hbm>> -> memref<80x128xf32, #tpu.memory_space<hbm>>
      %dma_wait3A_144 = arith.constant 0 : i32
      %dma_wait3A_145 = tpu.memref_slice %arg5[%arg0, %multiple_of3A_92, %dma_wait3A_144] : memref<2x10000x128xf32, #tpu.memory_space<hbm>> -> memref<1x80x128xf32, #tpu.memory_space<hbm>>
      %dma_wait3A_146 = tpu.memref_squeeze %dma_wait3A_145 : memref<1x80x128xf32, #tpu.memory_space<hbm>> -> memref<80x128xf32, #tpu.memory_space<hbm>>
      %dma_wait3A_147 = arith.constant 0 : i32
      %dma_wait3A_148 = arith.constant 0 : i32
      %dma_wait3A_149 = tpu.memref_slice %arg8[%dma_wait3A_147, %dma_wait3A_148] : memref<80x128xf32, #tpu.memory_space<vmem>> -> memref<80x128xf32, #tpu.memory_space<vmem>>
      tpu.wait_dma2 semaphore(%run_scoped3A_125 : memref<!tpu.dma_semaphore, #tpu.memory_space<semaphore_mem>>) src(%dma_wait3A_149 : memref<80x128xf32, #tpu.memory_space<vmem>>) dst(%dma_wait3A_146 : memref<80x128xf32, #tpu.memory_space<hbm>>)
      tpu.yield
    }) : () -> ()
    %add3A_93 = arith.constant 32 : i32
    %add3A_94 = arith.addi %add3A_93, %arg1 : i32
    %mul3A_95 = arith.constant 80 : i32
    %mul3A_96 = arith.muli %add3A_94, %mul3A_95 : i32
    %multiple_of3A_97 = tpu.assume_multiple %mul3A_96, 8 : i32
    "tpu.region"() ({
      %run_scoped3A_125 = tpu.sem_alloc : memref<!tpu.dma_semaphore, #tpu.memory_space<semaphore_mem>>
      %dma_start3A_126 = arith.constant 0 : i32
      %dma_start3A_127 = arith.constant 0 : i32
      %dma_start3A_128 = tpu.memref_slice %arg8[%dma_start3A_126, %dma_start3A_127] : memref<80x128xf32, #tpu.memory_space<vmem>> -> memref<80x128xf32, #tpu.memory_space<vmem>>
      %dma_start3A_129 = arith.constant 0 : i32
      %dma_start3A_130 = tpu.memref_slice %arg10[%multiple_of3A_97, %dma_start3A_129] : memref<10000x128xf32, #tpu.memory_space<vmem_shared>> -> memref<80x128xf32, #tpu.memory_space<vmem_shared>>
      %dma_start3A_131 = arith.constant 0 : i32
      %dma_start3A_132 = arith.constant 0 : i32
      %dma_start3A_133 = tpu.memref_slice %arg8[%dma_start3A_131, %dma_start3A_132] : memref<80x128xf32, #tpu.memory_space<vmem>> -> memref<80x128xf32, #tpu.memory_space<vmem>>
      %dma_start3A_134 = arith.constant 0 : i32
      %dma_start3A_135 = tpu.memref_slice %arg10[%multiple_of3A_97, %dma_start3A_134] : memref<10000x128xf32, #tpu.memory_space<vmem_shared>> -> memref<80x128xf32, #tpu.memory_space<vmem_shared>>
      tpu.enqueue_dma source(%dma_start3A_135 : memref<80x128xf32, #tpu.memory_space<vmem_shared>>) target(%dma_start3A_133 : memref<80x128xf32, #tpu.memory_space<vmem>>) target_semaphore(%run_scoped3A_125 : memref<!tpu.dma_semaphore, #tpu.memory_space<semaphore_mem>>)
      %dma_wait3A_136 = arith.constant 0 : i32
      %dma_wait3A_137 = arith.constant 0 : i32
      %dma_wait3A_138 = tpu.memref_slice %arg8[%dma_wait3A_136, %dma_wait3A_137] : memref<80x128xf32, #tpu.memory_space<vmem>> -> memref<80x128xf32, #tpu.memory_space<vmem>>
      %dma_wait3A_139 = arith.constant 0 : i32
      %dma_wait3A_140 = tpu.memref_slice %arg10[%multiple_of3A_97, %dma_wait3A_139] : memref<10000x128xf32, #tpu.memory_space<vmem_shared>> -> memref<80x128xf32, #tpu.memory_space<vmem_shared>>
      %dma_wait3A_141 = arith.constant 0 : i32
      %dma_wait3A_142 = arith.constant 0 : i32
      %dma_wait3A_143 = tpu.memref_slice %arg8[%dma_wait3A_141, %dma_wait3A_142] : memref<80x128xf32, #tpu.memory_space<vmem>> -> memref<80x128xf32, #tpu.memory_space<vmem>>
      %dma_wait3A_144 = arith.constant 0 : i32
      %dma_wait3A_145 = tpu.memref_slice %arg10[%multiple_of3A_97, %dma_wait3A_144] : memref<10000x128xf32, #tpu.memory_space<vmem_shared>> -> memref<80x128xf32, #tpu.memory_space<vmem_shared>>
      tpu.wait_dma2 semaphore(%run_scoped3A_125 : memref<!tpu.dma_semaphore, #tpu.memory_space<semaphore_mem>>) src(%dma_wait3A_145 : memref<80x128xf32, #tpu.memory_space<vmem_shared>>) dst(%dma_wait3A_143 : memref<80x128xf32, #tpu.memory_space<vmem>>)
      tpu.yield
    }) : () -> ()
    "tpu.region"() ({
      %run_scoped3A_125 = tpu.sem_alloc : memref<!tpu.dma_semaphore, #tpu.memory_space<semaphore_mem>>
      %dma_start3A_126 = arith.constant 0 : i32
      %dma_start3A_127 = arith.constant 0 : i32
      %dma_start3A_128 = tpu.memref_slice %arg8[%dma_start3A_126, %dma_start3A_127] : memref<80x128xf32, #tpu.memory_space<vmem>> -> memref<80x128xf32, #tpu.memory_space<vmem>>
      %dma_start3A_129 = arith.constant 0 : i32
      %dma_start3A_130 = tpu.memref_slice %arg5[%arg0, %multiple_of3A_97, %dma_start3A_129] : memref<2x10000x128xf32, #tpu.memory_space<hbm>> -> memref<1x80x128xf32, #tpu.memory_space<hbm>>
      %dma_start3A_131 = tpu.memref_squeeze %dma_start3A_130 : memref<1x80x128xf32, #tpu.memory_space<hbm>> -> memref<80x128xf32, #tpu.memory_space<hbm>>
      %dma_start3A_132 = arith.constant 0 : i32
      %dma_start3A_133 = tpu.memref_slice %arg5[%arg0, %multiple_of3A_97, %dma_start3A_132] : memref<2x10000x128xf32, #tpu.memory_space<hbm>> -> memref<1x80x128xf32, #tpu.memory_space<hbm>>
      %dma_start3A_134 = tpu.memref_squeeze %dma_start3A_133 : memref<1x80x128xf32, #tpu.memory_space<hbm>> -> memref<80x128xf32, #tpu.memory_space<hbm>>
      %dma_start3A_135 = arith.constant 0 : i32
      %dma_start3A_136 = arith.constant 0 : i32
      %dma_start3A_137 = tpu.memref_slice %arg8[%dma_start3A_135, %dma_start3A_136] : memref<80x128xf32, #tpu.memory_space<vmem>> -> memref<80x128xf32, #tpu.memory_space<vmem>>
      tpu.enqueue_dma source(%dma_start3A_137 : memref<80x128xf32, #tpu.memory_space<vmem>>) target(%dma_start3A_134 : memref<80x128xf32, #tpu.memory_space<hbm>>) target_semaphore(%run_scoped3A_125 : memref<!tpu.dma_semaphore, #tpu.memory_space<semaphore_mem>>)
      %dma_wait3A_138 = arith.constant 0 : i32
      %dma_wait3A_139 = arith.constant 0 : i32
      %dma_wait3A_140 = tpu.memref_slice %arg8[%dma_wait3A_138, %dma_wait3A_139] : memref<80x128xf32, #tpu.memory_space<vmem>> -> memref<80x128xf32, #tpu.memory_space<vmem>>
      %dma_wait3A_141 = arith.constant 0 : i32
      %dma_wait3A_142 = tpu.memref_slice %arg5[%arg0, %multiple_of3A_97, %dma_wait3A_141] : memref<2x10000x128xf32, #tpu.memory_space<hbm>> -> memref<1x80x128xf32, #tpu.memory_space<hbm>>
      %dma_wait3A_143 = tpu.memref_squeeze %dma_wait3A_142 : memref<1x80x128xf32, #tpu.memory_space<hbm>> -> memref<80x128xf32, #tpu.memory_space<hbm>>
      %dma_wait3A_144 = arith.constant 0 : i32
      %dma_wait3A_145 = tpu.memref_slice %arg5[%arg0, %multiple_of3A_97, %dma_wait3A_144] : memref<2x10000x128xf32, #tpu.memory_space<hbm>> -> memref<1x80x128xf32, #tpu.memory_space<hbm>>
      %dma_wait3A_146 = tpu.memref_squeeze %dma_wait3A_145 : memref<1x80x128xf32, #tpu.memory_space<hbm>> -> memref<80x128xf32, #tpu.memory_space<hbm>>
      %dma_wait3A_147 = arith.constant 0 : i32
      %dma_wait3A_148 = arith.constant 0 : i32
      %dma_wait3A_149 = tpu.memref_slice %arg8[%dma_wait3A_147, %dma_wait3A_148] : memref<80x128xf32, #tpu.memory_space<vmem>> -> memref<80x128xf32, #tpu.memory_space<vmem>>
      tpu.wait_dma2 semaphore(%run_scoped3A_125 : memref<!tpu.dma_semaphore, #tpu.memory_space<semaphore_mem>>) src(%dma_wait3A_149 : memref<80x128xf32, #tpu.memory_space<vmem>>) dst(%dma_wait3A_146 : memref<80x128xf32, #tpu.memory_space<hbm>>)
      tpu.yield
    }) : () -> ()
    %add3A_98 = arith.constant 48 : i32
    %add3A_99 = arith.addi %add3A_98, %arg1 : i32
    %mul3A_100 = arith.constant 80 : i32
    %mul3A_101 = arith.muli %add3A_99, %mul3A_100 : i32
    %multiple_of3A_102 = tpu.assume_multiple %mul3A_101, 8 : i32
    "tpu.region"() ({
      %run_scoped3A_125 = tpu.sem_alloc : memref<!tpu.dma_semaphore, #tpu.memory_space<semaphore_mem>>
      %dma_start3A_126 = arith.constant 0 : i32
      %dma_start3A_127 = arith.constant 0 : i32
      %dma_start3A_128 = tpu.memref_slice %arg8[%dma_start3A_126, %dma_start3A_127] : memref<80x128xf32, #tpu.memory_space<vmem>> -> memref<80x128xf32, #tpu.memory_space<vmem>>
      %dma_start3A_129 = arith.constant 0 : i32
      %dma_start3A_130 = tpu.memref_slice %arg10[%multiple_of3A_102, %dma_start3A_129] : memref<10000x128xf32, #tpu.memory_space<vmem_shared>> -> memref<80x128xf32, #tpu.memory_space<vmem_shared>>
      %dma_start3A_131 = arith.constant 0 : i32
      %dma_start3A_132 = arith.constant 0 : i32
      %dma_start3A_133 = tpu.memref_slice %arg8[%dma_start3A_131, %dma_start3A_132] : memref<80x128xf32, #tpu.memory_space<vmem>> -> memref<80x128xf32, #tpu.memory_space<vmem>>
      %dma_start3A_134 = arith.constant 0 : i32
      %dma_start3A_135 = tpu.memref_slice %arg10[%multiple_of3A_102, %dma_start3A_134] : memref<10000x128xf32, #tpu.memory_space<vmem_shared>> -> memref<80x128xf32, #tpu.memory_space<vmem_shared>>
      tpu.enqueue_dma source(%dma_start3A_135 : memref<80x128xf32, #tpu.memory_space<vmem_shared>>) target(%dma_start3A_133 : memref<80x128xf32, #tpu.memory_space<vmem>>) target_semaphore(%run_scoped3A_125 : memref<!tpu.dma_semaphore, #tpu.memory_space<semaphore_mem>>)
      %dma_wait3A_136 = arith.constant 0 : i32
      %dma_wait3A_137 = arith.constant 0 : i32
      %dma_wait3A_138 = tpu.memref_slice %arg8[%dma_wait3A_136, %dma_wait3A_137] : memref<80x128xf32, #tpu.memory_space<vmem>> -> memref<80x128xf32, #tpu.memory_space<vmem>>
      %dma_wait3A_139 = arith.constant 0 : i32
      %dma_wait3A_140 = tpu.memref_slice %arg10[%multiple_of3A_102, %dma_wait3A_139] : memref<10000x128xf32, #tpu.memory_space<vmem_shared>> -> memref<80x128xf32, #tpu.memory_space<vmem_shared>>
      %dma_wait3A_141 = arith.constant 0 : i32
      %dma_wait3A_142 = arith.constant 0 : i32
      %dma_wait3A_143 = tpu.memref_slice %arg8[%dma_wait3A_141, %dma_wait3A_142] : memref<80x128xf32, #tpu.memory_space<vmem>> -> memref<80x128xf32, #tpu.memory_space<vmem>>
      %dma_wait3A_144 = arith.constant 0 : i32
      %dma_wait3A_145 = tpu.memref_slice %arg10[%multiple_of3A_102, %dma_wait3A_144] : memref<10000x128xf32, #tpu.memory_space<vmem_shared>> -> memref<80x128xf32, #tpu.memory_space<vmem_shared>>
      tpu.wait_dma2 semaphore(%run_scoped3A_125 : memref<!tpu.dma_semaphore, #tpu.memory_space<semaphore_mem>>) src(%dma_wait3A_145 : memref<80x128xf32, #tpu.memory_space<vmem_shared>>) dst(%dma_wait3A_143 : memref<80x128xf32, #tpu.memory_space<vmem>>)
      tpu.yield
    }) : () -> ()
    "tpu.region"() ({
      %run_scoped3A_125 = tpu.sem_alloc : memref<!tpu.dma_semaphore, #tpu.memory_space<semaphore_mem>>
      %dma_start3A_126 = arith.constant 0 : i32
      %dma_start3A_127 = arith.constant 0 : i32
      %dma_start3A_128 = tpu.memref_slice %arg8[%dma_start3A_126, %dma_start3A_127] : memref<80x128xf32, #tpu.memory_space<vmem>> -> memref<80x128xf32, #tpu.memory_space<vmem>>
      %dma_start3A_129 = arith.constant 0 : i32
      %dma_start3A_130 = tpu.memref_slice %arg5[%arg0, %multiple_of3A_102, %dma_start3A_129] : memref<2x10000x128xf32, #tpu.memory_space<hbm>> -> memref<1x80x128xf32, #tpu.memory_space<hbm>>
      %dma_start3A_131 = tpu.memref_squeeze %dma_start3A_130 : memref<1x80x128xf32, #tpu.memory_space<hbm>> -> memref<80x128xf32, #tpu.memory_space<hbm>>
      %dma_start3A_132 = arith.constant 0 : i32
      %dma_start3A_133 = tpu.memref_slice %arg5[%arg0, %multiple_of3A_102, %dma_start3A_132] : memref<2x10000x128xf32, #tpu.memory_space<hbm>> -> memref<1x80x128xf32, #tpu.memory_space<hbm>>
      %dma_start3A_134 = tpu.memref_squeeze %dma_start3A_133 : memref<1x80x128xf32, #tpu.memory_space<hbm>> -> memref<80x128xf32, #tpu.memory_space<hbm>>
      %dma_start3A_135 = arith.constant 0 : i32
      %dma_start3A_136 = arith.constant 0 : i32
      %dma_start3A_137 = tpu.memref_slice %arg8[%dma_start3A_135, %dma_start3A_136] : memref<80x128xf32, #tpu.memory_space<vmem>> -> memref<80x128xf32, #tpu.memory_space<vmem>>
      tpu.enqueue_dma source(%dma_start3A_137 : memref<80x128xf32, #tpu.memory_space<vmem>>) target(%dma_start3A_134 : memref<80x128xf32, #tpu.memory_space<hbm>>) target_semaphore(%run_scoped3A_125 : memref<!tpu.dma_semaphore, #tpu.memory_space<semaphore_mem>>)
      %dma_wait3A_138 = arith.constant 0 : i32
      %dma_wait3A_139 = arith.constant 0 : i32
      %dma_wait3A_140 = tpu.memref_slice %arg8[%dma_wait3A_138, %dma_wait3A_139] : memref<80x128xf32, #tpu.memory_space<vmem>> -> memref<80x128xf32, #tpu.memory_space<vmem>>
      %dma_wait3A_141 = arith.constant 0 : i32
      %dma_wait3A_142 = tpu.memref_slice %arg5[%arg0, %multiple_of3A_102, %dma_wait3A_141] : memref<2x10000x128xf32, #tpu.memory_space<hbm>> -> memref<1x80x128xf32, #tpu.memory_space<hbm>>
      %dma_wait3A_143 = tpu.memref_squeeze %dma_wait3A_142 : memref<1x80x128xf32, #tpu.memory_space<hbm>> -> memref<80x128xf32, #tpu.memory_space<hbm>>
      %dma_wait3A_144 = arith.constant 0 : i32
      %dma_wait3A_145 = tpu.memref_slice %arg5[%arg0, %multiple_of3A_102, %dma_wait3A_144] : memref<2x10000x128xf32, #tpu.memory_space<hbm>> -> memref<1x80x128xf32, #tpu.memory_space<hbm>>
      %dma_wait3A_146 = tpu.memref_squeeze %dma_wait3A_145 : memref<1x80x128xf32, #tpu.memory_space<hbm>> -> memref<80x128xf32, #tpu.memory_space<hbm>>
      %dma_wait3A_147 = arith.constant 0 : i32
      %dma_wait3A_148 = arith.constant 0 : i32
      %dma_wait3A_149 = tpu.memref_slice %arg8[%dma_wait3A_147, %dma_wait3A_148] : memref<80x128xf32, #tpu.memory_space<vmem>> -> memref<80x128xf32, #tpu.memory_space<vmem>>
      tpu.wait_dma2 semaphore(%run_scoped3A_125 : memref<!tpu.dma_semaphore, #tpu.memory_space<semaphore_mem>>) src(%dma_wait3A_149 : memref<80x128xf32, #tpu.memory_space<vmem>>) dst(%dma_wait3A_146 : memref<80x128xf32, #tpu.memory_space<hbm>>)
      tpu.yield
    }) : () -> ()
    %add3A_103 = arith.constant 64 : i32
    %add3A_104 = arith.addi %add3A_103, %arg1 : i32
    %mul3A_105 = arith.constant 80 : i32
    %mul3A_106 = arith.muli %add3A_104, %mul3A_105 : i32
    %multiple_of3A_107 = tpu.assume_multiple %mul3A_106, 8 : i32
    "tpu.region"() ({
      %run_scoped3A_125 = tpu.sem_alloc : memref<!tpu.dma_semaphore, #tpu.memory_space<semaphore_mem>>
      %dma_start3A_126 = arith.constant 0 : i32
      %dma_start3A_127 = arith.constant 0 : i32
      %dma_start3A_128 = tpu.memref_slice %arg8[%dma_start3A_126, %dma_start3A_127] : memref<80x128xf32, #tpu.memory_space<vmem>> -> memref<80x128xf32, #tpu.memory_space<vmem>>
      %dma_start3A_129 = arith.constant 0 : i32
      %dma_start3A_130 = tpu.memref_slice %arg10[%multiple_of3A_107, %dma_start3A_129] : memref<10000x128xf32, #tpu.memory_space<vmem_shared>> -> memref<80x128xf32, #tpu.memory_space<vmem_shared>>
      %dma_start3A_131 = arith.constant 0 : i32
      %dma_start3A_132 = arith.constant 0 : i32
      %dma_start3A_133 = tpu.memref_slice %arg8[%dma_start3A_131, %dma_start3A_132] : memref<80x128xf32, #tpu.memory_space<vmem>> -> memref<80x128xf32, #tpu.memory_space<vmem>>
      %dma_start3A_134 = arith.constant 0 : i32
      %dma_start3A_135 = tpu.memref_slice %arg10[%multiple_of3A_107, %dma_start3A_134] : memref<10000x128xf32, #tpu.memory_space<vmem_shared>> -> memref<80x128xf32, #tpu.memory_space<vmem_shared>>
      tpu.enqueue_dma source(%dma_start3A_135 : memref<80x128xf32, #tpu.memory_space<vmem_shared>>) target(%dma_start3A_133 : memref<80x128xf32, #tpu.memory_space<vmem>>) target_semaphore(%run_scoped3A_125 : memref<!tpu.dma_semaphore, #tpu.memory_space<semaphore_mem>>)
      %dma_wait3A_136 = arith.constant 0 : i32
      %dma_wait3A_137 = arith.constant 0 : i32
      %dma_wait3A_138 = tpu.memref_slice %arg8[%dma_wait3A_136, %dma_wait3A_137] : memref<80x128xf32, #tpu.memory_space<vmem>> -> memref<80x128xf32, #tpu.memory_space<vmem>>
      %dma_wait3A_139 = arith.constant 0 : i32
      %dma_wait3A_140 = tpu.memref_slice %arg10[%multiple_of3A_107, %dma_wait3A_139] : memref<10000x128xf32, #tpu.memory_space<vmem_shared>> -> memref<80x128xf32, #tpu.memory_space<vmem_shared>>
      %dma_wait3A_141 = arith.constant 0 : i32
      %dma_wait3A_142 = arith.constant 0 : i32
      %dma_wait3A_143 = tpu.memref_slice %arg8[%dma_wait3A_141, %dma_wait3A_142] : memref<80x128xf32, #tpu.memory_space<vmem>> -> memref<80x128xf32, #tpu.memory_space<vmem>>
      %dma_wait3A_144 = arith.constant 0 : i32
      %dma_wait3A_145 = tpu.memref_slice %arg10[%multiple_of3A_107, %dma_wait3A_144] : memref<10000x128xf32, #tpu.memory_space<vmem_shared>> -> memref<80x128xf32, #tpu.memory_space<vmem_shared>>
      tpu.wait_dma2 semaphore(%run_scoped3A_125 : memref<!tpu.dma_semaphore, #tpu.memory_space<semaphore_mem>>) src(%dma_wait3A_145 : memref<80x128xf32, #tpu.memory_space<vmem_shared>>) dst(%dma_wait3A_143 : memref<80x128xf32, #tpu.memory_space<vmem>>)
      tpu.yield
    }) : () -> ()
    "tpu.region"() ({
      %run_scoped3A_125 = tpu.sem_alloc : memref<!tpu.dma_semaphore, #tpu.memory_space<semaphore_mem>>
      %dma_start3A_126 = arith.constant 0 : i32
      %dma_start3A_127 = arith.constant 0 : i32
      %dma_start3A_128 = tpu.memref_slice %arg8[%dma_start3A_126, %dma_start3A_127] : memref<80x128xf32, #tpu.memory_space<vmem>> -> memref<80x128xf32, #tpu.memory_space<vmem>>
      %dma_start3A_129 = arith.constant 0 : i32
      %dma_start3A_130 = tpu.memref_slice %arg5[%arg0, %multiple_of3A_107, %dma_start3A_129] : memref<2x10000x128xf32, #tpu.memory_space<hbm>> -> memref<1x80x128xf32, #tpu.memory_space<hbm>>
      %dma_start3A_131 = tpu.memref_squeeze %dma_start3A_130 : memref<1x80x128xf32, #tpu.memory_space<hbm>> -> memref<80x128xf32, #tpu.memory_space<hbm>>
      %dma_start3A_132 = arith.constant 0 : i32
      %dma_start3A_133 = tpu.memref_slice %arg5[%arg0, %multiple_of3A_107, %dma_start3A_132] : memref<2x10000x128xf32, #tpu.memory_space<hbm>> -> memref<1x80x128xf32, #tpu.memory_space<hbm>>
      %dma_start3A_134 = tpu.memref_squeeze %dma_start3A_133 : memref<1x80x128xf32, #tpu.memory_space<hbm>> -> memref<80x128xf32, #tpu.memory_space<hbm>>
      %dma_start3A_135 = arith.constant 0 : i32
      %dma_start3A_136 = arith.constant 0 : i32
      %dma_start3A_137 = tpu.memref_slice %arg8[%dma_start3A_135, %dma_start3A_136] : memref<80x128xf32, #tpu.memory_space<vmem>> -> memref<80x128xf32, #tpu.memory_space<vmem>>
      tpu.enqueue_dma source(%dma_start3A_137 : memref<80x128xf32, #tpu.memory_space<vmem>>) target(%dma_start3A_134 : memref<80x128xf32, #tpu.memory_space<hbm>>) target_semaphore(%run_scoped3A_125 : memref<!tpu.dma_semaphore, #tpu.memory_space<semaphore_mem>>)
      %dma_wait3A_138 = arith.constant 0 : i32
      %dma_wait3A_139 = arith.constant 0 : i32
      %dma_wait3A_140 = tpu.memref_slice %arg8[%dma_wait3A_138, %dma_wait3A_139] : memref<80x128xf32, #tpu.memory_space<vmem>> -> memref<80x128xf32, #tpu.memory_space<vmem>>
      %dma_wait3A_141 = arith.constant 0 : i32
      %dma_wait3A_142 = tpu.memref_slice %arg5[%arg0, %multiple_of3A_107, %dma_wait3A_141] : memref<2x10000x128xf32, #tpu.memory_space<hbm>> -> memref<1x80x128xf32, #tpu.memory_space<hbm>>
      %dma_wait3A_143 = tpu.memref_squeeze %dma_wait3A_142 : memref<1x80x128xf32, #tpu.memory_space<hbm>> -> memref<80x128xf32, #tpu.memory_space<hbm>>
      %dma_wait3A_144 = arith.constant 0 : i32
      %dma_wait3A_145 = tpu.memref_slice %arg5[%arg0, %multiple_of3A_107, %dma_wait3A_144] : memref<2x10000x128xf32, #tpu.memory_space<hbm>> -> memref<1x80x128xf32, #tpu.memory_space<hbm>>
      %dma_wait3A_146 = tpu.memref_squeeze %dma_wait3A_145 : memref<1x80x128xf32, #tpu.memory_space<hbm>> -> memref<80x128xf32, #tpu.memory_space<hbm>>
      %dma_wait3A_147 = arith.constant 0 : i32
      %dma_wait3A_148 = arith.constant 0 : i32
      %dma_wait3A_149 = tpu.memref_slice %arg8[%dma_wait3A_147, %dma_wait3A_148] : memref<80x128xf32, #tpu.memory_space<vmem>> -> memref<80x128xf32, #tpu.memory_space<vmem>>
      tpu.wait_dma2 semaphore(%run_scoped3A_125 : memref<!tpu.dma_semaphore, #tpu.memory_space<semaphore_mem>>) src(%dma_wait3A_149 : memref<80x128xf32, #tpu.memory_space<vmem>>) dst(%dma_wait3A_146 : memref<80x128xf32, #tpu.memory_space<hbm>>)
      tpu.yield
    }) : () -> ()
    %add3A_108 = arith.constant 80 : i32
    %add3A_109 = arith.addi %add3A_108, %arg1 : i32
    %mul3A_110 = arith.constant 80 : i32
    %mul3A_111 = arith.muli %add3A_109, %mul3A_110 : i32
    %multiple_of3A_112 = tpu.assume_multiple %mul3A_111, 8 : i32
    "tpu.region"() ({
      %run_scoped3A_125 = tpu.sem_alloc : memref<!tpu.dma_semaphore, #tpu.memory_space<semaphore_mem>>
      %dma_start3A_126 = arith.constant 0 : i32
      %dma_start3A_127 = arith.constant 0 : i32
      %dma_start3A_128 = tpu.memref_slice %arg8[%dma_start3A_126, %dma_start3A_127] : memref<80x128xf32, #tpu.memory_space<vmem>> -> memref<80x128xf32, #tpu.memory_space<vmem>>
      %dma_start3A_129 = arith.constant 0 : i32
      %dma_start3A_130 = tpu.memref_slice %arg10[%multiple_of3A_112, %dma_start3A_129] : memref<10000x128xf32, #tpu.memory_space<vmem_shared>> -> memref<80x128xf32, #tpu.memory_space<vmem_shared>>
      %dma_start3A_131 = arith.constant 0 : i32
      %dma_start3A_132 = arith.constant 0 : i32
      %dma_start3A_133 = tpu.memref_slice %arg8[%dma_start3A_131, %dma_start3A_132] : memref<80x128xf32, #tpu.memory_space<vmem>> -> memref<80x128xf32, #tpu.memory_space<vmem>>
      %dma_start3A_134 = arith.constant 0 : i32
      %dma_start3A_135 = tpu.memref_slice %arg10[%multiple_of3A_112, %dma_start3A_134] : memref<10000x128xf32, #tpu.memory_space<vmem_shared>> -> memref<80x128xf32, #tpu.memory_space<vmem_shared>>
      tpu.enqueue_dma source(%dma_start3A_135 : memref<80x128xf32, #tpu.memory_space<vmem_shared>>) target(%dma_start3A_133 : memref<80x128xf32, #tpu.memory_space<vmem>>) target_semaphore(%run_scoped3A_125 : memref<!tpu.dma_semaphore, #tpu.memory_space<semaphore_mem>>)
      %dma_wait3A_136 = arith.constant 0 : i32
      %dma_wait3A_137 = arith.constant 0 : i32
      %dma_wait3A_138 = tpu.memref_slice %arg8[%dma_wait3A_136, %dma_wait3A_137] : memref<80x128xf32, #tpu.memory_space<vmem>> -> memref<80x128xf32, #tpu.memory_space<vmem>>
      %dma_wait3A_139 = arith.constant 0 : i32
      %dma_wait3A_140 = tpu.memref_slice %arg10[%multiple_of3A_112, %dma_wait3A_139] : memref<10000x128xf32, #tpu.memory_space<vmem_shared>> -> memref<80x128xf32, #tpu.memory_space<vmem_shared>>
      %dma_wait3A_141 = arith.constant 0 : i32
      %dma_wait3A_142 = arith.constant 0 : i32
      %dma_wait3A_143 = tpu.memref_slice %arg8[%dma_wait3A_141, %dma_wait3A_142] : memref<80x128xf32, #tpu.memory_space<vmem>> -> memref<80x128xf32, #tpu.memory_space<vmem>>
      %dma_wait3A_144 = arith.constant 0 : i32
      %dma_wait3A_145 = tpu.memref_slice %arg10[%multiple_of3A_112, %dma_wait3A_144] : memref<10000x128xf32, #tpu.memory_space<vmem_shared>> -> memref<80x128xf32, #tpu.memory_space<vmem_shared>>
      tpu.wait_dma2 semaphore(%run_scoped3A_125 : memref<!tpu.dma_semaphore, #tpu.memory_space<semaphore_mem>>) src(%dma_wait3A_145 : memref<80x128xf32, #tpu.memory_space<vmem_shared>>) dst(%dma_wait3A_143 : memref<80x128xf32, #tpu.memory_space<vmem>>)
      tpu.yield
    }) : () -> ()
    "tpu.region"() ({
      %run_scoped3A_125 = tpu.sem_alloc : memref<!tpu.dma_semaphore, #tpu.memory_space<semaphore_mem>>
      %dma_start3A_126 = arith.constant 0 : i32
      %dma_start3A_127 = arith.constant 0 : i32
      %dma_start3A_128 = tpu.memref_slice %arg8[%dma_start3A_126, %dma_start3A_127] : memref<80x128xf32, #tpu.memory_space<vmem>> -> memref<80x128xf32, #tpu.memory_space<vmem>>
      %dma_start3A_129 = arith.constant 0 : i32
      %dma_start3A_130 = tpu.memref_slice %arg5[%arg0, %multiple_of3A_112, %dma_start3A_129] : memref<2x10000x128xf32, #tpu.memory_space<hbm>> -> memref<1x80x128xf32, #tpu.memory_space<hbm>>
      %dma_start3A_131 = tpu.memref_squeeze %dma_start3A_130 : memref<1x80x128xf32, #tpu.memory_space<hbm>> -> memref<80x128xf32, #tpu.memory_space<hbm>>
      %dma_start3A_132 = arith.constant 0 : i32
      %dma_start3A_133 = tpu.memref_slice %arg5[%arg0, %multiple_of3A_112, %dma_start3A_132] : memref<2x10000x128xf32, #tpu.memory_space<hbm>> -> memref<1x80x128xf32, #tpu.memory_space<hbm>>
      %dma_start3A_134 = tpu.memref_squeeze %dma_start3A_133 : memref<1x80x128xf32, #tpu.memory_space<hbm>> -> memref<80x128xf32, #tpu.memory_space<hbm>>
      %dma_start3A_135 = arith.constant 0 : i32
      %dma_start3A_136 = arith.constant 0 : i32
      %dma_start3A_137 = tpu.memref_slice %arg8[%dma_start3A_135, %dma_start3A_136] : memref<80x128xf32, #tpu.memory_space<vmem>> -> memref<80x128xf32, #tpu.memory_space<vmem>>
      tpu.enqueue_dma source(%dma_start3A_137 : memref<80x128xf32, #tpu.memory_space<vmem>>) target(%dma_start3A_134 : memref<80x128xf32, #tpu.memory_space<hbm>>) target_semaphore(%run_scoped3A_125 : memref<!tpu.dma_semaphore, #tpu.memory_space<semaphore_mem>>)
      %dma_wait3A_138 = arith.constant 0 : i32
      %dma_wait3A_139 = arith.constant 0 : i32
      %dma_wait3A_140 = tpu.memref_slice %arg8[%dma_wait3A_138, %dma_wait3A_139] : memref<80x128xf32, #tpu.memory_space<vmem>> -> memref<80x128xf32, #tpu.memory_space<vmem>>
      %dma_wait3A_141 = arith.constant 0 : i32
      %dma_wait3A_142 = tpu.memref_slice %arg5[%arg0, %multiple_of3A_112, %dma_wait3A_141] : memref<2x10000x128xf32, #tpu.memory_space<hbm>> -> memref<1x80x128xf32, #tpu.memory_space<hbm>>
      %dma_wait3A_143 = tpu.memref_squeeze %dma_wait3A_142 : memref<1x80x128xf32, #tpu.memory_space<hbm>> -> memref<80x128xf32, #tpu.memory_space<hbm>>
      %dma_wait3A_144 = arith.constant 0 : i32
      %dma_wait3A_145 = tpu.memref_slice %arg5[%arg0, %multiple_of3A_112, %dma_wait3A_144] : memref<2x10000x128xf32, #tpu.memory_space<hbm>> -> memref<1x80x128xf32, #tpu.memory_space<hbm>>
      %dma_wait3A_146 = tpu.memref_squeeze %dma_wait3A_145 : memref<1x80x128xf32, #tpu.memory_space<hbm>> -> memref<80x128xf32, #tpu.memory_space<hbm>>
      %dma_wait3A_147 = arith.constant 0 : i32
      %dma_wait3A_148 = arith.constant 0 : i32
      %dma_wait3A_149 = tpu.memref_slice %arg8[%dma_wait3A_147, %dma_wait3A_148] : memref<80x128xf32, #tpu.memory_space<vmem>> -> memref<80x128xf32, #tpu.memory_space<vmem>>
      tpu.wait_dma2 semaphore(%run_scoped3A_125 : memref<!tpu.dma_semaphore, #tpu.memory_space<semaphore_mem>>) src(%dma_wait3A_149 : memref<80x128xf32, #tpu.memory_space<vmem>>) dst(%dma_wait3A_146 : memref<80x128xf32, #tpu.memory_space<hbm>>)
      tpu.yield
    }) : () -> ()
    %add3A_113 = arith.constant 96 : i32
    %add3A_114 = arith.addi %add3A_113, %arg1 : i32
    %mul3A_115 = arith.constant 80 : i32
    %mul3A_116 = arith.muli %add3A_114, %mul3A_115 : i32
    %multiple_of3A_117 = tpu.assume_multiple %mul3A_116, 8 : i32
    "tpu.region"() ({
      %run_scoped3A_125 = tpu.sem_alloc : memref<!tpu.dma_semaphore, #tpu.memory_space<semaphore_mem>>
      %dma_start3A_126 = arith.constant 0 : i32
      %dma_start3A_127 = arith.constant 0 : i32
      %dma_start3A_128 = tpu.memref_slice %arg8[%dma_start3A_126, %dma_start3A_127] : memref<80x128xf32, #tpu.memory_space<vmem>> -> memref<80x128xf32, #tpu.memory_space<vmem>>
      %dma_start3A_129 = arith.constant 0 : i32
      %dma_start3A_130 = tpu.memref_slice %arg10[%multiple_of3A_117, %dma_start3A_129] : memref<10000x128xf32, #tpu.memory_space<vmem_shared>> -> memref<80x128xf32, #tpu.memory_space<vmem_shared>>
      %dma_start3A_131 = arith.constant 0 : i32
      %dma_start3A_132 = arith.constant 0 : i32
      %dma_start3A_133 = tpu.memref_slice %arg8[%dma_start3A_131, %dma_start3A_132] : memref<80x128xf32, #tpu.memory_space<vmem>> -> memref<80x128xf32, #tpu.memory_space<vmem>>
      %dma_start3A_134 = arith.constant 0 : i32
      %dma_start3A_135 = tpu.memref_slice %arg10[%multiple_of3A_117, %dma_start3A_134] : memref<10000x128xf32, #tpu.memory_space<vmem_shared>> -> memref<80x128xf32, #tpu.memory_space<vmem_shared>>
      tpu.enqueue_dma source(%dma_start3A_135 : memref<80x128xf32, #tpu.memory_space<vmem_shared>>) target(%dma_start3A_133 : memref<80x128xf32, #tpu.memory_space<vmem>>) target_semaphore(%run_scoped3A_125 : memref<!tpu.dma_semaphore, #tpu.memory_space<semaphore_mem>>)
      %dma_wait3A_136 = arith.constant 0 : i32
      %dma_wait3A_137 = arith.constant 0 : i32
      %dma_wait3A_138 = tpu.memref_slice %arg8[%dma_wait3A_136, %dma_wait3A_137] : memref<80x128xf32, #tpu.memory_space<vmem>> -> memref<80x128xf32, #tpu.memory_space<vmem>>
      %dma_wait3A_139 = arith.constant 0 : i32
      %dma_wait3A_140 = tpu.memref_slice %arg10[%multiple_of3A_117, %dma_wait3A_139] : memref<10000x128xf32, #tpu.memory_space<vmem_shared>> -> memref<80x128xf32, #tpu.memory_space<vmem_shared>>
      %dma_wait3A_141 = arith.constant 0 : i32
      %dma_wait3A_142 = arith.constant 0 : i32
      %dma_wait3A_143 = tpu.memref_slice %arg8[%dma_wait3A_141, %dma_wait3A_142] : memref<80x128xf32, #tpu.memory_space<vmem>> -> memref<80x128xf32, #tpu.memory_space<vmem>>
      %dma_wait3A_144 = arith.constant 0 : i32
      %dma_wait3A_145 = tpu.memref_slice %arg10[%multiple_of3A_117, %dma_wait3A_144] : memref<10000x128xf32, #tpu.memory_space<vmem_shared>> -> memref<80x128xf32, #tpu.memory_space<vmem_shared>>
      tpu.wait_dma2 semaphore(%run_scoped3A_125 : memref<!tpu.dma_semaphore, #tpu.memory_space<semaphore_mem>>) src(%dma_wait3A_145 : memref<80x128xf32, #tpu.memory_space<vmem_shared>>) dst(%dma_wait3A_143 : memref<80x128xf32, #tpu.memory_space<vmem>>)
      tpu.yield
    }) : () -> ()
    "tpu.region"() ({
      %run_scoped3A_125 = tpu.sem_alloc : memref<!tpu.dma_semaphore, #tpu.memory_space<semaphore_mem>>
      %dma_start3A_126 = arith.constant 0 : i32
      %dma_start3A_127 = arith.constant 0 : i32
      %dma_start3A_128 = tpu.memref_slice %arg8[%dma_start3A_126, %dma_start3A_127] : memref<80x128xf32, #tpu.memory_space<vmem>> -> memref<80x128xf32, #tpu.memory_space<vmem>>
      %dma_start3A_129 = arith.constant 0 : i32
      %dma_start3A_130 = tpu.memref_slice %arg5[%arg0, %multiple_of3A_117, %dma_start3A_129] : memref<2x10000x128xf32, #tpu.memory_space<hbm>> -> memref<1x80x128xf32, #tpu.memory_space<hbm>>
      %dma_start3A_131 = tpu.memref_squeeze %dma_start3A_130 : memref<1x80x128xf32, #tpu.memory_space<hbm>> -> memref<80x128xf32, #tpu.memory_space<hbm>>
      %dma_start3A_132 = arith.constant 0 : i32
      %dma_start3A_133 = tpu.memref_slice %arg5[%arg0, %multiple_of3A_117, %dma_start3A_132] : memref<2x10000x128xf32, #tpu.memory_space<hbm>> -> memref<1x80x128xf32, #tpu.memory_space<hbm>>
      %dma_start3A_134 = tpu.memref_squeeze %dma_start3A_133 : memref<1x80x128xf32, #tpu.memory_space<hbm>> -> memref<80x128xf32, #tpu.memory_space<hbm>>
      %dma_start3A_135 = arith.constant 0 : i32
      %dma_start3A_136 = arith.constant 0 : i32
      %dma_start3A_137 = tpu.memref_slice %arg8[%dma_start3A_135, %dma_start3A_136] : memref<80x128xf32, #tpu.memory_space<vmem>> -> memref<80x128xf32, #tpu.memory_space<vmem>>
      tpu.enqueue_dma source(%dma_start3A_137 : memref<80x128xf32, #tpu.memory_space<vmem>>) target(%dma_start3A_134 : memref<80x128xf32, #tpu.memory_space<hbm>>) target_semaphore(%run_scoped3A_125 : memref<!tpu.dma_semaphore, #tpu.memory_space<semaphore_mem>>)
      %dma_wait3A_138 = arith.constant 0 : i32
      %dma_wait3A_139 = arith.constant 0 : i32
      %dma_wait3A_140 = tpu.memref_slice %arg8[%dma_wait3A_138, %dma_wait3A_139] : memref<80x128xf32, #tpu.memory_space<vmem>> -> memref<80x128xf32, #tpu.memory_space<vmem>>
      %dma_wait3A_141 = arith.constant 0 : i32
      %dma_wait3A_142 = tpu.memref_slice %arg5[%arg0, %multiple_of3A_117, %dma_wait3A_141] : memref<2x10000x128xf32, #tpu.memory_space<hbm>> -> memref<1x80x128xf32, #tpu.memory_space<hbm>>
      %dma_wait3A_143 = tpu.memref_squeeze %dma_wait3A_142 : memref<1x80x128xf32, #tpu.memory_space<hbm>> -> memref<80x128xf32, #tpu.memory_space<hbm>>
      %dma_wait3A_144 = arith.constant 0 : i32
      %dma_wait3A_145 = tpu.memref_slice %arg5[%arg0, %multiple_of3A_117, %dma_wait3A_144] : memref<2x10000x128xf32, #tpu.memory_space<hbm>> -> memref<1x80x128xf32, #tpu.memory_space<hbm>>
      %dma_wait3A_146 = tpu.memref_squeeze %dma_wait3A_145 : memref<1x80x128xf32, #tpu.memory_space<hbm>> -> memref<80x128xf32, #tpu.memory_space<hbm>>
      %dma_wait3A_147 = arith.constant 0 : i32
      %dma_wait3A_148 = arith.constant 0 : i32
      %dma_wait3A_149 = tpu.memref_slice %arg8[%dma_wait3A_147, %dma_wait3A_148] : memref<80x128xf32, #tpu.memory_space<vmem>> -> memref<80x128xf32, #tpu.memory_space<vmem>>
      tpu.wait_dma2 semaphore(%run_scoped3A_125 : memref<!tpu.dma_semaphore, #tpu.memory_space<semaphore_mem>>) src(%dma_wait3A_149 : memref<80x128xf32, #tpu.memory_space<vmem>>) dst(%dma_wait3A_146 : memref<80x128xf32, #tpu.memory_space<hbm>>)
      tpu.yield
    }) : () -> ()
    %add3A_118 = arith.constant 112 : i32
    %add3A_119 = arith.addi %add3A_118, %arg1 : i32
    %lt3A_120 = arith.constant 125 : i32
    %lt3A_121 = arith.cmpi slt, %add3A_119, %lt3A_120 : i32
    %convert_element_type3A_122 = arith.extui %lt3A_121 : i1 to i32
    %cond3A_123 = arith.constant 0 : i32
    %cond3A_124 = arith.cmpi ne, %convert_element_type3A_122, %cond3A_123 : i32
    scf.if %cond3A_124 {
      %mul3A_125 = arith.constant 80 : i32
      %mul3A_126 = arith.muli %add3A_119, %mul3A_125 : i32
      %multiple_of3A_127 = tpu.assume_multiple %mul3A_126, 8 : i32
      "tpu.region"() ({
        %run_scoped3A_128 = tpu.sem_alloc : memref<!tpu.dma_semaphore, #tpu.memory_space<semaphore_mem>>
        %dma_start3A_129 = arith.constant 0 : i32
        %dma_start3A_130 = arith.constant 0 : i32
        %dma_start3A_131 = tpu.memref_slice %arg8[%dma_start3A_129, %dma_start3A_130] : memref<80x128xf32, #tpu.memory_space<vmem>> -> memref<80x128xf32, #tpu.memory_space<vmem>>
        %dma_start3A_132 = arith.constant 0 : i32
        %dma_start3A_133 = tpu.memref_slice %arg10[%multiple_of3A_127, %dma_start3A_132] : memref<10000x128xf32, #tpu.memory_space<vmem_shared>> -> memref<80x128xf32, #tpu.memory_space<vmem_shared>>
        %dma_start3A_134 = arith.constant 0 : i32
        %dma_start3A_135 = arith.constant 0 : i32
        %dma_start3A_136 = tpu.memref_slice %arg8[%dma_start3A_134, %dma_start3A_135] : memref<80x128xf32, #tpu.memory_space<vmem>> -> memref<80x128xf32, #tpu.memory_space<vmem>>
        %dma_start3A_137 = arith.constant 0 : i32
        %dma_start3A_138 = tpu.memref_slice %arg10[%multiple_of3A_127, %dma_start3A_137] : memref<10000x128xf32, #tpu.memory_space<vmem_shared>> -> memref<80x128xf32, #tpu.memory_space<vmem_shared>>
        tpu.enqueue_dma source(%dma_start3A_138 : memref<80x128xf32, #tpu.memory_space<vmem_shared>>) target(%dma_start3A_136 : memref<80x128xf32, #tpu.memory_space<vmem>>) target_semaphore(%run_scoped3A_128 : memref<!tpu.dma_semaphore, #tpu.memory_space<semaphore_mem>>)
        %dma_wait3A_139 = arith.constant 0 : i32
        %dma_wait3A_140 = arith.constant 0 : i32
        %dma_wait3A_141 = tpu.memref_slice %arg8[%dma_wait3A_139, %dma_wait3A_140] : memref<80x128xf32, #tpu.memory_space<vmem>> -> memref<80x128xf32, #tpu.memory_space<vmem>>
        %dma_wait3A_142 = arith.constant 0 : i32
        %dma_wait3A_143 = tpu.memref_slice %arg10[%multiple_of3A_127, %dma_wait3A_142] : memref<10000x128xf32, #tpu.memory_space<vmem_shared>> -> memref<80x128xf32, #tpu.memory_space<vmem_shared>>
        %dma_wait3A_144 = arith.constant 0 : i32
        %dma_wait3A_145 = arith.constant 0 : i32
        %dma_wait3A_146 = tpu.memref_slice %arg8[%dma_wait3A_144, %dma_wait3A_145] : memref<80x128xf32, #tpu.memory_space<vmem>> -> memref<80x128xf32, #tpu.memory_space<vmem>>
        %dma_wait3A_147 = arith.constant 0 : i32
        %dma_wait3A_148 = tpu.memref_slice %arg10[%multiple_of3A_127, %dma_wait3A_147] : memref<10000x128xf32, #tpu.memory_space<vmem_shared>> -> memref<80x128xf32, #tpu.memory_space<vmem_shared>>
        tpu.wait_dma2 semaphore(%run_scoped3A_128 : memref<!tpu.dma_semaphore, #tpu.memory_space<semaphore_mem>>) src(%dma_wait3A_148 : memref<80x128xf32, #tpu.memory_space<vmem_shared>>) dst(%dma_wait3A_146 : memref<80x128xf32, #tpu.memory_space<vmem>>)
        tpu.yield
      }) : () -> ()
      "tpu.region"() ({
        %run_scoped3A_128 = tpu.sem_alloc : memref<!tpu.dma_semaphore, #tpu.memory_space<semaphore_mem>>
        %dma_start3A_129 = arith.constant 0 : i32
        %dma_start3A_130 = arith.constant 0 : i32
        %dma_start3A_131 = tpu.memref_slice %arg8[%dma_start3A_129, %dma_start3A_130] : memref<80x128xf32, #tpu.memory_space<vmem>> -> memref<80x128xf32, #tpu.memory_space<vmem>>
        %dma_start3A_132 = arith.constant 0 : i32
        %dma_start3A_133 = tpu.memref_slice %arg5[%arg0, %multiple_of3A_127, %dma_start3A_132] : memref<2x10000x128xf32, #tpu.memory_space<hbm>> -> memref<1x80x128xf32, #tpu.memory_space<hbm>>
        %dma_start3A_134 = tpu.memref_squeeze %dma_start3A_133 : memref<1x80x128xf32, #tpu.memory_space<hbm>> -> memref<80x128xf32, #tpu.memory_space<hbm>>
        %dma_start3A_135 = arith.constant 0 : i32
        %dma_start3A_136 = tpu.memref_slice %arg5[%arg0, %multiple_of3A_127, %dma_start3A_135] : memref<2x10000x128xf32, #tpu.memory_space<hbm>> -> memref<1x80x128xf32, #tpu.memory_space<hbm>>
        %dma_start3A_137 = tpu.memref_squeeze %dma_start3A_136 : memref<1x80x128xf32, #tpu.memory_space<hbm>> -> memref<80x128xf32, #tpu.memory_space<hbm>>
        %dma_start3A_138 = arith.constant 0 : i32
        %dma_start3A_139 = arith.constant 0 : i32
        %dma_start3A_140 = tpu.memref_slice %arg8[%dma_start3A_138, %dma_start3A_139] : memref<80x128xf32, #tpu.memory_space<vmem>> -> memref<80x128xf32, #tpu.memory_space<vmem>>
        tpu.enqueue_dma source(%dma_start3A_140 : memref<80x128xf32, #tpu.memory_space<vmem>>) target(%dma_start3A_137 : memref<80x128xf32, #tpu.memory_space<hbm>>) target_semaphore(%run_scoped3A_128 : memref<!tpu.dma_semaphore, #tpu.memory_space<semaphore_mem>>)
        %dma_wait3A_141 = arith.constant 0 : i32
        %dma_wait3A_142 = arith.constant 0 : i32
        %dma_wait3A_143 = tpu.memref_slice %arg8[%dma_wait3A_141, %dma_wait3A_142] : memref<80x128xf32, #tpu.memory_space<vmem>> -> memref<80x128xf32, #tpu.memory_space<vmem>>
        %dma_wait3A_144 = arith.constant 0 : i32
        %dma_wait3A_145 = tpu.memref_slice %arg5[%arg0, %multiple_of3A_127, %dma_wait3A_144] : memref<2x10000x128xf32, #tpu.memory_space<hbm>> -> memref<1x80x128xf32, #tpu.memory_space<hbm>>
        %dma_wait3A_146 = tpu.memref_squeeze %dma_wait3A_145 : memref<1x80x128xf32, #tpu.memory_space<hbm>> -> memref<80x128xf32, #tpu.memory_space<hbm>>
        %dma_wait3A_147 = arith.constant 0 : i32
        %dma_wait3A_148 = tpu.memref_slice %arg5[%arg0, %multiple_of3A_127, %dma_wait3A_147] : memref<2x10000x128xf32, #tpu.memory_space<hbm>> -> memref<1x80x128xf32, #tpu.memory_space<hbm>>
        %dma_wait3A_149 = tpu.memref_squeeze %dma_wait3A_148 : memref<1x80x128xf32, #tpu.memory_space<hbm>> -> memref<80x128xf32, #tpu.memory_space<hbm>>
        %dma_wait3A_150 = arith.constant 0 : i32
        %dma_wait3A_151 = arith.constant 0 : i32
        %dma_wait3A_152 = tpu.memref_slice %arg8[%dma_wait3A_150, %dma_wait3A_151] : memref<80x128xf32, #tpu.memory_space<vmem>> -> memref<80x128xf32, #tpu.memory_space<vmem>>
        tpu.wait_dma2 semaphore(%run_scoped3A_128 : memref<!tpu.dma_semaphore, #tpu.memory_space<semaphore_mem>>) src(%dma_wait3A_152 : memref<80x128xf32, #tpu.memory_space<vmem>>) dst(%dma_wait3A_149 : memref<80x128xf32, #tpu.memory_space<hbm>>)
        tpu.yield
      }) : () -> ()
    } else {
    }
    return
  }
}

module attributes {stable_mosaic.version = 14 : i64} {
  func.func @_mm_scale_body(%arg0: i32, %arg1: memref<2000x128xf32, #tpu.memory_space<vmem>>, %arg2: memref<128x128xf32, #tpu.memory_space<vmem>>, %arg3: memref<1x32x2000xf32, #tpu.memory_space<vmem>>, %arg4: memref<2000x128xf32, #tpu.memory_space<vmem>>, %arg5: memref<2000x128xf32, #tpu.memory_space<vmem>>) attributes {dimension_semantics = [#tpu.dimension_semantics<arbitrary>], iteration_bounds = array<i64: 5>, scalar_prefetch = 0 : i64, scratch_operands = 0 : i64, tpu.core_type = #tpu.core_type<tc>, window_params = [{transform_indices = @transform_0, window_bounds = array<i64: 2000, 128>}, {pipeline_mode = #tpu.pipeline_mode<synchronous>, transform_indices = @transform_1, window_bounds = array<i64: 128, 128>}, {transform_indices = @transform_2, window_bounds = array<i64: 1, 32, 2000>}, {transform_indices = @transform_3, window_bounds = array<i64: 2000, 128>}, {transform_indices = @transform_4, window_bounds = array<i64: 2000, 128>}]} {
    %get3A = arith.constant 0 : index
    %get3A_0 = arith.constant 0 : index
    %get3A_1 = arith.constant 0 : index
    %get3A_2 = vector.load %arg3[%get3A, %get3A_0, %get3A_1] : memref<1x32x2000xf32, #tpu.memory_space<vmem>>, vector<1x32x2000xf32>
    %get3A_3 = vector.shape_cast %get3A_2 : vector<1x32x2000xf32> to vector<32x2000xf32>
    %broadcast_in_dim3A = arith.constant 1.000000e+00 : f32
    %broadcast_in_dim3A_4 = vector.broadcast %broadcast_in_dim3A : f32 to vector<32x1xf32>
    %dot_general3A = arith.constant dense<0.000000e+00> : vector<2000x1xf32>
    %dot_general3A_5 = tpu.matmul %get3A_3, %broadcast_in_dim3A_4, %dot_general3A {dimension_numbers = #tpu.dot_dimension_numbers<[0], [0], [1], [1], [0, 1, 1, 1], [], []>, precision = #tpu.contract_precision<fp32>, transpose_lhs_hint = false} : vector<32x2000xf32>, vector<32x1xf32>, vector<2000x1xf32> -> vector<2000x1xf32>
    %add3A = arith.constant 1.000000e+00 : f32
    %add3A_6 = vector.broadcast %add3A : f32 to vector<2000x1xf32>
    %add3A_7 = arith.addf %dot_general3A_5, %add3A_6 : vector<2000x1xf32>
    %rsqrt3A = math.rsqrt %add3A_7 : vector<2000x1xf32>
    %get3A_8 = arith.constant 0 : index
    %get3A_9 = arith.constant 0 : index
    %get3A_10 = vector.load %arg1[%get3A_8, %get3A_9] : memref<2000x128xf32, #tpu.memory_space<vmem>>, vector<2000x128xf32>
    %get3A_11 = arith.constant 0 : index
    %get3A_12 = arith.constant 0 : index
    %get3A_13 = vector.load %arg2[%get3A_11, %get3A_12] : memref<128x128xf32, #tpu.memory_space<vmem>>, vector<128x128xf32>
    %dot_general3A_14 = arith.constant dense<0.000000e+00> : vector<2000x128xf32>
    %dot_general3A_15 = tpu.matmul %get3A_10, %get3A_13, %dot_general3A_14 {dimension_numbers = #tpu.dot_dimension_numbers<[1], [0], [0], [1], [0, 0, 1, 1], [], []>, precision = #tpu.contract_precision<fp32>, transpose_lhs_hint = false} : vector<2000x128xf32>, vector<128x128xf32>, vector<2000x128xf32> -> vector<2000x128xf32>
    %mul3A = vector.broadcast %rsqrt3A : vector<2000x1xf32> to vector<2000x128xf32>
    %mul3A_16 = arith.mulf %dot_general3A_15, %mul3A : vector<2000x128xf32>
    %swap3A = arith.constant 0 : index
    %swap3A_17 = arith.constant 0 : index
    %swap3A_18 = vector.load %arg4[%swap3A, %swap3A_17] : memref<2000x128xf32, #tpu.memory_space<vmem>>, vector<2000x128xf32>
    tpu.vector_store %arg4[%swap3A, %swap3A_17], %mul3A_16 {strides = array<i32>} : memref<2000x128xf32, #tpu.memory_space<vmem>>, vector<2000x128xf32>,
    %broadcast_in_dim3A_19 = vector.shape_cast %rsqrt3A : vector<2000x1xf32> to vector<2000x1xf32>
    %broadcast_in_dim3A_20 = vector.broadcast %broadcast_in_dim3A_19 : vector<2000x1xf32> to vector<2000x128xf32>
    %swap3A_21 = arith.constant 0 : index
    %swap3A_22 = arith.constant 0 : index
    %swap3A_23 = vector.load %arg5[%swap3A_21, %swap3A_22] : memref<2000x128xf32, #tpu.memory_space<vmem>>, vector<2000x128xf32>
    tpu.vector_store %arg5[%swap3A_21, %swap3A_22], %broadcast_in_dim3A_20 {strides = array<i32>} : memref<2000x128xf32, #tpu.memory_space<vmem>>, vector<2000x128xf32>,
    return
  }
  func.func @transform_0(%arg0: i32) -> (i32, i32) {
    %c0_i32 = arith.constant 0 : i32
    %c0_i32_0 = arith.constant 0 : i32
    return %arg0, %c0_i32 : i32, i32
  }
  func.func @transform_1(%arg0: i32) -> (i32, i32) {
    %c0_i32 = arith.constant 0 : i32
    %c0_i32_0 = arith.constant 0 : i32
    %c0_i32_1 = arith.constant 0 : i32
    return %c0_i32, %c0_i32_0 : i32, i32
  }
  func.func @transform_2(%arg0: i32) -> (i32, i32, i32) {
    %c0_i32 = arith.constant 0 : i32
    %c0_i32_0 = arith.constant 0 : i32
    %c0_i32_1 = arith.constant 0 : i32
    return %arg0, %c0_i32, %c0_i32_0 : i32, i32, i32
  }
  func.func @transform_3(%arg0: i32) -> (i32, i32) {
    %c0_i32 = arith.constant 0 : i32
    %c0_i32_0 = arith.constant 0 : i32
    return %arg0, %c0_i32 : i32, i32
  }
  func.func @transform_4(%arg0: i32) -> (i32, i32) {
    %c0_i32 = arith.constant 0 : i32
    %c0_i32_0 = arith.constant 0 : i32
    return %arg0, %c0_i32 : i32, i32
  }
}

module attributes {stable_mosaic.version = 14 : i64} {
  func.func @_mid_body(%arg0: i32, %arg1: memref<2x2000x128xf32, #tpu.memory_space<vmem>>, %arg2: memref<2000x128xf32, #tpu.memory_space<vmem>>, %arg3: memref<2000x128xf32, #tpu.memory_space<vmem>>, %arg4: memref<1x128xf32, #tpu.memory_space<vmem>>, %arg5: memref<1x128xf32, #tpu.memory_space<vmem>>, %arg6: memref<1x128xf32, #tpu.memory_space<vmem>>, %arg7: memref<128x128xf32, #tpu.memory_space<vmem>>, %arg8: memref<2000x128xf32, #tpu.memory_space<vmem>>) attributes {dimension_semantics = [#tpu.dimension_semantics<arbitrary>], iteration_bounds = array<i64: 5>, scalar_prefetch = 0 : i64, scratch_operands = 0 : i64, tpu.core_type = #tpu.core_type<tc>, window_params = [{transform_indices = @transform_0, window_bounds = array<i64: 2, 2000, 128>}, {transform_indices = @transform_1, window_bounds = array<i64: 2000, 128>}, {transform_indices = @transform_2, window_bounds = array<i64: 2000, 128>}, {pipeline_mode = #tpu.pipeline_mode<synchronous>, transform_indices = @transform_3, window_bounds = array<i64: 1, 128>}, {pipeline_mode = #tpu.pipeline_mode<synchronous>, transform_indices = @transform_4, window_bounds = array<i64: 1, 128>}, {pipeline_mode = #tpu.pipeline_mode<synchronous>, transform_indices = @transform_5, window_bounds = array<i64: 1, 128>}, {pipeline_mode = #tpu.pipeline_mode<synchronous>, transform_indices = @transform_6, window_bounds = array<i64: 128, 128>}, {transform_indices = @transform_7, window_bounds = array<i64: 2000, 128>}]} {
    %get3A = arith.constant 0 : index
    %get3A_0 = arith.constant 0 : index
    %get3A_1 = vector.load %arg3[%get3A, %get3A_0] : memref<2000x128xf32, #tpu.memory_space<vmem>>, vector<2000x128xf32>
    %get3A_2 = arith.constant 0 : index
    %get3A_3 = arith.constant 0 : index
    %get3A_4 = arith.constant 0 : index
    %get3A_5 = vector.load %arg1[%get3A_2, %get3A_3, %get3A_4] : memref<2x2000x128xf32, #tpu.memory_space<vmem>>, vector<1x2000x128xf32>
    %get3A_6 = vector.shape_cast %get3A_5 : vector<1x2000x128xf32> to vector<2000x128xf32>
    %get3A_7 = arith.constant 1 : index
    %get3A_8 = arith.constant 0 : index
    %get3A_9 = arith.constant 0 : index
    %get3A_10 = vector.load %arg1[%get3A_7, %get3A_8, %get3A_9] : memref<2x2000x128xf32, #tpu.memory_space<vmem>>, vector<1x2000x128xf32>
    %get3A_11 = vector.shape_cast %get3A_10 : vector<1x2000x128xf32> to vector<2000x128xf32>
    %add3A = arith.addf %get3A_6, %get3A_11 : vector<2000x128xf32>
    %get3A_12 = arith.constant 0 : index
    %get3A_13 = arith.constant 0 : index
    %get3A_14 = vector.load %arg2[%get3A_12, %get3A_13] : memref<2000x128xf32, #tpu.memory_space<vmem>>, vector<2000x128xf32>
    %add3A_15 = arith.addf %add3A, %get3A_14 : vector<2000x128xf32>
    %mul3A = arith.mulf %add3A_15, %get3A_1 : vector<2000x128xf32>
    %get3A_16 = arith.constant 0 : index
    %get3A_17 = arith.constant 0 : index
    %get3A_18 = vector.load %arg4[%get3A_16, %get3A_17] : memref<1x128xf32, #tpu.memory_space<vmem>>, vector<1x128xf32>
    %add3A_19 = vector.broadcast %get3A_18 : vector<1x128xf32> to vector<2000x128xf32>
    %add3A_20 = arith.addf %mul3A, %add3A_19 : vector<2000x128xf32>
    %reduce_sum3A = arith.constant dense<0.000000e+00> : vector<2000xf32>
    %reduce_sum3A_21 = vector.multi_reduction <add>, %add3A_20, %reduce_sum3A [1] : vector<2000x128xf32> to vector<2000xf32>
    %broadcast_in_dim3A = vector.shape_cast %reduce_sum3A_21 : vector<2000xf32> to vector<2000x1xf32>
    %div3A = arith.constant 1.280000e+02 : f32
    %div3A_22 = vector.broadcast %div3A : f32 to vector<2000x1xf32>
    %div3A_23 = arith.divf %broadcast_in_dim3A, %div3A_22 : vector<2000x1xf32>
    %sub3A = vector.broadcast %div3A_23 : vector<2000x1xf32> to vector<2000x128xf32>
    %sub3A_24 = arith.subf %add3A_20, %sub3A : vector<2000x128xf32>
    %mul3A_25 = arith.mulf %sub3A_24, %sub3A_24 : vector<2000x128xf32>
    %reduce_sum3A_26 = arith.constant dense<0.000000e+00> : vector<2000xf32>
    %reduce_sum3A_27 = vector.multi_reduction <add>, %mul3A_25, %reduce_sum3A_26 [1] : vector<2000x128xf32> to vector<2000xf32>
    %broadcast_in_dim3A_28 = vector.shape_cast %reduce_sum3A_27 : vector<2000xf32> to vector<2000x1xf32>
    %div3A_29 = arith.constant 1.280000e+02 : f32
    %div3A_30 = vector.broadcast %div3A_29 : f32 to vector<2000x1xf32>
    %div3A_31 = arith.divf %broadcast_in_dim3A_28, %div3A_30 : vector<2000x1xf32>
    %add3A_32 = arith.constant 9.99999974E-6 : f32
    %add3A_33 = vector.broadcast %add3A_32 : f32 to vector<2000x1xf32>
    %add3A_34 = arith.addf %div3A_31, %add3A_33 : vector<2000x1xf32>
    %rsqrt3A = math.rsqrt %add3A_34 : vector<2000x1xf32>
    %mul3A_35 = vector.broadcast %rsqrt3A : vector<2000x1xf32> to vector<2000x128xf32>
    %mul3A_36 = arith.mulf %sub3A_24, %mul3A_35 : vector<2000x128xf32>
    %get3A_37 = arith.constant 0 : index
    %get3A_38 = arith.constant 0 : index
    %get3A_39 = vector.load %arg5[%get3A_37, %get3A_38] : memref<1x128xf32, #tpu.memory_space<vmem>>, vector<1x128xf32>
    %mul3A_40 = vector.broadcast %get3A_39 : vector<1x128xf32> to vector<2000x128xf32>
    %mul3A_41 = arith.mulf %mul3A_36, %mul3A_40 : vector<2000x128xf32>
    %get3A_42 = arith.constant 0 : index
    %get3A_43 = arith.constant 0 : index
    %get3A_44 = vector.load %arg6[%get3A_42, %get3A_43] : memref<1x128xf32, #tpu.memory_space<vmem>>, vector<1x128xf32>
    %add3A_45 = vector.broadcast %get3A_44 : vector<1x128xf32> to vector<2000x128xf32>
    %add3A_46 = arith.addf %mul3A_41, %add3A_45 : vector<2000x128xf32>
    %max3A = arith.constant 0.000000e+00 : f32
    %max3A_47 = vector.broadcast %max3A : f32 to vector<2000x128xf32>
    %max3A_48 = arith.maximumf %add3A_46, %max3A_47 : vector<2000x128xf32>
    %get3A_49 = arith.constant 0 : index
    %get3A_50 = arith.constant 0 : index
    %get3A_51 = vector.load %arg7[%get3A_49, %get3A_50] : memref<128x128xf32, #tpu.memory_space<vmem>>, vector<128x128xf32>
    %dot_general3A = arith.constant dense<0.000000e+00> : vector<2000x128xf32>
    %dot_general3A_52 = tpu.matmul %max3A_48, %get3A_51, %dot_general3A {dimension_numbers = #tpu.dot_dimension_numbers<[1], [0], [0], [1], [0, 0, 1, 1], [], []>, precision = #tpu.contract_precision<fp32>, transpose_lhs_hint = false} : vector<2000x128xf32>, vector<128x128xf32>, vector<2000x128xf32> -> vector<2000x128xf32>
    %mul3A_53 = arith.mulf %dot_general3A_52, %get3A_1 : vector<2000x128xf32>
    %swap3A = arith.constant 0 : index
    %swap3A_54 = arith.constant 0 : index
    %swap3A_55 = vector.load %arg8[%swap3A, %swap3A_54] : memref<2000x128xf32, #tpu.memory_space<vmem>>, vector<2000x128xf32>
    tpu.vector_store %arg8[%swap3A, %swap3A_54], %mul3A_53 {strides = array<i32>} : memref<2000x128xf32, #tpu.memory_space<vmem>>, vector<2000x128xf32>,
    return
  }
  func.func @transform_0(%arg0: i32) -> (i32, i32, i32) {
    %c0_i32 = arith.constant 0 : i32
    %c0_i32_0 = arith.constant 0 : i32
    %c0_i32_1 = arith.constant 0 : i32
    return %c0_i32, %arg0, %c0_i32_0 : i32, i32, i32
  }
  func.func @transform_1(%arg0: i32) -> (i32, i32) {
    %c0_i32 = arith.constant 0 : i32
    %c0_i32_0 = arith.constant 0 : i32
    return %arg0, %c0_i32 : i32, i32
  }
  func.func @transform_2(%arg0: i32) -> (i32, i32) {
    %c0_i32 = arith.constant 0 : i32
    %c0_i32_0 = arith.constant 0 : i32
    return %arg0, %c0_i32 : i32, i32
  }
  func.func @transform_3(%arg0: i32) -> (i32, i32) {
    %c0_i32 = arith.constant 0 : i32
    %c0_i32_0 = arith.constant 0 : i32
    %c0_i32_1 = arith.constant 0 : i32
    return %c0_i32, %c0_i32_0 : i32, i32
  }
  func.func @transform_4(%arg0: i32) -> (i32, i32) {
    %c0_i32 = arith.constant 0 : i32
    %c0_i32_0 = arith.constant 0 : i32
    %c0_i32_1 = arith.constant 0 : i32
    return %c0_i32, %c0_i32_0 : i32, i32
  }
  func.func @transform_5(%arg0: i32) -> (i32, i32) {
    %c0_i32 = arith.constant 0 : i32
    %c0_i32_0 = arith.constant 0 : i32
    %c0_i32_1 = arith.constant 0 : i32
    return %c0_i32, %c0_i32_0 : i32, i32
  }
  func.func @transform_6(%arg0: i32) -> (i32, i32) {
    %c0_i32 = arith.constant 0 : i32
    %c0_i32_0 = arith.constant 0 : i32
    %c0_i32_1 = arith.constant 0 : i32
    return %c0_i32, %c0_i32_0 : i32, i32
  }
  func.func @transform_7(%arg0: i32) -> (i32, i32) {
    %c0_i32 = arith.constant 0 : i32
    %c0_i32_0 = arith.constant 0 : i32
    return %arg0, %c0_i32 : i32, i32
  }
}

module attributes {stable_mosaic.version = 14 : i64} {
  func.func @_final_body(%arg0: i32, %arg1: memref<2x2000x128xf32, #tpu.memory_space<vmem>>, %arg2: memref<2000x128xf32, #tpu.memory_space<vmem>>, %arg3: memref<2000x128xf32, #tpu.memory_space<vmem>>, %arg4: memref<1x128xf32, #tpu.memory_space<vmem>>, %arg5: memref<1x128xf32, #tpu.memory_space<vmem>>, %arg6: memref<1x128xf32, #tpu.memory_space<vmem>>, %arg7: memref<2000x64xf32, #tpu.memory_space<vmem>>, %arg8: memref<128x10xf32, #tpu.memory_space<vmem>>, %arg9: memref<1x10xf32, #tpu.memory_space<vmem>>, %arg10: memref<64x10xf32, #tpu.memory_space<vmem>>, %arg11: memref<64x128xf32, #tpu.memory_space<vmem>>, %arg12: memref<64x128xf32, #tpu.memory_space<vmem>>) attributes {dimension_semantics = [#tpu.dimension_semantics<arbitrary>], iteration_bounds = array<i64: 5>, scalar_prefetch = 0 : i64, scratch_operands = 2 : i64, tpu.core_type = #tpu.core_type<tc>, window_params = [{transform_indices = @transform_0, window_bounds = array<i64: 2, 2000, 128>}, {transform_indices = @transform_1, window_bounds = array<i64: 2000, 128>}, {transform_indices = @transform_2, window_bounds = array<i64: 2000, 128>}, {pipeline_mode = #tpu.pipeline_mode<synchronous>, transform_indices = @transform_3, window_bounds = array<i64: 1, 128>}, {pipeline_mode = #tpu.pipeline_mode<synchronous>, transform_indices = @transform_4, window_bounds = array<i64: 1, 128>}, {pipeline_mode = #tpu.pipeline_mode<synchronous>, transform_indices = @transform_5, window_bounds = array<i64: 1, 128>}, {transform_indices = @transform_6, window_bounds = array<i64: 2000, 64>}, {pipeline_mode = #tpu.pipeline_mode<synchronous>, transform_indices = @transform_7, window_bounds = array<i64: 128, 10>}, {pipeline_mode = #tpu.pipeline_mode<synchronous>, transform_indices = @transform_8, window_bounds = array<i64: 1, 10>}, {pipeline_mode = #tpu.pipeline_mode<synchronous>, transform_indices = @transform_9, window_bounds = array<i64: 64, 10>}]} {
    %get3A = arith.constant 0 : index
    %get3A_0 = arith.constant 0 : index
    %get3A_1 = arith.constant 0 : index
    %get3A_2 = vector.load %arg1[%get3A, %get3A_0, %get3A_1] : memref<2x2000x128xf32, #tpu.memory_space<vmem>>, vector<1x2000x128xf32>
    %get3A_3 = vector.shape_cast %get3A_2 : vector<1x2000x128xf32> to vector<2000x128xf32>
    %get3A_4 = arith.constant 1 : index
    %get3A_5 = arith.constant 0 : index
    %get3A_6 = arith.constant 0 : index
    %get3A_7 = vector.load %arg1[%get3A_4, %get3A_5, %get3A_6] : memref<2x2000x128xf32, #tpu.memory_space<vmem>>, vector<1x2000x128xf32>
    %get3A_8 = vector.shape_cast %get3A_7 : vector<1x2000x128xf32> to vector<2000x128xf32>
    %add3A = arith.addf %get3A_3, %get3A_8 : vector<2000x128xf32>
    %get3A_9 = arith.constant 0 : index
    %get3A_10 = arith.constant 0 : index
    %get3A_11 = vector.load %arg2[%get3A_9, %get3A_10] : memref<2000x128xf32, #tpu.memory_space<vmem>>, vector<2000x128xf32>
    %add3A_12 = arith.addf %add3A, %get3A_11 : vector<2000x128xf32>
    %get3A_13 = arith.constant 0 : index
    %get3A_14 = arith.constant 0 : index
    %get3A_15 = vector.load %arg3[%get3A_13, %get3A_14] : memref<2000x128xf32, #tpu.memory_space<vmem>>, vector<2000x128xf32>
    %mul3A = arith.mulf %add3A_12, %get3A_15 : vector<2000x128xf32>
    %get3A_16 = arith.constant 0 : index
    %get3A_17 = arith.constant 0 : index
    %get3A_18 = vector.load %arg4[%get3A_16, %get3A_17] : memref<1x128xf32, #tpu.memory_space<vmem>>, vector<1x128xf32>
    %add3A_19 = vector.broadcast %get3A_18 : vector<1x128xf32> to vector<2000x128xf32>
    %add3A_20 = arith.addf %mul3A, %add3A_19 : vector<2000x128xf32>
    %reduce_sum3A = arith.constant dense<0.000000e+00> : vector<2000xf32>
    %reduce_sum3A_21 = vector.multi_reduction <add>, %add3A_20, %reduce_sum3A [1] : vector<2000x128xf32> to vector<2000xf32>
    %broadcast_in_dim3A = vector.shape_cast %reduce_sum3A_21 : vector<2000xf32> to vector<2000x1xf32>
    %div3A = arith.constant 1.280000e+02 : f32
    %div3A_22 = vector.broadcast %div3A : f32 to vector<2000x1xf32>
    %div3A_23 = arith.divf %broadcast_in_dim3A, %div3A_22 : vector<2000x1xf32>
    %sub3A = vector.broadcast %div3A_23 : vector<2000x1xf32> to vector<2000x128xf32>
    %sub3A_24 = arith.subf %add3A_20, %sub3A : vector<2000x128xf32>
    %mul3A_25 = arith.mulf %sub3A_24, %sub3A_24 : vector<2000x128xf32>
    %reduce_sum3A_26 = arith.constant dense<0.000000e+00> : vector<2000xf32>
    %reduce_sum3A_27 = vector.multi_reduction <add>, %mul3A_25, %reduce_sum3A_26 [1] : vector<2000x128xf32> to vector<2000xf32>
    %broadcast_in_dim3A_28 = vector.shape_cast %reduce_sum3A_27 : vector<2000xf32> to vector<2000x1xf32>
    %div3A_29 = arith.constant 1.280000e+02 : f32
    %div3A_30 = vector.broadcast %div3A_29 : f32 to vector<2000x1xf32>
    %div3A_31 = arith.divf %broadcast_in_dim3A_28, %div3A_30 : vector<2000x1xf32>
    %add3A_32 = arith.constant 9.99999974E-6 : f32
    %add3A_33 = vector.broadcast %add3A_32 : f32 to vector<2000x1xf32>
    %add3A_34 = arith.addf %div3A_31, %add3A_33 : vector<2000x1xf32>
    %rsqrt3A = math.rsqrt %add3A_34 : vector<2000x1xf32>
    %mul3A_35 = vector.broadcast %rsqrt3A : vector<2000x1xf32> to vector<2000x128xf32>
    %mul3A_36 = arith.mulf %sub3A_24, %mul3A_35 : vector<2000x128xf32>
    %get3A_37 = arith.constant 0 : index
    %get3A_38 = arith.constant 0 : index
    %get3A_39 = vector.load %arg5[%get3A_37, %get3A_38] : memref<1x128xf32, #tpu.memory_space<vmem>>, vector<1x128xf32>
    %mul3A_40 = vector.broadcast %get3A_39 : vector<1x128xf32> to vector<2000x128xf32>
    %mul3A_41 = arith.mulf %mul3A_36, %mul3A_40 : vector<2000x128xf32>
    %get3A_42 = arith.constant 0 : index
    %get3A_43 = arith.constant 0 : index
    %get3A_44 = vector.load %arg6[%get3A_42, %get3A_43] : memref<1x128xf32, #tpu.memory_space<vmem>>, vector<1x128xf32>
    %add3A_45 = vector.broadcast %get3A_44 : vector<1x128xf32> to vector<2000x128xf32>
    %add3A_46 = arith.addf %mul3A_41, %add3A_45 : vector<2000x128xf32>
    %max3A = arith.constant 0.000000e+00 : f32
    %max3A_47 = vector.broadcast %max3A : f32 to vector<2000x128xf32>
    %max3A_48 = arith.maximumf %add3A_46, %max3A_47 : vector<2000x128xf32>
    %get3A_49 = arith.constant 0 : index
    %get3A_50 = arith.constant 0 : index
    %get3A_51 = vector.load %arg7[%get3A_49, %get3A_50] : memref<2000x64xf32, #tpu.memory_space<vmem>>, vector<2000x64xf32>
    %dot_general3A = arith.constant dense<0.000000e+00> : vector<64x128xf32>
    %dot_general3A_52 = tpu.matmul %get3A_51, %max3A_48, %dot_general3A {dimension_numbers = #tpu.dot_dimension_numbers<[0], [0], [1], [1], [0, 1, 1, 1], [], []>, precision = #tpu.contract_precision<fp32>, transpose_lhs_hint = false} : vector<2000x64xf32>, vector<2000x128xf32>, vector<64x128xf32> -> vector<64x128xf32>
    %broadcast_in_dim3A_53 = arith.constant 1.000000e+00 : f32
    %broadcast_in_dim3A_54 = vector.broadcast %broadcast_in_dim3A_53 : f32 to vector<2000x128xf32>
    %dot_general3A_55 = arith.constant dense<0.000000e+00> : vector<64x128xf32>
    %dot_general3A_56 = tpu.matmul %get3A_51, %broadcast_in_dim3A_54, %dot_general3A_55 {dimension_numbers = #tpu.dot_dimension_numbers<[0], [0], [1], [1], [0, 1, 1, 1], [], []>, precision = #tpu.contract_precision<fp32>, transpose_lhs_hint = false} : vector<2000x64xf32>, vector<2000x128xf32>, vector<64x128xf32> -> vector<64x128xf32>
    %eq3A = arith.constant 0 : i32
    %eq3A_57 = arith.cmpi eq, %arg0, %eq3A : i32
    %convert_element_type3A = arith.extui %eq3A_57 : i1 to i32
    %cond3A = arith.constant 0 : i32
    %cond3A_58 = arith.cmpi ne, %convert_element_type3A, %cond3A : i32
    scf.if %cond3A_58 {
      %swap3A = arith.constant 0 : index
      %swap3A_68 = arith.constant 0 : index
      %swap3A_69 = vector.load %arg11[%swap3A, %swap3A_68] : memref<64x128xf32, #tpu.memory_space<vmem>>, vector<64x128xf32>
      tpu.vector_store %arg11[%swap3A, %swap3A_68], %dot_general3A_52 {strides = array<i32>} : memref<64x128xf32, #tpu.memory_space<vmem>>, vector<64x128xf32>,
      %swap3A_70 = arith.constant 0 : index
      %swap3A_71 = arith.constant 0 : index
      %swap3A_72 = vector.load %arg12[%swap3A_70, %swap3A_71] : memref<64x128xf32, #tpu.memory_space<vmem>>, vector<64x128xf32>
      tpu.vector_store %arg12[%swap3A_70, %swap3A_71], %dot_general3A_56 {strides = array<i32>} : memref<64x128xf32, #tpu.memory_space<vmem>>, vector<64x128xf32>,
    } else {
    }
    %gt3A = arith.constant 0 : i32
    %gt3A_59 = arith.cmpi sgt, %arg0, %gt3A : i32
    %convert_element_type3A_60 = arith.extui %gt3A_59 : i1 to i32
    %cond3A_61 = arith.constant 0 : i32
    %cond3A_62 = arith.cmpi ne, %convert_element_type3A_60, %cond3A_61 : i32
    scf.if %cond3A_62 {
      %get3A_68 = arith.constant 0 : index
      %get3A_69 = arith.constant 0 : index
      %get3A_70 = vector.load %arg11[%get3A_68, %get3A_69] : memref<64x128xf32, #tpu.memory_space<vmem>>, vector<64x128xf32>
      %add3A_71 = arith.addf %get3A_70, %dot_general3A_52 : vector<64x128xf32>
      %swap3A = arith.constant 0 : index
      %swap3A_72 = arith.constant 0 : index
      %swap3A_73 = vector.load %arg11[%swap3A, %swap3A_72] : memref<64x128xf32, #tpu.memory_space<vmem>>, vector<64x128xf32>
      tpu.vector_store %arg11[%swap3A, %swap3A_72], %add3A_71 {strides = array<i32>} : memref<64x128xf32, #tpu.memory_space<vmem>>, vector<64x128xf32>,
      %get3A_74 = arith.constant 0 : index
      %get3A_75 = arith.constant 0 : index
      %get3A_76 = vector.load %arg12[%get3A_74, %get3A_75] : memref<64x128xf32, #tpu.memory_space<vmem>>, vector<64x128xf32>
      %add3A_77 = arith.addf %get3A_76, %dot_general3A_56 : vector<64x128xf32>
      %swap3A_78 = arith.constant 0 : index
      %swap3A_79 = arith.constant 0 : index
      %swap3A_80 = vector.load %arg12[%swap3A_78, %swap3A_79] : memref<64x128xf32, #tpu.memory_space<vmem>>, vector<64x128xf32>
      tpu.vector_store %arg12[%swap3A_78, %swap3A_79], %add3A_77 {strides = array<i32>} : memref<64x128xf32, #tpu.memory_space<vmem>>, vector<64x128xf32>,
    } else {
    }
    %eq3A_63 = arith.constant 4 : i32
    %eq3A_64 = arith.cmpi eq, %arg0, %eq3A_63 : i32
    %convert_element_type3A_65 = arith.extui %eq3A_64 : i1 to i32
    %cond3A_66 = arith.constant 0 : i32
    %cond3A_67 = arith.cmpi ne, %convert_element_type3A_65, %cond3A_66 : i32
    scf.if %cond3A_67 {
      %get3A_68 = arith.constant 0 : index
      %get3A_69 = arith.constant 0 : index
      %get3A_70 = vector.load %arg11[%get3A_68, %get3A_69] : memref<64x128xf32, #tpu.memory_space<vmem>>, vector<64x128xf32>
      %get3A_71 = arith.constant 0 : index
      %get3A_72 = arith.constant 0 : index
      %get3A_73 = vector.load %arg12[%get3A_71, %get3A_72] : memref<64x128xf32, #tpu.memory_space<vmem>>, vector<64x128xf32>
      %max3A_74 = arith.constant 1.000000e+00 : f32
      %max3A_75 = vector.broadcast %max3A_74 : f32 to vector<64x128xf32>
      %max3A_76 = arith.maximumf %get3A_73, %max3A_75 : vector<64x128xf32>
      %div3A_77 = arith.divf %get3A_70, %max3A_76 : vector<64x128xf32>
      %get3A_78 = arith.constant 0 : index
      %get3A_79 = arith.constant 0 : index
      %get3A_80 = vector.load %arg8[%get3A_78, %get3A_79] : memref<128x10xf32, #tpu.memory_space<vmem>>, vector<128x10xf32>
      %dot_general3A_81 = arith.constant dense<0.000000e+00> : vector<64x10xf32>
      %dot_general3A_82 = tpu.matmul %div3A_77, %get3A_80, %dot_general3A_81 {dimension_numbers = #tpu.dot_dimension_numbers<[1], [0], [0], [1], [0, 0, 1, 1], [], []>, precision = #tpu.contract_precision<fp32>, transpose_lhs_hint = false} : vector<64x128xf32>, vector<128x10xf32>, vector<64x10xf32> -> vector<64x10xf32>
      %get3A_83 = arith.constant 0 : index
      %get3A_84 = arith.constant 0 : index
      %get3A_85 = vector.load %arg9[%get3A_83, %get3A_84] : memref<1x10xf32, #tpu.memory_space<vmem>>, vector<1x10xf32>
      %add3A_86 = vector.broadcast %get3A_85 : vector<1x10xf32> to vector<64x10xf32>
      %add3A_87 = arith.addf %dot_general3A_82, %add3A_86 : vector<64x10xf32>
      %swap3A = arith.constant 0 : index
      %swap3A_88 = arith.constant 0 : index
      %swap3A_89 = vector.load %arg10[%swap3A, %swap3A_88] : memref<64x10xf32, #tpu.memory_space<vmem>>, vector<64x10xf32>
      tpu.vector_store %arg10[%swap3A, %swap3A_88], %add3A_87 {strides = array<i32>} : memref<64x10xf32, #tpu.memory_space<vmem>>, vector<64x10xf32>,
    } else {
    }
    return
  }
  func.func @transform_0(%arg0: i32) -> (i32, i32, i32) {
    %c0_i32 = arith.constant 0 : i32
    %c0_i32_0 = arith.constant 0 : i32
    %c0_i32_1 = arith.constant 0 : i32
    return %c0_i32, %arg0, %c0_i32_0 : i32, i32, i32
  }
  func.func @transform_1(%arg0: i32) -> (i32, i32) {
    %c0_i32 = arith.constant 0 : i32
    %c0_i32_0 = arith.constant 0 : i32
    return %arg0, %c0_i32 : i32, i32
  }
  func.func @transform_2(%arg0: i32) -> (i32, i32) {
    %c0_i32 = arith.constant 0 : i32
    %c0_i32_0 = arith.constant 0 : i32
    return %arg0, %c0_i32 : i32, i32
  }
  func.func @transform_3(%arg0: i32) -> (i32, i32) {
    %c0_i32 = arith.constant 0 : i32
    %c0_i32_0 = arith.constant 0 : i32
    %c0_i32_1 = arith.constant 0 : i32
    return %c0_i32, %c0_i32_0 : i32, i32
  }
  func.func @transform_4(%arg0: i32) -> (i32, i32) {
    %c0_i32 = arith.constant 0 : i32
    %c0_i32_0 = arith.constant 0 : i32
    %c0_i32_1 = arith.constant 0 : i32
    return %c0_i32, %c0_i32_0 : i32, i32
  }
  func.func @transform_5(%arg0: i32) -> (i32, i32) {
    %c0_i32 = arith.constant 0 : i32
    %c0_i32_0 = arith.constant 0 : i32
    %c0_i32_1 = arith.constant 0 : i32
    return %c0_i32, %c0_i32_0 : i32, i32
  }
  func.func @transform_6(%arg0: i32) -> (i32, i32) {
    %c0_i32 = arith.constant 0 : i32
    %c0_i32_0 = arith.constant 0 : i32
    return %arg0, %c0_i32 : i32, i32
  }
  func.func @transform_7(%arg0: i32) -> (i32, i32) {
    %c0_i32 = arith.constant 0 : i32
    %c0_i32_0 = arith.constant 0 : i32
    %c0_i32_1 = arith.constant 0 : i32
    return %c0_i32, %c0_i32_0 : i32, i32
  }
  func.func @transform_8(%arg0: i32) -> (i32, i32) {
    %c0_i32 = arith.constant 0 : i32
    %c0_i32_0 = arith.constant 0 : i32
    %c0_i32_1 = arith.constant 0 : i32
    return %c0_i32, %c0_i32_0 : i32, i32
  }
  func.func @transform_9(%arg0: i32) -> (i32, i32) {
    %c0_i32 = arith.constant 0 : i32
    %c0_i32_0 = arith.constant 0 : i32
    %c0_i32_1 = arith.constant 0 : i32
    return %c0_i32, %c0_i32_0 : i32, i32
  }
}

</mosaic_0001>

<sc_bundles>
// kernel: kernel.11.cloned.1.call-start
scs
__scs_entry_jumppad:
0x0: {  	(pc) =	sbr.rel $0x88, $3  }
0x1: {  	(tag) =	ssettag $0x0;
	lr =	simm.s32 $0x1  }
0x2: {  	[smem:$0x3F94] =	sst lr;
	_ =	strace $0xD0000000  }
0x3: {  	_ = 	snop  }
0x4: {  	_ = 	snop  }
0x5: {  	_ = 	snop  }
0x6: {  	_ = 	snop  }
0x7: {  	_ = 	snop  }
__scs_overlays_trampoline_lowered:
0x8: {  	[smem:$0x3FA3] =	sst s0  }
0x9: {  	[smem:$0x3FA4] =	sst s1  }
0xa: {  	[smem:$0x3FA5] =	sst s2  }
0xb: {  	[smem:$0x3FA6] =	sst s3  }
0xc: {  	[smem:$0x3FA7] =	sst s4  }
0xd: {  	[smem:$0x3FA8] =	sst s5  }
0xe: {  	[smem:$0x3FA9] =	sst s6  }
0xf: {  	[smem:$0x3FAA] =	sst s7  }
0x10: {  	[smem:$0x3FAB] =	sst s8  }
0x11: {  	[smem:$0x3FAC] =	sst s9;
	s0 =	simm.s32 @!p0 $0x0  }
0x12: {  	s1 =	sld [smem:$0x3F92];
	s0 =	simm.s32 @p0 $0x1  }
0x13: {  	[smem:$0x3FAD] =	sst s0;
	s0 =	simm.s32 @!p1 $0x0  }
0x14: {  	s2 =	sld [smem:$0x3F91];
	s0 =	simm.s32 @p1 $0x1  }
0x15: {  	[smem:$0x3FAE] =	sst s0;
	s0 =	simm.s32 @!p2 $0x0  }
0x16: {  	s3 =	sld [smem:$0x3FDB];
	s0 =	simm.s32 @p2 $0x1  }
0x17: {  	s4 =	simm.s32 $0x1BF5;
	[smem:$0x3FB0] =	sst s0  }
0x18: {  	s0 =	sld [smem:$0x3F93];
	_ =	swait.ge [sflag:s4], $0x0  }
0x19: {  	s7 =	sld [smem:$0x3F94]  }
0x1a: {  	s8 =	sadd.s32 $0xFFFFE003, lr  }
0x1b: {  	s9 =	sadd.s32 $0xFFFFFEF7, lr;
	s5 =	simm.s32 $0xFFFFFFFF;
	p2 =	slt.u32 s8, $0xFFFFF086  }
0x1c: {  	p1 =	slt.u32 s9, $0xF7A;
	s5 =	simm.s32 @!p2 $0x0  }
0x1d: {  	s5 =	simm.s32 @p1 $0x1;
	p0 =	seq.s32 s7, s2  }
0x1e: {  	s7 =	smul.u32 @!p0 $0xF7A, s2;
	p2 =	seq.s32 @!p0 s5, $0x0  }
0x1f: {  	s9 =	smul.u32 $0xF7A, s1;
	s8 =	simm.s32 @!p0 $0x1BF5;
	p2 =	por !p2, p0  }
0x20: {  	[sflag:s8] =	ssyncset.s32 @!p0 $0xFFFFF086;
	s6 =	sadd.s32 @!p0 s3, s7;
	s7 =	simm.s32 @!p0 $0x108  }
0x21: {  	s3 =	sadd.s32 s3, s9;
	s6 =	sadd.s32 @!p0 $0x88, s6;
	s7 =	simm.s32 @p2 $0x1082  }
0x22: {  	[simem:s7], [sflag:s8] =	dma.local @!p0 [hbm:s6], $0xF7A  }
0x23: {  	s9 =	sor.u32 $0xD0000000, s2;
	s6 =	simm.s32 $0x108;
	_ =	swait.ge @!p0 [sflag:s8], $0x0  }
0x24: {  	s3 =	sadd.s32 $0x88, s3;
	s6 =	simm.s32 @!p1 $0x1082;
	[sflag:s4] =	ssyncset.s32 $0xFFFFF086  }
0x25: {  	[simem:s6], [sflag:s4] =	dma.local [hbm:s3], $0xF7A  }
0x26: {  	[smem:$0x3F94] =	sst s1;
	(tag) =	ssettag s2;
	_ =	strace s9  }
0x27: {  	s1 =	sld [smem:$0x3FA4]  }
0x28: {  	s2 =	sld [smem:$0x3FA5]  }
0x29: {  	s4 =	sld [smem:$0x3FA7]  }
0x2a: {  	p0 =	seq.s32 s5, $0x0;
	s5 =	sld [smem:$0x3FA8]  }
0x2b: {  	s6 =	sld [smem:$0x3FA9]  }
0x2c: {  	s7 =	sld [smem:$0x3FAA]  }
0x2d: {  	s3 =	simm.s32 $0x108;
	s8 =	sld [smem:$0x3FAB]  }
0x2e: {  	s3 =	simm.s32 @!p0 $0x1082;
	s9 =	sld [smem:$0x3FAC]  }
0x2f: {  	lr =	sadd.s32 s0, s3;
	s0 =	sld [smem:$0x3FA3]  }
0x30: {  	s3 =	sld [smem:$0x3FA6]  }
0x31: {  	[smem:$0x3FAF] =	sst s10  }
0x32: {  	s10 =	sld [smem:$0x3FAD];
	_ =	sdelay $0x3  }
0x33: {  	p0 =	seq.s32 s10, $0x1;
	s10 =	sld [smem:$0x3FAF];
	_ =	sdelay $0x3  }
0x34: {  	[smem:$0x3FAF] =	sst s10  }
0x35: {  	s10 =	sld [smem:$0x3FAE];
	_ =	sdelay $0x3  }
0x36: {  	p1 =	seq.s32 s10, $0x1;
	s10 =	sld [smem:$0x3FAF];
	_ =	sdelay $0x3  }
0x37: {  	[smem:$0x3FAF] =	sst s10  }
0x38: {  	s10 =	sld [smem:$0x3FB0]  }
0x39: {  	_ = 	snop;
	(pc) =	sbr.ind lr, $3  }
0x3a: {  	_ = 	snop  }
0x3b: {  	_ = 	snop  }
0x3c: {  	p2 =	seq.s32 s10, $0x1;
	s10 =	sld [smem:$0x3FAF]  }
0x3d: {  	_ =	shalt  }
0x3e: {  	_ =	shalt  }
0x3f: {  	_ =	shalt  }
0x40: {  	_ =	shalt  }
0x41: {  	_ =	shalt  }
0x42: {  	_ =	shalt  }
0x43: {  	_ =	shalt  }
0x44: {  	_ =	shalt  }
0x45: {  	_ =	shalt  }
0x46: {  	_ =	shalt  }
0x47: {  	_ =	shalt  }
0x48: {  	_ =	shalt  }
0x49: {  	_ =	shalt  }
0x4a: {  	_ =	shalt  }
0x4b: {  	_ =	shalt  }
0x4c: {  	_ =	shalt  }
0x4d: {  	_ =	shalt  }
0x4e: {  	_ =	shalt  }
0x4f: {  	_ =	shalt  }
0x50: {  	_ =	shalt  }
0x51: {  	_ =	shalt  }
0x52: {  	_ =	shalt  }
0x53: {  	_ =	shalt  }
0x54: {  	_ =	shalt  }
0x55: {  	_ =	shalt  }
0x56: {  	_ =	shalt  }
0x57: {  	_ =	shalt  }
0x58: {  	_ =	shalt  }
0x59: {  	_ =	shalt  }
0x5a: {  	_ =	shalt  }
0x5b: {  	_ =	shalt  }
0x5c: {  	_ =	shalt  }
0x5d: {  	_ =	shalt  }
0x5e: {  	_ =	shalt  }
0x5f: {  	_ =	shalt  }
0x60: {  	_ =	shalt  }
0x61: {  	_ =	shalt  }
0x62: {  	_ =	shalt  }
0x63: {  	_ =	shalt  }
0x64: {  	_ =	shalt  }
0x65: {  	_ =	shalt  }
0x66: {  	_ =	shalt  }
0x67: {  	_ =	shalt  }
0x68: {  	_ =	shalt  }
0x69: {  	_ =	shalt  }
0x6a: {  	_ =	shalt  }
0x6b: {  	_ =	shalt  }
0x6c: {  	_ =	shalt  }
0x6d: {  	_ =	shalt  }
0x6e: {  	_ =	shalt  }
0x6f: {  	_ =	shalt  }
0x70: {  	_ =	shalt  }
0x71: {  	_ =	shalt  }
0x72: {  	_ =	shalt  }
0x73: {  	_ =	shalt  }
0x74: {  	_ =	shalt  }
0x75: {  	_ =	shalt  }
0x76: {  	_ =	shalt  }
0x77: {  	_ =	shalt  }
0x78: {  	_ =	shalt  }
0x79: {  	_ =	shalt  }
0x7a: {  	_ =	shalt  }
0x7b: {  	_ =	shalt  }
0x7c: {  	_ =	shalt  }
0x7d: {  	_ =	shalt  }
0x7e: {  	_ =	shalt  }
0x7f: {  	_ =	shalt  }
0x80: {  	_ =	shalt  }
0x81: {  	_ =	shalt  }
0x82: {  	_ =	shalt  }
0x83: {  	_ =	shalt  }
0x84: {  	_ =	shalt  }
0x85: {  	_ =	shalt  }
0x86: {  	_ =	shalt  }
0x87: {  	_ =	shalt  }
.Lfunc_end0:
.L_simem_size_0:
called_computation.1_lowered:
.L_overlay_start_0:
0x88: {  	s2 =	sld [smem:$0x3FD9]  }
0x89: {  	s3 =	sld [smem:$0x3FFE];
	_ =	sdelay $0x1  }
0x8a: {  	s1 =	srdreg.scid  }
0x8b: {  	s0 =	sand.u32 $0x1, s1  }
0x8c: {  	s16 =	sshll.u32 s0, $0xA;
	s2 =	sadd.s32 s3, s2  }
0x8d: {  	s2 =	sadd.s32 s2, s16  }
0x8e: {  	[smem:$0x3FBB] =	sst s2  }
0x8f: {  	_ = 	snop  }
0x90: {  	(tm) =	ssettm $0x1  }
0x91: {  	s17 =	sld [smem:$0x3FFB];
	_ =	sdelay $0x3  }
0x92: {  	_ =	strace s17  }
0x93: {  	s2 =	sld [smem:$0x3FFC];
	_ =	sdelay $0x3  }
0x94: {  	_ =	strace s2  }
0x95: {  	s2 =	sld [smem:$0x3FFD];
	_ =	sdelay $0x3  }
0x96: {  	_ =	strace s2  }
0x97: {  	_ =	strace $0x8FFFFFFF  }
0x98: {  	s18 =	sld [smem:$0x3FDB];
	_ =	sdelay $0x1  }
0x99: {  	s19 =	simm.s32 $_scs_section_size  }
0x9a: {  	s4 =	simm.s32 $_size__tile_overlayer_lowered;
	s5 =	simm.s32 $_tile_overlayer_lowered  }
0x9b: {  	s22 =	simm.s32 $0x1BFF;
	s21 =	sshll.u32 s5, $0x1;
	s2 =	sadd.s32 s19, s18  }
0x9c: {  	s6 =	simm.s32 $0x0;
	s20 =	sshll.u32 s4, $0x1;
	s4 =	sadd.s32 s21, s2  }
0x9d: {  	[timem:s6], [sflag:s22] =	dma.local [hbm:s4], s20  }
0x9e: {  	_ =	swait.ge [sflag:s22], s20  }
0x9f: {  	s3 =	ssub.s32 $0x0, s20;
	[sflag:s22] =	ssyncset.done $0x0  }
0xa0: {  	[sflag:s22] =	ssyncadd.s32 s3;
	_ =	sdelay $0x1  }
0xa1: {  	s23 =	simm.s32 $0x1B8B  }
0xa2: {  	_ =	swait.ge [sflag:s23], $0x1  }
0xa3: {  	[sflag:s23] =	ssyncset.done $0x0  }
0xa4: {  	s25 =	simm.s32 $0x1B8E;
	s24 =	sld [smem:$0x3FFE];
	[sflag:s23] =	ssyncadd.s32 $0xFFFFFFFF  }
0xa5: {  	s26 =	simm.s32 $execute0_lowered;
	[smem:$0x3FD2] =	sst s25  }
0xa6: {  	s4 =	sshll.u32 s26, $0x1;
	_ =	strace $0x80000049;
	[dreg:$0x1] =	wrdreg $0xFFFFFFFF  }
0xa7: {  	s28 =	simm.s32 $_size_execute0_lowered;
	s2 =	sadd.s32 s2, s4;
	[dreg:$0x0] =	wrdreg $0x0  }
0xa8: {  	s4 =	sshll.u32 s28, $0x1;
	[dreg:$0x2] =	wrdreg s2  }
0xa9: {  	[dreg:$0x3] =	wrdreg s4  }
0xaa: {  	[dreg:$0x4] =	wrdreg $0xC0  }
0xab: {  	_ =	task [dreg:s6], $0x5FFFF  }
0xac: {  	[dreg:$0x1] =	wrdreg $0xFFFFFFFF  }
0xad: {  	[dreg:$0x0] =	wrdreg $0x60  }
0xae: {  	[dreg:$0x2] =	wrdreg s24  }
0xaf: {  	[dreg:$0x3] =	wrdreg $0xB7800  }
0xb0: {  	[dreg:$0x4] =	wrdreg $0x9  }
0xb1: {  	_ =	task.clear_ibuf [dreg:s6], $0x5FFFF;
	_ =	strace $0x90000049  }
0xb2: {  	s29 =	simm.s32 $0x9;
	_ =	strace $0x8000004B  }
0xb3: {  	_ =	swait.ge [sflag:s29], $0x1  }
0xb4: {  	[sflag:s29] =	ssyncadd.s32 $0xFFFFFFFF  }
0xb5: {  	_ =	strace $0x9000004B  }
0xb6: {  	_ =	sfence  }
0xb7: {  	s30 =	sld [smem:$0x0];
	_ =	sdelay $0x2  }
0xb8: {  	s31 =	sshll.u32 s1, $0xD;
	s1 =	sshrl.u32 s1, $0x2  }
0xb9: {  	s3 =	sand.u32 $0x4000, s31;
	s1 =	sadd.s32 s1, s30  }
0xba: {  	s0 =	sor.u32 s3, s0;
	s1 =	sshll.u32 s1, $0x11  }
0xbb: {  	s0 =	sor.u32 s1, s0  }
0xbc: {  	s0 =	sadd.s32 $0x8F2B, s0  }
0xbd: {  	[sflag:s0] =	ssyncadd.remote.s32 $0x1  }
0xbe: {  	_ =	sfence.sel $0xFFFF  }
0xbf: {  	[dreg:$0x0] =	wrdreg $0xFFFFFFFF;
	(pc) =	sbr.abs _section_cstart, $3  }
0xc0: {  	[dreg:$0x1] =	wrdreg $0xFFFFFFFF  }
0xc1: {  	_ =	task.clear_ibuf [dreg:s6], $0x2FFFF;
	_ =	strace $0x9FFFFFFF  }
0xc2: {  	(tm) =	ssettm $0x7FFFFFFF  }
0xc3: {  	_ =	shalt  }
tec
execute0_lowered:
.L_overlay_start_1:
0x0: {  	(tag) =	ssettag $0x1  }
0x1: {  	s0 =	srdreg.scid;
	s1 =	rddreg [dreg:$0x0]  }
0x2: {  	s2 =	rddreg [dreg:$0x1];
	s24 =	stileid.u32  }
0x3: {  	s3 =	simm.s32 $0x0;
	s28 =	simm.s32 $0x1;
	s29 =	simm.s32 $0x2  }
0x4: {  	s30 =	simm.s32 $0x50;
	s31 =	simm.s32 $0x8F80;
	s8 =	smul.u32 $0xA000, s24  }
0x5: {  	s0 =	sand.u32 $0x1, s0;
	[smem:$0x7FF] =	sst s3;
	s14 =	smul.u32 $0x2800, s24  }
0x6: {  	s19 =	sor.u32 $0x70, s24;
	p0 =	sgt.u32 s24, $0xC;
	s4 =	sshll.u32 s0, $0x4  }
0x7: {  	_ =	strace $0x8000004A;
	s7 =	ssub.s32 $0x2, s0;
	s16 =	smul.u32 $0xA000, s19  }
0x8: {  	s0 =	smul.u32 $0x138800, s0;
	s5 =	sor.u32 s24, s4;
	s4 =	sadd.s32 $0x1D000, s1  }
0x9: {  	s9 =	sshrl.u32 s7, $0x1;
	s21 =	sshrl.u32 s8, $0x2;
	s15 =	sadd.s32 $0x28000, s14  }
0xa: {  	s17 =	sadd.s32 $0x78000, s14;
	s18 =	sadd.s32 $0xA0000, s14;
	s20 =	sadd.s32 $0xC8000, s14  }
0xb: {  	s6 =	smul.u32 $0x4E2, s5;
	s5 =	sshll.u32 s5, $0xB;
	s23 =	ssub.s32 s7, s9  }
0xc: {  	s7 =	sadd.s32 s21, s2;
	s8 =	sadd.s32 s15, s2;
	s10 =	sadd.s32 s17, s2  }
0xd: {  	s11 =	sadd.s32 s18, s2;
	s12 =	sadd.s32 s20, s2;
	s21 =	sadd.s32 $0xF0000, s14  }
0xe: {  	s16 =	sshrl.u32 s16, $0x2;
	s22 =	sadd.s32 s14, s0;
	s25 =	sadd.s32 s0, s15  }
0xf: {  	s15 =	sadd.s32 s0, s17;
	s5 =	sadd.s32 s5, s1;
	s13 =	sadd.s32 s21, s2  }
0x10: {  	s22 =	sshrl.u32 s22, $0x3;
	s23 =	smax.u32 s23, $0x1;
	s6 =	sadd.s32 s6, s1  }
0x11: {  	s1 =	sadd.s32 $0x44200, s1;
	s5 =	sadd.s32 $0xD000, s5;
	s6 =	sadd.s32 $0x3200, s6  }
0x12: {  	[dreg:$0x4] =	wrdreg s5;
	s5 =	sadd.s32 $0x50000, s14;
	s14 =	sadd.s32 s16, s2  }
0x13: {  	s26 =	sadd.s32 s1, s22;
	[dreg:$0x3] =	wrdreg s6;
	s9 =	sadd.s32 s5, s2  }
0x14: {  	[dreg:$0x5] =	wrdreg s26;
	s6 =	sshrl.u32 s25, $0x3;
	s5 =	sadd.s32 s0, s5  }
0x15: {  	s25 =	sshrl.u32 s15, $0x3;
	s26 =	sadd.s32 s0, s18;
	s15 =	smul.u32 $0x2800, s19  }
0x16: {  	s16 =	sadd.s32 s1, s6;
	s5 =	sshrl.u32 s5, $0x3;
	s18 =	sadd.s32 s1, s25  }
0x17: {  	s6 =	sshrl.u32 s26, $0x3;
	s25 =	sadd.s32 s0, s20;
	s26 =	sadd.s32 s0, s21  }
0x18: {  	s17 =	sadd.s32 s1, s5;
	s19 =	sadd.s32 s1, s6;
	s5 =	sshrl.u32 s25, $0x3  }
0x19: {  	s21 =	sshrl.u32 s26, $0x3;
	s0 =	sadd.s32 s0, s15;
	s25 =	simm.s32 $0x6780  }
0x1a: {  	s26 =	simm.s32 $0x3;
	s20 =	sadd.s32 s1, s5;
	s0 =	sshrl.u32 s0, $0x3  }
0x1b: {  	v0 =	vimm.f32 $0.0e+00;
	s21 =	sadd.s32 s1, s21;
	s22 =	sadd.s32 s1, s0;
	s1 =	simm.s32 $0x0  }
.LBB2_1:
0x1c: {  	s0 =	rddreg [dreg:$0x3]  }
0x1d: {  	[tilespmem:s3], [sflag:$0x1] =	stream.linear.gather [hbm4b:s0+s3], $0x2710, $0x38;
	[tilespmem:$0x1F000] =	vst v63  }
0x1e: {  	s24 =	rddreg [dreg:$0x4];
	s5 =	simm.s32 $0x2780  }
0x1f: {  	[tilespmem:s5], [sflag:$0x2] =	stream.linear.gather [hbm4b:s24+s3], $0x3E80, $0x38;
	[tilespmem:$0x1F000] =	vst v63  }
0x20: {  	s0 =	simm.s32 $0x0;
	s5 =	simm.s32 $0x200  }
.LBB2_2:
0x21: {  	p1 =	sne.s32 s5, $0x9E00;
	[tilespmem:s0+$0x67F0] =	vst v0  }
0x22: {  	[tilespmem:s0+$0x6780] =	vst v0  }
0x23: {  	[tilespmem:s0+$0x6790] =	vst v0  }
.Ltmp0:
0x24: {  	[tilespmem:s0+$0x67A0] =	vst v0;
	(pc) =	sbr.rel @p1 .LBB2_2-.Ltmp0, $4  }
0x25: {  	[tilespmem:s0+$0x67B0] =	vst v0  }
0x26: {  	[tilespmem:s0+$0x67C0] =	vst v0  }
0x27: {  	[tilespmem:s0+$0x67D0] =	vst v0  }
0x28: {  	[tilespmem:s0+$0x67E0] =	vst v0;
	s0 =	sshra.s32 s5, $0x2;
	s5 =	sadd.s32 $0x200, s5  }
0x29: {  	[tilespmem:s0+$0x67F0] =	vst v0  }
0x2a: {  	[tilespmem:s0+$0x6780] =	vst v0  }
0x2b: {  	[tilespmem:s0+$0x6790] =	vst v0  }
0x2c: {  	[tilespmem:s0+$0x67A0] =	vst v0  }
0x2d: {  	[tilespmem:s0+$0x67B0] =	vst v0  }
0x2e: {  	[tilespmem:s0+$0x67C0] =	vst v0  }
0x2f: {  	[tilespmem:s0+$0x67D0] =	vst v0  }
0x30: {  	[tilespmem:s0+$0x67E0] =	vst v0  }
0x31: {  	[spmem:s7] =	stream.linear.scatter [tilespmem:s25], [sflag:$0x3], $0x2800, $0x38;
	[tilespmem:$0x1F000] =	vst v63  }
0x32: {  	_ =	swait.ge [sflag:s26], $0x2800  }
0x33: {  	[sflag:s26] =	ssyncset.done $0x0  }
0x34: {  	[sflag:s26] =	ssyncadd.s32 $0xFFFFD800  }
0x35: {  	[spmem:s8] =	stream.linear.scatter [tilespmem:s25], [sflag:$0x3], $0x2800, $0x38;
	[tilespmem:$0x1F000] =	vst v63  }
0x36: {  	_ =	swait.ge [sflag:s26], $0x2800  }
0x37: {  	[sflag:s26] =	ssyncset.done $0x0  }
0x38: {  	[sflag:s26] =	ssyncadd.s32 $0xFFFFD800  }
0x39: {  	[spmem:s9] =	stream.linear.scatter [tilespmem:s25], [sflag:$0x3], $0x2800, $0x38;
	[tilespmem:$0x1F000] =	vst v63  }
0x3a: {  	_ =	swait.ge [sflag:s26], $0x2800  }
0x3b: {  	[sflag:s26] =	ssyncset.done $0x0  }
0x3c: {  	[sflag:s26] =	ssyncadd.s32 $0xFFFFD800  }
0x3d: {  	[spmem:s10] =	stream.linear.scatter [tilespmem:s25], [sflag:$0x3], $0x2800, $0x38;
	[tilespmem:$0x1F000] =	vst v63  }
0x3e: {  	_ =	swait.ge [sflag:s26], $0x2800  }
0x3f: {  	[sflag:s26] =	ssyncset.done $0x0  }
0x40: {  	[sflag:s26] =	ssyncadd.s32 $0xFFFFD800  }
0x41: {  	[spmem:s11] =	stream.linear.scatter [tilespmem:s25], [sflag:$0x3], $0x2800, $0x38;
	[tilespmem:$0x1F000] =	vst v63  }
0x42: {  	_ =	swait.ge [sflag:s26], $0x2800  }
0x43: {  	[sflag:s26] =	ssyncset.done $0x0  }
0x44: {  	[sflag:s26] =	ssyncadd.s32 $0xFFFFD800  }
0x45: {  	[spmem:s12] =	stream.linear.scatter [tilespmem:s25], [sflag:$0x3], $0x2800, $0x38;
	[tilespmem:$0x1F000] =	vst v63  }
0x46: {  	_ =	swait.ge [sflag:s26], $0x2800  }
0x47: {  	[sflag:s26] =	ssyncset.done $0x0  }
0x48: {  	[sflag:s26] =	ssyncadd.s32 $0xFFFFD800  }
0x49: {  	[spmem:s13] =	stream.linear.scatter [tilespmem:s25], [sflag:$0x3], $0x2800, $0x38;
	[tilespmem:$0x1F000] =	vst v63  }
0x4a: {  	_ =	swait.ge [sflag:s26], $0x2800  }
0x4b: {  	[sflag:s26] =	ssyncset.done $0x0  }
0x4c: {  	s0 =	simm.s32 @!p0 $0x6780;
	[sflag:s26] =	ssyncadd.s32 $0xFFFFD800  }
0x4d: {  	[spmem:s14] =	stream.linear.scatter @!p0 [tilespmem:s0], [sflag:$0x3], $0x2800, $0x38;
	[tilespmem:$0x1F000] =	vst v63  }
0x4e: {  	s0 =	simm.s32 @!p0 $0x3  }
0x4f: {  	_ =	swait.ge @!p0 [sflag:s0], $0x2800  }
0x50: {  	[sflag:s0] =	ssyncset.done @!p0 $0x0  }
0x51: {  	[sflag:s0] =	ssyncadd.s32 @!p0 $0xFFFFD800  }
0x52: {  	_ =	swait.ge [sflag:s28], $0x2710  }
0x53: {  	[sflag:s28] =	ssyncset.done $0x0  }
0x54: {  	[sflag:s28] =	ssyncadd.s32 $0xFFFFD8F0  }
0x55: {  	_ =	swait.ge [sflag:s29], $0x3E80  }
0x56: {  	[sflag:s29] =	ssyncset.done $0x0  }
0x57: {  	[sflag:s29] =	ssyncadd.s32 $0xFFFFC180  }
0x58: {  	s24 =	simm.s32 $0x0;
	[bflag:$0x0] =	sbarrier.arrive $0xFFFF  }
0x59: {  	[tilespmem:s25], [sflag:$0x1] =	stream.indirect.gather [hbm4b:s4+s30], $0x80, s24, s30, $0xb8;
	[tilespmem:$0x1F000] =	vst v63  }
0x5a: {  	s5 =	simm.s32 $0x50  }
0x5b: {  	[tilespmem:s31], [sflag:$0x2] =	stream.indirect.gather [hbm4b:s4+s30], $0x80, s5, s30, $0xb8;
	[tilespmem:$0x1F000] =	vst v63  }
0x5c: {  	_ =	swait.ge [sflag:s28], $0x2800  }
0x5d: {  	[sflag:s28] =	ssyncset.done $0x0  }
0x5e: {  	s6 =	simm.s32 $0x2780;
	[sflag:s28] =	ssyncadd.s32 $0xFFFFD800  }
0x5f: {  	[spmem:s2] =	stream.indirect.scatter.add.f32 [tilespmem:s25], [sflag:$0x3], $0x80, s6, s30, $0xb8;
	[tilespmem:$0x1F000] =	vst v63  }
0x60: {  	_ =	swait.ge [sflag:s26], $0x2800  }
0x61: {  	[sflag:s26] =	ssyncset.done $0x0  }
0x62: {  	s15 =	simm.s32 $0xA0;
	[sflag:s26] =	ssyncadd.s32 $0xFFFFD800  }
0x63: {  	[tilespmem:s25], [sflag:$0x1] =	stream.indirect.gather [hbm4b:s4+s30], $0x80, s15, s30, $0xb8;
	[tilespmem:$0x1F000] =	vst v63  }
0x64: {  	_ =	swait.ge [sflag:s29], $0x2800  }
0x65: {  	[sflag:s29] =	ssyncset.done $0x0  }
0x66: {  	s24 =	simm.s32 $0x2800;
	[sflag:s29] =	ssyncadd.s32 $0xFFFFD800  }
0x67: {  	[spmem:s2] =	stream.indirect.scatter.add.f32 [tilespmem:s31], [sflag:$0x3], $0x80, s24, s30, $0xb8;
	[tilespmem:$0x1F000] =	vst v63  }
0x68: {  	s0 =	simm.s32 $0x400;
	_ =	swait.ge [sflag:s26], $0x2800  }
0x69: {  	s5 =	simm.s32 $0x800;
	s24 =	simm.s32 $0x140;
	[sflag:s26] =	ssyncset.done $0x0  }
.LBB2_4:
0x6a: {  	p1 =	sne.s32 s5, $0xF400;
	s6 =	sadd.s32 $0xFFFFFFB0, s24;
	[sflag:s26] =	ssyncadd.s32 $0xFFFFD800  }
0x6b: {  	[tilespmem:s31], [sflag:$0x2] =	stream.indirect.gather [hbm4b:s4+s30], $0x80, s6, s30, $0xb8;
	[tilespmem:$0x1F000] =	vst v63  }
0x6c: {  	s6 =	smov.u32 s5;
	s5 =	sadd.s32 $0x400, s5;
	_ =	swait.ge [sflag:s28], $0x2800  }
0x6d: {  	s15 =	sshra.s32 s0, $0x2;
	s0 =	smov.u32 s6;
	[sflag:s28] =	ssyncset.done $0x0  }
0x6e: {  	s6 =	sadd.s32 $0x2780, s15;
	[sflag:s28] =	ssyncadd.s32 $0xFFFFD800  }
0x6f: {  	[spmem:s2] =	stream.indirect.scatter.add.f32 [tilespmem:s25], [sflag:$0x3], $0x80, s6, s30, $0xb8;
	[tilespmem:$0x1F000] =	vst v63  }
0x70: {  	_ =	swait.ge [sflag:s26], $0x2800  }
0x71: {  	[sflag:s26] =	ssyncset.done $0x0  }
0x72: {  	[sflag:s26] =	ssyncadd.s32 $0xFFFFD800  }
0x73: {  	[tilespmem:s25], [sflag:$0x1] =	stream.indirect.gather [hbm4b:s4+s30], $0x80, s24, s30, $0xb8;
	[tilespmem:$0x1F000] =	vst v63  }
0x74: {  	_ =	swait.ge [sflag:s29], $0x2800  }
.Ltmp1:
0x75: {  	[sflag:s29] =	ssyncset.done $0x0;
	(pc) =	sbr.rel @p1 .LBB2_4-.Ltmp1, $4  }
0x76: {  	s6 =	sadd.s32 $0x2800, s15;
	[sflag:s29] =	ssyncadd.s32 $0xFFFFD800  }
0x77: {  	[spmem:s2] =	stream.indirect.scatter.add.f32 [tilespmem:s31], [sflag:$0x3], $0x80, s6, s30, $0xb8;
	[tilespmem:$0x1F000] =	vst v63  }
0x78: {  	_ =	swait.ge [sflag:s26], $0x2800  }
0x79: {  	s24 =	sadd.s32 $0xA0, s24;
	[sflag:s26] =	ssyncset.done $0x0  }
0x7a: {  	s5 =	sadd.s32 $0xFFFFFFB0, s24;
	[sflag:s26] =	ssyncadd.s32 $0xFFFFD800  }
0x7b: {  	[tilespmem:s31], [sflag:$0x2] =	stream.indirect.gather [hbm4b:s4+s30], $0x80, s5, s30, $0xb8;
	[tilespmem:$0x1F000] =	vst v63  }
0x7c: {  	_ =	swait.ge [sflag:s28], $0x2800  }
0x7d: {  	s0 =	sshra.s32 s0, $0x2;
	[sflag:s28] =	ssyncset.done $0x0  }
0x7e: {  	s6 =	sadd.s32 $0x2780, s0;
	[sflag:s28] =	ssyncadd.s32 $0xFFFFD800  }
0x7f: {  	[spmem:s2] =	stream.indirect.scatter.add.f32 [tilespmem:s25], [sflag:$0x3], $0x80, s6, s30, $0xb8;
	[tilespmem:$0x1F000] =	vst v63  }
0x80: {  	_ =	swait.ge [sflag:s26], $0x2800  }
0x81: {  	[sflag:s26] =	ssyncset.done $0x0  }
0x82: {  	[sflag:s26] =	ssyncadd.s32 $0xFFFFD800  }
0x83: {  	[tilespmem:s25], [sflag:$0x1] =	stream.indirect.gather [hbm4b:s4+s30], $0x80, s24, s30, $0xb8;
	[tilespmem:$0x1F000] =	vst v63  }
0x84: {  	_ =	swait.ge [sflag:s29], $0x2800  }
0x85: {  	[sflag:s29] =	ssyncset.done $0x0  }
0x86: {  	s0 =	sadd.s32 $0x2800, s0;
	[sflag:s29] =	ssyncadd.s32 $0xFFFFD800  }
0x87: {  	[spmem:s2] =	stream.indirect.scatter.add.f32 [tilespmem:s31], [sflag:$0x3], $0x80, s0, s30, $0xb8;
	[tilespmem:$0x1F000] =	vst v63  }
0x88: {  	_ =	swait.ge [sflag:s26], $0x2800  }
0x89: {  	[sflag:s26] =	ssyncset.done $0x0  }
0x8a: {  	[sflag:s26] =	ssyncadd.s32 $0xFFFFD800  }
0x8b: {  	_ =	swait.ge [sflag:s28], $0x2800  }
0x8c: {  	[sflag:s28] =	ssyncset.done $0x0  }
0x8d: {  	s15 =	simm.s32 $0x6580;
	[sflag:s28] =	ssyncadd.s32 $0xFFFFD800  }
0x8e: {  	[spmem:s2] =	stream.indirect.scatter.add.f32 [tilespmem:s25], [sflag:$0x3], $0x80, s15, s30, $0xb8;
	[tilespmem:$0x1F000] =	vst v63  }
0x8f: {  	_ =	swait.ge [sflag:s26], $0x2800  }
0x90: {  	[sflag:s26] =	ssyncset.done $0x0  }
0x91: {  	[sflag:s26] =	ssyncadd.s32 $0xFFFFD800  }
0x92: {  	[bflag:$0x0] =	sbarrier.arrive $0xFFFF  }
0x93: {  	[tilespmem:s25], [sflag:$0x3] =	stream.linear.gather [spmem:s7], $0x2800, $0x38;
	[tilespmem:$0x1F000] =	vst v63  }
0x94: {  	_ =	swait.ge [sflag:s26], $0x2800  }
0x95: {  	[sflag:s26] =	ssyncset.done $0x0  }
0x96: {  	s24 =	rddreg [dreg:$0x5];
	[sflag:s26] =	ssyncadd.s32 $0xFFFFD800  }
0x97: {  	[hbm4b:s24+s3] =	stream.linear.scatter [tilespmem:s25], [sflag:$0x3], $0x2800, $0x38;
	[tilespmem:$0x1F000] =	vst v63  }
0x98: {  	_ =	swait.ge [sflag:s26], $0x2800  }
0x99: {  	[sflag:s26] =	ssyncset.done $0x0  }
0x9a: {  	[sflag:s26] =	ssyncadd.s32 $0xFFFFD800  }
0x9b: {  	[tilespmem:s25], [sflag:$0x3] =	stream.linear.gather [spmem:s8], $0x2800, $0x38;
	[tilespmem:$0x1F000] =	vst v63  }
0x9c: {  	_ =	swait.ge [sflag:s26], $0x2800  }
0x9d: {  	[sflag:s26] =	ssyncset.done $0x0  }
0x9e: {  	[sflag:s26] =	ssyncadd.s32 $0xFFFFD800  }
0x9f: {  	[hbm4b:s16+s3] =	stream.linear.scatter [tilespmem:s25], [sflag:$0x3], $0x2800, $0x38;
	[tilespmem:$0x1F000] =	vst v63  }
0xa0: {  	_ =	swait.ge [sflag:s26], $0x2800  }
0xa1: {  	[sflag:s26] =	ssyncset.done $0x0  }
0xa2: {  	[sflag:s26] =	ssyncadd.s32 $0xFFFFD800  }
0xa3: {  	[tilespmem:s25], [sflag:$0x3] =	stream.linear.gather [spmem:s9], $0x2800, $0x38;
	[tilespmem:$0x1F000] =	vst v63  }
0xa4: {  	_ =	swait.ge [sflag:s26], $0x2800  }
0xa5: {  	[sflag:s26] =	ssyncset.done $0x0  }
0xa6: {  	[sflag:s26] =	ssyncadd.s32 $0xFFFFD800  }
0xa7: {  	[hbm4b:s17+s3] =	stream.linear.scatter [tilespmem:s25], [sflag:$0x3], $0x2800, $0x38;
	[tilespmem:$0x1F000] =	vst v63  }
0xa8: {  	_ =	swait.ge [sflag:s26], $0x2800  }
0xa9: {  	[sflag:s26] =	ssyncset.done $0x0  }
0xaa: {  	[sflag:s26] =	ssyncadd.s32 $0xFFFFD800  }
0xab: {  	[tilespmem:s25], [sflag:$0x3] =	stream.linear.gather [spmem:s10], $0x2800, $0x38;
	[tilespmem:$0x1F000] =	vst v63  }
0xac: {  	_ =	swait.ge [sflag:s26], $0x2800  }
0xad: {  	[sflag:s26] =	ssyncset.done $0x0  }
0xae: {  	[sflag:s26] =	ssyncadd.s32 $0xFFFFD800  }
0xaf: {  	[hbm4b:s18+s3] =	stream.linear.scatter [tilespmem:s25], [sflag:$0x3], $0x2800, $0x38;
	[tilespmem:$0x1F000] =	vst v63  }
0xb0: {  	_ =	swait.ge [sflag:s26], $0x2800  }
0xb1: {  	[sflag:s26] =	ssyncset.done $0x0  }
0xb2: {  	[sflag:s26] =	ssyncadd.s32 $0xFFFFD800  }
0xb3: {  	[tilespmem:s25], [sflag:$0x3] =	stream.linear.gather [spmem:s11], $0x2800, $0x38;
	[tilespmem:$0x1F000] =	vst v63  }
0xb4: {  	_ =	swait.ge [sflag:s26], $0x2800  }
0xb5: {  	[sflag:s26] =	ssyncset.done $0x0  }
0xb6: {  	[sflag:s26] =	ssyncadd.s32 $0xFFFFD800  }
0xb7: {  	[hbm4b:s19+s3] =	stream.linear.scatter [tilespmem:s25], [sflag:$0x3], $0x2800, $0x38;
	[tilespmem:$0x1F000] =	vst v63  }
0xb8: {  	_ =	swait.ge [sflag:s26], $0x2800  }
0xb9: {  	[sflag:s26] =	ssyncset.done $0x0  }
0xba: {  	[sflag:s26] =	ssyncadd.s32 $0xFFFFD800  }
0xbb: {  	[tilespmem:s25], [sflag:$0x3] =	stream.linear.gather [spmem:s12], $0x2800, $0x38;
	[tilespmem:$0x1F000] =	vst v63  }
0xbc: {  	_ =	swait.ge [sflag:s26], $0x2800  }
0xbd: {  	[sflag:s26] =	ssyncset.done $0x0  }
0xbe: {  	[sflag:s26] =	ssyncadd.s32 $0xFFFFD800  }
0xbf: {  	[hbm4b:s20+s3] =	stream.linear.scatter [tilespmem:s25], [sflag:$0x3], $0x2800, $0x38;
	[tilespmem:$0x1F000] =	vst v63  }
0xc0: {  	_ =	swait.ge [sflag:s26], $0x2800  }
0xc1: {  	[sflag:s26] =	ssyncset.done $0x0  }
0xc2: {  	[sflag:s26] =	ssyncadd.s32 $0xFFFFD800  }
0xc3: {  	[tilespmem:s25], [sflag:$0x3] =	stream.linear.gather [spmem:s13], $0x2800, $0x38;
	[tilespmem:$0x1F000] =	vst v63  }
0xc4: {  	_ =	swait.ge [sflag:s26], $0x2800  }
0xc5: {  	[sflag:s26] =	ssyncset.done $0x0  }
0xc6: {  	[sflag:s26] =	ssyncadd.s32 $0xFFFFD800  }
0xc7: {  	[hbm4b:s21+s3] =	stream.linear.scatter [tilespmem:s25], [sflag:$0x3], $0x2800, $0x38;
	[tilespmem:$0x1F000] =	vst v63  }
0xc8: {  	_ =	swait.ge [sflag:s26], $0x2800  }
0xc9: {  	[sflag:s26] =	ssyncset.done $0x0  }
0xca: {  	s5 =	simm.s32 @!p0 $0x3;
	s0 =	simm.s32 @!p0 $0x6780;
	[sflag:s26] =	ssyncadd.s32 $0xFFFFD800  }
0xcb: {  	[tilespmem:s0], [sflag:$0x3] =	stream.linear.gather @!p0 [spmem:s14], $0x2800, $0x38;
	[tilespmem:$0x1F000] =	vst v63  }
0xcc: {  	s1 =	sadd.s32 $0x1, s1;
	_ =	swait.ge @!p0 [sflag:s5], $0x2800  }
0xcd: {  	p1 =	sne.s32 s1, s23;
	[sflag:s5] =	ssyncset.done @!p0 $0x0  }
.Ltmp2:
0xce: {  	s6 =	simm.s32 @!p0 $0x0;
	[sflag:s5] =	ssyncadd.s32 @!p0 $0xFFFFD800;
	(pc) =	sbr.rel @p1 .LBB2_1-.Ltmp2, $4  }
0xcf: {  	[hbm4b:s22+s6] =	stream.linear.scatter @!p0 [tilespmem:s0], [sflag:$0x3], $0x2800, $0x38;
	[tilespmem:$0x1F000] =	vst v63  }
0xd0: {  	_ =	swait.ge @!p0 [sflag:s5], $0x2800  }
0xd1: {  	[sflag:s5] =	ssyncset.done @!p0 $0x0  }
0xd2: {  	[sflag:s5] =	ssyncadd.s32 @!p0 $0xFFFFD800  }
0xd3: {  	_ =	sfence.sel $0x180000  }
0xd4: {  	[bflag:$0x0] =	sbarrier.arrive $0xFFFF  }
0xd5: {  	_ =	strace $0x9000004A  }
0xd6: {  	s0 =	stileid.u32;
	[bflag:$0x2] =	sbarrier.arrive $0xFFFF  }
0xd7: {  	p0 =	sne.s32 s0, $0x0;
	s0 =	rddreg [dreg:$0x2]  }
0xd8: {  	s0 =	sadd.s32 @!p0 $0x100000, s0  }
0xd9: {  	[sflag:s0] =	ssyncadd.tile.s32 @!p0 $0x1;
	_ =	shalt  }
.Lfunc_end2:
_tile_overlayer_lowered:
.L_overlay_start_2:
0xda: {  	(tag) =	ssettag $0x2  }
0xdb: {  	s0 =	rddreg [dreg:$0x0];
	s2 =	stileid.u32  }
0xdc: {  	s1 =	rddreg [dreg:$0x1];
	p0 =	sne.s32 s2, $0x0  }
0xdd: {  	s3 =	rddreg [dreg:$0x2];
	[bflag:$0x3] =	sbarrier.arrive $0xFFFF;
	s2 =	simm.s32 @!p0 $0x1C03  }
0xde: {  	[timem:s3], [sflag:s2] =	dma.local @!p0 [hbm:s0], s1  }
0xdf: {  	s0 =	simm.s32 @!p0 $0x3  }
0xe0: {  	_ =	swait.ge @!p0 [sflag:s0], s1  }
0xe1: {  	s1 =	ssub.s32 @!p0 $0x0, s1;
	[sflag:s0] =	ssyncset.done @!p0 $0x0  }
0xe2: {  	[sflag:s0] =	ssyncadd.s32 @!p0 s1  }
0xe3: {  	[bflag:$0x3] =	sbarrier.arrive $0xFFFF  }
0xe4: {  	_ =	shalt  }

// kernel: kernel.14.cloned.1.call-start
scs
__scs_entry_jumppad:
0x0: {  	(pc) =	sbr.rel $0x88, $3  }
0x1: {  	(tag) =	ssettag $0x0;
	lr =	simm.s32 $0x1  }
0x2: {  	[smem:$0x3F94] =	sst lr;
	_ =	strace $0xD0000000  }
0x3: {  	_ = 	snop  }
0x4: {  	_ = 	snop  }
0x5: {  	_ = 	snop  }
0x6: {  	_ = 	snop  }
0x7: {  	_ = 	snop  }
__scs_overlays_trampoline_lowered:
0x8: {  	[smem:$0x3FA3] =	sst s0  }
0x9: {  	[smem:$0x3FA4] =	sst s1  }
0xa: {  	[smem:$0x3FA5] =	sst s2  }
0xb: {  	[smem:$0x3FA6] =	sst s3  }
0xc: {  	[smem:$0x3FA7] =	sst s4  }
0xd: {  	[smem:$0x3FA8] =	sst s5  }
0xe: {  	[smem:$0x3FA9] =	sst s6  }
0xf: {  	[smem:$0x3FAA] =	sst s7  }
0x10: {  	[smem:$0x3FAB] =	sst s8  }
0x11: {  	[smem:$0x3FAC] =	sst s9;
	s0 =	simm.s32 @!p0 $0x0  }
0x12: {  	s1 =	sld [smem:$0x3F92];
	s0 =	simm.s32 @p0 $0x1  }
0x13: {  	[smem:$0x3FAD] =	sst s0;
	s0 =	simm.s32 @!p1 $0x0  }
0x14: {  	s2 =	sld [smem:$0x3F91];
	s0 =	simm.s32 @p1 $0x1  }
0x15: {  	[smem:$0x3FAE] =	sst s0;
	s0 =	simm.s32 @!p2 $0x0  }
0x16: {  	s3 =	sld [smem:$0x3FDB];
	s0 =	simm.s32 @p2 $0x1  }
0x17: {  	s4 =	simm.s32 $0x1BF5;
	[smem:$0x3FB0] =	sst s0  }
0x18: {  	s0 =	sld [smem:$0x3F93];
	_ =	swait.ge [sflag:s4], $0x0  }
0x19: {  	s7 =	sld [smem:$0x3F94]  }
0x1a: {  	s8 =	sadd.s32 $0xFFFFE003, lr  }
0x1b: {  	s9 =	sadd.s32 $0xFFFFFEF7, lr;
	s5 =	simm.s32 $0xFFFFFFFF;
	p2 =	slt.u32 s8, $0xFFFFF086  }
0x1c: {  	p1 =	slt.u32 s9, $0xF7A;
	s5 =	simm.s32 @!p2 $0x0  }
0x1d: {  	s5 =	simm.s32 @p1 $0x1;
	p0 =	seq.s32 s7, s2  }
0x1e: {  	s7 =	smul.u32 @!p0 $0xF7A, s2;
	p2 =	seq.s32 @!p0 s5, $0x0  }
0x1f: {  	s9 =	smul.u32 $0xF7A, s1;
	s8 =	simm.s32 @!p0 $0x1BF5;
	p2 =	por !p2, p0  }
0x20: {  	[sflag:s8] =	ssyncset.s32 @!p0 $0xFFFFF086;
	s6 =	sadd.s32 @!p0 s3, s7;
	s7 =	simm.s32 @!p0 $0x108  }
0x21: {  	s3 =	sadd.s32 s3, s9;
	s6 =	sadd.s32 @!p0 $0x88, s6;
	s7 =	simm.s32 @p2 $0x1082  }
0x22: {  	[simem:s7], [sflag:s8] =	dma.local @!p0 [hbm:s6], $0xF7A  }
0x23: {  	s9 =	sor.u32 $0xD0000000, s2;
	s6 =	simm.s32 $0x108;
	_ =	swait.ge @!p0 [sflag:s8], $0x0  }
0x24: {  	s3 =	sadd.s32 $0x88, s3;
	s6 =	simm.s32 @!p1 $0x1082;
	[sflag:s4] =	ssyncset.s32 $0xFFFFF086  }
0x25: {  	[simem:s6], [sflag:s4] =	dma.local [hbm:s3], $0xF7A  }
0x26: {  	[smem:$0x3F94] =	sst s1;
	(tag) =	ssettag s2;
	_ =	strace s9  }
0x27: {  	s1 =	sld [smem:$0x3FA4]  }
0x28: {  	s2 =	sld [smem:$0x3FA5]  }
0x29: {  	s4 =	sld [smem:$0x3FA7]  }
0x2a: {  	p0 =	seq.s32 s5, $0x0;
	s5 =	sld [smem:$0x3FA8]  }
0x2b: {  	s6 =	sld [smem:$0x3FA9]  }
0x2c: {  	s7 =	sld [smem:$0x3FAA]  }
0x2d: {  	s3 =	simm.s32 $0x108;
	s8 =	sld [smem:$0x3FAB]  }
0x2e: {  	s3 =	simm.s32 @!p0 $0x1082;
	s9 =	sld [smem:$0x3FAC]  }
0x2f: {  	lr =	sadd.s32 s0, s3;
	s0 =	sld [smem:$0x3FA3]  }
0x30: {  	s3 =	sld [smem:$0x3FA6]  }
0x31: {  	[smem:$0x3FAF] =	sst s10  }
0x32: {  	s10 =	sld [smem:$0x3FAD];
	_ =	sdelay $0x3  }
0x33: {  	p0 =	seq.s32 s10, $0x1;
	s10 =	sld [smem:$0x3FAF];
	_ =	sdelay $0x3  }
0x34: {  	[smem:$0x3FAF] =	sst s10  }
0x35: {  	s10 =	sld [smem:$0x3FAE];
	_ =	sdelay $0x3  }
0x36: {  	p1 =	seq.s32 s10, $0x1;
	s10 =	sld [smem:$0x3FAF];
	_ =	sdelay $0x3  }
0x37: {  	[smem:$0x3FAF] =	sst s10  }
0x38: {  	s10 =	sld [smem:$0x3FB0]  }
0x39: {  	_ = 	snop;
	(pc) =	sbr.ind lr, $3  }
0x3a: {  	_ = 	snop  }
0x3b: {  	_ = 	snop  }
0x3c: {  	p2 =	seq.s32 s10, $0x1;
	s10 =	sld [smem:$0x3FAF]  }
0x3d: {  	_ =	shalt  }
0x3e: {  	_ =	shalt  }
0x3f: {  	_ =	shalt  }
0x40: {  	_ =	shalt  }
0x41: {  	_ =	shalt  }
0x42: {  	_ =	shalt  }
0x43: {  	_ =	shalt  }
0x44: {  	_ =	shalt  }
0x45: {  	_ =	shalt  }
0x46: {  	_ =	shalt  }
0x47: {  	_ =	shalt  }
0x48: {  	_ =	shalt  }
0x49: {  	_ =	shalt  }
0x4a: {  	_ =	shalt  }
0x4b: {  	_ =	shalt  }
0x4c: {  	_ =	shalt  }
0x4d: {  	_ =	shalt  }
0x4e: {  	_ =	shalt  }
0x4f: {  	_ =	shalt  }
0x50: {  	_ =	shalt  }
0x51: {  	_ =	shalt  }
0x52: {  	_ =	shalt  }
0x53: {  	_ =	shalt  }
0x54: {  	_ =	shalt  }
0x55: {  	_ =	shalt  }
0x56: {  	_ =	shalt  }
0x57: {  	_ =	shalt  }
0x58: {  	_ =	shalt  }
0x59: {  	_ =	shalt  }
0x5a: {  	_ =	shalt  }
0x5b: {  	_ =	shalt  }
0x5c: {  	_ =	shalt  }
0x5d: {  	_ =	shalt  }
0x5e: {  	_ =	shalt  }
0x5f: {  	_ =	shalt  }
0x60: {  	_ =	shalt  }
0x61: {  	_ =	shalt  }
0x62: {  	_ =	shalt  }
0x63: {  	_ =	shalt  }
0x64: {  	_ =	shalt  }
0x65: {  	_ =	shalt  }
0x66: {  	_ =	shalt  }
0x67: {  	_ =	shalt  }
0x68: {  	_ =	shalt  }
0x69: {  	_ =	shalt  }
0x6a: {  	_ =	shalt  }
0x6b: {  	_ =	shalt  }
0x6c: {  	_ =	shalt  }
0x6d: {  	_ =	shalt  }
0x6e: {  	_ =	shalt  }
0x6f: {  	_ =	shalt  }
0x70: {  	_ =	shalt  }
0x71: {  	_ =	shalt  }
0x72: {  	_ =	shalt  }
0x73: {  	_ =	shalt  }
0x74: {  	_ =	shalt  }
0x75: {  	_ =	shalt  }
0x76: {  	_ =	shalt  }
0x77: {  	_ =	shalt  }
0x78: {  	_ =	shalt  }
0x79: {  	_ =	shalt  }
0x7a: {  	_ =	shalt  }
0x7b: {  	_ =	shalt  }
0x7c: {  	_ =	shalt  }
0x7d: {  	_ =	shalt  }
0x7e: {  	_ =	shalt  }
0x7f: {  	_ =	shalt  }
0x80: {  	_ =	shalt  }
0x81: {  	_ =	shalt  }
0x82: {  	_ =	shalt  }
0x83: {  	_ =	shalt  }
0x84: {  	_ =	shalt  }
0x85: {  	_ =	shalt  }
0x86: {  	_ =	shalt  }
0x87: {  	_ =	shalt  }
.Lfunc_end0:
.L_simem_size_0:
called_computation.2_lowered:
.L_overlay_start_0:
0x88: {  	s2 =	sld [smem:$0x3FD9]  }
0x89: {  	s3 =	sld [smem:$0x3FFE];
	_ =	sdelay $0x1  }
0x8a: {  	s1 =	srdreg.scid  }
0x8b: {  	s0 =	sand.u32 $0x1, s1  }
0x8c: {  	s16 =	sshll.u32 s0, $0xA;
	s2 =	sadd.s32 s3, s2  }
0x8d: {  	s2 =	sadd.s32 s2, s16  }
0x8e: {  	[smem:$0x3FBB] =	sst s2  }
0x8f: {  	_ = 	snop  }
0x90: {  	(tm) =	ssettm $0x1  }
0x91: {  	s17 =	sld [smem:$0x3FFB];
	_ =	sdelay $0x3  }
0x92: {  	_ =	strace s17  }
0x93: {  	s2 =	sld [smem:$0x3FFC];
	_ =	sdelay $0x3  }
0x94: {  	_ =	strace s2  }
0x95: {  	s2 =	sld [smem:$0x3FFD];
	_ =	sdelay $0x3  }
0x96: {  	_ =	strace s2  }
0x97: {  	_ =	strace $0x8FFFFFFF  }
0x98: {  	s18 =	sld [smem:$0x3FDB];
	_ =	sdelay $0x1  }
0x99: {  	s19 =	simm.s32 $_scs_section_size  }
0x9a: {  	s4 =	simm.s32 $_size__tile_overlayer_lowered;
	s5 =	simm.s32 $_tile_overlayer_lowered  }
0x9b: {  	s22 =	simm.s32 $0x1BFF;
	s21 =	sshll.u32 s5, $0x1;
	s2 =	sadd.s32 s19, s18  }
0x9c: {  	s6 =	simm.s32 $0x0;
	s20 =	sshll.u32 s4, $0x1;
	s4 =	sadd.s32 s21, s2  }
0x9d: {  	[timem:s6], [sflag:s22] =	dma.local [hbm:s4], s20  }
0x9e: {  	_ =	swait.ge [sflag:s22], s20  }
0x9f: {  	s3 =	ssub.s32 $0x0, s20;
	[sflag:s22] =	ssyncset.done $0x0  }
0xa0: {  	[sflag:s22] =	ssyncadd.s32 s3;
	_ =	sdelay $0x1  }
0xa1: {  	s23 =	simm.s32 $0x1B8B  }
0xa2: {  	_ =	swait.ge [sflag:s23], $0x1  }
0xa3: {  	[sflag:s23] =	ssyncset.done $0x0  }
0xa4: {  	s25 =	simm.s32 $0x1B8E;
	s24 =	sld [smem:$0x3FFE];
	[sflag:s23] =	ssyncadd.s32 $0xFFFFFFFF  }
0xa5: {  	s26 =	simm.s32 $execute0_lowered;
	[smem:$0x3FD2] =	sst s25  }
0xa6: {  	s4 =	sshll.u32 s26, $0x1;
	_ =	strace $0x8000004C;
	[dreg:$0x1] =	wrdreg $0xFFFFFFFF  }
0xa7: {  	s28 =	simm.s32 $_size_execute0_lowered;
	s2 =	sadd.s32 s2, s4;
	[dreg:$0x0] =	wrdreg $0x0  }
0xa8: {  	s4 =	sshll.u32 s28, $0x1;
	[dreg:$0x2] =	wrdreg s2  }
0xa9: {  	[dreg:$0x3] =	wrdreg s4  }
0xaa: {  	[dreg:$0x4] =	wrdreg $0xC0  }
0xab: {  	_ =	task [dreg:s6], $0x5FFFF  }
0xac: {  	[dreg:$0x1] =	wrdreg $0xFFFFFFFF  }
0xad: {  	[dreg:$0x0] =	wrdreg $0x60  }
0xae: {  	[dreg:$0x2] =	wrdreg s24  }
0xaf: {  	[dreg:$0x3] =	wrdreg $0xB7800  }
0xb0: {  	[dreg:$0x4] =	wrdreg $0x9  }
0xb1: {  	_ =	task.clear_ibuf [dreg:s6], $0x5FFFF;
	_ =	strace $0x9000004C  }
0xb2: {  	s29 =	simm.s32 $0x9;
	_ =	strace $0x8000004E  }
0xb3: {  	_ =	swait.ge [sflag:s29], $0x1  }
0xb4: {  	[sflag:s29] =	ssyncadd.s32 $0xFFFFFFFF  }
0xb5: {  	_ =	strace $0x9000004E  }
0xb6: {  	_ =	sfence  }
0xb7: {  	s30 =	sld [smem:$0x0];
	_ =	sdelay $0x2  }
0xb8: {  	s31 =	sshll.u32 s1, $0xD;
	s1 =	sshrl.u32 s1, $0x2  }
0xb9: {  	s3 =	sand.u32 $0x4000, s31;
	s1 =	sadd.s32 s1, s30  }
0xba: {  	s0 =	sor.u32 s3, s0;
	s1 =	sshll.u32 s1, $0x11  }
0xbb: {  	s0 =	sor.u32 s1, s0  }
0xbc: {  	s0 =	sadd.s32 $0x8F2B, s0  }
0xbd: {  	[sflag:s0] =	ssyncadd.remote.s32 $0x1  }
0xbe: {  	_ =	sfence.sel $0xFFFF  }
0xbf: {  	[dreg:$0x0] =	wrdreg $0xFFFFFFFF;
	(pc) =	sbr.abs _section_cstart, $3  }
0xc0: {  	[dreg:$0x1] =	wrdreg $0xFFFFFFFF  }
0xc1: {  	_ =	task.clear_ibuf [dreg:s6], $0x2FFFF;
	_ =	strace $0x9FFFFFFF  }
0xc2: {  	(tm) =	ssettm $0x7FFFFFFF  }
0xc3: {  	_ =	shalt  }
tec
execute0_lowered:
.L_overlay_start_1:
0x0: {  	(tag) =	ssettag $0x1  }
0x1: {  	s0 =	srdreg.scid;
	s1 =	rddreg [dreg:$0x0]  }
0x2: {  	s2 =	rddreg [dreg:$0x1];
	s24 =	stileid.u32  }
0x3: {  	s3 =	simm.s32 $0x0;
	s28 =	simm.s32 $0x1;
	s29 =	simm.s32 $0x2  }
0x4: {  	s30 =	simm.s32 $0x50;
	s31 =	simm.s32 $0x8F80;
	s8 =	smul.u32 $0xA000, s24  }
0x5: {  	s0 =	sand.u32 $0x1, s0;
	[smem:$0x7FF] =	sst s3;
	s14 =	smul.u32 $0x2800, s24  }
0x6: {  	s19 =	sor.u32 $0x70, s24;
	p0 =	sgt.u32 s24, $0xC;
	s4 =	sshll.u32 s0, $0x4  }
0x7: {  	_ =	strace $0x8000004D;
	s7 =	ssub.s32 $0x2, s0;
	s16 =	smul.u32 $0xA000, s19  }
0x8: {  	s0 =	smul.u32 $0x138800, s0;
	s5 =	sor.u32 s24, s4;
	s4 =	sadd.s32 $0x1D000, s1  }
0x9: {  	s9 =	sshrl.u32 s7, $0x1;
	s21 =	sshrl.u32 s8, $0x2;
	s15 =	sadd.s32 $0x28000, s14  }
0xa: {  	s17 =	sadd.s32 $0x78000, s14;
	s18 =	sadd.s32 $0xA0000, s14;
	s20 =	sadd.s32 $0xC8000, s14  }
0xb: {  	s6 =	smul.u32 $0x4E2, s5;
	s5 =	sshll.u32 s5, $0xB;
	s23 =	ssub.s32 s7, s9  }
0xc: {  	s7 =	sadd.s32 s21, s2;
	s8 =	sadd.s32 s15, s2;
	s10 =	sadd.s32 s17, s2  }
0xd: {  	s11 =	sadd.s32 s18, s2;
	s12 =	sadd.s32 s20, s2;
	s21 =	sadd.s32 $0xF0000, s14  }
0xe: {  	s16 =	sshrl.u32 s16, $0x2;
	s22 =	sadd.s32 s14, s0;
	s25 =	sadd.s32 s0, s15  }
0xf: {  	s15 =	sadd.s32 s0, s17;
	s5 =	sadd.s32 s5, s1;
	s13 =	sadd.s32 s21, s2  }
0x10: {  	s22 =	sshrl.u32 s22, $0x3;
	s23 =	smax.u32 s23, $0x1;
	s6 =	sadd.s32 s6, s1  }
0x11: {  	s1 =	sadd.s32 $0x44200, s1;
	s5 =	sadd.s32 $0xD000, s5;
	s6 =	sadd.s32 $0x3200, s6  }
0x12: {  	[dreg:$0x4] =	wrdreg s5;
	s5 =	sadd.s32 $0x50000, s14;
	s14 =	sadd.s32 s16, s2  }
0x13: {  	s26 =	sadd.s32 s1, s22;
	[dreg:$0x3] =	wrdreg s6;
	s9 =	sadd.s32 s5, s2  }
0x14: {  	[dreg:$0x5] =	wrdreg s26;
	s6 =	sshrl.u32 s25, $0x3;
	s5 =	sadd.s32 s0, s5  }
0x15: {  	s25 =	sshrl.u32 s15, $0x3;
	s26 =	sadd.s32 s0, s18;
	s15 =	smul.u32 $0x2800, s19  }
0x16: {  	s16 =	sadd.s32 s1, s6;
	s5 =	sshrl.u32 s5, $0x3;
	s18 =	sadd.s32 s1, s25  }
0x17: {  	s6 =	sshrl.u32 s26, $0x3;
	s25 =	sadd.s32 s0, s20;
	s26 =	sadd.s32 s0, s21  }
0x18: {  	s17 =	sadd.s32 s1, s5;
	s19 =	sadd.s32 s1, s6;
	s5 =	sshrl.u32 s25, $0x3  }
0x19: {  	s21 =	sshrl.u32 s26, $0x3;
	s0 =	sadd.s32 s0, s15;
	s25 =	simm.s32 $0x6780  }
0x1a: {  	s26 =	simm.s32 $0x3;
	s20 =	sadd.s32 s1, s5;
	s0 =	sshrl.u32 s0, $0x3  }
0x1b: {  	v0 =	vimm.f32 $0.0e+00;
	s21 =	sadd.s32 s1, s21;
	s22 =	sadd.s32 s1, s0;
	s1 =	simm.s32 $0x0  }
.LBB2_1:
0x1c: {  	s0 =	rddreg [dreg:$0x3]  }
0x1d: {  	[tilespmem:s3], [sflag:$0x1] =	stream.linear.gather [hbm4b:s0+s3], $0x2710, $0x38;
	[tilespmem:$0x1F000] =	vst v63  }
0x1e: {  	s24 =	rddreg [dreg:$0x4];
	s5 =	simm.s32 $0x2780  }
0x1f: {  	[tilespmem:s5], [sflag:$0x2] =	stream.linear.gather [hbm4b:s24+s3], $0x3E80, $0x38;
	[tilespmem:$0x1F000] =	vst v63  }
0x20: {  	s0 =	simm.s32 $0x0;
	s5 =	simm.s32 $0x200  }
.LBB2_2:
0x21: {  	p1 =	sne.s32 s5, $0x9E00;
	[tilespmem:s0+$0x67F0] =	vst v0  }
0x22: {  	[tilespmem:s0+$0x6780] =	vst v0  }
0x23: {  	[tilespmem:s0+$0x6790] =	vst v0  }
.Ltmp0:
0x24: {  	[tilespmem:s0+$0x67A0] =	vst v0;
	(pc) =	sbr.rel @p1 .LBB2_2-.Ltmp0, $4  }
0x25: {  	[tilespmem:s0+$0x67B0] =	vst v0  }
0x26: {  	[tilespmem:s0+$0x67C0] =	vst v0  }
0x27: {  	[tilespmem:s0+$0x67D0] =	vst v0  }
0x28: {  	[tilespmem:s0+$0x67E0] =	vst v0;
	s0 =	sshra.s32 s5, $0x2;
	s5 =	sadd.s32 $0x200, s5  }
0x29: {  	[tilespmem:s0+$0x67F0] =	vst v0  }
0x2a: {  	[tilespmem:s0+$0x6780] =	vst v0  }
0x2b: {  	[tilespmem:s0+$0x6790] =	vst v0  }
0x2c: {  	[tilespmem:s0+$0x67A0] =	vst v0  }
0x2d: {  	[tilespmem:s0+$0x67B0] =	vst v0  }
0x2e: {  	[tilespmem:s0+$0x67C0] =	vst v0  }
0x2f: {  	[tilespmem:s0+$0x67D0] =	vst v0  }
0x30: {  	[tilespmem:s0+$0x67E0] =	vst v0  }
0x31: {  	[spmem:s7] =	stream.linear.scatter [tilespmem:s25], [sflag:$0x3], $0x2800, $0x38;
	[tilespmem:$0x1F000] =	vst v63  }
0x32: {  	_ =	swait.ge [sflag:s26], $0x2800  }
0x33: {  	[sflag:s26] =	ssyncset.done $0x0  }
0x34: {  	[sflag:s26] =	ssyncadd.s32 $0xFFFFD800  }
0x35: {  	[spmem:s8] =	stream.linear.scatter [tilespmem:s25], [sflag:$0x3], $0x2800, $0x38;
	[tilespmem:$0x1F000] =	vst v63  }
0x36: {  	_ =	swait.ge [sflag:s26], $0x2800  }
0x37: {  	[sflag:s26] =	ssyncset.done $0x0  }
0x38: {  	[sflag:s26] =	ssyncadd.s32 $0xFFFFD800  }
0x39: {  	[spmem:s9] =	stream.linear.scatter [tilespmem:s25], [sflag:$0x3], $0x2800, $0x38;
	[tilespmem:$0x1F000] =	vst v63  }
0x3a: {  	_ =	swait.ge [sflag:s26], $0x2800  }
0x3b: {  	[sflag:s26] =	ssyncset.done $0x0  }
0x3c: {  	[sflag:s26] =	ssyncadd.s32 $0xFFFFD800  }
0x3d: {  	[spmem:s10] =	stream.linear.scatter [tilespmem:s25], [sflag:$0x3], $0x2800, $0x38;
	[tilespmem:$0x1F000] =	vst v63  }
0x3e: {  	_ =	swait.ge [sflag:s26], $0x2800  }
0x3f: {  	[sflag:s26] =	ssyncset.done $0x0  }
0x40: {  	[sflag:s26] =	ssyncadd.s32 $0xFFFFD800  }
0x41: {  	[spmem:s11] =	stream.linear.scatter [tilespmem:s25], [sflag:$0x3], $0x2800, $0x38;
	[tilespmem:$0x1F000] =	vst v63  }
0x42: {  	_ =	swait.ge [sflag:s26], $0x2800  }
0x43: {  	[sflag:s26] =	ssyncset.done $0x0  }
0x44: {  	[sflag:s26] =	ssyncadd.s32 $0xFFFFD800  }
0x45: {  	[spmem:s12] =	stream.linear.scatter [tilespmem:s25], [sflag:$0x3], $0x2800, $0x38;
	[tilespmem:$0x1F000] =	vst v63  }
0x46: {  	_ =	swait.ge [sflag:s26], $0x2800  }
0x47: {  	[sflag:s26] =	ssyncset.done $0x0  }
0x48: {  	[sflag:s26] =	ssyncadd.s32 $0xFFFFD800  }
0x49: {  	[spmem:s13] =	stream.linear.scatter [tilespmem:s25], [sflag:$0x3], $0x2800, $0x38;
	[tilespmem:$0x1F000] =	vst v63  }
0x4a: {  	_ =	swait.ge [sflag:s26], $0x2800  }
0x4b: {  	[sflag:s26] =	ssyncset.done $0x0  }
0x4c: {  	s0 =	simm.s32 @!p0 $0x6780;
	[sflag:s26] =	ssyncadd.s32 $0xFFFFD800  }
0x4d: {  	[spmem:s14] =	stream.linear.scatter @!p0 [tilespmem:s0], [sflag:$0x3], $0x2800, $0x38;
	[tilespmem:$0x1F000] =	vst v63  }
0x4e: {  	s0 =	simm.s32 @!p0 $0x3  }
0x4f: {  	_ =	swait.ge @!p0 [sflag:s0], $0x2800  }
0x50: {  	[sflag:s0] =	ssyncset.done @!p0 $0x0  }
0x51: {  	[sflag:s0] =	ssyncadd.s32 @!p0 $0xFFFFD800  }
0x52: {  	_ =	swait.ge [sflag:s28], $0x2710  }
0x53: {  	[sflag:s28] =	ssyncset.done $0x0  }
0x54: {  	[sflag:s28] =	ssyncadd.s32 $0xFFFFD8F0  }
0x55: {  	_ =	swait.ge [sflag:s29], $0x3E80  }
0x56: {  	[sflag:s29] =	ssyncset.done $0x0  }
0x57: {  	[sflag:s29] =	ssyncadd.s32 $0xFFFFC180  }
0x58: {  	s24 =	simm.s32 $0x0;
	[bflag:$0x0] =	sbarrier.arrive $0xFFFF  }
0x59: {  	[tilespmem:s25], [sflag:$0x1] =	stream.indirect.gather [hbm4b:s4+s30], $0x80, s24, s30, $0xb8;
	[tilespmem:$0x1F000] =	vst v63  }
0x5a: {  	s5 =	simm.s32 $0x50  }
0x5b: {  	[tilespmem:s31], [sflag:$0x2] =	stream.indirect.gather [hbm4b:s4+s30], $0x80, s5, s30, $0xb8;
	[tilespmem:$0x1F000] =	vst v63  }
0x5c: {  	_ =	swait.ge [sflag:s28], $0x2800  }
0x5d: {  	[sflag:s28] =	ssyncset.done $0x0  }
0x5e: {  	s6 =	simm.s32 $0x2780;
	[sflag:s28] =	ssyncadd.s32 $0xFFFFD800  }
0x5f: {  	[spmem:s2] =	stream.indirect.scatter.add.f32 [tilespmem:s25], [sflag:$0x3], $0x80, s6, s30, $0xb8;
	[tilespmem:$0x1F000] =	vst v63  }
0x60: {  	_ =	swait.ge [sflag:s26], $0x2800  }
0x61: {  	[sflag:s26] =	ssyncset.done $0x0  }
0x62: {  	s15 =	simm.s32 $0xA0;
	[sflag:s26] =	ssyncadd.s32 $0xFFFFD800  }
0x63: {  	[tilespmem:s25], [sflag:$0x1] =	stream.indirect.gather [hbm4b:s4+s30], $0x80, s15, s30, $0xb8;
	[tilespmem:$0x1F000] =	vst v63  }
0x64: {  	_ =	swait.ge [sflag:s29], $0x2800  }
0x65: {  	[sflag:s29] =	ssyncset.done $0x0  }
0x66: {  	s24 =	simm.s32 $0x2800;
	[sflag:s29] =	ssyncadd.s32 $0xFFFFD800  }
0x67: {  	[spmem:s2] =	stream.indirect.scatter.add.f32 [tilespmem:s31], [sflag:$0x3], $0x80, s24, s30, $0xb8;
	[tilespmem:$0x1F000] =	vst v63  }
0x68: {  	s0 =	simm.s32 $0x400;
	_ =	swait.ge [sflag:s26], $0x2800  }
0x69: {  	s5 =	simm.s32 $0x800;
	s24 =	simm.s32 $0x140;
	[sflag:s26] =	ssyncset.done $0x0  }
.LBB2_4:
0x6a: {  	p1 =	sne.s32 s5, $0xF400;
	s6 =	sadd.s32 $0xFFFFFFB0, s24;
	[sflag:s26] =	ssyncadd.s32 $0xFFFFD800  }
0x6b: {  	[tilespmem:s31], [sflag:$0x2] =	stream.indirect.gather [hbm4b:s4+s30], $0x80, s6, s30, $0xb8;
	[tilespmem:$0x1F000] =	vst v63  }
0x6c: {  	s6 =	smov.u32 s5;
	s5 =	sadd.s32 $0x400, s5;
	_ =	swait.ge [sflag:s28], $0x2800  }
0x6d: {  	s15 =	sshra.s32 s0, $0x2;
	s0 =	smov.u32 s6;
	[sflag:s28] =	ssyncset.done $0x0  }
0x6e: {  	s6 =	sadd.s32 $0x2780, s15;
	[sflag:s28] =	ssyncadd.s32 $0xFFFFD800  }
0x6f: {  	[spmem:s2] =	stream.indirect.scatter.add.f32 [tilespmem:s25], [sflag:$0x3], $0x80, s6, s30, $0xb8;
	[tilespmem:$0x1F000] =	vst v63  }
0x70: {  	_ =	swait.ge [sflag:s26], $0x2800  }
0x71: {  	[sflag:s26] =	ssyncset.done $0x0  }
0x72: {  	[sflag:s26] =	ssyncadd.s32 $0xFFFFD800  }
0x73: {  	[tilespmem:s25], [sflag:$0x1] =	stream.indirect.gather [hbm4b:s4+s30], $0x80, s24, s30, $0xb8;
	[tilespmem:$0x1F000] =	vst v63  }
0x74: {  	_ =	swait.ge [sflag:s29], $0x2800  }
.Ltmp1:
0x75: {  	[sflag:s29] =	ssyncset.done $0x0;
	(pc) =	sbr.rel @p1 .LBB2_4-.Ltmp1, $4  }
0x76: {  	s6 =	sadd.s32 $0x2800, s15;
	[sflag:s29] =	ssyncadd.s32 $0xFFFFD800  }
0x77: {  	[spmem:s2] =	stream.indirect.scatter.add.f32 [tilespmem:s31], [sflag:$0x3], $0x80, s6, s30, $0xb8;
	[tilespmem:$0x1F000] =	vst v63  }
0x78: {  	_ =	swait.ge [sflag:s26], $0x2800  }
0x79: {  	s24 =	sadd.s32 $0xA0, s24;
	[sflag:s26] =	ssyncset.done $0x0  }
0x7a: {  	s5 =	sadd.s32 $0xFFFFFFB0, s24;
	[sflag:s26] =	ssyncadd.s32 $0xFFFFD800  }
0x7b: {  	[tilespmem:s31], [sflag:$0x2] =	stream.indirect.gather [hbm4b:s4+s30], $0x80, s5, s30, $0xb8;
	[tilespmem:$0x1F000] =	vst v63  }
0x7c: {  	_ =	swait.ge [sflag:s28], $0x2800  }
0x7d: {  	s0 =	sshra.s32 s0, $0x2;
	[sflag:s28] =	ssyncset.done $0x0  }
0x7e: {  	s6 =	sadd.s32 $0x2780, s0;
	[sflag:s28] =	ssyncadd.s32 $0xFFFFD800  }
0x7f: {  	[spmem:s2] =	stream.indirect.scatter.add.f32 [tilespmem:s25], [sflag:$0x3], $0x80, s6, s30, $0xb8;
	[tilespmem:$0x1F000] =	vst v63  }
0x80: {  	_ =	swait.ge [sflag:s26], $0x2800  }
0x81: {  	[sflag:s26] =	ssyncset.done $0x0  }
0x82: {  	[sflag:s26] =	ssyncadd.s32 $0xFFFFD800  }
0x83: {  	[tilespmem:s25], [sflag:$0x1] =	stream.indirect.gather [hbm4b:s4+s30], $0x80, s24, s30, $0xb8;
	[tilespmem:$0x1F000] =	vst v63  }
0x84: {  	_ =	swait.ge [sflag:s29], $0x2800  }
0x85: {  	[sflag:s29] =	ssyncset.done $0x0  }
0x86: {  	s0 =	sadd.s32 $0x2800, s0;
	[sflag:s29] =	ssyncadd.s32 $0xFFFFD800  }
0x87: {  	[spmem:s2] =	stream.indirect.scatter.add.f32 [tilespmem:s31], [sflag:$0x3], $0x80, s0, s30, $0xb8;
	[tilespmem:$0x1F000] =	vst v63  }
0x88: {  	_ =	swait.ge [sflag:s26], $0x2800  }
0x89: {  	[sflag:s26] =	ssyncset.done $0x0  }
0x8a: {  	[sflag:s26] =	ssyncadd.s32 $0xFFFFD800  }
0x8b: {  	_ =	swait.ge [sflag:s28], $0x2800  }
0x8c: {  	[sflag:s28] =	ssyncset.done $0x0  }
0x8d: {  	s15 =	simm.s32 $0x6580;
	[sflag:s28] =	ssyncadd.s32 $0xFFFFD800  }
0x8e: {  	[spmem:s2] =	stream.indirect.scatter.add.f32 [tilespmem:s25], [sflag:$0x3], $0x80, s15, s30, $0xb8;
	[tilespmem:$0x1F000] =	vst v63  }
0x8f: {  	_ =	swait.ge [sflag:s26], $0x2800  }
0x90: {  	[sflag:s26] =	ssyncset.done $0x0  }
0x91: {  	[sflag:s26] =	ssyncadd.s32 $0xFFFFD800  }
0x92: {  	[bflag:$0x0] =	sbarrier.arrive $0xFFFF  }
0x93: {  	[tilespmem:s25], [sflag:$0x3] =	stream.linear.gather [spmem:s7], $0x2800, $0x38;
	[tilespmem:$0x1F000] =	vst v63  }
0x94: {  	_ =	swait.ge [sflag:s26], $0x2800  }
0x95: {  	[sflag:s26] =	ssyncset.done $0x0  }
0x96: {  	s24 =	rddreg [dreg:$0x5];
	[sflag:s26] =	ssyncadd.s32 $0xFFFFD800  }
0x97: {  	[hbm4b:s24+s3] =	stream.linear.scatter [tilespmem:s25], [sflag:$0x3], $0x2800, $0x38;
	[tilespmem:$0x1F000] =	vst v63  }
0x98: {  	_ =	swait.ge [sflag:s26], $0x2800  }
0x99: {  	[sflag:s26] =	ssyncset.done $0x0  }
0x9a: {  	[sflag:s26] =	ssyncadd.s32 $0xFFFFD800  }
0x9b: {  	[tilespmem:s25], [sflag:$0x3] =	stream.linear.gather [spmem:s8], $0x2800, $0x38;
	[tilespmem:$0x1F000] =	vst v63  }
0x9c: {  	_ =	swait.ge [sflag:s26], $0x2800  }
0x9d: {  	[sflag:s26] =	ssyncset.done $0x0  }
0x9e: {  	[sflag:s26] =	ssyncadd.s32 $0xFFFFD800  }
0x9f: {  	[hbm4b:s16+s3] =	stream.linear.scatter [tilespmem:s25], [sflag:$0x3], $0x2800, $0x38;
	[tilespmem:$0x1F000] =	vst v63  }
0xa0: {  	_ =	swait.ge [sflag:s26], $0x2800  }
0xa1: {  	[sflag:s26] =	ssyncset.done $0x0  }
0xa2: {  	[sflag:s26] =	ssyncadd.s32 $0xFFFFD800  }
0xa3: {  	[tilespmem:s25], [sflag:$0x3] =	stream.linear.gather [spmem:s9], $0x2800, $0x38;
	[tilespmem:$0x1F000] =	vst v63  }
0xa4: {  	_ =	swait.ge [sflag:s26], $0x2800  }
0xa5: {  	[sflag:s26] =	ssyncset.done $0x0  }
0xa6: {  	[sflag:s26] =	ssyncadd.s32 $0xFFFFD800  }
0xa7: {  	[hbm4b:s17+s3] =	stream.linear.scatter [tilespmem:s25], [sflag:$0x3], $0x2800, $0x38;
	[tilespmem:$0x1F000] =	vst v63  }
0xa8: {  	_ =	swait.ge [sflag:s26], $0x2800  }
0xa9: {  	[sflag:s26] =	ssyncset.done $0x0  }
0xaa: {  	[sflag:s26] =	ssyncadd.s32 $0xFFFFD800  }
0xab: {  	[tilespmem:s25], [sflag:$0x3] =	stream.linear.gather [spmem:s10], $0x2800, $0x38;
	[tilespmem:$0x1F000] =	vst v63  }
0xac: {  	_ =	swait.ge [sflag:s26], $0x2800  }
0xad: {  	[sflag:s26] =	ssyncset.done $0x0  }
0xae: {  	[sflag:s26] =	ssyncadd.s32 $0xFFFFD800  }
0xaf: {  	[hbm4b:s18+s3] =	stream.linear.scatter [tilespmem:s25], [sflag:$0x3], $0x2800, $0x38;
	[tilespmem:$0x1F000] =	vst v63  }
0xb0: {  	_ =	swait.ge [sflag:s26], $0x2800  }
0xb1: {  	[sflag:s26] =	ssyncset.done $0x0  }
0xb2: {  	[sflag:s26] =	ssyncadd.s32 $0xFFFFD800  }
0xb3: {  	[tilespmem:s25], [sflag:$0x3] =	stream.linear.gather [spmem:s11], $0x2800, $0x38;
	[tilespmem:$0x1F000] =	vst v63  }
0xb4: {  	_ =	swait.ge [sflag:s26], $0x2800  }
0xb5: {  	[sflag:s26] =	ssyncset.done $0x0  }
0xb6: {  	[sflag:s26] =	ssyncadd.s32 $0xFFFFD800  }
0xb7: {  	[hbm4b:s19+s3] =	stream.linear.scatter [tilespmem:s25], [sflag:$0x3], $0x2800, $0x38;
	[tilespmem:$0x1F000] =	vst v63  }
0xb8: {  	_ =	swait.ge [sflag:s26], $0x2800  }
0xb9: {  	[sflag:s26] =	ssyncset.done $0x0  }
0xba: {  	[sflag:s26] =	ssyncadd.s32 $0xFFFFD800  }
0xbb: {  	[tilespmem:s25], [sflag:$0x3] =	stream.linear.gather [spmem:s12], $0x2800, $0x38;
	[tilespmem:$0x1F000] =	vst v63  }
0xbc: {  	_ =	swait.ge [sflag:s26], $0x2800  }
0xbd: {  	[sflag:s26] =	ssyncset.done $0x0  }
0xbe: {  	[sflag:s26] =	ssyncadd.s32 $0xFFFFD800  }
0xbf: {  	[hbm4b:s20+s3] =	stream.linear.scatter [tilespmem:s25], [sflag:$0x3], $0x2800, $0x38;
	[tilespmem:$0x1F000] =	vst v63  }
0xc0: {  	_ =	swait.ge [sflag:s26], $0x2800  }
0xc1: {  	[sflag:s26] =	ssyncset.done $0x0  }
0xc2: {  	[sflag:s26] =	ssyncadd.s32 $0xFFFFD800  }
0xc3: {  	[tilespmem:s25], [sflag:$0x3] =	stream.linear.gather [spmem:s13], $0x2800, $0x38;
	[tilespmem:$0x1F000] =	vst v63  }
0xc4: {  	_ =	swait.ge [sflag:s26], $0x2800  }
0xc5: {  	[sflag:s26] =	ssyncset.done $0x0  }
0xc6: {  	[sflag:s26] =	ssyncadd.s32 $0xFFFFD800  }
0xc7: {  	[hbm4b:s21+s3] =	stream.linear.scatter [tilespmem:s25], [sflag:$0x3], $0x2800, $0x38;
	[tilespmem:$0x1F000] =	vst v63  }
0xc8: {  	_ =	swait.ge [sflag:s26], $0x2800  }
0xc9: {  	[sflag:s26] =	ssyncset.done $0x0  }
0xca: {  	s5 =	simm.s32 @!p0 $0x3;
	s0 =	simm.s32 @!p0 $0x6780;
	[sflag:s26] =	ssyncadd.s32 $0xFFFFD800  }
0xcb: {  	[tilespmem:s0], [sflag:$0x3] =	stream.linear.gather @!p0 [spmem:s14], $0x2800, $0x38;
	[tilespmem:$0x1F000] =	vst v63  }
0xcc: {  	s1 =	sadd.s32 $0x1, s1;
	_ =	swait.ge @!p0 [sflag:s5], $0x2800  }
0xcd: {  	p1 =	sne.s32 s1, s23;
	[sflag:s5] =	ssyncset.done @!p0 $0x0  }
.Ltmp2:
0xce: {  	s6 =	simm.s32 @!p0 $0x0;
	[sflag:s5] =	ssyncadd.s32 @!p0 $0xFFFFD800;
	(pc) =	sbr.rel @p1 .LBB2_1-.Ltmp2, $4  }
0xcf: {  	[hbm4b:s22+s6] =	stream.linear.scatter @!p0 [tilespmem:s0], [sflag:$0x3], $0x2800, $0x38;
	[tilespmem:$0x1F000] =	vst v63  }
0xd0: {  	_ =	swait.ge @!p0 [sflag:s5], $0x2800  }
0xd1: {  	[sflag:s5] =	ssyncset.done @!p0 $0x0  }
0xd2: {  	[sflag:s5] =	ssyncadd.s32 @!p0 $0xFFFFD800  }
0xd3: {  	_ =	sfence.sel $0x180000  }
0xd4: {  	[bflag:$0x0] =	sbarrier.arrive $0xFFFF  }
0xd5: {  	_ =	strace $0x9000004D  }
0xd6: {  	s0 =	stileid.u32;
	[bflag:$0x2] =	sbarrier.arrive $0xFFFF  }
0xd7: {  	p0 =	sne.s32 s0, $0x0;
	s0 =	rddreg [dreg:$0x2]  }
0xd8: {  	s0 =	sadd.s32 @!p0 $0x100000, s0  }
0xd9: {  	[sflag:s0] =	ssyncadd.tile.s32 @!p0 $0x1;
	_ =	shalt  }
.Lfunc_end2:
_tile_overlayer_lowered:
.L_overlay_start_2:
0xda: {  	(tag) =	ssettag $0x2  }
0xdb: {  	s0 =	rddreg [dreg:$0x0];
	s2 =	stileid.u32  }
0xdc: {  	s1 =	rddreg [dreg:$0x1];
	p0 =	sne.s32 s2, $0x0  }
0xdd: {  	s3 =	rddreg [dreg:$0x2];
	[bflag:$0x3] =	sbarrier.arrive $0xFFFF;
	s2 =	simm.s32 @!p0 $0x1C03  }
0xde: {  	[timem:s3], [sflag:s2] =	dma.local @!p0 [hbm:s0], s1  }
0xdf: {  	s0 =	simm.s32 @!p0 $0x3  }
0xe0: {  	_ =	swait.ge @!p0 [sflag:s0], s1  }
0xe1: {  	s1 =	ssub.s32 @!p0 $0x0, s1;
	[sflag:s0] =	ssyncset.done @!p0 $0x0  }
0xe2: {  	[sflag:s0] =	ssyncadd.s32 @!p0 s1  }
0xe3: {  	[bflag:$0x3] =	sbarrier.arrive $0xFFFF  }
0xe4: {  	_ =	shalt  }

// kernel: kernel.8.cloned.1.call-start
scs
__scs_entry_jumppad:
0x0: {  	(pc) =	sbr.rel $0x88, $3  }
0x1: {  	(tag) =	ssettag $0x0;
	lr =	simm.s32 $0x1  }
0x2: {  	[smem:$0x3F94] =	sst lr;
	_ =	strace $0xD0000000  }
0x3: {  	_ = 	snop  }
0x4: {  	_ = 	snop  }
0x5: {  	_ = 	snop  }
0x6: {  	_ = 	snop  }
0x7: {  	_ = 	snop  }
__scs_overlays_trampoline_lowered:
0x8: {  	[smem:$0x3FA3] =	sst s0  }
0x9: {  	[smem:$0x3FA4] =	sst s1  }
0xa: {  	[smem:$0x3FA5] =	sst s2  }
0xb: {  	[smem:$0x3FA6] =	sst s3  }
0xc: {  	[smem:$0x3FA7] =	sst s4  }
0xd: {  	[smem:$0x3FA8] =	sst s5  }
0xe: {  	[smem:$0x3FA9] =	sst s6  }
0xf: {  	[smem:$0x3FAA] =	sst s7  }
0x10: {  	[smem:$0x3FAB] =	sst s8  }
0x11: {  	[smem:$0x3FAC] =	sst s9;
	s0 =	simm.s32 @!p0 $0x0  }
0x12: {  	s1 =	sld [smem:$0x3F92];
	s0 =	simm.s32 @p0 $0x1  }
0x13: {  	[smem:$0x3FAD] =	sst s0;
	s0 =	simm.s32 @!p1 $0x0  }
0x14: {  	s2 =	sld [smem:$0x3F91];
	s0 =	simm.s32 @p1 $0x1  }
0x15: {  	[smem:$0x3FAE] =	sst s0;
	s0 =	simm.s32 @!p2 $0x0  }
0x16: {  	s3 =	sld [smem:$0x3FDB];
	s0 =	simm.s32 @p2 $0x1  }
0x17: {  	s4 =	simm.s32 $0x1BF5;
	[smem:$0x3FB0] =	sst s0  }
0x18: {  	s0 =	sld [smem:$0x3F93];
	_ =	swait.ge [sflag:s4], $0x0  }
0x19: {  	s7 =	sld [smem:$0x3F94]  }
0x1a: {  	s8 =	sadd.s32 $0xFFFFE003, lr  }
0x1b: {  	s9 =	sadd.s32 $0xFFFFFEF7, lr;
	s5 =	simm.s32 $0xFFFFFFFF;
	p2 =	slt.u32 s8, $0xFFFFF086  }
0x1c: {  	p1 =	slt.u32 s9, $0xF7A;
	s5 =	simm.s32 @!p2 $0x0  }
0x1d: {  	s5 =	simm.s32 @p1 $0x1;
	p0 =	seq.s32 s7, s2  }
0x1e: {  	s7 =	smul.u32 @!p0 $0xF7A, s2;
	p2 =	seq.s32 @!p0 s5, $0x0  }
0x1f: {  	s9 =	smul.u32 $0xF7A, s1;
	s8 =	simm.s32 @!p0 $0x1BF5;
	p2 =	por !p2, p0  }
0x20: {  	[sflag:s8] =	ssyncset.s32 @!p0 $0xFFFFF086;
	s6 =	sadd.s32 @!p0 s3, s7;
	s7 =	simm.s32 @!p0 $0x108  }
0x21: {  	s3 =	sadd.s32 s3, s9;
	s6 =	sadd.s32 @!p0 $0x88, s6;
	s7 =	simm.s32 @p2 $0x1082  }
0x22: {  	[simem:s7], [sflag:s8] =	dma.local @!p0 [hbm:s6], $0xF7A  }
0x23: {  	s9 =	sor.u32 $0xD0000000, s2;
	s6 =	simm.s32 $0x108;
	_ =	swait.ge @!p0 [sflag:s8], $0x0  }
0x24: {  	s3 =	sadd.s32 $0x88, s3;
	s6 =	simm.s32 @!p1 $0x1082;
	[sflag:s4] =	ssyncset.s32 $0xFFFFF086  }
0x25: {  	[simem:s6], [sflag:s4] =	dma.local [hbm:s3], $0xF7A  }
0x26: {  	[smem:$0x3F94] =	sst s1;
	(tag) =	ssettag s2;
	_ =	strace s9  }
0x27: {  	s1 =	sld [smem:$0x3FA4]  }
0x28: {  	s2 =	sld [smem:$0x3FA5]  }
0x29: {  	s4 =	sld [smem:$0x3FA7]  }
0x2a: {  	p0 =	seq.s32 s5, $0x0;
	s5 =	sld [smem:$0x3FA8]  }
0x2b: {  	s6 =	sld [smem:$0x3FA9]  }
0x2c: {  	s7 =	sld [smem:$0x3FAA]  }
0x2d: {  	s3 =	simm.s32 $0x108;
	s8 =	sld [smem:$0x3FAB]  }
0x2e: {  	s3 =	simm.s32 @!p0 $0x1082;
	s9 =	sld [smem:$0x3FAC]  }
0x2f: {  	lr =	sadd.s32 s0, s3;
	s0 =	sld [smem:$0x3FA3]  }
0x30: {  	s3 =	sld [smem:$0x3FA6]  }
0x31: {  	[smem:$0x3FAF] =	sst s10  }
0x32: {  	s10 =	sld [smem:$0x3FAD];
	_ =	sdelay $0x3  }
0x33: {  	p0 =	seq.s32 s10, $0x1;
	s10 =	sld [smem:$0x3FAF];
	_ =	sdelay $0x3  }
0x34: {  	[smem:$0x3FAF] =	sst s10  }
0x35: {  	s10 =	sld [smem:$0x3FAE];
	_ =	sdelay $0x3  }
0x36: {  	p1 =	seq.s32 s10, $0x1;
	s10 =	sld [smem:$0x3FAF];
	_ =	sdelay $0x3  }
0x37: {  	[smem:$0x3FAF] =	sst s10  }
0x38: {  	s10 =	sld [smem:$0x3FB0]  }
0x39: {  	_ = 	snop;
	(pc) =	sbr.ind lr, $3  }
0x3a: {  	_ = 	snop  }
0x3b: {  	_ = 	snop  }
0x3c: {  	p2 =	seq.s32 s10, $0x1;
	s10 =	sld [smem:$0x3FAF]  }
0x3d: {  	_ =	shalt  }
0x3e: {  	_ =	shalt  }
0x3f: {  	_ =	shalt  }
0x40: {  	_ =	shalt  }
0x41: {  	_ =	shalt  }
0x42: {  	_ =	shalt  }
0x43: {  	_ =	shalt  }
0x44: {  	_ =	shalt  }
0x45: {  	_ =	shalt  }
0x46: {  	_ =	shalt  }
0x47: {  	_ =	shalt  }
0x48: {  	_ =	shalt  }
0x49: {  	_ =	shalt  }
0x4a: {  	_ =	shalt  }
0x4b: {  	_ =	shalt  }
0x4c: {  	_ =	shalt  }
0x4d: {  	_ =	shalt  }
0x4e: {  	_ =	shalt  }
0x4f: {  	_ =	shalt  }
0x50: {  	_ =	shalt  }
0x51: {  	_ =	shalt  }
0x52: {  	_ =	shalt  }
0x53: {  	_ =	shalt  }
0x54: {  	_ =	shalt  }
0x55: {  	_ =	shalt  }
0x56: {  	_ =	shalt  }
0x57: {  	_ =	shalt  }
0x58: {  	_ =	shalt  }
0x59: {  	_ =	shalt  }
0x5a: {  	_ =	shalt  }
0x5b: {  	_ =	shalt  }
0x5c: {  	_ =	shalt  }
0x5d: {  	_ =	shalt  }
0x5e: {  	_ =	shalt  }
0x5f: {  	_ =	shalt  }
0x60: {  	_ =	shalt  }
0x61: {  	_ =	shalt  }
0x62: {  	_ =	shalt  }
0x63: {  	_ =	shalt  }
0x64: {  	_ =	shalt  }
0x65: {  	_ =	shalt  }
0x66: {  	_ =	shalt  }
0x67: {  	_ =	shalt  }
0x68: {  	_ =	shalt  }
0x69: {  	_ =	shalt  }
0x6a: {  	_ =	shalt  }
0x6b: {  	_ =	shalt  }
0x6c: {  	_ =	shalt  }
0x6d: {  	_ =	shalt  }
0x6e: {  	_ =	shalt  }
0x6f: {  	_ =	shalt  }
0x70: {  	_ =	shalt  }
0x71: {  	_ =	shalt  }
0x72: {  	_ =	shalt  }
0x73: {  	_ =	shalt  }
0x74: {  	_ =	shalt  }
0x75: {  	_ =	shalt  }
0x76: {  	_ =	shalt  }
0x77: {  	_ =	shalt  }
0x78: {  	_ =	shalt  }
0x79: {  	_ =	shalt  }
0x7a: {  	_ =	shalt  }
0x7b: {  	_ =	shalt  }
0x7c: {  	_ =	shalt  }
0x7d: {  	_ =	shalt  }
0x7e: {  	_ =	shalt  }
0x7f: {  	_ =	shalt  }
0x80: {  	_ =	shalt  }
0x81: {  	_ =	shalt  }
0x82: {  	_ =	shalt  }
0x83: {  	_ =	shalt  }
0x84: {  	_ =	shalt  }
0x85: {  	_ =	shalt  }
0x86: {  	_ =	shalt  }
0x87: {  	_ =	shalt  }
.Lfunc_end0:
.L_simem_size_0:
called_computation_lowered:
.L_overlay_start_0:
0x88: {  	s2 =	sld [smem:$0x3FD9]  }
0x89: {  	s3 =	sld [smem:$0x3FFE];
	_ =	sdelay $0x1  }
0x8a: {  	s1 =	srdreg.scid  }
0x8b: {  	s0 =	sand.u32 $0x1, s1  }
0x8c: {  	s16 =	sshll.u32 s0, $0xA;
	s2 =	sadd.s32 s3, s2  }
0x8d: {  	s2 =	sadd.s32 s2, s16  }
0x8e: {  	[smem:$0x3FBB] =	sst s2  }
0x8f: {  	_ = 	snop  }
0x90: {  	(tm) =	ssettm $0x1  }
0x91: {  	s17 =	sld [smem:$0x3FFB];
	_ =	sdelay $0x3  }
0x92: {  	_ =	strace s17  }
0x93: {  	s2 =	sld [smem:$0x3FFC];
	_ =	sdelay $0x3  }
0x94: {  	_ =	strace s2  }
0x95: {  	s2 =	sld [smem:$0x3FFD];
	_ =	sdelay $0x3  }
0x96: {  	_ =	strace s2  }
0x97: {  	_ =	strace $0x8FFFFFFF  }
0x98: {  	s18 =	sld [smem:$0x3FDB];
	_ =	sdelay $0x1  }
0x99: {  	s19 =	simm.s32 $_scs_section_size  }
0x9a: {  	s4 =	simm.s32 $_size__tile_overlayer_lowered;
	s5 =	simm.s32 $_tile_overlayer_lowered  }
0x9b: {  	s22 =	simm.s32 $0x1BFF;
	s21 =	sshll.u32 s5, $0x1;
	s2 =	sadd.s32 s19, s18  }
0x9c: {  	s6 =	simm.s32 $0x0;
	s20 =	sshll.u32 s4, $0x1;
	s4 =	sadd.s32 s21, s2  }
0x9d: {  	[timem:s6], [sflag:s22] =	dma.local [hbm:s4], s20  }
0x9e: {  	_ =	swait.ge [sflag:s22], s20  }
0x9f: {  	s3 =	ssub.s32 $0x0, s20;
	[sflag:s22] =	ssyncset.done $0x0  }
0xa0: {  	[sflag:s22] =	ssyncadd.s32 s3;
	_ =	sdelay $0x1  }
0xa1: {  	s23 =	simm.s32 $0x1B8B  }
0xa2: {  	_ =	swait.ge [sflag:s23], $0x1  }
0xa3: {  	[sflag:s23] =	ssyncset.done $0x0  }
0xa4: {  	s25 =	simm.s32 $0x1B8E;
	s24 =	sld [smem:$0x3FFE];
	[sflag:s23] =	ssyncadd.s32 $0xFFFFFFFF  }
0xa5: {  	s26 =	simm.s32 $execute0_lowered;
	[smem:$0x3FD2] =	sst s25  }
0xa6: {  	s4 =	sshll.u32 s26, $0x1;
	_ =	strace $0x80000046;
	[dreg:$0x1] =	wrdreg $0xFFFFFFFF  }
0xa7: {  	s28 =	simm.s32 $_size_execute0_lowered;
	s2 =	sadd.s32 s2, s4;
	[dreg:$0x0] =	wrdreg $0x0  }
0xa8: {  	s4 =	sshll.u32 s28, $0x1;
	[dreg:$0x2] =	wrdreg s2  }
0xa9: {  	[dreg:$0x3] =	wrdreg s4  }
0xaa: {  	[dreg:$0x4] =	wrdreg $0xC0  }
0xab: {  	_ =	task [dreg:s6], $0x5FFFF  }
0xac: {  	[dreg:$0x1] =	wrdreg $0xFFFFFFFF  }
0xad: {  	[dreg:$0x0] =	wrdreg $0x60  }
0xae: {  	[dreg:$0x2] =	wrdreg s24  }
0xaf: {  	[dreg:$0x3] =	wrdreg $0x9  }
0xb0: {  	_ =	task.clear_ibuf [dreg:s6], $0x4FFFF;
	_ =	strace $0x90000046  }
0xb1: {  	s29 =	simm.s32 $0x9;
	_ =	strace $0x80000048  }
0xb2: {  	_ =	swait.ge [sflag:s29], $0x1  }
0xb3: {  	[sflag:s29] =	ssyncadd.s32 $0xFFFFFFFF  }
0xb4: {  	_ =	strace $0x90000048  }
0xb5: {  	_ =	sfence  }
0xb6: {  	s30 =	sld [smem:$0x0];
	_ =	sdelay $0x2  }
0xb7: {  	s31 =	sshll.u32 s1, $0xD;
	s1 =	sshrl.u32 s1, $0x2  }
0xb8: {  	s3 =	sand.u32 $0x4000, s31;
	s1 =	sadd.s32 s1, s30  }
0xb9: {  	s0 =	sor.u32 s3, s0;
	s1 =	sshll.u32 s1, $0x11  }
0xba: {  	s0 =	sor.u32 s1, s0  }
0xbb: {  	s0 =	sadd.s32 $0x8F2B, s0  }
0xbc: {  	[sflag:s0] =	ssyncadd.remote.s32 $0x1  }
0xbd: {  	_ =	sfence.sel $0xFFFF  }
0xbe: {  	[dreg:$0x0] =	wrdreg $0xFFFFFFFF;
	(pc) =	sbr.abs _section_cstart, $3  }
0xbf: {  	[dreg:$0x1] =	wrdreg $0xFFFFFFFF  }
0xc0: {  	_ =	task.clear_ibuf [dreg:s6], $0x2FFFF;
	_ =	strace $0x9FFFFFFF  }
0xc1: {  	(tm) =	ssettm $0x7FFFFFFF  }
tec
execute0_lowered:
.L_overlay_start_1:
0x0: {  	(tag) =	ssettag $0x1  }
0x1: {  	s0 =	srdreg.scid  }
0x2: {  	s4 =	rddreg [dreg:$0x0];
	s1 =	stileid.u32  }
0x3: {  	s2 =	simm.s32 $0x0;
	s10 =	simm.s32 $0x1;
	s11 =	simm.s32 $0x4000  }
0x4: {  	s12 =	simm.s32 $0x2;
	s13 =	simm.s32 $0x47D0;
	s3 =	sand.u32 $0x1, s0  }
0x5: {  	s14 =	simm.s32 $0x4FA0;
	s15 =	simm.s32 $0x5770;
	s5 =	sshll.u32 s3, $0x4  }
0x6: {  	s16 =	simm.s32 $0x5F40;
	s17 =	simm.s32 $0x0;
	s5 =	sor.u32 s1, s5  }
0x7: {  	[smem:$0x7FF] =	sst s2;
	s3 =	ssub.s32 $0x2, s3;
	s6 =	smul.u32 $0x7D0, s5  }
0x8: {  	s0 =	rddreg [dreg:$0x1];
	_ =	strace $0x80000047;
	s7 =	sshrl.u32 s3, $0x1  }
0x9: {  	s5 =	sshll.u32 s5, $0xB;
	s9 =	ssub.s32 s3, s7;
	s6 =	sshrl.u32 s6, $0x3  }
0xa: {  	s5 =	sadd.s32 s5, s4;
	s9 =	smax.u32 s9, $0x1;
	s8 =	sadd.s32 s6, s4  }
0xb: {  	s3 =	sadd.s32 $0xD000, s5;
	s4 =	sadd.s32 $0x1D000, s8;
	s5 =	sadd.s32 $0x1EF40, s8  }
0xc: {  	v0 =	vimm.f32 $0.0e+00;
	v1 =	vimm.f32 $1.000000000e+00;
	s6 =	sadd.s32 $0x20E80, s8;
	s7 =	sadd.s32 $0x22DC0, s8;
	s8 =	sadd.s32 $0x24D00, s8  }
.LBB2_1:
0xd: {  	[tilespmem:s2], [sflag:$0x1] =	stream.linear.gather [hbm4b:s3+s2], $0x3E80, $0x38;
	[tilespmem:$0x6780] =	vst v63  }
0xe: {  	s18 =	simm.s32 $0x40;
	s19 =	simm.s32 $0x0  }
.LBB2_2:
0xf: {  	p0 =	sne.s32 s18, $0x9C00;
	[tilespmem:s19+$0x4000] =	vst v0;
	s19 =	smov.u32 s18;
	s18 =	sadd.s32 $0x40, s18  }
.Ltmp0:
0x10: {  	(pc) =	sbr.rel @p0 .LBB2_2-.Ltmp0, $2  }
0x11: {  	_ =	sdelay $0x2  }
0x12: {  	s19 =	sshra.s32 s19, $0x2  }
0x13: {  	[tilespmem:s19+$0x4000] =	vst v0  }
0x14: {  	_ =	swait.ge [sflag:s10], $0x3E80  }
0x15: {  	[sflag:s10] =	ssyncset.done $0x0  }
0x16: {  	s18 =	simm.s32 $0x0;
	[sflag:s10] =	ssyncadd.s32 $0xFFFFC180  }
.LBB2_4:
0x17: {  	s19 =	sshra.s32 s18, $0x2  }
0x18: {  	v2 =	vld [tilespmem:s19+$0x0];
	_ =	sdelay $0x7  }
0x19: {  	[tilespmem:v2+s11+$0x0] =	vst.idx.add.f32.msk $0xffff, v1  }
0x1a: {  	v2 =	vld [tilespmem:s19+$0x10];
	_ =	sdelay $0x7  }
0x1b: {  	[tilespmem:v2+s11+$0x0] =	vst.idx.add.f32.msk $0xffff, v1  }
0x1c: {  	v2 =	vld [tilespmem:s19+$0x20];
	_ =	sdelay $0x7  }
0x1d: {  	[tilespmem:v2+s11+$0x0] =	vst.idx.add.f32.msk $0xffff, v1  }
0x1e: {  	v2 =	vld [tilespmem:s19+$0x30];
	_ =	sdelay $0x7  }
0x1f: {  	[tilespmem:v2+s11+$0x0] =	vst.idx.add.f32.msk $0xffff, v1  }
0x20: {  	v2 =	vld [tilespmem:s19+$0x40];
	_ =	sdelay $0x2  }
0x21: {  	p0 =	sne.s32 s18, $0xF800  }
.Ltmp1:
0x22: {  	_ = 	snop;
	(pc) =	sbr.rel @p0 .LBB2_4-.Ltmp1, $2  }
0x23: {  	_ =	sdelay $0x2  }
0x24: {  	s18 =	sadd.s32 $0x200, s18;
	[tilespmem:v2+s11+$0x0] =	vst.idx.add.f32.msk $0xffff, v1  }
0x25: {  	[hbm4b:s4+s2] =	stream.linear.scatter [tilespmem:s11], [sflag:$0x2], $0x7D0, $0x38;
	[tilespmem:$0x6780] =	vst v63  }
0x26: {  	_ =	swait.ge [sflag:s12], $0x7D0  }
0x27: {  	[sflag:s12] =	ssyncset.done $0x0  }
0x28: {  	[sflag:s12] =	ssyncadd.s32 $0xFFFFF830  }
0x29: {  	[hbm4b:s5+s2] =	stream.linear.scatter [tilespmem:s13], [sflag:$0x2], $0x7D0, $0x38;
	[tilespmem:$0x6780] =	vst v63  }
0x2a: {  	_ =	swait.ge [sflag:s12], $0x7D0  }
0x2b: {  	[sflag:s12] =	ssyncset.done $0x0  }
0x2c: {  	[sflag:s12] =	ssyncadd.s32 $0xFFFFF830  }
0x2d: {  	[hbm4b:s6+s2] =	stream.linear.scatter [tilespmem:s14], [sflag:$0x2], $0x7D0, $0x38;
	[tilespmem:$0x6780] =	vst v63  }
0x2e: {  	_ =	swait.ge [sflag:s12], $0x7D0  }
0x2f: {  	[sflag:s12] =	ssyncset.done $0x0  }
0x30: {  	[sflag:s12] =	ssyncadd.s32 $0xFFFFF830  }
0x31: {  	[hbm4b:s7+s2] =	stream.linear.scatter [tilespmem:s15], [sflag:$0x2], $0x7D0, $0x38;
	[tilespmem:$0x6780] =	vst v63  }
0x32: {  	s17 =	sadd.s32 $0x1, s17;
	_ =	swait.ge [sflag:s12], $0x7D0  }
0x33: {  	p0 =	sne.s32 s17, s9;
	[sflag:s12] =	ssyncset.done $0x0  }
.Ltmp2:
0x34: {  	[sflag:s12] =	ssyncadd.s32 $0xFFFFF830;
	(pc) =	sbr.rel @p0 .LBB2_1-.Ltmp2, $4  }
0x35: {  	[hbm4b:s8+s2] =	stream.linear.scatter [tilespmem:s16], [sflag:$0x2], $0x7D0, $0x38;
	[tilespmem:$0x6780] =	vst v63  }
0x36: {  	_ =	swait.ge [sflag:s12], $0x7D0  }
0x37: {  	[sflag:s12] =	ssyncset.done $0x0  }
0x38: {  	[sflag:s12] =	ssyncadd.s32 $0xFFFFF830  }
0x39: {  	_ =	sfence.sel $0x180000  }
0x3a: {  	[bflag:$0x0] =	sbarrier.arrive $0xFFFF  }
0x3b: {  	p0 =	sne.s32 s1, $0x0;
	_ =	strace $0x90000047  }
0x3c: {  	s0 =	sadd.s32 @!p0 $0x100000, s0;
	[bflag:$0x2] =	sbarrier.arrive $0xFFFF  }
0x3d: {  	[sflag:s0] =	ssyncadd.tile.s32 @!p0 $0x1;
	_ =	shalt  }
.Lfunc_end2:
_tile_overlayer_lowered:
.L_overlay_start_2:
0x3e: {  	(tag) =	ssettag $0x2  }
0x3f: {  	s0 =	rddreg [dreg:$0x0];
	s2 =	stileid.u32  }
0x40: {  	s1 =	rddreg [dreg:$0x1];
	p0 =	sne.s32 s2, $0x0  }
0x41: {  	s3 =	rddreg [dreg:$0x2];
	[bflag:$0x3] =	sbarrier.arrive $0xFFFF;
	s2 =	simm.s32 @!p0 $0x1C02  }
0x42: {  	[timem:s3], [sflag:s2] =	dma.local @!p0 [hbm:s0], s1  }
0x43: {  	s0 =	simm.s32 @!p0 $0x2  }
0x44: {  	_ =	swait.ge @!p0 [sflag:s0], s1  }
0x45: {  	s1 =	ssub.s32 @!p0 $0x0, s1;
	[sflag:s0] =	ssyncset.done @!p0 $0x0  }
0x46: {  	[sflag:s0] =	ssyncadd.s32 @!p0 s1  }
0x47: {  	[bflag:$0x3] =	sbarrier.arrive $0xFFFF  }
0x48: {  	_ =	shalt  }

</sc_bundles>
